<compile_context>
chip_gen: v7x
topology: tpu7x:2x2x1
jax: 0.10.2.dev20260603
libtpu: 0.0.44.dev20260713+nightly
codegen_flags: <defaults>
</compile_context>

<pallas_src>
import functools

import jax
import jax.numpy as jnp
from jax import lax
from jax.experimental import pallas as pl
from jax.experimental.pallas import tpu as pltpu
from jax.experimental.pallas import tpu_sc as plsc

N = 10000
G = 128
D = 128
L = 4
K = 32
CUTOFF = 5.0
EPS = 1e-5

NPAD = 10240
RT = 128
NRT = NPAD // RT
CT = 512
BIG = 1e30
PADB = 1 << 20

E = NPAD * K
NB = 16
EB = NB * K

NW = 32
EPW = E // NW
CH = 32
NCH = EPW // CH



def _nbr_kernel(tlo_ref, thi_ref, brow_ref, posr_ref, post_ref, batch_ref,
                nbr_ref, emask_ref, d2_ref, band):
    pid = pl.program_id(0)
    r0 = pid * RT
    pos_r = posr_ref[...]
    sq_r = jnp.sum(pos_r * pos_r, axis=1, keepdims=True)
    b_r = brow_ref[0]
    row_ids = r0 + lax.broadcasted_iota(jnp.int32, (RT, 1), 0)
    t_lo = tlo_ref[pid]
    t_hi = thi_ref[pid]

    def build(t, carry):
        c0 = t * CT
        pos_c = post_ref[:, pl.ds(c0, CT)]
        sq_c = jnp.sum(pos_c * pos_c, axis=0, keepdims=True)
        b_c = batch_ref[:, pl.ds(c0, CT)]
        d2 = sq_r + sq_c - 2.0 * jnp.dot(pos_r, pos_c,
                                         preferred_element_type=jnp.float32)
        d2 = jnp.maximum(d2, 0.0)
        col_ids = c0 + lax.broadcasted_iota(jnp.int32, (RT, CT), 1)
        valid = (b_r == b_c) & (row_ids != col_ids) & (d2 <= CUTOFF * CUTOFF)
        band[:, pl.ds(c0, CT)] = jnp.where(valid, d2, BIG)
        return carry

    lax.fori_loop(t_lo, t_hi, build, 0)

    pv = jnp.full((RT, 1), -1.0, jnp.float32)
    pi = jnp.full((RT, 1), -1, jnp.int32)
    idxs = []
    vals = []
    for _ in range(K):
        def sel(t, carry):
            run_v, run_i = carry
            c0 = t * CT
            tile = band[:, pl.ds(c0, CT)]
            col_ids = c0 + lax.broadcasted_iota(jnp.int32, (RT, CT), 1)
            ok = (tile > pv) | ((tile == pv) & (col_ids > pi))
            cand = jnp.where(ok, tile, BIG)
            tmin = jnp.min(cand, axis=1, keepdims=True)
            targ = jnp.min(jnp.where(cand == tmin, col_ids, jnp.int32(NPAD)),
                           axis=1, keepdims=True)
            upd = tmin < run_v
            return (jnp.where(upd, tmin, run_v),
                    jnp.where(upd, targ, run_i))

        v0 = jnp.full((RT, 1), BIG, jnp.float32)
        i0 = jnp.zeros((RT, 1), jnp.int32)
        val, idx = lax.fori_loop(t_lo, t_hi, sel, (v0, i0))
        idxs.append(idx)
        vals.append(val)
        pv, pi = val, idx

    nbr_ref[...] = jnp.concatenate(idxs, axis=1)
    valm = jnp.concatenate(vals, axis=1)
    emask_ref[...] = jnp.where((valm < BIG * 0.5) & (row_ids < N), 1.0, 0.0)
    d2_ref[...] = jnp.minimum(valm, CUTOFF * CUTOFF)


def _build_neighbors(tlo, thi, brow, pos8, posT, batch2d):
    grid_spec = pltpu.PrefetchScalarGridSpec(
        num_scalar_prefetch=2,
        grid=(NRT,),
        in_specs=[
            pl.BlockSpec((1, RT, 1), lambda i, *_: (i, 0, 0)),
            pl.BlockSpec((RT, 8), lambda i, *_: (i, 0)),
            pl.BlockSpec((8, NPAD), lambda i, *_: (0, 0)),
            pl.BlockSpec((1, NPAD), lambda i, *_: (0, 0)),
        ],
        out_specs=[
            pl.BlockSpec((RT, K), lambda i, *_: (i, 0)),
            pl.BlockSpec((RT, K), lambda i, *_: (i, 0)),
            pl.BlockSpec((RT, K), lambda i, *_: (i, 0)),
        ],
        scratch_shapes=[pltpu.VMEM((RT, NPAD), jnp.float32)],
    )
    return pl.pallas_call(
        _nbr_kernel,
        grid_spec=grid_spec,
        out_shape=[
            jax.ShapeDtypeStruct((NPAD, K), jnp.int32),
            jax.ShapeDtypeStruct((NPAD, K), jnp.float32),
            jax.ShapeDtypeStruct((NPAD, K), jnp.float32),
        ],
    )(tlo, thi, brow, pos8, posT, batch2d)



NBUF = 4
NGRP = NCH // NBUF


def _make_sc_gather(ncols):
    mesh = plsc.VectorSubcoreMesh(core_axis_name="c", subcore_axis_name="s")

    @functools.partial(
        pl.kernel,
        mesh=mesh,
        out_type=jax.ShapeDtypeStruct((E, ncols), jnp.float32),
        scratch_types=[
            pltpu.VMEM((EPW,), jnp.int32),
            pltpu.VMEM_SHARED((NPAD, ncols), jnp.float32),
        ] + [pltpu.VMEM((CH, ncols), jnp.float32) for _ in range(NBUF)]
        + [pltpu.SemaphoreType.DMA for _ in range(2 * NBUF)],
    )
    def k(table_hbm, idx_hbm, out_hbm, idx_v, tab_s, *bufs_sems):
        rows = bufs_sems[:NBUF]
        gsem = bufs_sems[NBUF:2 * NBUF]
        wsem = bufs_sems[2 * NBUF:]
        sid = lax.axis_index("s")
        wid = sid * 2 + lax.axis_index("c")
        base = wid * EPW

        rows_per_tile = NPAD // 16
        pltpu.sync_copy(table_hbm.at[pl.ds(sid * rows_per_tile, rows_per_tile)],
                        tab_s.at[pl.ds(sid * rows_per_tile, rows_per_tile)])
        pltpu.sync_copy(idx_hbm.at[pl.ds(base, EPW)], idx_v)
        plsc.subcore_barrier()

        def _drain(sem, b):
            pltpu.make_async_copy(table_hbm.at[pl.ds(0, CH)], rows[b],
                                  sem).wait()

        for b in range(NBUF):
            pltpu.async_copy(tab_s.at[idx_v.at[pl.ds(b * CH, CH)]],
                             rows[b], gsem[b])

        def body(g, carry):
            c0 = g * NBUF
            for b in range(NBUF):
                _drain(gsem[b], b)
                pltpu.async_copy(rows[b],
                                 out_hbm.at[pl.ds(base + (c0 + b) * CH, CH)],
                                 wsem[b])

            @pl.when(g + 1 < NGRP)
            def _():
                for b in range(NBUF):
                    off = (c0 + NBUF + b) * CH
                    _drain(wsem[b], b)
                    pltpu.async_copy(
                        tab_s.at[idx_v.at[pl.ds(off, CH)]],
                        rows[b], gsem[b])

            return carry

        lax.fori_loop(0, NGRP, body, 0)
        for b in range(NBUF):
            _drain(wsem[b], b)

    return k


@functools.lru_cache(maxsize=None)
def _get_gather(ncols):
    return _make_sc_gather(ncols)



def _init_kernel(z_ref, emb_ref, wf_ref, bfv_ref, ws_ref, bsv_ref,
                 x_ref, af_ref, as_ref):
    zc = z_ref[...]
    oh = (zc == lax.broadcasted_iota(jnp.int32, (NPAD, D), 1))
    x = jnp.dot(oh.astype(jnp.float32), emb_ref[...],
                preferred_element_type=jnp.float32)
    x_ref[...] = x
    af_ref[...] = jnp.dot(x, wf_ref[...],
                          preferred_element_type=jnp.float32) + bfv_ref[...]
    as_ref[...] = jnp.dot(x, ws_ref[...],
                          preferred_element_type=jnp.float32) + bsv_ref[...]


def _init_call(zcol, embp, wf0, bf0, ws0, bs0):
    return pl.pallas_call(
        _init_kernel,
        out_shape=[jax.ShapeDtypeStruct((NPAD, D), jnp.float32)] * 3,
    )(zcol, embp, wf0, bf0, ws0, bs0)



def _dist_kernel(posg_ref, posd_ref, dist_ref):
    pdst = jnp.broadcast_to(posd_ref[...][:, None, :],
                            (NB, K, D)).reshape(EB, D)
    diff = posg_ref[...] - pdst
    dist_ref[...] = jnp.sqrt(jnp.sum(diff * diff, axis=1, keepdims=True)
                             + 1e-12)


def _dist_call(posg, pos128):
    return pl.pallas_call(
        _dist_kernel,
        grid=(E // EB,),
        in_specs=[
            pl.BlockSpec((EB, D), lambda i: (i, 0)),
            pl.BlockSpec((NB, D), lambda i: (i, 0)),
        ],
        out_specs=pl.BlockSpec((EB, 1), lambda i: (i, 0)),
        out_shape=jax.ShapeDtypeStruct((E, 1), jnp.float32),
    )(posg, pos128)


def _edge_kernel(xg_ref, dist_ref, af_ref, as_ref, em_ref,
                 wfn_ref, wsn_ref, wfd_ref, wsd_ref, aggr_ref):
    xg = xg_ref[...]
    mmf = jnp.dot(xg, wfn_ref[...], preferred_element_type=jnp.float32)
    mms = jnp.dot(xg, wsn_ref[...], preferred_element_type=jnp.float32)
    dist = dist_ref[...]
    afb = jnp.broadcast_to(af_ref[...][:, None, :], (NB, K, D)).reshape(EB, D)
    asb = jnp.broadcast_to(as_ref[...][:, None, :], (NB, K, D)).reshape(EB, D)
    gate = jax.nn.sigmoid(afb + mmf + dist * wfd_ref[...])
    core = jax.nn.softplus(asb + mms + dist * wsd_ref[...])
    msg = gate * core * em_ref[...]
    aggr_ref[...] = jnp.sum(msg.reshape(NB, K, D), axis=1)


def _edge_call(xg, dist_e, af, asv, em_e, wfn, wsn, wfd, wsd):
    return pl.pallas_call(
        _edge_kernel,
        grid=(E // EB,),
        in_specs=[
            pl.BlockSpec((EB, D), lambda i: (i, 0)),
            pl.BlockSpec((EB, 1), lambda i: (i, 0)),
            pl.BlockSpec((NB, D), lambda i: (i, 0)),
            pl.BlockSpec((NB, D), lambda i: (i, 0)),
            pl.BlockSpec((EB, 1), lambda i: (i, 0)),
            pl.BlockSpec((D, D), lambda i: (0, 0)),
            pl.BlockSpec((D, D), lambda i: (0, 0)),
            pl.BlockSpec((1, D), lambda i: (0, 0)),
            pl.BlockSpec((1, D), lambda i: (0, 0)),
        ],
        out_specs=pl.BlockSpec((NB, D), lambda i: (i, 0)),
        out_shape=jax.ShapeDtypeStruct((NPAD, D), jnp.float32),
    )(xg, dist_e, af, asv, em_e, wfn, wsn, wfd, wsd)



def _bn_kernel(aggr_ref, x_ref, g1_ref, b1_ref, g2_ref, b2_ref,
               wfn_ref, bfn_ref, wsn_ref, bsn_ref,
               xn_ref, af_ref, as_ref):
    rmask = (lax.broadcasted_iota(jnp.int32, (NPAD, 1), 0) < N)
    rmf = rmask.astype(jnp.float32)
    a = aggr_ref[...] * rmf
    s1 = jnp.sum(a, axis=0, keepdims=True) / N
    v1 = jnp.sum(a * a, axis=0, keepdims=True) / N - s1 * s1
    out = (a - s1) / jnp.sqrt(v1 + EPS) * g1_ref[...] + b1_ref[...] \
        + x_ref[...]
    om = out * rmf
    s2 = jnp.sum(om, axis=0, keepdims=True) / N
    v2 = jnp.sum(om * om, axis=0, keepdims=True) / N - s2 * s2
    xn = jnp.maximum((out - s2) / jnp.sqrt(v2 + EPS) * g2_ref[...]
                     + b2_ref[...], 0.0) * rmf
    xn_ref[...] = xn
    af_ref[...] = jnp.dot(xn, wfn_ref[...],
                          preferred_element_type=jnp.float32) + bfn_ref[...]
    as_ref[...] = jnp.dot(xn, wsn_ref[...],
                          preferred_element_type=jnp.float32) + bsn_ref[...]


def _bn_call(aggr, x, g1, b1, g2, b2, wfn, bfn, wsn, bsn):
    return pl.pallas_call(
        _bn_kernel,
        out_shape=[jax.ShapeDtypeStruct((NPAD, D), jnp.float32)] * 3,
    )(aggr, x, g1, b1, g2, b2, wfn, bfn, wsn, bsn)



def _head_kernel(x_ref, bcol_ref, w1_ref, b1_ref, w2_ref, b2_ref, out_ref):
    oh = (bcol_ref[...] == lax.broadcasted_iota(jnp.int32, (NPAD, G), 1))
    ohf = oh.astype(jnp.float32)
    seg = lax.dot_general(ohf, x_ref[...], (((0,), (0,)), ((), ())),
                          preferred_element_type=jnp.float32)
    ones = jnp.ones((NPAD, 1), jnp.float32)
    cnt = lax.dot_general(ohf, ones, (((0,), (0,)), ((), ())),
                          preferred_element_type=jnp.float32)
    gfeat = seg / jnp.maximum(cnt, 1.0)
    h = jnp.maximum(jnp.dot(gfeat, w1_ref[...],
                            preferred_element_type=jnp.float32)
                    + b1_ref[...], 0.0)
    out_ref[...] = jnp.sum(h * w2_ref[...], axis=1, keepdims=True) \
        + b2_ref[...]


def _head_call(x, bcol, hW1, hb1, hw2r, hb2):
    return pl.pallas_call(
        _head_kernel,
        out_shape=jax.ShapeDtypeStruct((G, 1), jnp.float32),
    )(x, bcol, hW1, hb1, hw2r, hb2)



def kernel(z, pos, batch, emb, Wf, bf, Ws, bs, bn1_g, bn1_b, bn2_g, bn2_b,
           hW1, hb1, hW2, hb2):
    batchp = jnp.concatenate(
        [batch.astype(jnp.int32), jnp.full((NPAD - N,), PADB, jnp.int32)])
    posp = jnp.concatenate(
        [pos.astype(jnp.float32), jnp.zeros((NPAD - N, 3), jnp.float32)], 0)
    pos8 = jnp.pad(posp, ((0, 0), (0, 5)))
    posT = pos8.T
    zcol = jnp.concatenate(
        [z.astype(jnp.int32), jnp.zeros((NPAD - N,), jnp.int32)]).reshape(
            NPAD, 1)
    embp = jnp.pad(emb.astype(jnp.float32), ((0, D - emb.shape[0]), (0, 0)))

    bt = batchp.reshape(NRT, RT)
    lo = jnp.searchsorted(batchp, bt.min(axis=1), side="left")
    hi = jnp.searchsorted(batchp, bt.max(axis=1), side="right")
    tlo = (lo // CT).astype(jnp.int32)
    thi = ((hi + CT - 1) // CT).astype(jnp.int32)
    brow = batchp.reshape(NRT, RT, 1)
    batch2d = batchp.reshape(1, NPAD)
    bcol = batchp.reshape(NPAD, 1)

    wf_self = [Wf[l, :D, :] for l in range(L)]
    wf_nbr = [Wf[l, D:2 * D, :] for l in range(L)]
    wf_d = [Wf[l, 2 * D:, :] for l in range(L)]
    ws_self = [Ws[l, :D, :] for l in range(L)]
    ws_nbr = [Ws[l, D:2 * D, :] for l in range(L)]
    ws_d = [Ws[l, 2 * D:, :] for l in range(L)]
    bfv = [bf[l].reshape(1, D) for l in range(L)]
    bsv = [bs[l].reshape(1, D) for l in range(L)]
    g1 = [bn1_g[l].reshape(1, D) for l in range(L)]
    b1 = [bn1_b[l].reshape(1, D) for l in range(L)]
    g2 = [bn2_g[l].reshape(1, D) for l in range(L)]
    b2 = [bn2_b[l].reshape(1, D) for l in range(L)]

    nbr, emask, _ = _build_neighbors(tlo, thi, brow, pos8, posT, batch2d)
    idx_flat = nbr.reshape(E)
    em_e = emask.reshape(E, 1)

    pos128 = jnp.pad(posp, ((0, 0), (0, D - 3)))
    posg = _get_gather(D)(pos128, idx_flat)
    dist_e = _dist_call(posg, pos128)
    x, af, asv = _init_call(zcol, embp, wf_self[0], bfv[0], ws_self[0],
                            bsv[0])
    for l in range(L):
        ln = (l + 1) % L
        xg = _get_gather(D)(x, idx_flat)
        aggr = _edge_call(xg, dist_e, af, asv, em_e,
                          wf_nbr[l], ws_nbr[l], wf_d[l], ws_d[l])
        x, af, asv = _bn_call(aggr, x, g1[l], b1[l], g2[l], b2[l],
                              wf_self[ln], bfv[ln], ws_self[ln], bsv[ln])

    out = _head_call(x, bcol, hW1, hb1.reshape(1, D), hW2.reshape(1, D),
                     hb2.reshape(1, 1))
    return out.reshape(-1)

# --- scband reference (transcript-rebuilt; emitter-appended) ---
"""Pipeline reference for scband-cgcnnstyle-27127013441817 (READ-ONLY COPY).

The authoritative reference and input builder live on the scoring server;
editing this copy changes nothing except your own understanding.
"""

import jax, jax.numpy as jnp
import numpy as np

N = 10000
G = 128
D = 128
L = 4
K = 32
CUTOFF = 5.0
EPS = 1e-5


def _radius_graph(pos, batch):
    sq = jnp.sum(pos * pos, axis=1)
    d2 = sq[:, None] + sq[None, :] - 2.0 * (pos @ pos.T)
    d2 = jnp.maximum(d2, 0.0)
    same = batch[:, None] == batch[None, :]
    eye = jnp.eye(N, dtype=bool)
    mask = same & (~eye) & (d2 <= CUTOFF * CUTOFF)
    score = jnp.where(mask, -d2, -jnp.inf)
    vals, idx = jax.lax.top_k(score, K)
    valid = (vals > -jnp.inf).reshape(-1)
    dst = jnp.repeat(jnp.arange(N), K)
    src = idx.reshape(-1)
    return src, dst, valid


def _bn(x, g, b):
    m = jnp.mean(x, axis=0)
    v = jnp.var(x, axis=0)
    return (x - m) / jnp.sqrt(v + EPS) * g + b


def _forward(z, pos, batch, src, dst, emask, emb, Wf, bf, Ws, bs, bn1_g, bn1_b, bn2_g, bn2_b, hW1, hb1, hW2, hb2):
    x = emb[z]
    diff = pos[src] - pos[dst]
    dist = jnp.sqrt(jnp.sum(diff * diff, axis=-1, keepdims=True) + 1e-12)
    em = emask[:, None].astype(x.dtype)
    for l in range(L):
        xi = x[dst]
        xj = x[src]
        feat = jnp.concatenate([xi, xj, dist], axis=-1)
        gate = jax.nn.sigmoid(feat @ Wf[l] + bf[l])
        core = jax.nn.softplus(feat @ Ws[l] + bs[l])
        msg = gate * core * em
        aggr = jax.ops.segment_sum(msg, dst, num_segments=N)
        out = _bn(aggr, bn1_g[l], bn1_b[l]) + x
        x = jax.nn.relu(_bn(out, bn2_g[l], bn2_b[l]))
    seg = jax.ops.segment_sum(x, batch, num_segments=G)
    cnt = jnp.maximum(jax.ops.segment_sum(jnp.ones((N,), x.dtype), batch, num_segments=G), 1.0)
    gfeat = seg / cnt[:, None]
    h = jax.nn.relu(gfeat @ hW1 + hb1)
    return (h @ hW2 + hb2).reshape(-1)


def setup_inputs(seed: int = 0):
    key = jax.random.key(seed)
    ks = jax.random.split(key, 16)
    z = jax.random.randint(ks[0], (N,), 0, 100)
    pos = jax.random.normal(ks[1], (N, 3), dtype=jnp.float32) * 3.0
    batch = jnp.sort(jax.random.randint(ks[2], (N,), 0, G))
    emb = jax.random.normal(ks[3], (100, D), dtype=jnp.float32) * 0.1
    Wf = jax.random.normal(ks[4], (L, 2 * D + 1, D), dtype=jnp.float32) * 0.05
    bf = jnp.zeros((L, D), jnp.float32)
    Ws = jax.random.normal(ks[5], (L, 2 * D + 1, D), dtype=jnp.float32) * 0.05
    bs = jnp.zeros((L, D), jnp.float32)
    bn1_g = jnp.ones((L, D), jnp.float32)
    bn1_b = jnp.zeros((L, D), jnp.float32)
    bn2_g = jnp.ones((L, D), jnp.float32)
    bn2_b = jnp.zeros((L, D), jnp.float32)
    hW1 = jax.random.normal(ks[6], (D, D), dtype=jnp.float32) * 0.05
    hb1 = jnp.zeros((D,), jnp.float32)
    hW2 = jax.random.normal(ks[7], (D, 1), dtype=jnp.float32) * 0.05
    hb2 = jnp.zeros((1,), jnp.float32)
    return {"z": z, "pos": pos, "batch": batch, "emb": emb, "Wf": Wf, "bf": bf, "Ws": Ws, "bs": bs, "bn1_g": bn1_g, "bn1_b": bn1_b, "bn2_g": bn2_g, "bn2_b": bn2_b, "hW1": hW1, "hb1": hb1, "hW2": hW2, "hb2": hb2}


def reference(z, pos, batch, emb, Wf, bf, Ws, bs, bn1_g, bn1_b, bn2_g, bn2_b, hW1, hb1, hW2, hb2):
    src, dst, emask = _radius_graph(pos, batch)
    return _forward(z, pos, batch, src, dst, emask, emb, Wf, bf, Ws, bs, bn1_g, bn1_b, bn2_g, bn2_b, hW1, hb1, hW2, hb2)

if __name__ == "__main__":
    import jax
    _d = setup_inputs()
    print(jax.jit(kernel)(*tuple(_d.values())))

</pallas_src>

<mosaic_0001>
#map = affine_map<(d0, d1) -> (0, 0)>
#map1 = affine_map<(d0, d1) -> (0)>
module attributes {stable_mosaic.version = 14 : i64} {
  func.func @k(%arg0: i32, %arg1: i32, %arg2: memref<10240x128xf32, #tpu.memory_space<hbm>>, %arg3: memref<327680xi32, #tpu.memory_space<hbm>>, %arg4: memref<327680x128xf32, #tpu.memory_space<hbm>>, %arg5: memref<10240xi32, #tpu.memory_space<vmem>>, %arg6: memref<10240x128xf32, #tpu.memory_space<vmem_shared>>, %arg7: memref<32x128xf32, #tpu.memory_space<vmem>>, %arg8: memref<32x128xf32, #tpu.memory_space<vmem>>, %arg9: memref<32x128xf32, #tpu.memory_space<vmem>>, %arg10: memref<32x128xf32, #tpu.memory_space<vmem>>, %arg11: memref<!tpu.dma_semaphore, #tpu.memory_space<semaphore_mem>>, %arg12: memref<!tpu.dma_semaphore, #tpu.memory_space<semaphore_mem>>, %arg13: memref<!tpu.dma_semaphore, #tpu.memory_space<semaphore_mem>>, %arg14: memref<!tpu.dma_semaphore, #tpu.memory_space<semaphore_mem>>, %arg15: memref<!tpu.dma_semaphore, #tpu.memory_space<semaphore_mem>>, %arg16: memref<!tpu.dma_semaphore, #tpu.memory_space<semaphore_mem>>, %arg17: memref<!tpu.dma_semaphore, #tpu.memory_space<semaphore_mem>>, %arg18: memref<!tpu.dma_semaphore, #tpu.memory_space<semaphore_mem>>) attributes {dimension_semantics = [#tpu.dimension_semantics<core_parallel>, #tpu.dimension_semantics<subcore_parallel>], iteration_bounds = array<i64: 2, 16>, scalar_prefetch = 0 : i64, scratch_operands = 14 : i64, tpu.core_type = #tpu.core_type<sc_vector_subcore>, window_params = [{transform_indices = #map}, {transform_indices = #map1}, {transform_indices = #map}]} {
    %mul3A = arith.constant 2 : i32
    %mul3A_0 = arith.muli %arg1, %mul3A : i32
    %add3A = arith.addi %mul3A_0, %arg0 : i32
    %mul3A_1 = arith.constant 10240 : i32
    %mul3A_2 = arith.muli %add3A, %mul3A_1 : i32
    %mul3A_3 = arith.constant 640 : i32
    %mul3A_4 = arith.muli %arg1, %mul3A_3 : i32
    %mul3A_5 = arith.constant 640 : i32
    %mul3A_6 = arith.muli %arg1, %mul3A_5 : i32
    "tpu.region"() ({
      %run_scoped3A = tpu.sem_alloc : memref<!tpu.dma_semaphore, #tpu.memory_space<semaphore_mem>>
      %dma_start3A_54 = arith.constant 0 : i32
      %dma_start3A_55 = tpu.memref_slice %arg6[%mul3A_6, %dma_start3A_54] : memref<10240x128xf32, #tpu.memory_space<vmem_shared>> -> memref<640x128xf32, #tpu.memory_space<vmem_shared>>
      %dma_start3A_56 = arith.constant 0 : i32
      %dma_start3A_57 = tpu.memref_slice %arg2[%mul3A_4, %dma_start3A_56] : memref<10240x128xf32, #tpu.memory_space<hbm>> -> memref<640x128xf32, #tpu.memory_space<hbm>>
      tpu.enqueue_dma source(%dma_start3A_57 : memref<640x128xf32, #tpu.memory_space<hbm>>) target(%dma_start3A_55 : memref<640x128xf32, #tpu.memory_space<vmem_shared>>) target_semaphore(%run_scoped3A : memref<!tpu.dma_semaphore, #tpu.memory_space<semaphore_mem>>)
      %dma_wait3A_58 = arith.constant 0 : i32
      %dma_wait3A_59 = tpu.memref_slice %arg6[%mul3A_6, %dma_wait3A_58] : memref<10240x128xf32, #tpu.memory_space<vmem_shared>> -> memref<640x128xf32, #tpu.memory_space<vmem_shared>>
      %dma_wait3A_60 = arith.constant 0 : i32
      %dma_wait3A_61 = tpu.memref_slice %arg2[%mul3A_4, %dma_wait3A_60] : memref<10240x128xf32, #tpu.memory_space<hbm>> -> memref<640x128xf32, #tpu.memory_space<hbm>>
      tpu.wait_dma2 semaphore(%run_scoped3A : memref<!tpu.dma_semaphore, #tpu.memory_space<semaphore_mem>>) src(%dma_wait3A_61 : memref<640x128xf32, #tpu.memory_space<hbm>>) dst(%dma_wait3A_59 : memref<640x128xf32, #tpu.memory_space<vmem_shared>>)
      tpu.yield
    }) : () -> ()
    "tpu.region"() ({
      %run_scoped3A = tpu.sem_alloc : memref<!tpu.dma_semaphore, #tpu.memory_space<semaphore_mem>>
      %dma_start3A_54 = tpu.memref_slice %arg3[%mul3A_2] : memref<327680xi32, #tpu.memory_space<hbm>> -> memref<10240xi32, #tpu.memory_space<hbm>>
      %dma_start3A_55 = tpu.memref_slice %arg3[%mul3A_2] : memref<327680xi32, #tpu.memory_space<hbm>> -> memref<10240xi32, #tpu.memory_space<hbm>>
      tpu.enqueue_dma source(%dma_start3A_55 : memref<10240xi32, #tpu.memory_space<hbm>>) target(%arg5 : memref<10240xi32, #tpu.memory_space<vmem>>) target_semaphore(%run_scoped3A : memref<!tpu.dma_semaphore, #tpu.memory_space<semaphore_mem>>)
      %dma_wait3A_56 = tpu.memref_slice %arg3[%mul3A_2] : memref<327680xi32, #tpu.memory_space<hbm>> -> memref<10240xi32, #tpu.memory_space<hbm>>
      %dma_wait3A_57 = tpu.memref_slice %arg3[%mul3A_2] : memref<327680xi32, #tpu.memory_space<hbm>> -> memref<10240xi32, #tpu.memory_space<hbm>>
      tpu.wait_dma2 semaphore(%run_scoped3A : memref<!tpu.dma_semaphore, #tpu.memory_space<semaphore_mem>>) src(%dma_wait3A_57 : memref<10240xi32, #tpu.memory_space<hbm>>) dst(%arg5 : memref<10240xi32, #tpu.memory_space<vmem>>)
      tpu.yield
    }) : () -> ()
    %barrier3A = arith.constant 0 : index
    tpu.barrier barrier_id(%barrier3A)
    %dma_start3A = arith.constant 0 : i32
    %dma_start3A_7 = tpu.memref_slice %arg5[%dma_start3A] : memref<10240xi32, #tpu.memory_space<vmem>> -> memref<32xi32, #tpu.memory_space<vmem>>
    %dma_start3A_8 = arith.constant 0 : i32
    %dma_start3A_9 = arith.constant 0 : i32
    %dma_start3A_10 = tpu.memref_slice %arg6[%dma_start3A_8, %dma_start3A_9] : memref<10240x128xf32, #tpu.memory_space<vmem_shared>> -> memref<10240x128xf32, #tpu.memory_space<vmem_shared>>
    tpu.enqueue_indirect_dma source(%dma_start3A_10 : memref<10240x128xf32, #tpu.memory_space<vmem_shared>>) target(%arg7 : memref<32x128xf32, #tpu.memory_space<vmem>>) offsets(%dma_start3A_7 : memref<32xi32, #tpu.memory_space<vmem>>) semaphore(%arg11 : memref<!tpu.dma_semaphore, #tpu.memory_space<semaphore_mem>>)
    %dma_start3A_11 = arith.constant 32 : i32
    %dma_start3A_12 = tpu.memref_slice %arg5[%dma_start3A_11] : memref<10240xi32, #tpu.memory_space<vmem>> -> memref<32xi32, #tpu.memory_space<vmem>>
    %dma_start3A_13 = arith.constant 0 : i32
    %dma_start3A_14 = arith.constant 0 : i32
    %dma_start3A_15 = tpu.memref_slice %arg6[%dma_start3A_13, %dma_start3A_14] : memref<10240x128xf32, #tpu.memory_space<vmem_shared>> -> memref<10240x128xf32, #tpu.memory_space<vmem_shared>>
    tpu.enqueue_indirect_dma source(%dma_start3A_15 : memref<10240x128xf32, #tpu.memory_space<vmem_shared>>) target(%arg8 : memref<32x128xf32, #tpu.memory_space<vmem>>) offsets(%dma_start3A_12 : memref<32xi32, #tpu.memory_space<vmem>>) semaphore(%arg12 : memref<!tpu.dma_semaphore, #tpu.memory_space<semaphore_mem>>)
    %dma_start3A_16 = arith.constant 64 : i32
    %dma_start3A_17 = tpu.memref_slice %arg5[%dma_start3A_16] : memref<10240xi32, #tpu.memory_space<vmem>> -> memref<32xi32, #tpu.memory_space<vmem>>
    %dma_start3A_18 = arith.constant 0 : i32
    %dma_start3A_19 = arith.constant 0 : i32
    %dma_start3A_20 = tpu.memref_slice %arg6[%dma_start3A_18, %dma_start3A_19] : memref<10240x128xf32, #tpu.memory_space<vmem_shared>> -> memref<10240x128xf32, #tpu.memory_space<vmem_shared>>
    tpu.enqueue_indirect_dma source(%dma_start3A_20 : memref<10240x128xf32, #tpu.memory_space<vmem_shared>>) target(%arg9 : memref<32x128xf32, #tpu.memory_space<vmem>>) offsets(%dma_start3A_17 : memref<32xi32, #tpu.memory_space<vmem>>) semaphore(%arg13 : memref<!tpu.dma_semaphore, #tpu.memory_space<semaphore_mem>>)
    %dma_start3A_21 = arith.constant 96 : i32
    %dma_start3A_22 = tpu.memref_slice %arg5[%dma_start3A_21] : memref<10240xi32, #tpu.memory_space<vmem>> -> memref<32xi32, #tpu.memory_space<vmem>>
    %dma_start3A_23 = arith.constant 0 : i32
    %dma_start3A_24 = arith.constant 0 : i32
    %dma_start3A_25 = tpu.memref_slice %arg6[%dma_start3A_23, %dma_start3A_24] : memref<10240x128xf32, #tpu.memory_space<vmem_shared>> -> memref<10240x128xf32, #tpu.memory_space<vmem_shared>>
    tpu.enqueue_indirect_dma source(%dma_start3A_25 : memref<10240x128xf32, #tpu.memory_space<vmem_shared>>) target(%arg10 : memref<32x128xf32, #tpu.memory_space<vmem>>) offsets(%dma_start3A_22 : memref<32xi32, #tpu.memory_space<vmem>>) semaphore(%arg14 : memref<!tpu.dma_semaphore, #tpu.memory_space<semaphore_mem>>)
    %scan3A = arith.constant 0 : i32
    %scan3A_26 = arith.constant 0 : i32
    %scan3A_27 = arith.constant 80 : i32
    %scan3A_28 = arith.addi %scan3A_26, %scan3A_27 : i32
    %scan3A_29 = arith.constant 1 : i32
    scf.for %scan3A_54 = %scan3A_26 to %scan3A_28 step %scan3A_29  : i32 {
      %mul3A_55 = arith.constant 4 : i32
      %mul3A_56 = arith.muli %scan3A_54, %mul3A_55 : i32
      %dma_wait3A_57 = arith.constant 0 : i32
      %dma_wait3A_58 = arith.constant 0 : i32
      %dma_wait3A_59 = tpu.memref_slice %arg2[%dma_wait3A_57, %dma_wait3A_58] : memref<10240x128xf32, #tpu.memory_space<hbm>> -> memref<32x128xf32, #tpu.memory_space<hbm>>
      %dma_wait3A_60 = arith.constant 0 : i32
      %dma_wait3A_61 = arith.constant 0 : i32
      %dma_wait3A_62 = tpu.memref_slice %arg2[%dma_wait3A_60, %dma_wait3A_61] : memref<10240x128xf32, #tpu.memory_space<hbm>> -> memref<32x128xf32, #tpu.memory_space<hbm>>
      tpu.wait_dma2 semaphore(%arg11 : memref<!tpu.dma_semaphore, #tpu.memory_space<semaphore_mem>>) src(%dma_wait3A_62 : memref<32x128xf32, #tpu.memory_space<hbm>>) dst(%arg7 : memref<32x128xf32, #tpu.memory_space<vmem>>)
      %add3A_63 = arith.constant 0 : i32
      %add3A_64 = arith.addi %mul3A_56, %add3A_63 : i32
      %mul3A_65 = arith.constant 32 : i32
      %mul3A_66 = arith.muli %add3A_64, %mul3A_65 : i32
      %add3A_67 = arith.addi %mul3A_2, %mul3A_66 : i32
      %dma_start3A_68 = arith.constant 0 : i32
      %dma_start3A_69 = tpu.memref_slice %arg4[%add3A_67, %dma_start3A_68] : memref<327680x128xf32, #tpu.memory_space<hbm>> -> memref<32x128xf32, #tpu.memory_space<hbm>>
      %dma_start3A_70 = arith.constant 0 : i32
      %dma_start3A_71 = tpu.memref_slice %arg4[%add3A_67, %dma_start3A_70] : memref<327680x128xf32, #tpu.memory_space<hbm>> -> memref<32x128xf32, #tpu.memory_space<hbm>>
      tpu.enqueue_dma source(%arg7 : memref<32x128xf32, #tpu.memory_space<vmem>>) target(%dma_start3A_71 : memref<32x128xf32, #tpu.memory_space<hbm>>) target_semaphore(%arg15 : memref<!tpu.dma_semaphore, #tpu.memory_space<semaphore_mem>>)
      %dma_wait3A_72 = arith.constant 0 : i32
      %dma_wait3A_73 = arith.constant 0 : i32
      %dma_wait3A_74 = tpu.memref_slice %arg2[%dma_wait3A_72, %dma_wait3A_73] : memref<10240x128xf32, #tpu.memory_space<hbm>> -> memref<32x128xf32, #tpu.memory_space<hbm>>
      %dma_wait3A_75 = arith.constant 0 : i32
      %dma_wait3A_76 = arith.constant 0 : i32
      %dma_wait3A_77 = tpu.memref_slice %arg2[%dma_wait3A_75, %dma_wait3A_76] : memref<10240x128xf32, #tpu.memory_space<hbm>> -> memref<32x128xf32, #tpu.memory_space<hbm>>
      tpu.wait_dma2 semaphore(%arg12 : memref<!tpu.dma_semaphore, #tpu.memory_space<semaphore_mem>>) src(%dma_wait3A_77 : memref<32x128xf32, #tpu.memory_space<hbm>>) dst(%arg8 : memref<32x128xf32, #tpu.memory_space<vmem>>)
      %add3A_78 = arith.constant 1 : i32
      %add3A_79 = arith.addi %mul3A_56, %add3A_78 : i32
      %mul3A_80 = arith.constant 32 : i32
      %mul3A_81 = arith.muli %add3A_79, %mul3A_80 : i32
      %add3A_82 = arith.addi %mul3A_2, %mul3A_81 : i32
      %dma_start3A_83 = arith.constant 0 : i32
      %dma_start3A_84 = tpu.memref_slice %arg4[%add3A_82, %dma_start3A_83] : memref<327680x128xf32, #tpu.memory_space<hbm>> -> memref<32x128xf32, #tpu.memory_space<hbm>>
      %dma_start3A_85 = arith.constant 0 : i32
      %dma_start3A_86 = tpu.memref_slice %arg4[%add3A_82, %dma_start3A_85] : memref<327680x128xf32, #tpu.memory_space<hbm>> -> memref<32x128xf32, #tpu.memory_space<hbm>>
      tpu.enqueue_dma source(%arg8 : memref<32x128xf32, #tpu.memory_space<vmem>>) target(%dma_start3A_86 : memref<32x128xf32, #tpu.memory_space<hbm>>) target_semaphore(%arg16 : memref<!tpu.dma_semaphore, #tpu.memory_space<semaphore_mem>>)
      %dma_wait3A_87 = arith.constant 0 : i32
      %dma_wait3A_88 = arith.constant 0 : i32
      %dma_wait3A_89 = tpu.memref_slice %arg2[%dma_wait3A_87, %dma_wait3A_88] : memref<10240x128xf32, #tpu.memory_space<hbm>> -> memref<32x128xf32, #tpu.memory_space<hbm>>
      %dma_wait3A_90 = arith.constant 0 : i32
      %dma_wait3A_91 = arith.constant 0 : i32
      %dma_wait3A_92 = tpu.memref_slice %arg2[%dma_wait3A_90, %dma_wait3A_91] : memref<10240x128xf32, #tpu.memory_space<hbm>> -> memref<32x128xf32, #tpu.memory_space<hbm>>
      tpu.wait_dma2 semaphore(%arg13 : memref<!tpu.dma_semaphore, #tpu.memory_space<semaphore_mem>>) src(%dma_wait3A_92 : memref<32x128xf32, #tpu.memory_space<hbm>>) dst(%arg9 : memref<32x128xf32, #tpu.memory_space<vmem>>)
      %add3A_93 = arith.constant 2 : i32
      %add3A_94 = arith.addi %mul3A_56, %add3A_93 : i32
      %mul3A_95 = arith.constant 32 : i32
      %mul3A_96 = arith.muli %add3A_94, %mul3A_95 : i32
      %add3A_97 = arith.addi %mul3A_2, %mul3A_96 : i32
      %dma_start3A_98 = arith.constant 0 : i32
      %dma_start3A_99 = tpu.memref_slice %arg4[%add3A_97, %dma_start3A_98] : memref<327680x128xf32, #tpu.memory_space<hbm>> -> memref<32x128xf32, #tpu.memory_space<hbm>>
      %dma_start3A_100 = arith.constant 0 : i32
      %dma_start3A_101 = tpu.memref_slice %arg4[%add3A_97, %dma_start3A_100] : memref<327680x128xf32, #tpu.memory_space<hbm>> -> memref<32x128xf32, #tpu.memory_space<hbm>>
      tpu.enqueue_dma source(%arg9 : memref<32x128xf32, #tpu.memory_space<vmem>>) target(%dma_start3A_101 : memref<32x128xf32, #tpu.memory_space<hbm>>) target_semaphore(%arg17 : memref<!tpu.dma_semaphore, #tpu.memory_space<semaphore_mem>>)
      %dma_wait3A_102 = arith.constant 0 : i32
      %dma_wait3A_103 = arith.constant 0 : i32
      %dma_wait3A_104 = tpu.memref_slice %arg2[%dma_wait3A_102, %dma_wait3A_103] : memref<10240x128xf32, #tpu.memory_space<hbm>> -> memref<32x128xf32, #tpu.memory_space<hbm>>
      %dma_wait3A_105 = arith.constant 0 : i32
      %dma_wait3A_106 = arith.constant 0 : i32
      %dma_wait3A_107 = tpu.memref_slice %arg2[%dma_wait3A_105, %dma_wait3A_106] : memref<10240x128xf32, #tpu.memory_space<hbm>> -> memref<32x128xf32, #tpu.memory_space<hbm>>
      tpu.wait_dma2 semaphore(%arg14 : memref<!tpu.dma_semaphore, #tpu.memory_space<semaphore_mem>>) src(%dma_wait3A_107 : memref<32x128xf32, #tpu.memory_space<hbm>>) dst(%arg10 : memref<32x128xf32, #tpu.memory_space<vmem>>)
      %add3A_108 = arith.constant 3 : i32
      %add3A_109 = arith.addi %mul3A_56, %add3A_108 : i32
      %mul3A_110 = arith.constant 32 : i32
      %mul3A_111 = arith.muli %add3A_109, %mul3A_110 : i32
      %add3A_112 = arith.addi %mul3A_2, %mul3A_111 : i32
      %dma_start3A_113 = arith.constant 0 : i32
      %dma_start3A_114 = tpu.memref_slice %arg4[%add3A_112, %dma_start3A_113] : memref<327680x128xf32, #tpu.memory_space<hbm>> -> memref<32x128xf32, #tpu.memory_space<hbm>>
      %dma_start3A_115 = arith.constant 0 : i32
      %dma_start3A_116 = tpu.memref_slice %arg4[%add3A_112, %dma_start3A_115] : memref<327680x128xf32, #tpu.memory_space<hbm>> -> memref<32x128xf32, #tpu.memory_space<hbm>>
      tpu.enqueue_dma source(%arg10 : memref<32x128xf32, #tpu.memory_space<vmem>>) target(%dma_start3A_116 : memref<32x128xf32, #tpu.memory_space<hbm>>) target_semaphore(%arg18 : memref<!tpu.dma_semaphore, #tpu.memory_space<semaphore_mem>>)
      %add3A_117 = arith.constant 1 : i32
      %add3A_118 = arith.addi %scan3A_54, %add3A_117 : i32
      %lt3A = arith.constant 80 : i32
      %lt3A_119 = arith.cmpi slt, %add3A_118, %lt3A : i32
      %convert_element_type3A = arith.extui %lt3A_119 : i1 to i32
      %cond3A = arith.constant 0 : i32
      %cond3A_120 = arith.cmpi ne, %convert_element_type3A, %cond3A : i32
      scf.if %cond3A_120 {
        %add3A_121 = arith.constant 4 : i32
        %add3A_122 = arith.addi %mul3A_56, %add3A_121 : i32
        %add3A_123 = arith.constant 0 : i32
        %add3A_124 = arith.addi %add3A_122, %add3A_123 : i32
        %mul3A_125 = arith.constant 32 : i32
        %mul3A_126 = arith.muli %add3A_124, %mul3A_125 : i32
        %dma_wait3A_127 = arith.constant 0 : i32
        %dma_wait3A_128 = arith.constant 0 : i32
        %dma_wait3A_129 = tpu.memref_slice %arg2[%dma_wait3A_127, %dma_wait3A_128] : memref<10240x128xf32, #tpu.memory_space<hbm>> -> memref<32x128xf32, #tpu.memory_space<hbm>>
        %dma_wait3A_130 = arith.constant 0 : i32
        %dma_wait3A_131 = arith.constant 0 : i32
        %dma_wait3A_132 = tpu.memref_slice %arg2[%dma_wait3A_130, %dma_wait3A_131] : memref<10240x128xf32, #tpu.memory_space<hbm>> -> memref<32x128xf32, #tpu.memory_space<hbm>>
        tpu.wait_dma2 semaphore(%arg15 : memref<!tpu.dma_semaphore, #tpu.memory_space<semaphore_mem>>) src(%dma_wait3A_132 : memref<32x128xf32, #tpu.memory_space<hbm>>) dst(%arg7 : memref<32x128xf32, #tpu.memory_space<vmem>>)
        %dma_start3A_133 = tpu.memref_slice %arg5[%mul3A_126] : memref<10240xi32, #tpu.memory_space<vmem>> -> memref<32xi32, #tpu.memory_space<vmem>>
        %dma_start3A_134 = arith.constant 0 : i32
        %dma_start3A_135 = arith.constant 0 : i32
        %dma_start3A_136 = tpu.memref_slice %arg6[%dma_start3A_134, %dma_start3A_135] : memref<10240x128xf32, #tpu.memory_space<vmem_shared>> -> memref<10240x128xf32, #tpu.memory_space<vmem_shared>>
        tpu.enqueue_indirect_dma source(%dma_start3A_136 : memref<10240x128xf32, #tpu.memory_space<vmem_shared>>) target(%arg7 : memref<32x128xf32, #tpu.memory_space<vmem>>) offsets(%dma_start3A_133 : memref<32xi32, #tpu.memory_space<vmem>>) semaphore(%arg11 : memref<!tpu.dma_semaphore, #tpu.memory_space<semaphore_mem>>)
        %add3A_137 = arith.constant 4 : i32
        %add3A_138 = arith.addi %mul3A_56, %add3A_137 : i32
        %add3A_139 = arith.constant 1 : i32
        %add3A_140 = arith.addi %add3A_138, %add3A_139 : i32
        %mul3A_141 = arith.constant 32 : i32
        %mul3A_142 = arith.muli %add3A_140, %mul3A_141 : i32
        %dma_wait3A_143 = arith.constant 0 : i32
        %dma_wait3A_144 = arith.constant 0 : i32
        %dma_wait3A_145 = tpu.memref_slice %arg2[%dma_wait3A_143, %dma_wait3A_144] : memref<10240x128xf32, #tpu.memory_space<hbm>> -> memref<32x128xf32, #tpu.memory_space<hbm>>
        %dma_wait3A_146 = arith.constant 0 : i32
        %dma_wait3A_147 = arith.constant 0 : i32
        %dma_wait3A_148 = tpu.memref_slice %arg2[%dma_wait3A_146, %dma_wait3A_147] : memref<10240x128xf32, #tpu.memory_space<hbm>> -> memref<32x128xf32, #tpu.memory_space<hbm>>
        tpu.wait_dma2 semaphore(%arg16 : memref<!tpu.dma_semaphore, #tpu.memory_space<semaphore_mem>>) src(%dma_wait3A_148 : memref<32x128xf32, #tpu.memory_space<hbm>>) dst(%arg8 : memref<32x128xf32, #tpu.memory_space<vmem>>)
        %dma_start3A_149 = tpu.memref_slice %arg5[%mul3A_142] : memref<10240xi32, #tpu.memory_space<vmem>> -> memref<32xi32, #tpu.memory_space<vmem>>
        %dma_start3A_150 = arith.constant 0 : i32
        %dma_start3A_151 = arith.constant 0 : i32
        %dma_start3A_152 = tpu.memref_slice %arg6[%dma_start3A_150, %dma_start3A_151] : memref<10240x128xf32, #tpu.memory_space<vmem_shared>> -> memref<10240x128xf32, #tpu.memory_space<vmem_shared>>
        tpu.enqueue_indirect_dma source(%dma_start3A_152 : memref<10240x128xf32, #tpu.memory_space<vmem_shared>>) target(%arg8 : memref<32x128xf32, #tpu.memory_space<vmem>>) offsets(%dma_start3A_149 : memref<32xi32, #tpu.memory_space<vmem>>) semaphore(%arg12 : memref<!tpu.dma_semaphore, #tpu.memory_space<semaphore_mem>>)
        %add3A_153 = arith.constant 4 : i32
        %add3A_154 = arith.addi %mul3A_56, %add3A_153 : i32
        %add3A_155 = arith.constant 2 : i32
        %add3A_156 = arith.addi %add3A_154, %add3A_155 : i32
        %mul3A_157 = arith.constant 32 : i32
        %mul3A_158 = arith.muli %add3A_156, %mul3A_157 : i32
        %dma_wait3A_159 = arith.constant 0 : i32
        %dma_wait3A_160 = arith.constant 0 : i32
        %dma_wait3A_161 = tpu.memref_slice %arg2[%dma_wait3A_159, %dma_wait3A_160] : memref<10240x128xf32, #tpu.memory_space<hbm>> -> memref<32x128xf32, #tpu.memory_space<hbm>>
        %dma_wait3A_162 = arith.constant 0 : i32
        %dma_wait3A_163 = arith.constant 0 : i32
        %dma_wait3A_164 = tpu.memref_slice %arg2[%dma_wait3A_162, %dma_wait3A_163] : memref<10240x128xf32, #tpu.memory_space<hbm>> -> memref<32x128xf32, #tpu.memory_space<hbm>>
        tpu.wait_dma2 semaphore(%arg17 : memref<!tpu.dma_semaphore, #tpu.memory_space<semaphore_mem>>) src(%dma_wait3A_164 : memref<32x128xf32, #tpu.memory_space<hbm>>) dst(%arg9 : memref<32x128xf32, #tpu.memory_space<vmem>>)
        %dma_start3A_165 = tpu.memref_slice %arg5[%mul3A_158] : memref<10240xi32, #tpu.memory_space<vmem>> -> memref<32xi32, #tpu.memory_space<vmem>>
        %dma_start3A_166 = arith.constant 0 : i32
        %dma_start3A_167 = arith.constant 0 : i32
        %dma_start3A_168 = tpu.memref_slice %arg6[%dma_start3A_166, %dma_start3A_167] : memref<10240x128xf32, #tpu.memory_space<vmem_shared>> -> memref<10240x128xf32, #tpu.memory_space<vmem_shared>>
        tpu.enqueue_indirect_dma source(%dma_start3A_168 : memref<10240x128xf32, #tpu.memory_space<vmem_shared>>) target(%arg9 : memref<32x128xf32, #tpu.memory_space<vmem>>) offsets(%dma_start3A_165 : memref<32xi32, #tpu.memory_space<vmem>>) semaphore(%arg13 : memref<!tpu.dma_semaphore, #tpu.memory_space<semaphore_mem>>)
        %add3A_169 = arith.constant 4 : i32
        %add3A_170 = arith.addi %mul3A_56, %add3A_169 : i32
        %add3A_171 = arith.constant 3 : i32
        %add3A_172 = arith.addi %add3A_170, %add3A_171 : i32
        %mul3A_173 = arith.constant 32 : i32
        %mul3A_174 = arith.muli %add3A_172, %mul3A_173 : i32
        %dma_wait3A_175 = arith.constant 0 : i32
        %dma_wait3A_176 = arith.constant 0 : i32
        %dma_wait3A_177 = tpu.memref_slice %arg2[%dma_wait3A_175, %dma_wait3A_176] : memref<10240x128xf32, #tpu.memory_space<hbm>> -> memref<32x128xf32, #tpu.memory_space<hbm>>
        %dma_wait3A_178 = arith.constant 0 : i32
        %dma_wait3A_179 = arith.constant 0 : i32
        %dma_wait3A_180 = tpu.memref_slice %arg2[%dma_wait3A_178, %dma_wait3A_179] : memref<10240x128xf32, #tpu.memory_space<hbm>> -> memref<32x128xf32, #tpu.memory_space<hbm>>
        tpu.wait_dma2 semaphore(%arg18 : memref<!tpu.dma_semaphore, #tpu.memory_space<semaphore_mem>>) src(%dma_wait3A_180 : memref<32x128xf32, #tpu.memory_space<hbm>>) dst(%arg10 : memref<32x128xf32, #tpu.memory_space<vmem>>)
        %dma_start3A_181 = tpu.memref_slice %arg5[%mul3A_174] : memref<10240xi32, #tpu.memory_space<vmem>> -> memref<32xi32, #tpu.memory_space<vmem>>
        %dma_start3A_182 = arith.constant 0 : i32
        %dma_start3A_183 = arith.constant 0 : i32
        %dma_start3A_184 = tpu.memref_slice %arg6[%dma_start3A_182, %dma_start3A_183] : memref<10240x128xf32, #tpu.memory_space<vmem_shared>> -> memref<10240x128xf32, #tpu.memory_space<vmem_shared>>
        tpu.enqueue_indirect_dma source(%dma_start3A_184 : memref<10240x128xf32, #tpu.memory_space<vmem_shared>>) target(%arg10 : memref<32x128xf32, #tpu.memory_space<vmem>>) offsets(%dma_start3A_181 : memref<32xi32, #tpu.memory_space<vmem>>) semaphore(%arg14 : memref<!tpu.dma_semaphore, #tpu.memory_space<semaphore_mem>>)
      } else {
      }
    }
    %scan3A_30 = arith.constant 80 : i32
    %dma_wait3A = arith.constant 0 : i32
    %dma_wait3A_31 = arith.constant 0 : i32
    %dma_wait3A_32 = tpu.memref_slice %arg2[%dma_wait3A, %dma_wait3A_31] : memref<10240x128xf32, #tpu.memory_space<hbm>> -> memref<32x128xf32, #tpu.memory_space<hbm>>
    %dma_wait3A_33 = arith.constant 0 : i32
    %dma_wait3A_34 = arith.constant 0 : i32
    %dma_wait3A_35 = tpu.memref_slice %arg2[%dma_wait3A_33, %dma_wait3A_34] : memref<10240x128xf32, #tpu.memory_space<hbm>> -> memref<32x128xf32, #tpu.memory_space<hbm>>
    tpu.wait_dma2 semaphore(%arg15 : memref<!tpu.dma_semaphore, #tpu.memory_space<semaphore_mem>>) src(%dma_wait3A_35 : memref<32x128xf32, #tpu.memory_space<hbm>>) dst(%arg7 : memref<32x128xf32, #tpu.memory_space<vmem>>)
    %dma_wait3A_36 = arith.constant 0 : i32
    %dma_wait3A_37 = arith.constant 0 : i32
    %dma_wait3A_38 = tpu.memref_slice %arg2[%dma_wait3A_36, %dma_wait3A_37] : memref<10240x128xf32, #tpu.memory_space<hbm>> -> memref<32x128xf32, #tpu.memory_space<hbm>>
    %dma_wait3A_39 = arith.constant 0 : i32
    %dma_wait3A_40 = arith.constant 0 : i32
    %dma_wait3A_41 = tpu.memref_slice %arg2[%dma_wait3A_39, %dma_wait3A_40] : memref<10240x128xf32, #tpu.memory_space<hbm>> -> memref<32x128xf32, #tpu.memory_space<hbm>>
    tpu.wait_dma2 semaphore(%arg16 : memref<!tpu.dma_semaphore, #tpu.memory_space<semaphore_mem>>) src(%dma_wait3A_41 : memref<32x128xf32, #tpu.memory_space<hbm>>) dst(%arg8 : memref<32x128xf32, #tpu.memory_space<vmem>>)
    %dma_wait3A_42 = arith.constant 0 : i32
    %dma_wait3A_43 = arith.constant 0 : i32
    %dma_wait3A_44 = tpu.memref_slice %arg2[%dma_wait3A_42, %dma_wait3A_43] : memref<10240x128xf32, #tpu.memory_space<hbm>> -> memref<32x128xf32, #tpu.memory_space<hbm>>
    %dma_wait3A_45 = arith.constant 0 : i32
    %dma_wait3A_46 = arith.constant 0 : i32
    %dma_wait3A_47 = tpu.memref_slice %arg2[%dma_wait3A_45, %dma_wait3A_46] : memref<10240x128xf32, #tpu.memory_space<hbm>> -> memref<32x128xf32, #tpu.memory_space<hbm>>
    tpu.wait_dma2 semaphore(%arg17 : memref<!tpu.dma_semaphore, #tpu.memory_space<semaphore_mem>>) src(%dma_wait3A_47 : memref<32x128xf32, #tpu.memory_space<hbm>>) dst(%arg9 : memref<32x128xf32, #tpu.memory_space<vmem>>)
    %dma_wait3A_48 = arith.constant 0 : i32
    %dma_wait3A_49 = arith.constant 0 : i32
    %dma_wait3A_50 = tpu.memref_slice %arg2[%dma_wait3A_48, %dma_wait3A_49] : memref<10240x128xf32, #tpu.memory_space<hbm>> -> memref<32x128xf32, #tpu.memory_space<hbm>>
    %dma_wait3A_51 = arith.constant 0 : i32
    %dma_wait3A_52 = arith.constant 0 : i32
    %dma_wait3A_53 = tpu.memref_slice %arg2[%dma_wait3A_51, %dma_wait3A_52] : memref<10240x128xf32, #tpu.memory_space<hbm>> -> memref<32x128xf32, #tpu.memory_space<hbm>>
    tpu.wait_dma2 semaphore(%arg18 : memref<!tpu.dma_semaphore, #tpu.memory_space<semaphore_mem>>) src(%dma_wait3A_53 : memref<32x128xf32, #tpu.memory_space<hbm>>) dst(%arg10 : memref<32x128xf32, #tpu.memory_space<vmem>>)
    return
  }
}

#map = affine_map<(d0, d1) -> (0, 0)>
#map1 = affine_map<(d0, d1) -> (0)>
module attributes {stable_mosaic.version = 14 : i64} {
  func.func @k(%arg0: i32, %arg1: i32, %arg2: memref<10240x128xf32, #tpu.memory_space<hbm>>, %arg3: memref<327680xi32, #tpu.memory_space<hbm>>, %arg4: memref<327680x128xf32, #tpu.memory_space<hbm>>, %arg5: memref<10240xi32, #tpu.memory_space<vmem>>, %arg6: memref<10240x128xf32, #tpu.memory_space<vmem_shared>>, %arg7: memref<32x128xf32, #tpu.memory_space<vmem>>, %arg8: memref<32x128xf32, #tpu.memory_space<vmem>>, %arg9: memref<32x128xf32, #tpu.memory_space<vmem>>, %arg10: memref<32x128xf32, #tpu.memory_space<vmem>>, %arg11: memref<!tpu.dma_semaphore, #tpu.memory_space<semaphore_mem>>, %arg12: memref<!tpu.dma_semaphore, #tpu.memory_space<semaphore_mem>>, %arg13: memref<!tpu.dma_semaphore, #tpu.memory_space<semaphore_mem>>, %arg14: memref<!tpu.dma_semaphore, #tpu.memory_space<semaphore_mem>>, %arg15: memref<!tpu.dma_semaphore, #tpu.memory_space<semaphore_mem>>, %arg16: memref<!tpu.dma_semaphore, #tpu.memory_space<semaphore_mem>>, %arg17: memref<!tpu.dma_semaphore, #tpu.memory_space<semaphore_mem>>, %arg18: memref<!tpu.dma_semaphore, #tpu.memory_space<semaphore_mem>>) attributes {dimension_semantics = [#tpu.dimension_semantics<core_parallel>, #tpu.dimension_semantics<subcore_parallel>], iteration_bounds = array<i64: 2, 16>, scalar_prefetch = 0 : i64, scratch_operands = 14 : i64, tpu.core_type = #tpu.core_type<sc_vector_subcore>, window_params = [{transform_indices = #map}, {transform_indices = #map1}, {transform_indices = #map}]} {
    %mul3A = arith.constant 2 : i32
    %mul3A_0 = arith.muli %arg1, %mul3A : i32
    %add3A = arith.addi %mul3A_0, %arg0 : i32
    %mul3A_1 = arith.constant 10240 : i32
    %mul3A_2 = arith.muli %add3A, %mul3A_1 : i32
    %mul3A_3 = arith.constant 640 : i32
    %mul3A_4 = arith.muli %arg1, %mul3A_3 : i32
    %mul3A_5 = arith.constant 640 : i32
    %mul3A_6 = arith.muli %arg1, %mul3A_5 : i32
    "tpu.region"() ({
      %run_scoped3A = tpu.sem_alloc : memref<!tpu.dma_semaphore, #tpu.memory_space<semaphore_mem>>
      %dma_start3A_54 = arith.constant 0 : i32
      %dma_start3A_55 = tpu.memref_slice %arg6[%mul3A_6, %dma_start3A_54] : memref<10240x128xf32, #tpu.memory_space<vmem_shared>> -> memref<640x128xf32, #tpu.memory_space<vmem_shared>>
      %dma_start3A_56 = arith.constant 0 : i32
      %dma_start3A_57 = tpu.memref_slice %arg2[%mul3A_4, %dma_start3A_56] : memref<10240x128xf32, #tpu.memory_space<hbm>> -> memref<640x128xf32, #tpu.memory_space<hbm>>
      tpu.enqueue_dma source(%dma_start3A_57 : memref<640x128xf32, #tpu.memory_space<hbm>>) target(%dma_start3A_55 : memref<640x128xf32, #tpu.memory_space<vmem_shared>>) target_semaphore(%run_scoped3A : memref<!tpu.dma_semaphore, #tpu.memory_space<semaphore_mem>>)
      %dma_wait3A_58 = arith.constant 0 : i32
      %dma_wait3A_59 = tpu.memref_slice %arg6[%mul3A_6, %dma_wait3A_58] : memref<10240x128xf32, #tpu.memory_space<vmem_shared>> -> memref<640x128xf32, #tpu.memory_space<vmem_shared>>
      %dma_wait3A_60 = arith.constant 0 : i32
      %dma_wait3A_61 = tpu.memref_slice %arg2[%mul3A_4, %dma_wait3A_60] : memref<10240x128xf32, #tpu.memory_space<hbm>> -> memref<640x128xf32, #tpu.memory_space<hbm>>
      tpu.wait_dma2 semaphore(%run_scoped3A : memref<!tpu.dma_semaphore, #tpu.memory_space<semaphore_mem>>) src(%dma_wait3A_61 : memref<640x128xf32, #tpu.memory_space<hbm>>) dst(%dma_wait3A_59 : memref<640x128xf32, #tpu.memory_space<vmem_shared>>)
      tpu.yield
    }) : () -> ()
    "tpu.region"() ({
      %run_scoped3A = tpu.sem_alloc : memref<!tpu.dma_semaphore, #tpu.memory_space<semaphore_mem>>
      %dma_start3A_54 = tpu.memref_slice %arg3[%mul3A_2] : memref<327680xi32, #tpu.memory_space<hbm>> -> memref<10240xi32, #tpu.memory_space<hbm>>
      %dma_start3A_55 = tpu.memref_slice %arg3[%mul3A_2] : memref<327680xi32, #tpu.memory_space<hbm>> -> memref<10240xi32, #tpu.memory_space<hbm>>
      tpu.enqueue_dma source(%dma_start3A_55 : memref<10240xi32, #tpu.memory_space<hbm>>) target(%arg5 : memref<10240xi32, #tpu.memory_space<vmem>>) target_semaphore(%run_scoped3A : memref<!tpu.dma_semaphore, #tpu.memory_space<semaphore_mem>>)
      %dma_wait3A_56 = tpu.memref_slice %arg3[%mul3A_2] : memref<327680xi32, #tpu.memory_space<hbm>> -> memref<10240xi32, #tpu.memory_space<hbm>>
      %dma_wait3A_57 = tpu.memref_slice %arg3[%mul3A_2] : memref<327680xi32, #tpu.memory_space<hbm>> -> memref<10240xi32, #tpu.memory_space<hbm>>
      tpu.wait_dma2 semaphore(%run_scoped3A : memref<!tpu.dma_semaphore, #tpu.memory_space<semaphore_mem>>) src(%dma_wait3A_57 : memref<10240xi32, #tpu.memory_space<hbm>>) dst(%arg5 : memref<10240xi32, #tpu.memory_space<vmem>>)
      tpu.yield
    }) : () -> ()
    %barrier3A = arith.constant 0 : index
    tpu.barrier barrier_id(%barrier3A)
    %dma_start3A = arith.constant 0 : i32
    %dma_start3A_7 = tpu.memref_slice %arg5[%dma_start3A] : memref<10240xi32, #tpu.memory_space<vmem>> -> memref<32xi32, #tpu.memory_space<vmem>>
    %dma_start3A_8 = arith.constant 0 : i32
    %dma_start3A_9 = arith.constant 0 : i32
    %dma_start3A_10 = tpu.memref_slice %arg6[%dma_start3A_8, %dma_start3A_9] : memref<10240x128xf32, #tpu.memory_space<vmem_shared>> -> memref<10240x128xf32, #tpu.memory_space<vmem_shared>>
    tpu.enqueue_indirect_dma source(%dma_start3A_10 : memref<10240x128xf32, #tpu.memory_space<vmem_shared>>) target(%arg7 : memref<32x128xf32, #tpu.memory_space<vmem>>) offsets(%dma_start3A_7 : memref<32xi32, #tpu.memory_space<vmem>>) semaphore(%arg11 : memref<!tpu.dma_semaphore, #tpu.memory_space<semaphore_mem>>)
    %dma_start3A_11 = arith.constant 32 : i32
    %dma_start3A_12 = tpu.memref_slice %arg5[%dma_start3A_11] : memref<10240xi32, #tpu.memory_space<vmem>> -> memref<32xi32, #tpu.memory_space<vmem>>
    %dma_start3A_13 = arith.constant 0 : i32
    %dma_start3A_14 = arith.constant 0 : i32
    %dma_start3A_15 = tpu.memref_slice %arg6[%dma_start3A_13, %dma_start3A_14] : memref<10240x128xf32, #tpu.memory_space<vmem_shared>> -> memref<10240x128xf32, #tpu.memory_space<vmem_shared>>
    tpu.enqueue_indirect_dma source(%dma_start3A_15 : memref<10240x128xf32, #tpu.memory_space<vmem_shared>>) target(%arg8 : memref<32x128xf32, #tpu.memory_space<vmem>>) offsets(%dma_start3A_12 : memref<32xi32, #tpu.memory_space<vmem>>) semaphore(%arg12 : memref<!tpu.dma_semaphore, #tpu.memory_space<semaphore_mem>>)
    %dma_start3A_16 = arith.constant 64 : i32
    %dma_start3A_17 = tpu.memref_slice %arg5[%dma_start3A_16] : memref<10240xi32, #tpu.memory_space<vmem>> -> memref<32xi32, #tpu.memory_space<vmem>>
    %dma_start3A_18 = arith.constant 0 : i32
    %dma_start3A_19 = arith.constant 0 : i32
    %dma_start3A_20 = tpu.memref_slice %arg6[%dma_start3A_18, %dma_start3A_19] : memref<10240x128xf32, #tpu.memory_space<vmem_shared>> -> memref<10240x128xf32, #tpu.memory_space<vmem_shared>>
    tpu.enqueue_indirect_dma source(%dma_start3A_20 : memref<10240x128xf32, #tpu.memory_space<vmem_shared>>) target(%arg9 : memref<32x128xf32, #tpu.memory_space<vmem>>) offsets(%dma_start3A_17 : memref<32xi32, #tpu.memory_space<vmem>>) semaphore(%arg13 : memref<!tpu.dma_semaphore, #tpu.memory_space<semaphore_mem>>)
    %dma_start3A_21 = arith.constant 96 : i32
    %dma_start3A_22 = tpu.memref_slice %arg5[%dma_start3A_21] : memref<10240xi32, #tpu.memory_space<vmem>> -> memref<32xi32, #tpu.memory_space<vmem>>
    %dma_start3A_23 = arith.constant 0 : i32
    %dma_start3A_24 = arith.constant 0 : i32
    %dma_start3A_25 = tpu.memref_slice %arg6[%dma_start3A_23, %dma_start3A_24] : memref<10240x128xf32, #tpu.memory_space<vmem_shared>> -> memref<10240x128xf32, #tpu.memory_space<vmem_shared>>
    tpu.enqueue_indirect_dma source(%dma_start3A_25 : memref<10240x128xf32, #tpu.memory_space<vmem_shared>>) target(%arg10 : memref<32x128xf32, #tpu.memory_space<vmem>>) offsets(%dma_start3A_22 : memref<32xi32, #tpu.memory_space<vmem>>) semaphore(%arg14 : memref<!tpu.dma_semaphore, #tpu.memory_space<semaphore_mem>>)
    %scan3A = arith.constant 0 : i32
    %scan3A_26 = arith.constant 0 : i32
    %scan3A_27 = arith.constant 80 : i32
    %scan3A_28 = arith.addi %scan3A_26, %scan3A_27 : i32
    %scan3A_29 = arith.constant 1 : i32
    scf.for %scan3A_54 = %scan3A_26 to %scan3A_28 step %scan3A_29  : i32 {
      %mul3A_55 = arith.constant 4 : i32
      %mul3A_56 = arith.muli %scan3A_54, %mul3A_55 : i32
      %dma_wait3A_57 = arith.constant 0 : i32
      %dma_wait3A_58 = arith.constant 0 : i32
      %dma_wait3A_59 = tpu.memref_slice %arg2[%dma_wait3A_57, %dma_wait3A_58] : memref<10240x128xf32, #tpu.memory_space<hbm>> -> memref<32x128xf32, #tpu.memory_space<hbm>>
      %dma_wait3A_60 = arith.constant 0 : i32
      %dma_wait3A_61 = arith.constant 0 : i32
      %dma_wait3A_62 = tpu.memref_slice %arg2[%dma_wait3A_60, %dma_wait3A_61] : memref<10240x128xf32, #tpu.memory_space<hbm>> -> memref<32x128xf32, #tpu.memory_space<hbm>>
      tpu.wait_dma2 semaphore(%arg11 : memref<!tpu.dma_semaphore, #tpu.memory_space<semaphore_mem>>) src(%dma_wait3A_62 : memref<32x128xf32, #tpu.memory_space<hbm>>) dst(%arg7 : memref<32x128xf32, #tpu.memory_space<vmem>>)
      %add3A_63 = arith.constant 0 : i32
      %add3A_64 = arith.addi %mul3A_56, %add3A_63 : i32
      %mul3A_65 = arith.constant 32 : i32
      %mul3A_66 = arith.muli %add3A_64, %mul3A_65 : i32
      %add3A_67 = arith.addi %mul3A_2, %mul3A_66 : i32
      %dma_start3A_68 = arith.constant 0 : i32
      %dma_start3A_69 = tpu.memref_slice %arg4[%add3A_67, %dma_start3A_68] : memref<327680x128xf32, #tpu.memory_space<hbm>> -> memref<32x128xf32, #tpu.memory_space<hbm>>
      %dma_start3A_70 = arith.constant 0 : i32
      %dma_start3A_71 = tpu.memref_slice %arg4[%add3A_67, %dma_start3A_70] : memref<327680x128xf32, #tpu.memory_space<hbm>> -> memref<32x128xf32, #tpu.memory_space<hbm>>
      tpu.enqueue_dma source(%arg7 : memref<32x128xf32, #tpu.memory_space<vmem>>) target(%dma_start3A_71 : memref<32x128xf32, #tpu.memory_space<hbm>>) target_semaphore(%arg15 : memref<!tpu.dma_semaphore, #tpu.memory_space<semaphore_mem>>)
      %dma_wait3A_72 = arith.constant 0 : i32
      %dma_wait3A_73 = arith.constant 0 : i32
      %dma_wait3A_74 = tpu.memref_slice %arg2[%dma_wait3A_72, %dma_wait3A_73] : memref<10240x128xf32, #tpu.memory_space<hbm>> -> memref<32x128xf32, #tpu.memory_space<hbm>>
      %dma_wait3A_75 = arith.constant 0 : i32
      %dma_wait3A_76 = arith.constant 0 : i32
      %dma_wait3A_77 = tpu.memref_slice %arg2[%dma_wait3A_75, %dma_wait3A_76] : memref<10240x128xf32, #tpu.memory_space<hbm>> -> memref<32x128xf32, #tpu.memory_space<hbm>>
      tpu.wait_dma2 semaphore(%arg12 : memref<!tpu.dma_semaphore, #tpu.memory_space<semaphore_mem>>) src(%dma_wait3A_77 : memref<32x128xf32, #tpu.memory_space<hbm>>) dst(%arg8 : memref<32x128xf32, #tpu.memory_space<vmem>>)
      %add3A_78 = arith.constant 1 : i32
      %add3A_79 = arith.addi %mul3A_56, %add3A_78 : i32
      %mul3A_80 = arith.constant 32 : i32
      %mul3A_81 = arith.muli %add3A_79, %mul3A_80 : i32
      %add3A_82 = arith.addi %mul3A_2, %mul3A_81 : i32
      %dma_start3A_83 = arith.constant 0 : i32
      %dma_start3A_84 = tpu.memref_slice %arg4[%add3A_82, %dma_start3A_83] : memref<327680x128xf32, #tpu.memory_space<hbm>> -> memref<32x128xf32, #tpu.memory_space<hbm>>
      %dma_start3A_85 = arith.constant 0 : i32
      %dma_start3A_86 = tpu.memref_slice %arg4[%add3A_82, %dma_start3A_85] : memref<327680x128xf32, #tpu.memory_space<hbm>> -> memref<32x128xf32, #tpu.memory_space<hbm>>
      tpu.enqueue_dma source(%arg8 : memref<32x128xf32, #tpu.memory_space<vmem>>) target(%dma_start3A_86 : memref<32x128xf32, #tpu.memory_space<hbm>>) target_semaphore(%arg16 : memref<!tpu.dma_semaphore, #tpu.memory_space<semaphore_mem>>)
      %dma_wait3A_87 = arith.constant 0 : i32
      %dma_wait3A_88 = arith.constant 0 : i32
      %dma_wait3A_89 = tpu.memref_slice %arg2[%dma_wait3A_87, %dma_wait3A_88] : memref<10240x128xf32, #tpu.memory_space<hbm>> -> memref<32x128xf32, #tpu.memory_space<hbm>>
      %dma_wait3A_90 = arith.constant 0 : i32
      %dma_wait3A_91 = arith.constant 0 : i32
      %dma_wait3A_92 = tpu.memref_slice %arg2[%dma_wait3A_90, %dma_wait3A_91] : memref<10240x128xf32, #tpu.memory_space<hbm>> -> memref<32x128xf32, #tpu.memory_space<hbm>>
      tpu.wait_dma2 semaphore(%arg13 : memref<!tpu.dma_semaphore, #tpu.memory_space<semaphore_mem>>) src(%dma_wait3A_92 : memref<32x128xf32, #tpu.memory_space<hbm>>) dst(%arg9 : memref<32x128xf32, #tpu.memory_space<vmem>>)
      %add3A_93 = arith.constant 2 : i32
      %add3A_94 = arith.addi %mul3A_56, %add3A_93 : i32
      %mul3A_95 = arith.constant 32 : i32
      %mul3A_96 = arith.muli %add3A_94, %mul3A_95 : i32
      %add3A_97 = arith.addi %mul3A_2, %mul3A_96 : i32
      %dma_start3A_98 = arith.constant 0 : i32
      %dma_start3A_99 = tpu.memref_slice %arg4[%add3A_97, %dma_start3A_98] : memref<327680x128xf32, #tpu.memory_space<hbm>> -> memref<32x128xf32, #tpu.memory_space<hbm>>
      %dma_start3A_100 = arith.constant 0 : i32
      %dma_start3A_101 = tpu.memref_slice %arg4[%add3A_97, %dma_start3A_100] : memref<327680x128xf32, #tpu.memory_space<hbm>> -> memref<32x128xf32, #tpu.memory_space<hbm>>
      tpu.enqueue_dma source(%arg9 : memref<32x128xf32, #tpu.memory_space<vmem>>) target(%dma_start3A_101 : memref<32x128xf32, #tpu.memory_space<hbm>>) target_semaphore(%arg17 : memref<!tpu.dma_semaphore, #tpu.memory_space<semaphore_mem>>)
      %dma_wait3A_102 = arith.constant 0 : i32
      %dma_wait3A_103 = arith.constant 0 : i32
      %dma_wait3A_104 = tpu.memref_slice %arg2[%dma_wait3A_102, %dma_wait3A_103] : memref<10240x128xf32, #tpu.memory_space<hbm>> -> memref<32x128xf32, #tpu.memory_space<hbm>>
      %dma_wait3A_105 = arith.constant 0 : i32
      %dma_wait3A_106 = arith.constant 0 : i32
      %dma_wait3A_107 = tpu.memref_slice %arg2[%dma_wait3A_105, %dma_wait3A_106] : memref<10240x128xf32, #tpu.memory_space<hbm>> -> memref<32x128xf32, #tpu.memory_space<hbm>>
      tpu.wait_dma2 semaphore(%arg14 : memref<!tpu.dma_semaphore, #tpu.memory_space<semaphore_mem>>) src(%dma_wait3A_107 : memref<32x128xf32, #tpu.memory_space<hbm>>) dst(%arg10 : memref<32x128xf32, #tpu.memory_space<vmem>>)
      %add3A_108 = arith.constant 3 : i32
      %add3A_109 = arith.addi %mul3A_56, %add3A_108 : i32
      %mul3A_110 = arith.constant 32 : i32
      %mul3A_111 = arith.muli %add3A_109, %mul3A_110 : i32
      %add3A_112 = arith.addi %mul3A_2, %mul3A_111 : i32
      %dma_start3A_113 = arith.constant 0 : i32
      %dma_start3A_114 = tpu.memref_slice %arg4[%add3A_112, %dma_start3A_113] : memref<327680x128xf32, #tpu.memory_space<hbm>> -> memref<32x128xf32, #tpu.memory_space<hbm>>
      %dma_start3A_115 = arith.constant 0 : i32
      %dma_start3A_116 = tpu.memref_slice %arg4[%add3A_112, %dma_start3A_115] : memref<327680x128xf32, #tpu.memory_space<hbm>> -> memref<32x128xf32, #tpu.memory_space<hbm>>
      tpu.enqueue_dma source(%arg10 : memref<32x128xf32, #tpu.memory_space<vmem>>) target(%dma_start3A_116 : memref<32x128xf32, #tpu.memory_space<hbm>>) target_semaphore(%arg18 : memref<!tpu.dma_semaphore, #tpu.memory_space<semaphore_mem>>)
      %add3A_117 = arith.constant 1 : i32
      %add3A_118 = arith.addi %scan3A_54, %add3A_117 : i32
      %lt3A = arith.constant 80 : i32
      %lt3A_119 = arith.cmpi slt, %add3A_118, %lt3A : i32
      %convert_element_type3A = arith.extui %lt3A_119 : i1 to i32
      %cond3A = arith.constant 0 : i32
      %cond3A_120 = arith.cmpi ne, %convert_element_type3A, %cond3A : i32
      scf.if %cond3A_120 {
        %add3A_121 = arith.constant 4 : i32
        %add3A_122 = arith.addi %mul3A_56, %add3A_121 : i32
        %add3A_123 = arith.constant 0 : i32
        %add3A_124 = arith.addi %add3A_122, %add3A_123 : i32
        %mul3A_125 = arith.constant 32 : i32
        %mul3A_126 = arith.muli %add3A_124, %mul3A_125 : i32
        %dma_wait3A_127 = arith.constant 0 : i32
        %dma_wait3A_128 = arith.constant 0 : i32
        %dma_wait3A_129 = tpu.memref_slice %arg2[%dma_wait3A_127, %dma_wait3A_128] : memref<10240x128xf32, #tpu.memory_space<hbm>> -> memref<32x128xf32, #tpu.memory_space<hbm>>
        %dma_wait3A_130 = arith.constant 0 : i32
        %dma_wait3A_131 = arith.constant 0 : i32
        %dma_wait3A_132 = tpu.memref_slice %arg2[%dma_wait3A_130, %dma_wait3A_131] : memref<10240x128xf32, #tpu.memory_space<hbm>> -> memref<32x128xf32, #tpu.memory_space<hbm>>
        tpu.wait_dma2 semaphore(%arg15 : memref<!tpu.dma_semaphore, #tpu.memory_space<semaphore_mem>>) src(%dma_wait3A_132 : memref<32x128xf32, #tpu.memory_space<hbm>>) dst(%arg7 : memref<32x128xf32, #tpu.memory_space<vmem>>)
        %dma_start3A_133 = tpu.memref_slice %arg5[%mul3A_126] : memref<10240xi32, #tpu.memory_space<vmem>> -> memref<32xi32, #tpu.memory_space<vmem>>
        %dma_start3A_134 = arith.constant 0 : i32
        %dma_start3A_135 = arith.constant 0 : i32
        %dma_start3A_136 = tpu.memref_slice %arg6[%dma_start3A_134, %dma_start3A_135] : memref<10240x128xf32, #tpu.memory_space<vmem_shared>> -> memref<10240x128xf32, #tpu.memory_space<vmem_shared>>
        tpu.enqueue_indirect_dma source(%dma_start3A_136 : memref<10240x128xf32, #tpu.memory_space<vmem_shared>>) target(%arg7 : memref<32x128xf32, #tpu.memory_space<vmem>>) offsets(%dma_start3A_133 : memref<32xi32, #tpu.memory_space<vmem>>) semaphore(%arg11 : memref<!tpu.dma_semaphore, #tpu.memory_space<semaphore_mem>>)
        %add3A_137 = arith.constant 4 : i32
        %add3A_138 = arith.addi %mul3A_56, %add3A_137 : i32
        %add3A_139 = arith.constant 1 : i32
        %add3A_140 = arith.addi %add3A_138, %add3A_139 : i32
        %mul3A_141 = arith.constant 32 : i32
        %mul3A_142 = arith.muli %add3A_140, %mul3A_141 : i32
        %dma_wait3A_143 = arith.constant 0 : i32
        %dma_wait3A_144 = arith.constant 0 : i32
        %dma_wait3A_145 = tpu.memref_slice %arg2[%dma_wait3A_143, %dma_wait3A_144] : memref<10240x128xf32, #tpu.memory_space<hbm>> -> memref<32x128xf32, #tpu.memory_space<hbm>>
        %dma_wait3A_146 = arith.constant 0 : i32
        %dma_wait3A_147 = arith.constant 0 : i32
        %dma_wait3A_148 = tpu.memref_slice %arg2[%dma_wait3A_146, %dma_wait3A_147] : memref<10240x128xf32, #tpu.memory_space<hbm>> -> memref<32x128xf32, #tpu.memory_space<hbm>>
        tpu.wait_dma2 semaphore(%arg16 : memref<!tpu.dma_semaphore, #tpu.memory_space<semaphore_mem>>) src(%dma_wait3A_148 : memref<32x128xf32, #tpu.memory_space<hbm>>) dst(%arg8 : memref<32x128xf32, #tpu.memory_space<vmem>>)
        %dma_start3A_149 = tpu.memref_slice %arg5[%mul3A_142] : memref<10240xi32, #tpu.memory_space<vmem>> -> memref<32xi32, #tpu.memory_space<vmem>>
        %dma_start3A_150 = arith.constant 0 : i32
        %dma_start3A_151 = arith.constant 0 : i32
        %dma_start3A_152 = tpu.memref_slice %arg6[%dma_start3A_150, %dma_start3A_151] : memref<10240x128xf32, #tpu.memory_space<vmem_shared>> -> memref<10240x128xf32, #tpu.memory_space<vmem_shared>>
        tpu.enqueue_indirect_dma source(%dma_start3A_152 : memref<10240x128xf32, #tpu.memory_space<vmem_shared>>) target(%arg8 : memref<32x128xf32, #tpu.memory_space<vmem>>) offsets(%dma_start3A_149 : memref<32xi32, #tpu.memory_space<vmem>>) semaphore(%arg12 : memref<!tpu.dma_semaphore, #tpu.memory_space<semaphore_mem>>)
        %add3A_153 = arith.constant 4 : i32
        %add3A_154 = arith.addi %mul3A_56, %add3A_153 : i32
        %add3A_155 = arith.constant 2 : i32
        %add3A_156 = arith.addi %add3A_154, %add3A_155 : i32
        %mul3A_157 = arith.constant 32 : i32
        %mul3A_158 = arith.muli %add3A_156, %mul3A_157 : i32
        %dma_wait3A_159 = arith.constant 0 : i32
        %dma_wait3A_160 = arith.constant 0 : i32
        %dma_wait3A_161 = tpu.memref_slice %arg2[%dma_wait3A_159, %dma_wait3A_160] : memref<10240x128xf32, #tpu.memory_space<hbm>> -> memref<32x128xf32, #tpu.memory_space<hbm>>
        %dma_wait3A_162 = arith.constant 0 : i32
        %dma_wait3A_163 = arith.constant 0 : i32
        %dma_wait3A_164 = tpu.memref_slice %arg2[%dma_wait3A_162, %dma_wait3A_163] : memref<10240x128xf32, #tpu.memory_space<hbm>> -> memref<32x128xf32, #tpu.memory_space<hbm>>
        tpu.wait_dma2 semaphore(%arg17 : memref<!tpu.dma_semaphore, #tpu.memory_space<semaphore_mem>>) src(%dma_wait3A_164 : memref<32x128xf32, #tpu.memory_space<hbm>>) dst(%arg9 : memref<32x128xf32, #tpu.memory_space<vmem>>)
        %dma_start3A_165 = tpu.memref_slice %arg5[%mul3A_158] : memref<10240xi32, #tpu.memory_space<vmem>> -> memref<32xi32, #tpu.memory_space<vmem>>
        %dma_start3A_166 = arith.constant 0 : i32
        %dma_start3A_167 = arith.constant 0 : i32
        %dma_start3A_168 = tpu.memref_slice %arg6[%dma_start3A_166, %dma_start3A_167] : memref<10240x128xf32, #tpu.memory_space<vmem_shared>> -> memref<10240x128xf32, #tpu.memory_space<vmem_shared>>
        tpu.enqueue_indirect_dma source(%dma_start3A_168 : memref<10240x128xf32, #tpu.memory_space<vmem_shared>>) target(%arg9 : memref<32x128xf32, #tpu.memory_space<vmem>>) offsets(%dma_start3A_165 : memref<32xi32, #tpu.memory_space<vmem>>) semaphore(%arg13 : memref<!tpu.dma_semaphore, #tpu.memory_space<semaphore_mem>>)
        %add3A_169 = arith.constant 4 : i32
        %add3A_170 = arith.addi %mul3A_56, %add3A_169 : i32
        %add3A_171 = arith.constant 3 : i32
        %add3A_172 = arith.addi %add3A_170, %add3A_171 : i32
        %mul3A_173 = arith.constant 32 : i32
        %mul3A_174 = arith.muli %add3A_172, %mul3A_173 : i32
        %dma_wait3A_175 = arith.constant 0 : i32
        %dma_wait3A_176 = arith.constant 0 : i32
        %dma_wait3A_177 = tpu.memref_slice %arg2[%dma_wait3A_175, %dma_wait3A_176] : memref<10240x128xf32, #tpu.memory_space<hbm>> -> memref<32x128xf32, #tpu.memory_space<hbm>>
        %dma_wait3A_178 = arith.constant 0 : i32
        %dma_wait3A_179 = arith.constant 0 : i32
        %dma_wait3A_180 = tpu.memref_slice %arg2[%dma_wait3A_178, %dma_wait3A_179] : memref<10240x128xf32, #tpu.memory_space<hbm>> -> memref<32x128xf32, #tpu.memory_space<hbm>>
        tpu.wait_dma2 semaphore(%arg18 : memref<!tpu.dma_semaphore, #tpu.memory_space<semaphore_mem>>) src(%dma_wait3A_180 : memref<32x128xf32, #tpu.memory_space<hbm>>) dst(%arg10 : memref<32x128xf32, #tpu.memory_space<vmem>>)
        %dma_start3A_181 = tpu.memref_slice %arg5[%mul3A_174] : memref<10240xi32, #tpu.memory_space<vmem>> -> memref<32xi32, #tpu.memory_space<vmem>>
        %dma_start3A_182 = arith.constant 0 : i32
        %dma_start3A_183 = arith.constant 0 : i32
        %dma_start3A_184 = tpu.memref_slice %arg6[%dma_start3A_182, %dma_start3A_183] : memref<10240x128xf32, #tpu.memory_space<vmem_shared>> -> memref<10240x128xf32, #tpu.memory_space<vmem_shared>>
        tpu.enqueue_indirect_dma source(%dma_start3A_184 : memref<10240x128xf32, #tpu.memory_space<vmem_shared>>) target(%arg10 : memref<32x128xf32, #tpu.memory_space<vmem>>) offsets(%dma_start3A_181 : memref<32xi32, #tpu.memory_space<vmem>>) semaphore(%arg14 : memref<!tpu.dma_semaphore, #tpu.memory_space<semaphore_mem>>)
      } else {
      }
    }
    %scan3A_30 = arith.constant 80 : i32
    %dma_wait3A = arith.constant 0 : i32
    %dma_wait3A_31 = arith.constant 0 : i32
    %dma_wait3A_32 = tpu.memref_slice %arg2[%dma_wait3A, %dma_wait3A_31] : memref<10240x128xf32, #tpu.memory_space<hbm>> -> memref<32x128xf32, #tpu.memory_space<hbm>>
    %dma_wait3A_33 = arith.constant 0 : i32
    %dma_wait3A_34 = arith.constant 0 : i32
    %dma_wait3A_35 = tpu.memref_slice %arg2[%dma_wait3A_33, %dma_wait3A_34] : memref<10240x128xf32, #tpu.memory_space<hbm>> -> memref<32x128xf32, #tpu.memory_space<hbm>>
    tpu.wait_dma2 semaphore(%arg15 : memref<!tpu.dma_semaphore, #tpu.memory_space<semaphore_mem>>) src(%dma_wait3A_35 : memref<32x128xf32, #tpu.memory_space<hbm>>) dst(%arg7 : memref<32x128xf32, #tpu.memory_space<vmem>>)
    %dma_wait3A_36 = arith.constant 0 : i32
    %dma_wait3A_37 = arith.constant 0 : i32
    %dma_wait3A_38 = tpu.memref_slice %arg2[%dma_wait3A_36, %dma_wait3A_37] : memref<10240x128xf32, #tpu.memory_space<hbm>> -> memref<32x128xf32, #tpu.memory_space<hbm>>
    %dma_wait3A_39 = arith.constant 0 : i32
    %dma_wait3A_40 = arith.constant 0 : i32
    %dma_wait3A_41 = tpu.memref_slice %arg2[%dma_wait3A_39, %dma_wait3A_40] : memref<10240x128xf32, #tpu.memory_space<hbm>> -> memref<32x128xf32, #tpu.memory_space<hbm>>
    tpu.wait_dma2 semaphore(%arg16 : memref<!tpu.dma_semaphore, #tpu.memory_space<semaphore_mem>>) src(%dma_wait3A_41 : memref<32x128xf32, #tpu.memory_space<hbm>>) dst(%arg8 : memref<32x128xf32, #tpu.memory_space<vmem>>)
    %dma_wait3A_42 = arith.constant 0 : i32
    %dma_wait3A_43 = arith.constant 0 : i32
    %dma_wait3A_44 = tpu.memref_slice %arg2[%dma_wait3A_42, %dma_wait3A_43] : memref<10240x128xf32, #tpu.memory_space<hbm>> -> memref<32x128xf32, #tpu.memory_space<hbm>>
    %dma_wait3A_45 = arith.constant 0 : i32
    %dma_wait3A_46 = arith.constant 0 : i32
    %dma_wait3A_47 = tpu.memref_slice %arg2[%dma_wait3A_45, %dma_wait3A_46] : memref<10240x128xf32, #tpu.memory_space<hbm>> -> memref<32x128xf32, #tpu.memory_space<hbm>>
    tpu.wait_dma2 semaphore(%arg17 : memref<!tpu.dma_semaphore, #tpu.memory_space<semaphore_mem>>) src(%dma_wait3A_47 : memref<32x128xf32, #tpu.memory_space<hbm>>) dst(%arg9 : memref<32x128xf32, #tpu.memory_space<vmem>>)
    %dma_wait3A_48 = arith.constant 0 : i32
    %dma_wait3A_49 = arith.constant 0 : i32
    %dma_wait3A_50 = tpu.memref_slice %arg2[%dma_wait3A_48, %dma_wait3A_49] : memref<10240x128xf32, #tpu.memory_space<hbm>> -> memref<32x128xf32, #tpu.memory_space<hbm>>
    %dma_wait3A_51 = arith.constant 0 : i32
    %dma_wait3A_52 = arith.constant 0 : i32
    %dma_wait3A_53 = tpu.memref_slice %arg2[%dma_wait3A_51, %dma_wait3A_52] : memref<10240x128xf32, #tpu.memory_space<hbm>> -> memref<32x128xf32, #tpu.memory_space<hbm>>
    tpu.wait_dma2 semaphore(%arg18 : memref<!tpu.dma_semaphore, #tpu.memory_space<semaphore_mem>>) src(%dma_wait3A_53 : memref<32x128xf32, #tpu.memory_space<hbm>>) dst(%arg10 : memref<32x128xf32, #tpu.memory_space<vmem>>)
    return
  }
}

#map = affine_map<(d0, d1) -> (0, 0)>
#map1 = affine_map<(d0, d1) -> (0)>
module attributes {stable_mosaic.version = 14 : i64} {
  func.func @k(%arg0: i32, %arg1: i32, %arg2: memref<10240x128xf32, #tpu.memory_space<hbm>>, %arg3: memref<327680xi32, #tpu.memory_space<hbm>>, %arg4: memref<327680x128xf32, #tpu.memory_space<hbm>>, %arg5: memref<10240xi32, #tpu.memory_space<vmem>>, %arg6: memref<10240x128xf32, #tpu.memory_space<vmem_shared>>, %arg7: memref<32x128xf32, #tpu.memory_space<vmem>>, %arg8: memref<32x128xf32, #tpu.memory_space<vmem>>, %arg9: memref<32x128xf32, #tpu.memory_space<vmem>>, %arg10: memref<32x128xf32, #tpu.memory_space<vmem>>, %arg11: memref<!tpu.dma_semaphore, #tpu.memory_space<semaphore_mem>>, %arg12: memref<!tpu.dma_semaphore, #tpu.memory_space<semaphore_mem>>, %arg13: memref<!tpu.dma_semaphore, #tpu.memory_space<semaphore_mem>>, %arg14: memref<!tpu.dma_semaphore, #tpu.memory_space<semaphore_mem>>, %arg15: memref<!tpu.dma_semaphore, #tpu.memory_space<semaphore_mem>>, %arg16: memref<!tpu.dma_semaphore, #tpu.memory_space<semaphore_mem>>, %arg17: memref<!tpu.dma_semaphore, #tpu.memory_space<semaphore_mem>>, %arg18: memref<!tpu.dma_semaphore, #tpu.memory_space<semaphore_mem>>) attributes {dimension_semantics = [#tpu.dimension_semantics<core_parallel>, #tpu.dimension_semantics<subcore_parallel>], iteration_bounds = array<i64: 2, 16>, scalar_prefetch = 0 : i64, scratch_operands = 14 : i64, tpu.core_type = #tpu.core_type<sc_vector_subcore>, window_params = [{transform_indices = #map}, {transform_indices = #map1}, {transform_indices = #map}]} {
    %mul3A = arith.constant 2 : i32
    %mul3A_0 = arith.muli %arg1, %mul3A : i32
    %add3A = arith.addi %mul3A_0, %arg0 : i32
    %mul3A_1 = arith.constant 10240 : i32
    %mul3A_2 = arith.muli %add3A, %mul3A_1 : i32
    %mul3A_3 = arith.constant 640 : i32
    %mul3A_4 = arith.muli %arg1, %mul3A_3 : i32
    %mul3A_5 = arith.constant 640 : i32
    %mul3A_6 = arith.muli %arg1, %mul3A_5 : i32
    "tpu.region"() ({
      %run_scoped3A = tpu.sem_alloc : memref<!tpu.dma_semaphore, #tpu.memory_space<semaphore_mem>>
      %dma_start3A_54 = arith.constant 0 : i32
      %dma_start3A_55 = tpu.memref_slice %arg6[%mul3A_6, %dma_start3A_54] : memref<10240x128xf32, #tpu.memory_space<vmem_shared>> -> memref<640x128xf32, #tpu.memory_space<vmem_shared>>
      %dma_start3A_56 = arith.constant 0 : i32
      %dma_start3A_57 = tpu.memref_slice %arg2[%mul3A_4, %dma_start3A_56] : memref<10240x128xf32, #tpu.memory_space<hbm>> -> memref<640x128xf32, #tpu.memory_space<hbm>>
      tpu.enqueue_dma source(%dma_start3A_57 : memref<640x128xf32, #tpu.memory_space<hbm>>) target(%dma_start3A_55 : memref<640x128xf32, #tpu.memory_space<vmem_shared>>) target_semaphore(%run_scoped3A : memref<!tpu.dma_semaphore, #tpu.memory_space<semaphore_mem>>)
      %dma_wait3A_58 = arith.constant 0 : i32
      %dma_wait3A_59 = tpu.memref_slice %arg6[%mul3A_6, %dma_wait3A_58] : memref<10240x128xf32, #tpu.memory_space<vmem_shared>> -> memref<640x128xf32, #tpu.memory_space<vmem_shared>>
      %dma_wait3A_60 = arith.constant 0 : i32
      %dma_wait3A_61 = tpu.memref_slice %arg2[%mul3A_4, %dma_wait3A_60] : memref<10240x128xf32, #tpu.memory_space<hbm>> -> memref<640x128xf32, #tpu.memory_space<hbm>>
      tpu.wait_dma2 semaphore(%run_scoped3A : memref<!tpu.dma_semaphore, #tpu.memory_space<semaphore_mem>>) src(%dma_wait3A_61 : memref<640x128xf32, #tpu.memory_space<hbm>>) dst(%dma_wait3A_59 : memref<640x128xf32, #tpu.memory_space<vmem_shared>>)
      tpu.yield
    }) : () -> ()
    "tpu.region"() ({
      %run_scoped3A = tpu.sem_alloc : memref<!tpu.dma_semaphore, #tpu.memory_space<semaphore_mem>>
      %dma_start3A_54 = tpu.memref_slice %arg3[%mul3A_2] : memref<327680xi32, #tpu.memory_space<hbm>> -> memref<10240xi32, #tpu.memory_space<hbm>>
      %dma_start3A_55 = tpu.memref_slice %arg3[%mul3A_2] : memref<327680xi32, #tpu.memory_space<hbm>> -> memref<10240xi32, #tpu.memory_space<hbm>>
      tpu.enqueue_dma source(%dma_start3A_55 : memref<10240xi32, #tpu.memory_space<hbm>>) target(%arg5 : memref<10240xi32, #tpu.memory_space<vmem>>) target_semaphore(%run_scoped3A : memref<!tpu.dma_semaphore, #tpu.memory_space<semaphore_mem>>)
      %dma_wait3A_56 = tpu.memref_slice %arg3[%mul3A_2] : memref<327680xi32, #tpu.memory_space<hbm>> -> memref<10240xi32, #tpu.memory_space<hbm>>
      %dma_wait3A_57 = tpu.memref_slice %arg3[%mul3A_2] : memref<327680xi32, #tpu.memory_space<hbm>> -> memref<10240xi32, #tpu.memory_space<hbm>>
      tpu.wait_dma2 semaphore(%run_scoped3A : memref<!tpu.dma_semaphore, #tpu.memory_space<semaphore_mem>>) src(%dma_wait3A_57 : memref<10240xi32, #tpu.memory_space<hbm>>) dst(%arg5 : memref<10240xi32, #tpu.memory_space<vmem>>)
      tpu.yield
    }) : () -> ()
    %barrier3A = arith.constant 0 : index
    tpu.barrier barrier_id(%barrier3A)
    %dma_start3A = arith.constant 0 : i32
    %dma_start3A_7 = tpu.memref_slice %arg5[%dma_start3A] : memref<10240xi32, #tpu.memory_space<vmem>> -> memref<32xi32, #tpu.memory_space<vmem>>
    %dma_start3A_8 = arith.constant 0 : i32
    %dma_start3A_9 = arith.constant 0 : i32
    %dma_start3A_10 = tpu.memref_slice %arg6[%dma_start3A_8, %dma_start3A_9] : memref<10240x128xf32, #tpu.memory_space<vmem_shared>> -> memref<10240x128xf32, #tpu.memory_space<vmem_shared>>
    tpu.enqueue_indirect_dma source(%dma_start3A_10 : memref<10240x128xf32, #tpu.memory_space<vmem_shared>>) target(%arg7 : memref<32x128xf32, #tpu.memory_space<vmem>>) offsets(%dma_start3A_7 : memref<32xi32, #tpu.memory_space<vmem>>) semaphore(%arg11 : memref<!tpu.dma_semaphore, #tpu.memory_space<semaphore_mem>>)
    %dma_start3A_11 = arith.constant 32 : i32
    %dma_start3A_12 = tpu.memref_slice %arg5[%dma_start3A_11] : memref<10240xi32, #tpu.memory_space<vmem>> -> memref<32xi32, #tpu.memory_space<vmem>>
    %dma_start3A_13 = arith.constant 0 : i32
    %dma_start3A_14 = arith.constant 0 : i32
    %dma_start3A_15 = tpu.memref_slice %arg6[%dma_start3A_13, %dma_start3A_14] : memref<10240x128xf32, #tpu.memory_space<vmem_shared>> -> memref<10240x128xf32, #tpu.memory_space<vmem_shared>>
    tpu.enqueue_indirect_dma source(%dma_start3A_15 : memref<10240x128xf32, #tpu.memory_space<vmem_shared>>) target(%arg8 : memref<32x128xf32, #tpu.memory_space<vmem>>) offsets(%dma_start3A_12 : memref<32xi32, #tpu.memory_space<vmem>>) semaphore(%arg12 : memref<!tpu.dma_semaphore, #tpu.memory_space<semaphore_mem>>)
    %dma_start3A_16 = arith.constant 64 : i32
    %dma_start3A_17 = tpu.memref_slice %arg5[%dma_start3A_16] : memref<10240xi32, #tpu.memory_space<vmem>> -> memref<32xi32, #tpu.memory_space<vmem>>
    %dma_start3A_18 = arith.constant 0 : i32
    %dma_start3A_19 = arith.constant 0 : i32
    %dma_start3A_20 = tpu.memref_slice %arg6[%dma_start3A_18, %dma_start3A_19] : memref<10240x128xf32, #tpu.memory_space<vmem_shared>> -> memref<10240x128xf32, #tpu.memory_space<vmem_shared>>
    tpu.enqueue_indirect_dma source(%dma_start3A_20 : memref<10240x128xf32, #tpu.memory_space<vmem_shared>>) target(%arg9 : memref<32x128xf32, #tpu.memory_space<vmem>>) offsets(%dma_start3A_17 : memref<32xi32, #tpu.memory_space<vmem>>) semaphore(%arg13 : memref<!tpu.dma_semaphore, #tpu.memory_space<semaphore_mem>>)
    %dma_start3A_21 = arith.constant 96 : i32
    %dma_start3A_22 = tpu.memref_slice %arg5[%dma_start3A_21] : memref<10240xi32, #tpu.memory_space<vmem>> -> memref<32xi32, #tpu.memory_space<vmem>>
    %dma_start3A_23 = arith.constant 0 : i32
    %dma_start3A_24 = arith.constant 0 : i32
    %dma_start3A_25 = tpu.memref_slice %arg6[%dma_start3A_23, %dma_start3A_24] : memref<10240x128xf32, #tpu.memory_space<vmem_shared>> -> memref<10240x128xf32, #tpu.memory_space<vmem_shared>>
    tpu.enqueue_indirect_dma source(%dma_start3A_25 : memref<10240x128xf32, #tpu.memory_space<vmem_shared>>) target(%arg10 : memref<32x128xf32, #tpu.memory_space<vmem>>) offsets(%dma_start3A_22 : memref<32xi32, #tpu.memory_space<vmem>>) semaphore(%arg14 : memref<!tpu.dma_semaphore, #tpu.memory_space<semaphore_mem>>)
    %scan3A = arith.constant 0 : i32
    %scan3A_26 = arith.constant 0 : i32
    %scan3A_27 = arith.constant 80 : i32
    %scan3A_28 = arith.addi %scan3A_26, %scan3A_27 : i32
    %scan3A_29 = arith.constant 1 : i32
    scf.for %scan3A_54 = %scan3A_26 to %scan3A_28 step %scan3A_29  : i32 {
      %mul3A_55 = arith.constant 4 : i32
      %mul3A_56 = arith.muli %scan3A_54, %mul3A_55 : i32
      %dma_wait3A_57 = arith.constant 0 : i32
      %dma_wait3A_58 = arith.constant 0 : i32
      %dma_wait3A_59 = tpu.memref_slice %arg2[%dma_wait3A_57, %dma_wait3A_58] : memref<10240x128xf32, #tpu.memory_space<hbm>> -> memref<32x128xf32, #tpu.memory_space<hbm>>
      %dma_wait3A_60 = arith.constant 0 : i32
      %dma_wait3A_61 = arith.constant 0 : i32
      %dma_wait3A_62 = tpu.memref_slice %arg2[%dma_wait3A_60, %dma_wait3A_61] : memref<10240x128xf32, #tpu.memory_space<hbm>> -> memref<32x128xf32, #tpu.memory_space<hbm>>
      tpu.wait_dma2 semaphore(%arg11 : memref<!tpu.dma_semaphore, #tpu.memory_space<semaphore_mem>>) src(%dma_wait3A_62 : memref<32x128xf32, #tpu.memory_space<hbm>>) dst(%arg7 : memref<32x128xf32, #tpu.memory_space<vmem>>)
      %add3A_63 = arith.constant 0 : i32
      %add3A_64 = arith.addi %mul3A_56, %add3A_63 : i32
      %mul3A_65 = arith.constant 32 : i32
      %mul3A_66 = arith.muli %add3A_64, %mul3A_65 : i32
      %add3A_67 = arith.addi %mul3A_2, %mul3A_66 : i32
      %dma_start3A_68 = arith.constant 0 : i32
      %dma_start3A_69 = tpu.memref_slice %arg4[%add3A_67, %dma_start3A_68] : memref<327680x128xf32, #tpu.memory_space<hbm>> -> memref<32x128xf32, #tpu.memory_space<hbm>>
      %dma_start3A_70 = arith.constant 0 : i32
      %dma_start3A_71 = tpu.memref_slice %arg4[%add3A_67, %dma_start3A_70] : memref<327680x128xf32, #tpu.memory_space<hbm>> -> memref<32x128xf32, #tpu.memory_space<hbm>>
      tpu.enqueue_dma source(%arg7 : memref<32x128xf32, #tpu.memory_space<vmem>>) target(%dma_start3A_71 : memref<32x128xf32, #tpu.memory_space<hbm>>) target_semaphore(%arg15 : memref<!tpu.dma_semaphore, #tpu.memory_space<semaphore_mem>>)
      %dma_wait3A_72 = arith.constant 0 : i32
      %dma_wait3A_73 = arith.constant 0 : i32
      %dma_wait3A_74 = tpu.memref_slice %arg2[%dma_wait3A_72, %dma_wait3A_73] : memref<10240x128xf32, #tpu.memory_space<hbm>> -> memref<32x128xf32, #tpu.memory_space<hbm>>
      %dma_wait3A_75 = arith.constant 0 : i32
      %dma_wait3A_76 = arith.constant 0 : i32
      %dma_wait3A_77 = tpu.memref_slice %arg2[%dma_wait3A_75, %dma_wait3A_76] : memref<10240x128xf32, #tpu.memory_space<hbm>> -> memref<32x128xf32, #tpu.memory_space<hbm>>
      tpu.wait_dma2 semaphore(%arg12 : memref<!tpu.dma_semaphore, #tpu.memory_space<semaphore_mem>>) src(%dma_wait3A_77 : memref<32x128xf32, #tpu.memory_space<hbm>>) dst(%arg8 : memref<32x128xf32, #tpu.memory_space<vmem>>)
      %add3A_78 = arith.constant 1 : i32
      %add3A_79 = arith.addi %mul3A_56, %add3A_78 : i32
      %mul3A_80 = arith.constant 32 : i32
      %mul3A_81 = arith.muli %add3A_79, %mul3A_80 : i32
      %add3A_82 = arith.addi %mul3A_2, %mul3A_81 : i32
      %dma_start3A_83 = arith.constant 0 : i32
      %dma_start3A_84 = tpu.memref_slice %arg4[%add3A_82, %dma_start3A_83] : memref<327680x128xf32, #tpu.memory_space<hbm>> -> memref<32x128xf32, #tpu.memory_space<hbm>>
      %dma_start3A_85 = arith.constant 0 : i32
      %dma_start3A_86 = tpu.memref_slice %arg4[%add3A_82, %dma_start3A_85] : memref<327680x128xf32, #tpu.memory_space<hbm>> -> memref<32x128xf32, #tpu.memory_space<hbm>>
      tpu.enqueue_dma source(%arg8 : memref<32x128xf32, #tpu.memory_space<vmem>>) target(%dma_start3A_86 : memref<32x128xf32, #tpu.memory_space<hbm>>) target_semaphore(%arg16 : memref<!tpu.dma_semaphore, #tpu.memory_space<semaphore_mem>>)
      %dma_wait3A_87 = arith.constant 0 : i32
      %dma_wait3A_88 = arith.constant 0 : i32
      %dma_wait3A_89 = tpu.memref_slice %arg2[%dma_wait3A_87, %dma_wait3A_88] : memref<10240x128xf32, #tpu.memory_space<hbm>> -> memref<32x128xf32, #tpu.memory_space<hbm>>
      %dma_wait3A_90 = arith.constant 0 : i32
      %dma_wait3A_91 = arith.constant 0 : i32
      %dma_wait3A_92 = tpu.memref_slice %arg2[%dma_wait3A_90, %dma_wait3A_91] : memref<10240x128xf32, #tpu.memory_space<hbm>> -> memref<32x128xf32, #tpu.memory_space<hbm>>
      tpu.wait_dma2 semaphore(%arg13 : memref<!tpu.dma_semaphore, #tpu.memory_space<semaphore_mem>>) src(%dma_wait3A_92 : memref<32x128xf32, #tpu.memory_space<hbm>>) dst(%arg9 : memref<32x128xf32, #tpu.memory_space<vmem>>)
      %add3A_93 = arith.constant 2 : i32
      %add3A_94 = arith.addi %mul3A_56, %add3A_93 : i32
      %mul3A_95 = arith.constant 32 : i32
      %mul3A_96 = arith.muli %add3A_94, %mul3A_95 : i32
      %add3A_97 = arith.addi %mul3A_2, %mul3A_96 : i32
      %dma_start3A_98 = arith.constant 0 : i32
      %dma_start3A_99 = tpu.memref_slice %arg4[%add3A_97, %dma_start3A_98] : memref<327680x128xf32, #tpu.memory_space<hbm>> -> memref<32x128xf32, #tpu.memory_space<hbm>>
      %dma_start3A_100 = arith.constant 0 : i32
      %dma_start3A_101 = tpu.memref_slice %arg4[%add3A_97, %dma_start3A_100] : memref<327680x128xf32, #tpu.memory_space<hbm>> -> memref<32x128xf32, #tpu.memory_space<hbm>>
      tpu.enqueue_dma source(%arg9 : memref<32x128xf32, #tpu.memory_space<vmem>>) target(%dma_start3A_101 : memref<32x128xf32, #tpu.memory_space<hbm>>) target_semaphore(%arg17 : memref<!tpu.dma_semaphore, #tpu.memory_space<semaphore_mem>>)
      %dma_wait3A_102 = arith.constant 0 : i32
      %dma_wait3A_103 = arith.constant 0 : i32
      %dma_wait3A_104 = tpu.memref_slice %arg2[%dma_wait3A_102, %dma_wait3A_103] : memref<10240x128xf32, #tpu.memory_space<hbm>> -> memref<32x128xf32, #tpu.memory_space<hbm>>
      %dma_wait3A_105 = arith.constant 0 : i32
      %dma_wait3A_106 = arith.constant 0 : i32
      %dma_wait3A_107 = tpu.memref_slice %arg2[%dma_wait3A_105, %dma_wait3A_106] : memref<10240x128xf32, #tpu.memory_space<hbm>> -> memref<32x128xf32, #tpu.memory_space<hbm>>
      tpu.wait_dma2 semaphore(%arg14 : memref<!tpu.dma_semaphore, #tpu.memory_space<semaphore_mem>>) src(%dma_wait3A_107 : memref<32x128xf32, #tpu.memory_space<hbm>>) dst(%arg10 : memref<32x128xf32, #tpu.memory_space<vmem>>)
      %add3A_108 = arith.constant 3 : i32
      %add3A_109 = arith.addi %mul3A_56, %add3A_108 : i32
      %mul3A_110 = arith.constant 32 : i32
      %mul3A_111 = arith.muli %add3A_109, %mul3A_110 : i32
      %add3A_112 = arith.addi %mul3A_2, %mul3A_111 : i32
      %dma_start3A_113 = arith.constant 0 : i32
      %dma_start3A_114 = tpu.memref_slice %arg4[%add3A_112, %dma_start3A_113] : memref<327680x128xf32, #tpu.memory_space<hbm>> -> memref<32x128xf32, #tpu.memory_space<hbm>>
      %dma_start3A_115 = arith.constant 0 : i32
      %dma_start3A_116 = tpu.memref_slice %arg4[%add3A_112, %dma_start3A_115] : memref<327680x128xf32, #tpu.memory_space<hbm>> -> memref<32x128xf32, #tpu.memory_space<hbm>>
      tpu.enqueue_dma source(%arg10 : memref<32x128xf32, #tpu.memory_space<vmem>>) target(%dma_start3A_116 : memref<32x128xf32, #tpu.memory_space<hbm>>) target_semaphore(%arg18 : memref<!tpu.dma_semaphore, #tpu.memory_space<semaphore_mem>>)
      %add3A_117 = arith.constant 1 : i32
      %add3A_118 = arith.addi %scan3A_54, %add3A_117 : i32
      %lt3A = arith.constant 80 : i32
      %lt3A_119 = arith.cmpi slt, %add3A_118, %lt3A : i32
      %convert_element_type3A = arith.extui %lt3A_119 : i1 to i32
      %cond3A = arith.constant 0 : i32
      %cond3A_120 = arith.cmpi ne, %convert_element_type3A, %cond3A : i32
      scf.if %cond3A_120 {
        %add3A_121 = arith.constant 4 : i32
        %add3A_122 = arith.addi %mul3A_56, %add3A_121 : i32
        %add3A_123 = arith.constant 0 : i32
        %add3A_124 = arith.addi %add3A_122, %add3A_123 : i32
        %mul3A_125 = arith.constant 32 : i32
        %mul3A_126 = arith.muli %add3A_124, %mul3A_125 : i32
        %dma_wait3A_127 = arith.constant 0 : i32
        %dma_wait3A_128 = arith.constant 0 : i32
        %dma_wait3A_129 = tpu.memref_slice %arg2[%dma_wait3A_127, %dma_wait3A_128] : memref<10240x128xf32, #tpu.memory_space<hbm>> -> memref<32x128xf32, #tpu.memory_space<hbm>>
        %dma_wait3A_130 = arith.constant 0 : i32
        %dma_wait3A_131 = arith.constant 0 : i32
        %dma_wait3A_132 = tpu.memref_slice %arg2[%dma_wait3A_130, %dma_wait3A_131] : memref<10240x128xf32, #tpu.memory_space<hbm>> -> memref<32x128xf32, #tpu.memory_space<hbm>>
        tpu.wait_dma2 semaphore(%arg15 : memref<!tpu.dma_semaphore, #tpu.memory_space<semaphore_mem>>) src(%dma_wait3A_132 : memref<32x128xf32, #tpu.memory_space<hbm>>) dst(%arg7 : memref<32x128xf32, #tpu.memory_space<vmem>>)
        %dma_start3A_133 = tpu.memref_slice %arg5[%mul3A_126] : memref<10240xi32, #tpu.memory_space<vmem>> -> memref<32xi32, #tpu.memory_space<vmem>>
        %dma_start3A_134 = arith.constant 0 : i32
        %dma_start3A_135 = arith.constant 0 : i32
        %dma_start3A_136 = tpu.memref_slice %arg6[%dma_start3A_134, %dma_start3A_135] : memref<10240x128xf32, #tpu.memory_space<vmem_shared>> -> memref<10240x128xf32, #tpu.memory_space<vmem_shared>>
        tpu.enqueue_indirect_dma source(%dma_start3A_136 : memref<10240x128xf32, #tpu.memory_space<vmem_shared>>) target(%arg7 : memref<32x128xf32, #tpu.memory_space<vmem>>) offsets(%dma_start3A_133 : memref<32xi32, #tpu.memory_space<vmem>>) semaphore(%arg11 : memref<!tpu.dma_semaphore, #tpu.memory_space<semaphore_mem>>)
        %add3A_137 = arith.constant 4 : i32
        %add3A_138 = arith.addi %mul3A_56, %add3A_137 : i32
        %add3A_139 = arith.constant 1 : i32
        %add3A_140 = arith.addi %add3A_138, %add3A_139 : i32
        %mul3A_141 = arith.constant 32 : i32
        %mul3A_142 = arith.muli %add3A_140, %mul3A_141 : i32
        %dma_wait3A_143 = arith.constant 0 : i32
        %dma_wait3A_144 = arith.constant 0 : i32
        %dma_wait3A_145 = tpu.memref_slice %arg2[%dma_wait3A_143, %dma_wait3A_144] : memref<10240x128xf32, #tpu.memory_space<hbm>> -> memref<32x128xf32, #tpu.memory_space<hbm>>
        %dma_wait3A_146 = arith.constant 0 : i32
        %dma_wait3A_147 = arith.constant 0 : i32
        %dma_wait3A_148 = tpu.memref_slice %arg2[%dma_wait3A_146, %dma_wait3A_147] : memref<10240x128xf32, #tpu.memory_space<hbm>> -> memref<32x128xf32, #tpu.memory_space<hbm>>
        tpu.wait_dma2 semaphore(%arg16 : memref<!tpu.dma_semaphore, #tpu.memory_space<semaphore_mem>>) src(%dma_wait3A_148 : memref<32x128xf32, #tpu.memory_space<hbm>>) dst(%arg8 : memref<32x128xf32, #tpu.memory_space<vmem>>)
        %dma_start3A_149 = tpu.memref_slice %arg5[%mul3A_142] : memref<10240xi32, #tpu.memory_space<vmem>> -> memref<32xi32, #tpu.memory_space<vmem>>
        %dma_start3A_150 = arith.constant 0 : i32
        %dma_start3A_151 = arith.constant 0 : i32
        %dma_start3A_152 = tpu.memref_slice %arg6[%dma_start3A_150, %dma_start3A_151] : memref<10240x128xf32, #tpu.memory_space<vmem_shared>> -> memref<10240x128xf32, #tpu.memory_space<vmem_shared>>
        tpu.enqueue_indirect_dma source(%dma_start3A_152 : memref<10240x128xf32, #tpu.memory_space<vmem_shared>>) target(%arg8 : memref<32x128xf32, #tpu.memory_space<vmem>>) offsets(%dma_start3A_149 : memref<32xi32, #tpu.memory_space<vmem>>) semaphore(%arg12 : memref<!tpu.dma_semaphore, #tpu.memory_space<semaphore_mem>>)
        %add3A_153 = arith.constant 4 : i32
        %add3A_154 = arith.addi %mul3A_56, %add3A_153 : i32
        %add3A_155 = arith.constant 2 : i32
        %add3A_156 = arith.addi %add3A_154, %add3A_155 : i32
        %mul3A_157 = arith.constant 32 : i32
        %mul3A_158 = arith.muli %add3A_156, %mul3A_157 : i32
        %dma_wait3A_159 = arith.constant 0 : i32
        %dma_wait3A_160 = arith.constant 0 : i32
        %dma_wait3A_161 = tpu.memref_slice %arg2[%dma_wait3A_159, %dma_wait3A_160] : memref<10240x128xf32, #tpu.memory_space<hbm>> -> memref<32x128xf32, #tpu.memory_space<hbm>>
        %dma_wait3A_162 = arith.constant 0 : i32
        %dma_wait3A_163 = arith.constant 0 : i32
        %dma_wait3A_164 = tpu.memref_slice %arg2[%dma_wait3A_162, %dma_wait3A_163] : memref<10240x128xf32, #tpu.memory_space<hbm>> -> memref<32x128xf32, #tpu.memory_space<hbm>>
        tpu.wait_dma2 semaphore(%arg17 : memref<!tpu.dma_semaphore, #tpu.memory_space<semaphore_mem>>) src(%dma_wait3A_164 : memref<32x128xf32, #tpu.memory_space<hbm>>) dst(%arg9 : memref<32x128xf32, #tpu.memory_space<vmem>>)
        %dma_start3A_165 = tpu.memref_slice %arg5[%mul3A_158] : memref<10240xi32, #tpu.memory_space<vmem>> -> memref<32xi32, #tpu.memory_space<vmem>>
        %dma_start3A_166 = arith.constant 0 : i32
        %dma_start3A_167 = arith.constant 0 : i32
        %dma_start3A_168 = tpu.memref_slice %arg6[%dma_start3A_166, %dma_start3A_167] : memref<10240x128xf32, #tpu.memory_space<vmem_shared>> -> memref<10240x128xf32, #tpu.memory_space<vmem_shared>>
        tpu.enqueue_indirect_dma source(%dma_start3A_168 : memref<10240x128xf32, #tpu.memory_space<vmem_shared>>) target(%arg9 : memref<32x128xf32, #tpu.memory_space<vmem>>) offsets(%dma_start3A_165 : memref<32xi32, #tpu.memory_space<vmem>>) semaphore(%arg13 : memref<!tpu.dma_semaphore, #tpu.memory_space<semaphore_mem>>)
        %add3A_169 = arith.constant 4 : i32
        %add3A_170 = arith.addi %mul3A_56, %add3A_169 : i32
        %add3A_171 = arith.constant 3 : i32
        %add3A_172 = arith.addi %add3A_170, %add3A_171 : i32
        %mul3A_173 = arith.constant 32 : i32
        %mul3A_174 = arith.muli %add3A_172, %mul3A_173 : i32
        %dma_wait3A_175 = arith.constant 0 : i32
        %dma_wait3A_176 = arith.constant 0 : i32
        %dma_wait3A_177 = tpu.memref_slice %arg2[%dma_wait3A_175, %dma_wait3A_176] : memref<10240x128xf32, #tpu.memory_space<hbm>> -> memref<32x128xf32, #tpu.memory_space<hbm>>
        %dma_wait3A_178 = arith.constant 0 : i32
        %dma_wait3A_179 = arith.constant 0 : i32
        %dma_wait3A_180 = tpu.memref_slice %arg2[%dma_wait3A_178, %dma_wait3A_179] : memref<10240x128xf32, #tpu.memory_space<hbm>> -> memref<32x128xf32, #tpu.memory_space<hbm>>
        tpu.wait_dma2 semaphore(%arg18 : memref<!tpu.dma_semaphore, #tpu.memory_space<semaphore_mem>>) src(%dma_wait3A_180 : memref<32x128xf32, #tpu.memory_space<hbm>>) dst(%arg10 : memref<32x128xf32, #tpu.memory_space<vmem>>)
        %dma_start3A_181 = tpu.memref_slice %arg5[%mul3A_174] : memref<10240xi32, #tpu.memory_space<vmem>> -> memref<32xi32, #tpu.memory_space<vmem>>
        %dma_start3A_182 = arith.constant 0 : i32
        %dma_start3A_183 = arith.constant 0 : i32
        %dma_start3A_184 = tpu.memref_slice %arg6[%dma_start3A_182, %dma_start3A_183] : memref<10240x128xf32, #tpu.memory_space<vmem_shared>> -> memref<10240x128xf32, #tpu.memory_space<vmem_shared>>
        tpu.enqueue_indirect_dma source(%dma_start3A_184 : memref<10240x128xf32, #tpu.memory_space<vmem_shared>>) target(%arg10 : memref<32x128xf32, #tpu.memory_space<vmem>>) offsets(%dma_start3A_181 : memref<32xi32, #tpu.memory_space<vmem>>) semaphore(%arg14 : memref<!tpu.dma_semaphore, #tpu.memory_space<semaphore_mem>>)
      } else {
      }
    }
    %scan3A_30 = arith.constant 80 : i32
    %dma_wait3A = arith.constant 0 : i32
    %dma_wait3A_31 = arith.constant 0 : i32
    %dma_wait3A_32 = tpu.memref_slice %arg2[%dma_wait3A, %dma_wait3A_31] : memref<10240x128xf32, #tpu.memory_space<hbm>> -> memref<32x128xf32, #tpu.memory_space<hbm>>
    %dma_wait3A_33 = arith.constant 0 : i32
    %dma_wait3A_34 = arith.constant 0 : i32
    %dma_wait3A_35 = tpu.memref_slice %arg2[%dma_wait3A_33, %dma_wait3A_34] : memref<10240x128xf32, #tpu.memory_space<hbm>> -> memref<32x128xf32, #tpu.memory_space<hbm>>
    tpu.wait_dma2 semaphore(%arg15 : memref<!tpu.dma_semaphore, #tpu.memory_space<semaphore_mem>>) src(%dma_wait3A_35 : memref<32x128xf32, #tpu.memory_space<hbm>>) dst(%arg7 : memref<32x128xf32, #tpu.memory_space<vmem>>)
    %dma_wait3A_36 = arith.constant 0 : i32
    %dma_wait3A_37 = arith.constant 0 : i32
    %dma_wait3A_38 = tpu.memref_slice %arg2[%dma_wait3A_36, %dma_wait3A_37] : memref<10240x128xf32, #tpu.memory_space<hbm>> -> memref<32x128xf32, #tpu.memory_space<hbm>>
    %dma_wait3A_39 = arith.constant 0 : i32
    %dma_wait3A_40 = arith.constant 0 : i32
    %dma_wait3A_41 = tpu.memref_slice %arg2[%dma_wait3A_39, %dma_wait3A_40] : memref<10240x128xf32, #tpu.memory_space<hbm>> -> memref<32x128xf32, #tpu.memory_space<hbm>>
    tpu.wait_dma2 semaphore(%arg16 : memref<!tpu.dma_semaphore, #tpu.memory_space<semaphore_mem>>) src(%dma_wait3A_41 : memref<32x128xf32, #tpu.memory_space<hbm>>) dst(%arg8 : memref<32x128xf32, #tpu.memory_space<vmem>>)
    %dma_wait3A_42 = arith.constant 0 : i32
    %dma_wait3A_43 = arith.constant 0 : i32
    %dma_wait3A_44 = tpu.memref_slice %arg2[%dma_wait3A_42, %dma_wait3A_43] : memref<10240x128xf32, #tpu.memory_space<hbm>> -> memref<32x128xf32, #tpu.memory_space<hbm>>
    %dma_wait3A_45 = arith.constant 0 : i32
    %dma_wait3A_46 = arith.constant 0 : i32
    %dma_wait3A_47 = tpu.memref_slice %arg2[%dma_wait3A_45, %dma_wait3A_46] : memref<10240x128xf32, #tpu.memory_space<hbm>> -> memref<32x128xf32, #tpu.memory_space<hbm>>
    tpu.wait_dma2 semaphore(%arg17 : memref<!tpu.dma_semaphore, #tpu.memory_space<semaphore_mem>>) src(%dma_wait3A_47 : memref<32x128xf32, #tpu.memory_space<hbm>>) dst(%arg9 : memref<32x128xf32, #tpu.memory_space<vmem>>)
    %dma_wait3A_48 = arith.constant 0 : i32
    %dma_wait3A_49 = arith.constant 0 : i32
    %dma_wait3A_50 = tpu.memref_slice %arg2[%dma_wait3A_48, %dma_wait3A_49] : memref<10240x128xf32, #tpu.memory_space<hbm>> -> memref<32x128xf32, #tpu.memory_space<hbm>>
    %dma_wait3A_51 = arith.constant 0 : i32
    %dma_wait3A_52 = arith.constant 0 : i32
    %dma_wait3A_53 = tpu.memref_slice %arg2[%dma_wait3A_51, %dma_wait3A_52] : memref<10240x128xf32, #tpu.memory_space<hbm>> -> memref<32x128xf32, #tpu.memory_space<hbm>>
    tpu.wait_dma2 semaphore(%arg18 : memref<!tpu.dma_semaphore, #tpu.memory_space<semaphore_mem>>) src(%dma_wait3A_53 : memref<32x128xf32, #tpu.memory_space<hbm>>) dst(%arg10 : memref<32x128xf32, #tpu.memory_space<vmem>>)
    return
  }
}

#map = affine_map<(d0, d1) -> (0, 0)>
#map1 = affine_map<(d0, d1) -> (0)>
module attributes {stable_mosaic.version = 14 : i64} {
  func.func @k(%arg0: i32, %arg1: i32, %arg2: memref<10240x128xf32, #tpu.memory_space<hbm>>, %arg3: memref<327680xi32, #tpu.memory_space<hbm>>, %arg4: memref<327680x128xf32, #tpu.memory_space<hbm>>, %arg5: memref<10240xi32, #tpu.memory_space<vmem>>, %arg6: memref<10240x128xf32, #tpu.memory_space<vmem_shared>>, %arg7: memref<32x128xf32, #tpu.memory_space<vmem>>, %arg8: memref<32x128xf32, #tpu.memory_space<vmem>>, %arg9: memref<32x128xf32, #tpu.memory_space<vmem>>, %arg10: memref<32x128xf32, #tpu.memory_space<vmem>>, %arg11: memref<!tpu.dma_semaphore, #tpu.memory_space<semaphore_mem>>, %arg12: memref<!tpu.dma_semaphore, #tpu.memory_space<semaphore_mem>>, %arg13: memref<!tpu.dma_semaphore, #tpu.memory_space<semaphore_mem>>, %arg14: memref<!tpu.dma_semaphore, #tpu.memory_space<semaphore_mem>>, %arg15: memref<!tpu.dma_semaphore, #tpu.memory_space<semaphore_mem>>, %arg16: memref<!tpu.dma_semaphore, #tpu.memory_space<semaphore_mem>>, %arg17: memref<!tpu.dma_semaphore, #tpu.memory_space<semaphore_mem>>, %arg18: memref<!tpu.dma_semaphore, #tpu.memory_space<semaphore_mem>>) attributes {dimension_semantics = [#tpu.dimension_semantics<core_parallel>, #tpu.dimension_semantics<subcore_parallel>], iteration_bounds = array<i64: 2, 16>, scalar_prefetch = 0 : i64, scratch_operands = 14 : i64, tpu.core_type = #tpu.core_type<sc_vector_subcore>, window_params = [{transform_indices = #map}, {transform_indices = #map1}, {transform_indices = #map}]} {
    %mul3A = arith.constant 2 : i32
    %mul3A_0 = arith.muli %arg1, %mul3A : i32
    %add3A = arith.addi %mul3A_0, %arg0 : i32
    %mul3A_1 = arith.constant 10240 : i32
    %mul3A_2 = arith.muli %add3A, %mul3A_1 : i32
    %mul3A_3 = arith.constant 640 : i32
    %mul3A_4 = arith.muli %arg1, %mul3A_3 : i32
    %mul3A_5 = arith.constant 640 : i32
    %mul3A_6 = arith.muli %arg1, %mul3A_5 : i32
    "tpu.region"() ({
      %run_scoped3A = tpu.sem_alloc : memref<!tpu.dma_semaphore, #tpu.memory_space<semaphore_mem>>
      %dma_start3A_54 = arith.constant 0 : i32
      %dma_start3A_55 = tpu.memref_slice %arg6[%mul3A_6, %dma_start3A_54] : memref<10240x128xf32, #tpu.memory_space<vmem_shared>> -> memref<640x128xf32, #tpu.memory_space<vmem_shared>>
      %dma_start3A_56 = arith.constant 0 : i32
      %dma_start3A_57 = tpu.memref_slice %arg2[%mul3A_4, %dma_start3A_56] : memref<10240x128xf32, #tpu.memory_space<hbm>> -> memref<640x128xf32, #tpu.memory_space<hbm>>
      tpu.enqueue_dma source(%dma_start3A_57 : memref<640x128xf32, #tpu.memory_space<hbm>>) target(%dma_start3A_55 : memref<640x128xf32, #tpu.memory_space<vmem_shared>>) target_semaphore(%run_scoped3A : memref<!tpu.dma_semaphore, #tpu.memory_space<semaphore_mem>>)
      %dma_wait3A_58 = arith.constant 0 : i32
      %dma_wait3A_59 = tpu.memref_slice %arg6[%mul3A_6, %dma_wait3A_58] : memref<10240x128xf32, #tpu.memory_space<vmem_shared>> -> memref<640x128xf32, #tpu.memory_space<vmem_shared>>
      %dma_wait3A_60 = arith.constant 0 : i32
      %dma_wait3A_61 = tpu.memref_slice %arg2[%mul3A_4, %dma_wait3A_60] : memref<10240x128xf32, #tpu.memory_space<hbm>> -> memref<640x128xf32, #tpu.memory_space<hbm>>
      tpu.wait_dma2 semaphore(%run_scoped3A : memref<!tpu.dma_semaphore, #tpu.memory_space<semaphore_mem>>) src(%dma_wait3A_61 : memref<640x128xf32, #tpu.memory_space<hbm>>) dst(%dma_wait3A_59 : memref<640x128xf32, #tpu.memory_space<vmem_shared>>)
      tpu.yield
    }) : () -> ()
    "tpu.region"() ({
      %run_scoped3A = tpu.sem_alloc : memref<!tpu.dma_semaphore, #tpu.memory_space<semaphore_mem>>
      %dma_start3A_54 = tpu.memref_slice %arg3[%mul3A_2] : memref<327680xi32, #tpu.memory_space<hbm>> -> memref<10240xi32, #tpu.memory_space<hbm>>
      %dma_start3A_55 = tpu.memref_slice %arg3[%mul3A_2] : memref<327680xi32, #tpu.memory_space<hbm>> -> memref<10240xi32, #tpu.memory_space<hbm>>
      tpu.enqueue_dma source(%dma_start3A_55 : memref<10240xi32, #tpu.memory_space<hbm>>) target(%arg5 : memref<10240xi32, #tpu.memory_space<vmem>>) target_semaphore(%run_scoped3A : memref<!tpu.dma_semaphore, #tpu.memory_space<semaphore_mem>>)
      %dma_wait3A_56 = tpu.memref_slice %arg3[%mul3A_2] : memref<327680xi32, #tpu.memory_space<hbm>> -> memref<10240xi32, #tpu.memory_space<hbm>>
      %dma_wait3A_57 = tpu.memref_slice %arg3[%mul3A_2] : memref<327680xi32, #tpu.memory_space<hbm>> -> memref<10240xi32, #tpu.memory_space<hbm>>
      tpu.wait_dma2 semaphore(%run_scoped3A : memref<!tpu.dma_semaphore, #tpu.memory_space<semaphore_mem>>) src(%dma_wait3A_57 : memref<10240xi32, #tpu.memory_space<hbm>>) dst(%arg5 : memref<10240xi32, #tpu.memory_space<vmem>>)
      tpu.yield
    }) : () -> ()
    %barrier3A = arith.constant 0 : index
    tpu.barrier barrier_id(%barrier3A)
    %dma_start3A = arith.constant 0 : i32
    %dma_start3A_7 = tpu.memref_slice %arg5[%dma_start3A] : memref<10240xi32, #tpu.memory_space<vmem>> -> memref<32xi32, #tpu.memory_space<vmem>>
    %dma_start3A_8 = arith.constant 0 : i32
    %dma_start3A_9 = arith.constant 0 : i32
    %dma_start3A_10 = tpu.memref_slice %arg6[%dma_start3A_8, %dma_start3A_9] : memref<10240x128xf32, #tpu.memory_space<vmem_shared>> -> memref<10240x128xf32, #tpu.memory_space<vmem_shared>>
    tpu.enqueue_indirect_dma source(%dma_start3A_10 : memref<10240x128xf32, #tpu.memory_space<vmem_shared>>) target(%arg7 : memref<32x128xf32, #tpu.memory_space<vmem>>) offsets(%dma_start3A_7 : memref<32xi32, #tpu.memory_space<vmem>>) semaphore(%arg11 : memref<!tpu.dma_semaphore, #tpu.memory_space<semaphore_mem>>)
    %dma_start3A_11 = arith.constant 32 : i32
    %dma_start3A_12 = tpu.memref_slice %arg5[%dma_start3A_11] : memref<10240xi32, #tpu.memory_space<vmem>> -> memref<32xi32, #tpu.memory_space<vmem>>
    %dma_start3A_13 = arith.constant 0 : i32
    %dma_start3A_14 = arith.constant 0 : i32
    %dma_start3A_15 = tpu.memref_slice %arg6[%dma_start3A_13, %dma_start3A_14] : memref<10240x128xf32, #tpu.memory_space<vmem_shared>> -> memref<10240x128xf32, #tpu.memory_space<vmem_shared>>
    tpu.enqueue_indirect_dma source(%dma_start3A_15 : memref<10240x128xf32, #tpu.memory_space<vmem_shared>>) target(%arg8 : memref<32x128xf32, #tpu.memory_space<vmem>>) offsets(%dma_start3A_12 : memref<32xi32, #tpu.memory_space<vmem>>) semaphore(%arg12 : memref<!tpu.dma_semaphore, #tpu.memory_space<semaphore_mem>>)
    %dma_start3A_16 = arith.constant 64 : i32
    %dma_start3A_17 = tpu.memref_slice %arg5[%dma_start3A_16] : memref<10240xi32, #tpu.memory_space<vmem>> -> memref<32xi32, #tpu.memory_space<vmem>>
    %dma_start3A_18 = arith.constant 0 : i32
    %dma_start3A_19 = arith.constant 0 : i32
    %dma_start3A_20 = tpu.memref_slice %arg6[%dma_start3A_18, %dma_start3A_19] : memref<10240x128xf32, #tpu.memory_space<vmem_shared>> -> memref<10240x128xf32, #tpu.memory_space<vmem_shared>>
    tpu.enqueue_indirect_dma source(%dma_start3A_20 : memref<10240x128xf32, #tpu.memory_space<vmem_shared>>) target(%arg9 : memref<32x128xf32, #tpu.memory_space<vmem>>) offsets(%dma_start3A_17 : memref<32xi32, #tpu.memory_space<vmem>>) semaphore(%arg13 : memref<!tpu.dma_semaphore, #tpu.memory_space<semaphore_mem>>)
    %dma_start3A_21 = arith.constant 96 : i32
    %dma_start3A_22 = tpu.memref_slice %arg5[%dma_start3A_21] : memref<10240xi32, #tpu.memory_space<vmem>> -> memref<32xi32, #tpu.memory_space<vmem>>
    %dma_start3A_23 = arith.constant 0 : i32
    %dma_start3A_24 = arith.constant 0 : i32
    %dma_start3A_25 = tpu.memref_slice %arg6[%dma_start3A_23, %dma_start3A_24] : memref<10240x128xf32, #tpu.memory_space<vmem_shared>> -> memref<10240x128xf32, #tpu.memory_space<vmem_shared>>
    tpu.enqueue_indirect_dma source(%dma_start3A_25 : memref<10240x128xf32, #tpu.memory_space<vmem_shared>>) target(%arg10 : memref<32x128xf32, #tpu.memory_space<vmem>>) offsets(%dma_start3A_22 : memref<32xi32, #tpu.memory_space<vmem>>) semaphore(%arg14 : memref<!tpu.dma_semaphore, #tpu.memory_space<semaphore_mem>>)
    %scan3A = arith.constant 0 : i32
    %scan3A_26 = arith.constant 0 : i32
    %scan3A_27 = arith.constant 80 : i32
    %scan3A_28 = arith.addi %scan3A_26, %scan3A_27 : i32
    %scan3A_29 = arith.constant 1 : i32
    scf.for %scan3A_54 = %scan3A_26 to %scan3A_28 step %scan3A_29  : i32 {
      %mul3A_55 = arith.constant 4 : i32
      %mul3A_56 = arith.muli %scan3A_54, %mul3A_55 : i32
      %dma_wait3A_57 = arith.constant 0 : i32
      %dma_wait3A_58 = arith.constant 0 : i32
      %dma_wait3A_59 = tpu.memref_slice %arg2[%dma_wait3A_57, %dma_wait3A_58] : memref<10240x128xf32, #tpu.memory_space<hbm>> -> memref<32x128xf32, #tpu.memory_space<hbm>>
      %dma_wait3A_60 = arith.constant 0 : i32
      %dma_wait3A_61 = arith.constant 0 : i32
      %dma_wait3A_62 = tpu.memref_slice %arg2[%dma_wait3A_60, %dma_wait3A_61] : memref<10240x128xf32, #tpu.memory_space<hbm>> -> memref<32x128xf32, #tpu.memory_space<hbm>>
      tpu.wait_dma2 semaphore(%arg11 : memref<!tpu.dma_semaphore, #tpu.memory_space<semaphore_mem>>) src(%dma_wait3A_62 : memref<32x128xf32, #tpu.memory_space<hbm>>) dst(%arg7 : memref<32x128xf32, #tpu.memory_space<vmem>>)
      %add3A_63 = arith.constant 0 : i32
      %add3A_64 = arith.addi %mul3A_56, %add3A_63 : i32
      %mul3A_65 = arith.constant 32 : i32
      %mul3A_66 = arith.muli %add3A_64, %mul3A_65 : i32
      %add3A_67 = arith.addi %mul3A_2, %mul3A_66 : i32
      %dma_start3A_68 = arith.constant 0 : i32
      %dma_start3A_69 = tpu.memref_slice %arg4[%add3A_67, %dma_start3A_68] : memref<327680x128xf32, #tpu.memory_space<hbm>> -> memref<32x128xf32, #tpu.memory_space<hbm>>
      %dma_start3A_70 = arith.constant 0 : i32
      %dma_start3A_71 = tpu.memref_slice %arg4[%add3A_67, %dma_start3A_70] : memref<327680x128xf32, #tpu.memory_space<hbm>> -> memref<32x128xf32, #tpu.memory_space<hbm>>
      tpu.enqueue_dma source(%arg7 : memref<32x128xf32, #tpu.memory_space<vmem>>) target(%dma_start3A_71 : memref<32x128xf32, #tpu.memory_space<hbm>>) target_semaphore(%arg15 : memref<!tpu.dma_semaphore, #tpu.memory_space<semaphore_mem>>)
      %dma_wait3A_72 = arith.constant 0 : i32
      %dma_wait3A_73 = arith.constant 0 : i32
      %dma_wait3A_74 = tpu.memref_slice %arg2[%dma_wait3A_72, %dma_wait3A_73] : memref<10240x128xf32, #tpu.memory_space<hbm>> -> memref<32x128xf32, #tpu.memory_space<hbm>>
      %dma_wait3A_75 = arith.constant 0 : i32
      %dma_wait3A_76 = arith.constant 0 : i32
      %dma_wait3A_77 = tpu.memref_slice %arg2[%dma_wait3A_75, %dma_wait3A_76] : memref<10240x128xf32, #tpu.memory_space<hbm>> -> memref<32x128xf32, #tpu.memory_space<hbm>>
      tpu.wait_dma2 semaphore(%arg12 : memref<!tpu.dma_semaphore, #tpu.memory_space<semaphore_mem>>) src(%dma_wait3A_77 : memref<32x128xf32, #tpu.memory_space<hbm>>) dst(%arg8 : memref<32x128xf32, #tpu.memory_space<vmem>>)
      %add3A_78 = arith.constant 1 : i32
      %add3A_79 = arith.addi %mul3A_56, %add3A_78 : i32
      %mul3A_80 = arith.constant 32 : i32
      %mul3A_81 = arith.muli %add3A_79, %mul3A_80 : i32
      %add3A_82 = arith.addi %mul3A_2, %mul3A_81 : i32
      %dma_start3A_83 = arith.constant 0 : i32
      %dma_start3A_84 = tpu.memref_slice %arg4[%add3A_82, %dma_start3A_83] : memref<327680x128xf32, #tpu.memory_space<hbm>> -> memref<32x128xf32, #tpu.memory_space<hbm>>
      %dma_start3A_85 = arith.constant 0 : i32
      %dma_start3A_86 = tpu.memref_slice %arg4[%add3A_82, %dma_start3A_85] : memref<327680x128xf32, #tpu.memory_space<hbm>> -> memref<32x128xf32, #tpu.memory_space<hbm>>
      tpu.enqueue_dma source(%arg8 : memref<32x128xf32, #tpu.memory_space<vmem>>) target(%dma_start3A_86 : memref<32x128xf32, #tpu.memory_space<hbm>>) target_semaphore(%arg16 : memref<!tpu.dma_semaphore, #tpu.memory_space<semaphore_mem>>)
      %dma_wait3A_87 = arith.constant 0 : i32
      %dma_wait3A_88 = arith.constant 0 : i32
      %dma_wait3A_89 = tpu.memref_slice %arg2[%dma_wait3A_87, %dma_wait3A_88] : memref<10240x128xf32, #tpu.memory_space<hbm>> -> memref<32x128xf32, #tpu.memory_space<hbm>>
      %dma_wait3A_90 = arith.constant 0 : i32
      %dma_wait3A_91 = arith.constant 0 : i32
      %dma_wait3A_92 = tpu.memref_slice %arg2[%dma_wait3A_90, %dma_wait3A_91] : memref<10240x128xf32, #tpu.memory_space<hbm>> -> memref<32x128xf32, #tpu.memory_space<hbm>>
      tpu.wait_dma2 semaphore(%arg13 : memref<!tpu.dma_semaphore, #tpu.memory_space<semaphore_mem>>) src(%dma_wait3A_92 : memref<32x128xf32, #tpu.memory_space<hbm>>) dst(%arg9 : memref<32x128xf32, #tpu.memory_space<vmem>>)
      %add3A_93 = arith.constant 2 : i32
      %add3A_94 = arith.addi %mul3A_56, %add3A_93 : i32
      %mul3A_95 = arith.constant 32 : i32
      %mul3A_96 = arith.muli %add3A_94, %mul3A_95 : i32
      %add3A_97 = arith.addi %mul3A_2, %mul3A_96 : i32
      %dma_start3A_98 = arith.constant 0 : i32
      %dma_start3A_99 = tpu.memref_slice %arg4[%add3A_97, %dma_start3A_98] : memref<327680x128xf32, #tpu.memory_space<hbm>> -> memref<32x128xf32, #tpu.memory_space<hbm>>
      %dma_start3A_100 = arith.constant 0 : i32
      %dma_start3A_101 = tpu.memref_slice %arg4[%add3A_97, %dma_start3A_100] : memref<327680x128xf32, #tpu.memory_space<hbm>> -> memref<32x128xf32, #tpu.memory_space<hbm>>
      tpu.enqueue_dma source(%arg9 : memref<32x128xf32, #tpu.memory_space<vmem>>) target(%dma_start3A_101 : memref<32x128xf32, #tpu.memory_space<hbm>>) target_semaphore(%arg17 : memref<!tpu.dma_semaphore, #tpu.memory_space<semaphore_mem>>)
      %dma_wait3A_102 = arith.constant 0 : i32
      %dma_wait3A_103 = arith.constant 0 : i32
      %dma_wait3A_104 = tpu.memref_slice %arg2[%dma_wait3A_102, %dma_wait3A_103] : memref<10240x128xf32, #tpu.memory_space<hbm>> -> memref<32x128xf32, #tpu.memory_space<hbm>>
      %dma_wait3A_105 = arith.constant 0 : i32
      %dma_wait3A_106 = arith.constant 0 : i32
      %dma_wait3A_107 = tpu.memref_slice %arg2[%dma_wait3A_105, %dma_wait3A_106] : memref<10240x128xf32, #tpu.memory_space<hbm>> -> memref<32x128xf32, #tpu.memory_space<hbm>>
      tpu.wait_dma2 semaphore(%arg14 : memref<!tpu.dma_semaphore, #tpu.memory_space<semaphore_mem>>) src(%dma_wait3A_107 : memref<32x128xf32, #tpu.memory_space<hbm>>) dst(%arg10 : memref<32x128xf32, #tpu.memory_space<vmem>>)
      %add3A_108 = arith.constant 3 : i32
      %add3A_109 = arith.addi %mul3A_56, %add3A_108 : i32
      %mul3A_110 = arith.constant 32 : i32
      %mul3A_111 = arith.muli %add3A_109, %mul3A_110 : i32
      %add3A_112 = arith.addi %mul3A_2, %mul3A_111 : i32
      %dma_start3A_113 = arith.constant 0 : i32
      %dma_start3A_114 = tpu.memref_slice %arg4[%add3A_112, %dma_start3A_113] : memref<327680x128xf32, #tpu.memory_space<hbm>> -> memref<32x128xf32, #tpu.memory_space<hbm>>
      %dma_start3A_115 = arith.constant 0 : i32
      %dma_start3A_116 = tpu.memref_slice %arg4[%add3A_112, %dma_start3A_115] : memref<327680x128xf32, #tpu.memory_space<hbm>> -> memref<32x128xf32, #tpu.memory_space<hbm>>
      tpu.enqueue_dma source(%arg10 : memref<32x128xf32, #tpu.memory_space<vmem>>) target(%dma_start3A_116 : memref<32x128xf32, #tpu.memory_space<hbm>>) target_semaphore(%arg18 : memref<!tpu.dma_semaphore, #tpu.memory_space<semaphore_mem>>)
      %add3A_117 = arith.constant 1 : i32
      %add3A_118 = arith.addi %scan3A_54, %add3A_117 : i32
      %lt3A = arith.constant 80 : i32
      %lt3A_119 = arith.cmpi slt, %add3A_118, %lt3A : i32
      %convert_element_type3A = arith.extui %lt3A_119 : i1 to i32
      %cond3A = arith.constant 0 : i32
      %cond3A_120 = arith.cmpi ne, %convert_element_type3A, %cond3A : i32
      scf.if %cond3A_120 {
        %add3A_121 = arith.constant 4 : i32
        %add3A_122 = arith.addi %mul3A_56, %add3A_121 : i32
        %add3A_123 = arith.constant 0 : i32
        %add3A_124 = arith.addi %add3A_122, %add3A_123 : i32
        %mul3A_125 = arith.constant 32 : i32
        %mul3A_126 = arith.muli %add3A_124, %mul3A_125 : i32
        %dma_wait3A_127 = arith.constant 0 : i32
        %dma_wait3A_128 = arith.constant 0 : i32
        %dma_wait3A_129 = tpu.memref_slice %arg2[%dma_wait3A_127, %dma_wait3A_128] : memref<10240x128xf32, #tpu.memory_space<hbm>> -> memref<32x128xf32, #tpu.memory_space<hbm>>
        %dma_wait3A_130 = arith.constant 0 : i32
        %dma_wait3A_131 = arith.constant 0 : i32
        %dma_wait3A_132 = tpu.memref_slice %arg2[%dma_wait3A_130, %dma_wait3A_131] : memref<10240x128xf32, #tpu.memory_space<hbm>> -> memref<32x128xf32, #tpu.memory_space<hbm>>
        tpu.wait_dma2 semaphore(%arg15 : memref<!tpu.dma_semaphore, #tpu.memory_space<semaphore_mem>>) src(%dma_wait3A_132 : memref<32x128xf32, #tpu.memory_space<hbm>>) dst(%arg7 : memref<32x128xf32, #tpu.memory_space<vmem>>)
        %dma_start3A_133 = tpu.memref_slice %arg5[%mul3A_126] : memref<10240xi32, #tpu.memory_space<vmem>> -> memref<32xi32, #tpu.memory_space<vmem>>
        %dma_start3A_134 = arith.constant 0 : i32
        %dma_start3A_135 = arith.constant 0 : i32
        %dma_start3A_136 = tpu.memref_slice %arg6[%dma_start3A_134, %dma_start3A_135] : memref<10240x128xf32, #tpu.memory_space<vmem_shared>> -> memref<10240x128xf32, #tpu.memory_space<vmem_shared>>
        tpu.enqueue_indirect_dma source(%dma_start3A_136 : memref<10240x128xf32, #tpu.memory_space<vmem_shared>>) target(%arg7 : memref<32x128xf32, #tpu.memory_space<vmem>>) offsets(%dma_start3A_133 : memref<32xi32, #tpu.memory_space<vmem>>) semaphore(%arg11 : memref<!tpu.dma_semaphore, #tpu.memory_space<semaphore_mem>>)
        %add3A_137 = arith.constant 4 : i32
        %add3A_138 = arith.addi %mul3A_56, %add3A_137 : i32
        %add3A_139 = arith.constant 1 : i32
        %add3A_140 = arith.addi %add3A_138, %add3A_139 : i32
        %mul3A_141 = arith.constant 32 : i32
        %mul3A_142 = arith.muli %add3A_140, %mul3A_141 : i32
        %dma_wait3A_143 = arith.constant 0 : i32
        %dma_wait3A_144 = arith.constant 0 : i32
        %dma_wait3A_145 = tpu.memref_slice %arg2[%dma_wait3A_143, %dma_wait3A_144] : memref<10240x128xf32, #tpu.memory_space<hbm>> -> memref<32x128xf32, #tpu.memory_space<hbm>>
        %dma_wait3A_146 = arith.constant 0 : i32
        %dma_wait3A_147 = arith.constant 0 : i32
        %dma_wait3A_148 = tpu.memref_slice %arg2[%dma_wait3A_146, %dma_wait3A_147] : memref<10240x128xf32, #tpu.memory_space<hbm>> -> memref<32x128xf32, #tpu.memory_space<hbm>>
        tpu.wait_dma2 semaphore(%arg16 : memref<!tpu.dma_semaphore, #tpu.memory_space<semaphore_mem>>) src(%dma_wait3A_148 : memref<32x128xf32, #tpu.memory_space<hbm>>) dst(%arg8 : memref<32x128xf32, #tpu.memory_space<vmem>>)
        %dma_start3A_149 = tpu.memref_slice %arg5[%mul3A_142] : memref<10240xi32, #tpu.memory_space<vmem>> -> memref<32xi32, #tpu.memory_space<vmem>>
        %dma_start3A_150 = arith.constant 0 : i32
        %dma_start3A_151 = arith.constant 0 : i32
        %dma_start3A_152 = tpu.memref_slice %arg6[%dma_start3A_150, %dma_start3A_151] : memref<10240x128xf32, #tpu.memory_space<vmem_shared>> -> memref<10240x128xf32, #tpu.memory_space<vmem_shared>>
        tpu.enqueue_indirect_dma source(%dma_start3A_152 : memref<10240x128xf32, #tpu.memory_space<vmem_shared>>) target(%arg8 : memref<32x128xf32, #tpu.memory_space<vmem>>) offsets(%dma_start3A_149 : memref<32xi32, #tpu.memory_space<vmem>>) semaphore(%arg12 : memref<!tpu.dma_semaphore, #tpu.memory_space<semaphore_mem>>)
        %add3A_153 = arith.constant 4 : i32
        %add3A_154 = arith.addi %mul3A_56, %add3A_153 : i32
        %add3A_155 = arith.constant 2 : i32
        %add3A_156 = arith.addi %add3A_154, %add3A_155 : i32
        %mul3A_157 = arith.constant 32 : i32
        %mul3A_158 = arith.muli %add3A_156, %mul3A_157 : i32
        %dma_wait3A_159 = arith.constant 0 : i32
        %dma_wait3A_160 = arith.constant 0 : i32
        %dma_wait3A_161 = tpu.memref_slice %arg2[%dma_wait3A_159, %dma_wait3A_160] : memref<10240x128xf32, #tpu.memory_space<hbm>> -> memref<32x128xf32, #tpu.memory_space<hbm>>
        %dma_wait3A_162 = arith.constant 0 : i32
        %dma_wait3A_163 = arith.constant 0 : i32
        %dma_wait3A_164 = tpu.memref_slice %arg2[%dma_wait3A_162, %dma_wait3A_163] : memref<10240x128xf32, #tpu.memory_space<hbm>> -> memref<32x128xf32, #tpu.memory_space<hbm>>
        tpu.wait_dma2 semaphore(%arg17 : memref<!tpu.dma_semaphore, #tpu.memory_space<semaphore_mem>>) src(%dma_wait3A_164 : memref<32x128xf32, #tpu.memory_space<hbm>>) dst(%arg9 : memref<32x128xf32, #tpu.memory_space<vmem>>)
        %dma_start3A_165 = tpu.memref_slice %arg5[%mul3A_158] : memref<10240xi32, #tpu.memory_space<vmem>> -> memref<32xi32, #tpu.memory_space<vmem>>
        %dma_start3A_166 = arith.constant 0 : i32
        %dma_start3A_167 = arith.constant 0 : i32
        %dma_start3A_168 = tpu.memref_slice %arg6[%dma_start3A_166, %dma_start3A_167] : memref<10240x128xf32, #tpu.memory_space<vmem_shared>> -> memref<10240x128xf32, #tpu.memory_space<vmem_shared>>
        tpu.enqueue_indirect_dma source(%dma_start3A_168 : memref<10240x128xf32, #tpu.memory_space<vmem_shared>>) target(%arg9 : memref<32x128xf32, #tpu.memory_space<vmem>>) offsets(%dma_start3A_165 : memref<32xi32, #tpu.memory_space<vmem>>) semaphore(%arg13 : memref<!tpu.dma_semaphore, #tpu.memory_space<semaphore_mem>>)
        %add3A_169 = arith.constant 4 : i32
        %add3A_170 = arith.addi %mul3A_56, %add3A_169 : i32
        %add3A_171 = arith.constant 3 : i32
        %add3A_172 = arith.addi %add3A_170, %add3A_171 : i32
        %mul3A_173 = arith.constant 32 : i32
        %mul3A_174 = arith.muli %add3A_172, %mul3A_173 : i32
        %dma_wait3A_175 = arith.constant 0 : i32
        %dma_wait3A_176 = arith.constant 0 : i32
        %dma_wait3A_177 = tpu.memref_slice %arg2[%dma_wait3A_175, %dma_wait3A_176] : memref<10240x128xf32, #tpu.memory_space<hbm>> -> memref<32x128xf32, #tpu.memory_space<hbm>>
        %dma_wait3A_178 = arith.constant 0 : i32
        %dma_wait3A_179 = arith.constant 0 : i32
        %dma_wait3A_180 = tpu.memref_slice %arg2[%dma_wait3A_178, %dma_wait3A_179] : memref<10240x128xf32, #tpu.memory_space<hbm>> -> memref<32x128xf32, #tpu.memory_space<hbm>>
        tpu.wait_dma2 semaphore(%arg18 : memref<!tpu.dma_semaphore, #tpu.memory_space<semaphore_mem>>) src(%dma_wait3A_180 : memref<32x128xf32, #tpu.memory_space<hbm>>) dst(%arg10 : memref<32x128xf32, #tpu.memory_space<vmem>>)
        %dma_start3A_181 = tpu.memref_slice %arg5[%mul3A_174] : memref<10240xi32, #tpu.memory_space<vmem>> -> memref<32xi32, #tpu.memory_space<vmem>>
        %dma_start3A_182 = arith.constant 0 : i32
        %dma_start3A_183 = arith.constant 0 : i32
        %dma_start3A_184 = tpu.memref_slice %arg6[%dma_start3A_182, %dma_start3A_183] : memref<10240x128xf32, #tpu.memory_space<vmem_shared>> -> memref<10240x128xf32, #tpu.memory_space<vmem_shared>>
        tpu.enqueue_indirect_dma source(%dma_start3A_184 : memref<10240x128xf32, #tpu.memory_space<vmem_shared>>) target(%arg10 : memref<32x128xf32, #tpu.memory_space<vmem>>) offsets(%dma_start3A_181 : memref<32xi32, #tpu.memory_space<vmem>>) semaphore(%arg14 : memref<!tpu.dma_semaphore, #tpu.memory_space<semaphore_mem>>)
      } else {
      }
    }
    %scan3A_30 = arith.constant 80 : i32
    %dma_wait3A = arith.constant 0 : i32
    %dma_wait3A_31 = arith.constant 0 : i32
    %dma_wait3A_32 = tpu.memref_slice %arg2[%dma_wait3A, %dma_wait3A_31] : memref<10240x128xf32, #tpu.memory_space<hbm>> -> memref<32x128xf32, #tpu.memory_space<hbm>>
    %dma_wait3A_33 = arith.constant 0 : i32
    %dma_wait3A_34 = arith.constant 0 : i32
    %dma_wait3A_35 = tpu.memref_slice %arg2[%dma_wait3A_33, %dma_wait3A_34] : memref<10240x128xf32, #tpu.memory_space<hbm>> -> memref<32x128xf32, #tpu.memory_space<hbm>>
    tpu.wait_dma2 semaphore(%arg15 : memref<!tpu.dma_semaphore, #tpu.memory_space<semaphore_mem>>) src(%dma_wait3A_35 : memref<32x128xf32, #tpu.memory_space<hbm>>) dst(%arg7 : memref<32x128xf32, #tpu.memory_space<vmem>>)
    %dma_wait3A_36 = arith.constant 0 : i32
    %dma_wait3A_37 = arith.constant 0 : i32
    %dma_wait3A_38 = tpu.memref_slice %arg2[%dma_wait3A_36, %dma_wait3A_37] : memref<10240x128xf32, #tpu.memory_space<hbm>> -> memref<32x128xf32, #tpu.memory_space<hbm>>
    %dma_wait3A_39 = arith.constant 0 : i32
    %dma_wait3A_40 = arith.constant 0 : i32
    %dma_wait3A_41 = tpu.memref_slice %arg2[%dma_wait3A_39, %dma_wait3A_40] : memref<10240x128xf32, #tpu.memory_space<hbm>> -> memref<32x128xf32, #tpu.memory_space<hbm>>
    tpu.wait_dma2 semaphore(%arg16 : memref<!tpu.dma_semaphore, #tpu.memory_space<semaphore_mem>>) src(%dma_wait3A_41 : memref<32x128xf32, #tpu.memory_space<hbm>>) dst(%arg8 : memref<32x128xf32, #tpu.memory_space<vmem>>)
    %dma_wait3A_42 = arith.constant 0 : i32
    %dma_wait3A_43 = arith.constant 0 : i32
    %dma_wait3A_44 = tpu.memref_slice %arg2[%dma_wait3A_42, %dma_wait3A_43] : memref<10240x128xf32, #tpu.memory_space<hbm>> -> memref<32x128xf32, #tpu.memory_space<hbm>>
    %dma_wait3A_45 = arith.constant 0 : i32
    %dma_wait3A_46 = arith.constant 0 : i32
    %dma_wait3A_47 = tpu.memref_slice %arg2[%dma_wait3A_45, %dma_wait3A_46] : memref<10240x128xf32, #tpu.memory_space<hbm>> -> memref<32x128xf32, #tpu.memory_space<hbm>>
    tpu.wait_dma2 semaphore(%arg17 : memref<!tpu.dma_semaphore, #tpu.memory_space<semaphore_mem>>) src(%dma_wait3A_47 : memref<32x128xf32, #tpu.memory_space<hbm>>) dst(%arg9 : memref<32x128xf32, #tpu.memory_space<vmem>>)
    %dma_wait3A_48 = arith.constant 0 : i32
    %dma_wait3A_49 = arith.constant 0 : i32
    %dma_wait3A_50 = tpu.memref_slice %arg2[%dma_wait3A_48, %dma_wait3A_49] : memref<10240x128xf32, #tpu.memory_space<hbm>> -> memref<32x128xf32, #tpu.memory_space<hbm>>
    %dma_wait3A_51 = arith.constant 0 : i32
    %dma_wait3A_52 = arith.constant 0 : i32
    %dma_wait3A_53 = tpu.memref_slice %arg2[%dma_wait3A_51, %dma_wait3A_52] : memref<10240x128xf32, #tpu.memory_space<hbm>> -> memref<32x128xf32, #tpu.memory_space<hbm>>
    tpu.wait_dma2 semaphore(%arg18 : memref<!tpu.dma_semaphore, #tpu.memory_space<semaphore_mem>>) src(%dma_wait3A_53 : memref<32x128xf32, #tpu.memory_space<hbm>>) dst(%arg10 : memref<32x128xf32, #tpu.memory_space<vmem>>)
    return
  }
}

#map = affine_map<(d0, d1) -> (0, 0)>
#map1 = affine_map<(d0, d1) -> (0)>
module attributes {stable_mosaic.version = 14 : i64} {
  func.func @k(%arg0: i32, %arg1: i32, %arg2: memref<10240x128xf32, #tpu.memory_space<hbm>>, %arg3: memref<327680xi32, #tpu.memory_space<hbm>>, %arg4: memref<327680x128xf32, #tpu.memory_space<hbm>>, %arg5: memref<10240xi32, #tpu.memory_space<vmem>>, %arg6: memref<10240x128xf32, #tpu.memory_space<vmem_shared>>, %arg7: memref<32x128xf32, #tpu.memory_space<vmem>>, %arg8: memref<32x128xf32, #tpu.memory_space<vmem>>, %arg9: memref<32x128xf32, #tpu.memory_space<vmem>>, %arg10: memref<32x128xf32, #tpu.memory_space<vmem>>, %arg11: memref<!tpu.dma_semaphore, #tpu.memory_space<semaphore_mem>>, %arg12: memref<!tpu.dma_semaphore, #tpu.memory_space<semaphore_mem>>, %arg13: memref<!tpu.dma_semaphore, #tpu.memory_space<semaphore_mem>>, %arg14: memref<!tpu.dma_semaphore, #tpu.memory_space<semaphore_mem>>, %arg15: memref<!tpu.dma_semaphore, #tpu.memory_space<semaphore_mem>>, %arg16: memref<!tpu.dma_semaphore, #tpu.memory_space<semaphore_mem>>, %arg17: memref<!tpu.dma_semaphore, #tpu.memory_space<semaphore_mem>>, %arg18: memref<!tpu.dma_semaphore, #tpu.memory_space<semaphore_mem>>) attributes {dimension_semantics = [#tpu.dimension_semantics<core_parallel>, #tpu.dimension_semantics<subcore_parallel>], iteration_bounds = array<i64: 2, 16>, scalar_prefetch = 0 : i64, scratch_operands = 14 : i64, tpu.core_type = #tpu.core_type<sc_vector_subcore>, window_params = [{transform_indices = #map}, {transform_indices = #map1}, {transform_indices = #map}]} {
    %mul3A = arith.constant 2 : i32
    %mul3A_0 = arith.muli %arg1, %mul3A : i32
    %add3A = arith.addi %mul3A_0, %arg0 : i32
    %mul3A_1 = arith.constant 10240 : i32
    %mul3A_2 = arith.muli %add3A, %mul3A_1 : i32
    %mul3A_3 = arith.constant 640 : i32
    %mul3A_4 = arith.muli %arg1, %mul3A_3 : i32
    %mul3A_5 = arith.constant 640 : i32
    %mul3A_6 = arith.muli %arg1, %mul3A_5 : i32
    "tpu.region"() ({
      %run_scoped3A = tpu.sem_alloc : memref<!tpu.dma_semaphore, #tpu.memory_space<semaphore_mem>>
      %dma_start3A_54 = arith.constant 0 : i32
      %dma_start3A_55 = tpu.memref_slice %arg6[%mul3A_6, %dma_start3A_54] : memref<10240x128xf32, #tpu.memory_space<vmem_shared>> -> memref<640x128xf32, #tpu.memory_space<vmem_shared>>
      %dma_start3A_56 = arith.constant 0 : i32
      %dma_start3A_57 = tpu.memref_slice %arg2[%mul3A_4, %dma_start3A_56] : memref<10240x128xf32, #tpu.memory_space<hbm>> -> memref<640x128xf32, #tpu.memory_space<hbm>>
      tpu.enqueue_dma source(%dma_start3A_57 : memref<640x128xf32, #tpu.memory_space<hbm>>) target(%dma_start3A_55 : memref<640x128xf32, #tpu.memory_space<vmem_shared>>) target_semaphore(%run_scoped3A : memref<!tpu.dma_semaphore, #tpu.memory_space<semaphore_mem>>)
      %dma_wait3A_58 = arith.constant 0 : i32
      %dma_wait3A_59 = tpu.memref_slice %arg6[%mul3A_6, %dma_wait3A_58] : memref<10240x128xf32, #tpu.memory_space<vmem_shared>> -> memref<640x128xf32, #tpu.memory_space<vmem_shared>>
      %dma_wait3A_60 = arith.constant 0 : i32
      %dma_wait3A_61 = tpu.memref_slice %arg2[%mul3A_4, %dma_wait3A_60] : memref<10240x128xf32, #tpu.memory_space<hbm>> -> memref<640x128xf32, #tpu.memory_space<hbm>>
      tpu.wait_dma2 semaphore(%run_scoped3A : memref<!tpu.dma_semaphore, #tpu.memory_space<semaphore_mem>>) src(%dma_wait3A_61 : memref<640x128xf32, #tpu.memory_space<hbm>>) dst(%dma_wait3A_59 : memref<640x128xf32, #tpu.memory_space<vmem_shared>>)
      tpu.yield
    }) : () -> ()
    "tpu.region"() ({
      %run_scoped3A = tpu.sem_alloc : memref<!tpu.dma_semaphore, #tpu.memory_space<semaphore_mem>>
      %dma_start3A_54 = tpu.memref_slice %arg3[%mul3A_2] : memref<327680xi32, #tpu.memory_space<hbm>> -> memref<10240xi32, #tpu.memory_space<hbm>>
      %dma_start3A_55 = tpu.memref_slice %arg3[%mul3A_2] : memref<327680xi32, #tpu.memory_space<hbm>> -> memref<10240xi32, #tpu.memory_space<hbm>>
      tpu.enqueue_dma source(%dma_start3A_55 : memref<10240xi32, #tpu.memory_space<hbm>>) target(%arg5 : memref<10240xi32, #tpu.memory_space<vmem>>) target_semaphore(%run_scoped3A : memref<!tpu.dma_semaphore, #tpu.memory_space<semaphore_mem>>)
      %dma_wait3A_56 = tpu.memref_slice %arg3[%mul3A_2] : memref<327680xi32, #tpu.memory_space<hbm>> -> memref<10240xi32, #tpu.memory_space<hbm>>
      %dma_wait3A_57 = tpu.memref_slice %arg3[%mul3A_2] : memref<327680xi32, #tpu.memory_space<hbm>> -> memref<10240xi32, #tpu.memory_space<hbm>>
      tpu.wait_dma2 semaphore(%run_scoped3A : memref<!tpu.dma_semaphore, #tpu.memory_space<semaphore_mem>>) src(%dma_wait3A_57 : memref<10240xi32, #tpu.memory_space<hbm>>) dst(%arg5 : memref<10240xi32, #tpu.memory_space<vmem>>)
      tpu.yield
    }) : () -> ()
    %barrier3A = arith.constant 0 : index
    tpu.barrier barrier_id(%barrier3A)
    %dma_start3A = arith.constant 0 : i32
    %dma_start3A_7 = tpu.memref_slice %arg5[%dma_start3A] : memref<10240xi32, #tpu.memory_space<vmem>> -> memref<32xi32, #tpu.memory_space<vmem>>
    %dma_start3A_8 = arith.constant 0 : i32
    %dma_start3A_9 = arith.constant 0 : i32
    %dma_start3A_10 = tpu.memref_slice %arg6[%dma_start3A_8, %dma_start3A_9] : memref<10240x128xf32, #tpu.memory_space<vmem_shared>> -> memref<10240x128xf32, #tpu.memory_space<vmem_shared>>
    tpu.enqueue_indirect_dma source(%dma_start3A_10 : memref<10240x128xf32, #tpu.memory_space<vmem_shared>>) target(%arg7 : memref<32x128xf32, #tpu.memory_space<vmem>>) offsets(%dma_start3A_7 : memref<32xi32, #tpu.memory_space<vmem>>) semaphore(%arg11 : memref<!tpu.dma_semaphore, #tpu.memory_space<semaphore_mem>>)
    %dma_start3A_11 = arith.constant 32 : i32
    %dma_start3A_12 = tpu.memref_slice %arg5[%dma_start3A_11] : memref<10240xi32, #tpu.memory_space<vmem>> -> memref<32xi32, #tpu.memory_space<vmem>>
    %dma_start3A_13 = arith.constant 0 : i32
    %dma_start3A_14 = arith.constant 0 : i32
    %dma_start3A_15 = tpu.memref_slice %arg6[%dma_start3A_13, %dma_start3A_14] : memref<10240x128xf32, #tpu.memory_space<vmem_shared>> -> memref<10240x128xf32, #tpu.memory_space<vmem_shared>>
    tpu.enqueue_indirect_dma source(%dma_start3A_15 : memref<10240x128xf32, #tpu.memory_space<vmem_shared>>) target(%arg8 : memref<32x128xf32, #tpu.memory_space<vmem>>) offsets(%dma_start3A_12 : memref<32xi32, #tpu.memory_space<vmem>>) semaphore(%arg12 : memref<!tpu.dma_semaphore, #tpu.memory_space<semaphore_mem>>)
    %dma_start3A_16 = arith.constant 64 : i32
    %dma_start3A_17 = tpu.memref_slice %arg5[%dma_start3A_16] : memref<10240xi32, #tpu.memory_space<vmem>> -> memref<32xi32, #tpu.memory_space<vmem>>
    %dma_start3A_18 = arith.constant 0 : i32
    %dma_start3A_19 = arith.constant 0 : i32
    %dma_start3A_20 = tpu.memref_slice %arg6[%dma_start3A_18, %dma_start3A_19] : memref<10240x128xf32, #tpu.memory_space<vmem_shared>> -> memref<10240x128xf32, #tpu.memory_space<vmem_shared>>
    tpu.enqueue_indirect_dma source(%dma_start3A_20 : memref<10240x128xf32, #tpu.memory_space<vmem_shared>>) target(%arg9 : memref<32x128xf32, #tpu.memory_space<vmem>>) offsets(%dma_start3A_17 : memref<32xi32, #tpu.memory_space<vmem>>) semaphore(%arg13 : memref<!tpu.dma_semaphore, #tpu.memory_space<semaphore_mem>>)
    %dma_start3A_21 = arith.constant 96 : i32
    %dma_start3A_22 = tpu.memref_slice %arg5[%dma_start3A_21] : memref<10240xi32, #tpu.memory_space<vmem>> -> memref<32xi32, #tpu.memory_space<vmem>>
    %dma_start3A_23 = arith.constant 0 : i32
    %dma_start3A_24 = arith.constant 0 : i32
    %dma_start3A_25 = tpu.memref_slice %arg6[%dma_start3A_23, %dma_start3A_24] : memref<10240x128xf32, #tpu.memory_space<vmem_shared>> -> memref<10240x128xf32, #tpu.memory_space<vmem_shared>>
    tpu.enqueue_indirect_dma source(%dma_start3A_25 : memref<10240x128xf32, #tpu.memory_space<vmem_shared>>) target(%arg10 : memref<32x128xf32, #tpu.memory_space<vmem>>) offsets(%dma_start3A_22 : memref<32xi32, #tpu.memory_space<vmem>>) semaphore(%arg14 : memref<!tpu.dma_semaphore, #tpu.memory_space<semaphore_mem>>)
    %scan3A = arith.constant 0 : i32
    %scan3A_26 = arith.constant 0 : i32
    %scan3A_27 = arith.constant 80 : i32
    %scan3A_28 = arith.addi %scan3A_26, %scan3A_27 : i32
    %scan3A_29 = arith.constant 1 : i32
    scf.for %scan3A_54 = %scan3A_26 to %scan3A_28 step %scan3A_29  : i32 {
      %mul3A_55 = arith.constant 4 : i32
      %mul3A_56 = arith.muli %scan3A_54, %mul3A_55 : i32
      %dma_wait3A_57 = arith.constant 0 : i32
      %dma_wait3A_58 = arith.constant 0 : i32
      %dma_wait3A_59 = tpu.memref_slice %arg2[%dma_wait3A_57, %dma_wait3A_58] : memref<10240x128xf32, #tpu.memory_space<hbm>> -> memref<32x128xf32, #tpu.memory_space<hbm>>
      %dma_wait3A_60 = arith.constant 0 : i32
      %dma_wait3A_61 = arith.constant 0 : i32
      %dma_wait3A_62 = tpu.memref_slice %arg2[%dma_wait3A_60, %dma_wait3A_61] : memref<10240x128xf32, #tpu.memory_space<hbm>> -> memref<32x128xf32, #tpu.memory_space<hbm>>
      tpu.wait_dma2 semaphore(%arg11 : memref<!tpu.dma_semaphore, #tpu.memory_space<semaphore_mem>>) src(%dma_wait3A_62 : memref<32x128xf32, #tpu.memory_space<hbm>>) dst(%arg7 : memref<32x128xf32, #tpu.memory_space<vmem>>)
      %add3A_63 = arith.constant 0 : i32
      %add3A_64 = arith.addi %mul3A_56, %add3A_63 : i32
      %mul3A_65 = arith.constant 32 : i32
      %mul3A_66 = arith.muli %add3A_64, %mul3A_65 : i32
      %add3A_67 = arith.addi %mul3A_2, %mul3A_66 : i32
      %dma_start3A_68 = arith.constant 0 : i32
      %dma_start3A_69 = tpu.memref_slice %arg4[%add3A_67, %dma_start3A_68] : memref<327680x128xf32, #tpu.memory_space<hbm>> -> memref<32x128xf32, #tpu.memory_space<hbm>>
      %dma_start3A_70 = arith.constant 0 : i32
      %dma_start3A_71 = tpu.memref_slice %arg4[%add3A_67, %dma_start3A_70] : memref<327680x128xf32, #tpu.memory_space<hbm>> -> memref<32x128xf32, #tpu.memory_space<hbm>>
      tpu.enqueue_dma source(%arg7 : memref<32x128xf32, #tpu.memory_space<vmem>>) target(%dma_start3A_71 : memref<32x128xf32, #tpu.memory_space<hbm>>) target_semaphore(%arg15 : memref<!tpu.dma_semaphore, #tpu.memory_space<semaphore_mem>>)
      %dma_wait3A_72 = arith.constant 0 : i32
      %dma_wait3A_73 = arith.constant 0 : i32
      %dma_wait3A_74 = tpu.memref_slice %arg2[%dma_wait3A_72, %dma_wait3A_73] : memref<10240x128xf32, #tpu.memory_space<hbm>> -> memref<32x128xf32, #tpu.memory_space<hbm>>
      %dma_wait3A_75 = arith.constant 0 : i32
      %dma_wait3A_76 = arith.constant 0 : i32
      %dma_wait3A_77 = tpu.memref_slice %arg2[%dma_wait3A_75, %dma_wait3A_76] : memref<10240x128xf32, #tpu.memory_space<hbm>> -> memref<32x128xf32, #tpu.memory_space<hbm>>
      tpu.wait_dma2 semaphore(%arg12 : memref<!tpu.dma_semaphore, #tpu.memory_space<semaphore_mem>>) src(%dma_wait3A_77 : memref<32x128xf32, #tpu.memory_space<hbm>>) dst(%arg8 : memref<32x128xf32, #tpu.memory_space<vmem>>)
      %add3A_78 = arith.constant 1 : i32
      %add3A_79 = arith.addi %mul3A_56, %add3A_78 : i32
      %mul3A_80 = arith.constant 32 : i32
      %mul3A_81 = arith.muli %add3A_79, %mul3A_80 : i32
      %add3A_82 = arith.addi %mul3A_2, %mul3A_81 : i32
      %dma_start3A_83 = arith.constant 0 : i32
      %dma_start3A_84 = tpu.memref_slice %arg4[%add3A_82, %dma_start3A_83] : memref<327680x128xf32, #tpu.memory_space<hbm>> -> memref<32x128xf32, #tpu.memory_space<hbm>>
      %dma_start3A_85 = arith.constant 0 : i32
      %dma_start3A_86 = tpu.memref_slice %arg4[%add3A_82, %dma_start3A_85] : memref<327680x128xf32, #tpu.memory_space<hbm>> -> memref<32x128xf32, #tpu.memory_space<hbm>>
      tpu.enqueue_dma source(%arg8 : memref<32x128xf32, #tpu.memory_space<vmem>>) target(%dma_start3A_86 : memref<32x128xf32, #tpu.memory_space<hbm>>) target_semaphore(%arg16 : memref<!tpu.dma_semaphore, #tpu.memory_space<semaphore_mem>>)
      %dma_wait3A_87 = arith.constant 0 : i32
      %dma_wait3A_88 = arith.constant 0 : i32
      %dma_wait3A_89 = tpu.memref_slice %arg2[%dma_wait3A_87, %dma_wait3A_88] : memref<10240x128xf32, #tpu.memory_space<hbm>> -> memref<32x128xf32, #tpu.memory_space<hbm>>
      %dma_wait3A_90 = arith.constant 0 : i32
      %dma_wait3A_91 = arith.constant 0 : i32
      %dma_wait3A_92 = tpu.memref_slice %arg2[%dma_wait3A_90, %dma_wait3A_91] : memref<10240x128xf32, #tpu.memory_space<hbm>> -> memref<32x128xf32, #tpu.memory_space<hbm>>
      tpu.wait_dma2 semaphore(%arg13 : memref<!tpu.dma_semaphore, #tpu.memory_space<semaphore_mem>>) src(%dma_wait3A_92 : memref<32x128xf32, #tpu.memory_space<hbm>>) dst(%arg9 : memref<32x128xf32, #tpu.memory_space<vmem>>)
      %add3A_93 = arith.constant 2 : i32
      %add3A_94 = arith.addi %mul3A_56, %add3A_93 : i32
      %mul3A_95 = arith.constant 32 : i32
      %mul3A_96 = arith.muli %add3A_94, %mul3A_95 : i32
      %add3A_97 = arith.addi %mul3A_2, %mul3A_96 : i32
      %dma_start3A_98 = arith.constant 0 : i32
      %dma_start3A_99 = tpu.memref_slice %arg4[%add3A_97, %dma_start3A_98] : memref<327680x128xf32, #tpu.memory_space<hbm>> -> memref<32x128xf32, #tpu.memory_space<hbm>>
      %dma_start3A_100 = arith.constant 0 : i32
      %dma_start3A_101 = tpu.memref_slice %arg4[%add3A_97, %dma_start3A_100] : memref<327680x128xf32, #tpu.memory_space<hbm>> -> memref<32x128xf32, #tpu.memory_space<hbm>>
      tpu.enqueue_dma source(%arg9 : memref<32x128xf32, #tpu.memory_space<vmem>>) target(%dma_start3A_101 : memref<32x128xf32, #tpu.memory_space<hbm>>) target_semaphore(%arg17 : memref<!tpu.dma_semaphore, #tpu.memory_space<semaphore_mem>>)
      %dma_wait3A_102 = arith.constant 0 : i32
      %dma_wait3A_103 = arith.constant 0 : i32
      %dma_wait3A_104 = tpu.memref_slice %arg2[%dma_wait3A_102, %dma_wait3A_103] : memref<10240x128xf32, #tpu.memory_space<hbm>> -> memref<32x128xf32, #tpu.memory_space<hbm>>
      %dma_wait3A_105 = arith.constant 0 : i32
      %dma_wait3A_106 = arith.constant 0 : i32
      %dma_wait3A_107 = tpu.memref_slice %arg2[%dma_wait3A_105, %dma_wait3A_106] : memref<10240x128xf32, #tpu.memory_space<hbm>> -> memref<32x128xf32, #tpu.memory_space<hbm>>
      tpu.wait_dma2 semaphore(%arg14 : memref<!tpu.dma_semaphore, #tpu.memory_space<semaphore_mem>>) src(%dma_wait3A_107 : memref<32x128xf32, #tpu.memory_space<hbm>>) dst(%arg10 : memref<32x128xf32, #tpu.memory_space<vmem>>)
      %add3A_108 = arith.constant 3 : i32
      %add3A_109 = arith.addi %mul3A_56, %add3A_108 : i32
      %mul3A_110 = arith.constant 32 : i32
      %mul3A_111 = arith.muli %add3A_109, %mul3A_110 : i32
      %add3A_112 = arith.addi %mul3A_2, %mul3A_111 : i32
      %dma_start3A_113 = arith.constant 0 : i32
      %dma_start3A_114 = tpu.memref_slice %arg4[%add3A_112, %dma_start3A_113] : memref<327680x128xf32, #tpu.memory_space<hbm>> -> memref<32x128xf32, #tpu.memory_space<hbm>>
      %dma_start3A_115 = arith.constant 0 : i32
      %dma_start3A_116 = tpu.memref_slice %arg4[%add3A_112, %dma_start3A_115] : memref<327680x128xf32, #tpu.memory_space<hbm>> -> memref<32x128xf32, #tpu.memory_space<hbm>>
      tpu.enqueue_dma source(%arg10 : memref<32x128xf32, #tpu.memory_space<vmem>>) target(%dma_start3A_116 : memref<32x128xf32, #tpu.memory_space<hbm>>) target_semaphore(%arg18 : memref<!tpu.dma_semaphore, #tpu.memory_space<semaphore_mem>>)
      %add3A_117 = arith.constant 1 : i32
      %add3A_118 = arith.addi %scan3A_54, %add3A_117 : i32
      %lt3A = arith.constant 80 : i32
      %lt3A_119 = arith.cmpi slt, %add3A_118, %lt3A : i32
      %convert_element_type3A = arith.extui %lt3A_119 : i1 to i32
      %cond3A = arith.constant 0 : i32
      %cond3A_120 = arith.cmpi ne, %convert_element_type3A, %cond3A : i32
      scf.if %cond3A_120 {
        %add3A_121 = arith.constant 4 : i32
        %add3A_122 = arith.addi %mul3A_56, %add3A_121 : i32
        %add3A_123 = arith.constant 0 : i32
        %add3A_124 = arith.addi %add3A_122, %add3A_123 : i32
        %mul3A_125 = arith.constant 32 : i32
        %mul3A_126 = arith.muli %add3A_124, %mul3A_125 : i32
        %dma_wait3A_127 = arith.constant 0 : i32
        %dma_wait3A_128 = arith.constant 0 : i32
        %dma_wait3A_129 = tpu.memref_slice %arg2[%dma_wait3A_127, %dma_wait3A_128] : memref<10240x128xf32, #tpu.memory_space<hbm>> -> memref<32x128xf32, #tpu.memory_space<hbm>>
        %dma_wait3A_130 = arith.constant 0 : i32
        %dma_wait3A_131 = arith.constant 0 : i32
        %dma_wait3A_132 = tpu.memref_slice %arg2[%dma_wait3A_130, %dma_wait3A_131] : memref<10240x128xf32, #tpu.memory_space<hbm>> -> memref<32x128xf32, #tpu.memory_space<hbm>>
        tpu.wait_dma2 semaphore(%arg15 : memref<!tpu.dma_semaphore, #tpu.memory_space<semaphore_mem>>) src(%dma_wait3A_132 : memref<32x128xf32, #tpu.memory_space<hbm>>) dst(%arg7 : memref<32x128xf32, #tpu.memory_space<vmem>>)
        %dma_start3A_133 = tpu.memref_slice %arg5[%mul3A_126] : memref<10240xi32, #tpu.memory_space<vmem>> -> memref<32xi32, #tpu.memory_space<vmem>>
        %dma_start3A_134 = arith.constant 0 : i32
        %dma_start3A_135 = arith.constant 0 : i32
        %dma_start3A_136 = tpu.memref_slice %arg6[%dma_start3A_134, %dma_start3A_135] : memref<10240x128xf32, #tpu.memory_space<vmem_shared>> -> memref<10240x128xf32, #tpu.memory_space<vmem_shared>>
        tpu.enqueue_indirect_dma source(%dma_start3A_136 : memref<10240x128xf32, #tpu.memory_space<vmem_shared>>) target(%arg7 : memref<32x128xf32, #tpu.memory_space<vmem>>) offsets(%dma_start3A_133 : memref<32xi32, #tpu.memory_space<vmem>>) semaphore(%arg11 : memref<!tpu.dma_semaphore, #tpu.memory_space<semaphore_mem>>)
        %add3A_137 = arith.constant 4 : i32
        %add3A_138 = arith.addi %mul3A_56, %add3A_137 : i32
        %add3A_139 = arith.constant 1 : i32
        %add3A_140 = arith.addi %add3A_138, %add3A_139 : i32
        %mul3A_141 = arith.constant 32 : i32
        %mul3A_142 = arith.muli %add3A_140, %mul3A_141 : i32
        %dma_wait3A_143 = arith.constant 0 : i32
        %dma_wait3A_144 = arith.constant 0 : i32
        %dma_wait3A_145 = tpu.memref_slice %arg2[%dma_wait3A_143, %dma_wait3A_144] : memref<10240x128xf32, #tpu.memory_space<hbm>> -> memref<32x128xf32, #tpu.memory_space<hbm>>
        %dma_wait3A_146 = arith.constant 0 : i32
        %dma_wait3A_147 = arith.constant 0 : i32
        %dma_wait3A_148 = tpu.memref_slice %arg2[%dma_wait3A_146, %dma_wait3A_147] : memref<10240x128xf32, #tpu.memory_space<hbm>> -> memref<32x128xf32, #tpu.memory_space<hbm>>
        tpu.wait_dma2 semaphore(%arg16 : memref<!tpu.dma_semaphore, #tpu.memory_space<semaphore_mem>>) src(%dma_wait3A_148 : memref<32x128xf32, #tpu.memory_space<hbm>>) dst(%arg8 : memref<32x128xf32, #tpu.memory_space<vmem>>)
        %dma_start3A_149 = tpu.memref_slice %arg5[%mul3A_142] : memref<10240xi32, #tpu.memory_space<vmem>> -> memref<32xi32, #tpu.memory_space<vmem>>
        %dma_start3A_150 = arith.constant 0 : i32
        %dma_start3A_151 = arith.constant 0 : i32
        %dma_start3A_152 = tpu.memref_slice %arg6[%dma_start3A_150, %dma_start3A_151] : memref<10240x128xf32, #tpu.memory_space<vmem_shared>> -> memref<10240x128xf32, #tpu.memory_space<vmem_shared>>
        tpu.enqueue_indirect_dma source(%dma_start3A_152 : memref<10240x128xf32, #tpu.memory_space<vmem_shared>>) target(%arg8 : memref<32x128xf32, #tpu.memory_space<vmem>>) offsets(%dma_start3A_149 : memref<32xi32, #tpu.memory_space<vmem>>) semaphore(%arg12 : memref<!tpu.dma_semaphore, #tpu.memory_space<semaphore_mem>>)
        %add3A_153 = arith.constant 4 : i32
        %add3A_154 = arith.addi %mul3A_56, %add3A_153 : i32
        %add3A_155 = arith.constant 2 : i32
        %add3A_156 = arith.addi %add3A_154, %add3A_155 : i32
        %mul3A_157 = arith.constant 32 : i32
        %mul3A_158 = arith.muli %add3A_156, %mul3A_157 : i32
        %dma_wait3A_159 = arith.constant 0 : i32
        %dma_wait3A_160 = arith.constant 0 : i32
        %dma_wait3A_161 = tpu.memref_slice %arg2[%dma_wait3A_159, %dma_wait3A_160] : memref<10240x128xf32, #tpu.memory_space<hbm>> -> memref<32x128xf32, #tpu.memory_space<hbm>>
        %dma_wait3A_162 = arith.constant 0 : i32
        %dma_wait3A_163 = arith.constant 0 : i32
        %dma_wait3A_164 = tpu.memref_slice %arg2[%dma_wait3A_162, %dma_wait3A_163] : memref<10240x128xf32, #tpu.memory_space<hbm>> -> memref<32x128xf32, #tpu.memory_space<hbm>>
        tpu.wait_dma2 semaphore(%arg17 : memref<!tpu.dma_semaphore, #tpu.memory_space<semaphore_mem>>) src(%dma_wait3A_164 : memref<32x128xf32, #tpu.memory_space<hbm>>) dst(%arg9 : memref<32x128xf32, #tpu.memory_space<vmem>>)
        %dma_start3A_165 = tpu.memref_slice %arg5[%mul3A_158] : memref<10240xi32, #tpu.memory_space<vmem>> -> memref<32xi32, #tpu.memory_space<vmem>>
        %dma_start3A_166 = arith.constant 0 : i32
        %dma_start3A_167 = arith.constant 0 : i32
        %dma_start3A_168 = tpu.memref_slice %arg6[%dma_start3A_166, %dma_start3A_167] : memref<10240x128xf32, #tpu.memory_space<vmem_shared>> -> memref<10240x128xf32, #tpu.memory_space<vmem_shared>>
        tpu.enqueue_indirect_dma source(%dma_start3A_168 : memref<10240x128xf32, #tpu.memory_space<vmem_shared>>) target(%arg9 : memref<32x128xf32, #tpu.memory_space<vmem>>) offsets(%dma_start3A_165 : memref<32xi32, #tpu.memory_space<vmem>>) semaphore(%arg13 : memref<!tpu.dma_semaphore, #tpu.memory_space<semaphore_mem>>)
        %add3A_169 = arith.constant 4 : i32
        %add3A_170 = arith.addi %mul3A_56, %add3A_169 : i32
        %add3A_171 = arith.constant 3 : i32
        %add3A_172 = arith.addi %add3A_170, %add3A_171 : i32
        %mul3A_173 = arith.constant 32 : i32
        %mul3A_174 = arith.muli %add3A_172, %mul3A_173 : i32
        %dma_wait3A_175 = arith.constant 0 : i32
        %dma_wait3A_176 = arith.constant 0 : i32
        %dma_wait3A_177 = tpu.memref_slice %arg2[%dma_wait3A_175, %dma_wait3A_176] : memref<10240x128xf32, #tpu.memory_space<hbm>> -> memref<32x128xf32, #tpu.memory_space<hbm>>
        %dma_wait3A_178 = arith.constant 0 : i32
        %dma_wait3A_179 = arith.constant 0 : i32
        %dma_wait3A_180 = tpu.memref_slice %arg2[%dma_wait3A_178, %dma_wait3A_179] : memref<10240x128xf32, #tpu.memory_space<hbm>> -> memref<32x128xf32, #tpu.memory_space<hbm>>
        tpu.wait_dma2 semaphore(%arg18 : memref<!tpu.dma_semaphore, #tpu.memory_space<semaphore_mem>>) src(%dma_wait3A_180 : memref<32x128xf32, #tpu.memory_space<hbm>>) dst(%arg10 : memref<32x128xf32, #tpu.memory_space<vmem>>)
        %dma_start3A_181 = tpu.memref_slice %arg5[%mul3A_174] : memref<10240xi32, #tpu.memory_space<vmem>> -> memref<32xi32, #tpu.memory_space<vmem>>
        %dma_start3A_182 = arith.constant 0 : i32
        %dma_start3A_183 = arith.constant 0 : i32
        %dma_start3A_184 = tpu.memref_slice %arg6[%dma_start3A_182, %dma_start3A_183] : memref<10240x128xf32, #tpu.memory_space<vmem_shared>> -> memref<10240x128xf32, #tpu.memory_space<vmem_shared>>
        tpu.enqueue_indirect_dma source(%dma_start3A_184 : memref<10240x128xf32, #tpu.memory_space<vmem_shared>>) target(%arg10 : memref<32x128xf32, #tpu.memory_space<vmem>>) offsets(%dma_start3A_181 : memref<32xi32, #tpu.memory_space<vmem>>) semaphore(%arg14 : memref<!tpu.dma_semaphore, #tpu.memory_space<semaphore_mem>>)
      } else {
      }
    }
    %scan3A_30 = arith.constant 80 : i32
    %dma_wait3A = arith.constant 0 : i32
    %dma_wait3A_31 = arith.constant 0 : i32
    %dma_wait3A_32 = tpu.memref_slice %arg2[%dma_wait3A, %dma_wait3A_31] : memref<10240x128xf32, #tpu.memory_space<hbm>> -> memref<32x128xf32, #tpu.memory_space<hbm>>
    %dma_wait3A_33 = arith.constant 0 : i32
    %dma_wait3A_34 = arith.constant 0 : i32
    %dma_wait3A_35 = tpu.memref_slice %arg2[%dma_wait3A_33, %dma_wait3A_34] : memref<10240x128xf32, #tpu.memory_space<hbm>> -> memref<32x128xf32, #tpu.memory_space<hbm>>
    tpu.wait_dma2 semaphore(%arg15 : memref<!tpu.dma_semaphore, #tpu.memory_space<semaphore_mem>>) src(%dma_wait3A_35 : memref<32x128xf32, #tpu.memory_space<hbm>>) dst(%arg7 : memref<32x128xf32, #tpu.memory_space<vmem>>)
    %dma_wait3A_36 = arith.constant 0 : i32
    %dma_wait3A_37 = arith.constant 0 : i32
    %dma_wait3A_38 = tpu.memref_slice %arg2[%dma_wait3A_36, %dma_wait3A_37] : memref<10240x128xf32, #tpu.memory_space<hbm>> -> memref<32x128xf32, #tpu.memory_space<hbm>>
    %dma_wait3A_39 = arith.constant 0 : i32
    %dma_wait3A_40 = arith.constant 0 : i32
    %dma_wait3A_41 = tpu.memref_slice %arg2[%dma_wait3A_39, %dma_wait3A_40] : memref<10240x128xf32, #tpu.memory_space<hbm>> -> memref<32x128xf32, #tpu.memory_space<hbm>>
    tpu.wait_dma2 semaphore(%arg16 : memref<!tpu.dma_semaphore, #tpu.memory_space<semaphore_mem>>) src(%dma_wait3A_41 : memref<32x128xf32, #tpu.memory_space<hbm>>) dst(%arg8 : memref<32x128xf32, #tpu.memory_space<vmem>>)
    %dma_wait3A_42 = arith.constant 0 : i32
    %dma_wait3A_43 = arith.constant 0 : i32
    %dma_wait3A_44 = tpu.memref_slice %arg2[%dma_wait3A_42, %dma_wait3A_43] : memref<10240x128xf32, #tpu.memory_space<hbm>> -> memref<32x128xf32, #tpu.memory_space<hbm>>
    %dma_wait3A_45 = arith.constant 0 : i32
    %dma_wait3A_46 = arith.constant 0 : i32
    %dma_wait3A_47 = tpu.memref_slice %arg2[%dma_wait3A_45, %dma_wait3A_46] : memref<10240x128xf32, #tpu.memory_space<hbm>> -> memref<32x128xf32, #tpu.memory_space<hbm>>
    tpu.wait_dma2 semaphore(%arg17 : memref<!tpu.dma_semaphore, #tpu.memory_space<semaphore_mem>>) src(%dma_wait3A_47 : memref<32x128xf32, #tpu.memory_space<hbm>>) dst(%arg9 : memref<32x128xf32, #tpu.memory_space<vmem>>)
    %dma_wait3A_48 = arith.constant 0 : i32
    %dma_wait3A_49 = arith.constant 0 : i32
    %dma_wait3A_50 = tpu.memref_slice %arg2[%dma_wait3A_48, %dma_wait3A_49] : memref<10240x128xf32, #tpu.memory_space<hbm>> -> memref<32x128xf32, #tpu.memory_space<hbm>>
    %dma_wait3A_51 = arith.constant 0 : i32
    %dma_wait3A_52 = arith.constant 0 : i32
    %dma_wait3A_53 = tpu.memref_slice %arg2[%dma_wait3A_51, %dma_wait3A_52] : memref<10240x128xf32, #tpu.memory_space<hbm>> -> memref<32x128xf32, #tpu.memory_space<hbm>>
    tpu.wait_dma2 semaphore(%arg18 : memref<!tpu.dma_semaphore, #tpu.memory_space<semaphore_mem>>) src(%dma_wait3A_53 : memref<32x128xf32, #tpu.memory_space<hbm>>) dst(%arg10 : memref<32x128xf32, #tpu.memory_space<vmem>>)
    return
  }
}

module attributes {stable_mosaic.version = 14 : i64} {
  func.func @_nbr_kernel(%arg0: i32, %arg1: memref<80xi32, #tpu.memory_space<smem>>, %arg2: memref<80xi32, #tpu.memory_space<smem>>, %arg3: memref<1x128x1xi32, #tpu.memory_space<vmem>>, %arg4: memref<128x8xf32, #tpu.memory_space<vmem>>, %arg5: memref<8x10240xf32, #tpu.memory_space<vmem>>, %arg6: memref<1x10240xi32, #tpu.memory_space<vmem>>, %arg7: memref<128x32xi32, #tpu.memory_space<vmem>>, %arg8: memref<128x32xf32, #tpu.memory_space<vmem>>, %arg9: memref<128x32xf32, #tpu.memory_space<vmem>>, %arg10: memref<128x10240xf32, #tpu.memory_space<vmem>>) attributes {dimension_semantics = [#tpu.dimension_semantics<arbitrary>], iteration_bounds = array<i64: 80>, scalar_prefetch = 2 : i64, scratch_operands = 1 : i64, tpu.core_type = #tpu.core_type<tc>, window_params = [{transform_indices = @transform_0, window_bounds = array<i64: 1, 128, 1>}, {transform_indices = @transform_1, window_bounds = array<i64: 128, 8>}, {pipeline_mode = #tpu.pipeline_mode<synchronous>, transform_indices = @transform_2, window_bounds = array<i64: 8, 10240>}, {pipeline_mode = #tpu.pipeline_mode<synchronous>, transform_indices = @transform_3, window_bounds = array<i64: 1, 10240>}, {transform_indices = @transform_4, window_bounds = array<i64: 128, 32>}, {transform_indices = @transform_5, window_bounds = array<i64: 128, 32>}, {transform_indices = @transform_6, window_bounds = array<i64: 128, 32>}]} {
    %mul3A = arith.constant 128 : i32
    %mul3A_0 = arith.muli %arg0, %mul3A : i32
    %get3A = arith.constant 0 : index
    %get3A_1 = arith.constant 0 : index
    %get3A_2 = vector.load %arg4[%get3A, %get3A_1] : memref<128x8xf32, #tpu.memory_space<vmem>>, vector<128x8xf32>
    %mul3A_3 = arith.mulf %get3A_2, %get3A_2 : vector<128x8xf32>
    %reduce_sum3A = arith.constant dense<0.000000e+00> : vector<128xf32>
    %reduce_sum3A_4 = vector.multi_reduction <add>, %mul3A_3, %reduce_sum3A [1] : vector<128x8xf32> to vector<128xf32>
    %broadcast_in_dim3A = vector.shape_cast %reduce_sum3A_4 : vector<128xf32> to vector<128x1xf32>
    %get3A_5 = arith.constant 0 : index
    %get3A_6 = arith.constant 0 : index
    %get3A_7 = arith.constant 0 : index
    %get3A_8 = vector.load %arg3[%get3A_5, %get3A_6, %get3A_7] : memref<1x128x1xi32, #tpu.memory_space<vmem>>, vector<1x128x1xi32>
    %get3A_9 = vector.shape_cast %get3A_8 : vector<1x128x1xi32> to vector<128x1xi32>
    %iota3A = tpu.iota {dimensions = array<i32: 0>} : vector<128x1xi32>
    %add3A = vector.broadcast %mul3A_0 : i32 to vector<128x1xi32>
    %add3A_10 = arith.addi %add3A, %iota3A : vector<128x1xi32>
    %get3A_11 = arith.index_cast %arg0 : i32 to index
    %get3A_12 = memref.load %arg1[%get3A_11] : memref<80xi32, #tpu.memory_space<smem>>
    %get3A_13 = arith.index_cast %arg0 : i32 to index
    %get3A_14 = memref.load %arg2[%get3A_13] : memref<80xi32, #tpu.memory_space<smem>>
    %while3A = arith.constant 0 : i32
    %while3A_15 = arith.subi %get3A_14, %get3A_12 : i32
    %while3A_16 = arith.addi %get3A_12, %while3A_15 : i32
    %while3A_17 = arith.constant 1 : i32
    %while3A_18 = arith.divsi %while3A_15, %while3A_17 : i32
    %while3A_19 = arith.muli %while3A_18, %while3A_17 : i32
    %while3A_20 = arith.addi %get3A_12, %while3A_19 : i32
    %while3A_21 = arith.constant 1 : i32
    scf.for %while3A_495 = %get3A_12 to %while3A_20 step %while3A_21  : i32 {
      %mul3A_496 = arith.constant 512 : i32
      %mul3A_497 = arith.muli %while3A_495, %mul3A_496 : i32
      %get3A_498 = arith.constant 0 : index
      %get3A_499 = arith.index_cast %mul3A_497 : i32 to index
      %get3A_500 = vector.load %arg5[%get3A_498, %get3A_499] : memref<8x10240xf32, #tpu.memory_space<vmem>>, vector<8x512xf32>
      %mul3A_501 = arith.mulf %get3A_500, %get3A_500 : vector<8x512xf32>
      %reduce_sum3A_502 = arith.constant dense<0.000000e+00> : vector<512xf32>
      %reduce_sum3A_503 = vector.multi_reduction <add>, %mul3A_501, %reduce_sum3A_502 [0] : vector<8x512xf32> to vector<512xf32>
      %broadcast_in_dim3A_504 = vector.shape_cast %reduce_sum3A_503 : vector<512xf32> to vector<1x512xf32>
      %get3A_505 = arith.constant 0 : index
      %get3A_506 = arith.index_cast %mul3A_497 : i32 to index
      %get3A_507 = vector.load %arg6[%get3A_505, %get3A_506] : memref<1x10240xi32, #tpu.memory_space<vmem>>, vector<1x512xi32>
      %add3A_508 = vector.broadcast %broadcast_in_dim3A : vector<128x1xf32> to vector<128x512xf32>
      %add3A_509 = vector.broadcast %broadcast_in_dim3A_504 : vector<1x512xf32> to vector<128x512xf32>
      %add3A_510 = arith.addf %add3A_508, %add3A_509 : vector<128x512xf32>
      %dot_general3A = arith.constant dense<0.000000e+00> : vector<128x512xf32>
      %dot_general3A_511 = tpu.matmul %get3A_2, %get3A_500, %dot_general3A {dimension_numbers = #tpu.dot_dimension_numbers<[1], [0], [0], [1], [0, 0, 1, 1], [], []>, transpose_lhs_hint = false} : vector<128x8xf32>, vector<8x512xf32>, vector<128x512xf32> -> vector<128x512xf32>
      %mul3A_512 = arith.constant 2.000000e+00 : f32
      %mul3A_513 = vector.broadcast %mul3A_512 : f32 to vector<128x512xf32>
      %mul3A_514 = arith.mulf %mul3A_513, %dot_general3A_511 : vector<128x512xf32>
      %sub3A = arith.subf %add3A_510, %mul3A_514 : vector<128x512xf32>
      %max3A = arith.constant 0.000000e+00 : f32
      %max3A_515 = vector.broadcast %max3A : f32 to vector<128x512xf32>
      %max3A_516 = arith.maximumf %sub3A, %max3A_515 : vector<128x512xf32>
      %iota3A_517 = tpu.iota {dimensions = array<i32: 1>} : vector<128x512xi32>
      %add3A_518 = vector.broadcast %mul3A_497 : i32 to vector<128x512xi32>
      %add3A_519 = arith.addi %add3A_518, %iota3A_517 : vector<128x512xi32>
      %eq3A = vector.broadcast %get3A_9 : vector<128x1xi32> to vector<128x512xi32>
      %eq3A_520 = vector.broadcast %get3A_507 : vector<1x512xi32> to vector<128x512xi32>
      %eq3A_521 = arith.cmpi eq, %eq3A, %eq3A_520 : vector<128x512xi32>
      %ne3A = vector.broadcast %add3A_10 : vector<128x1xi32> to vector<128x512xi32>
      %ne3A_522 = arith.cmpi ne, %ne3A, %add3A_519 : vector<128x512xi32>
      %and3A_523 = arith.andi %eq3A_521, %ne3A_522 : vector<128x512xi1>
      %le3A = arith.constant 2.500000e+01 : f32
      %le3A_524 = vector.broadcast %le3A : f32 to vector<128x512xf32>
      %le3A_525 = arith.cmpf ole, %max3A_516, %le3A_524 : vector<128x512xf32>
      %and3A_526 = arith.andi %and3A_523, %le3A_525 : vector<128x512xi1>
      %jit3A_527 = arith.constant 1.000000e+30 : f32
      %broadcast_in_dim3A_528 = vector.broadcast %jit3A_527 : f32 to vector<128x512xf32>
      %select_n3A_529 = arith.select %and3A_526, %max3A_516, %broadcast_in_dim3A_528 : vector<128x512xi1>, vector<128x512xf32>
      %swap3A_530 = arith.constant 0 : index
      %swap3A_531 = arith.index_cast %mul3A_497 : i32 to index
      %swap3A_532 = vector.load %arg10[%swap3A_530, %swap3A_531] : memref<128x10240xf32, #tpu.memory_space<vmem>>, vector<128x512xf32>
      tpu.vector_store %arg10[%swap3A_530, %swap3A_531], %select_n3A_529 {strides = array<i32>} : memref<128x10240xf32, #tpu.memory_space<vmem>>, vector<128x512xf32>,
    }
    %while3A_22 = arith.constant 1 : i32
    scf.for %while3A_495 = %while3A_20 to %while3A_16 step %while3A_22  : i32 {
      %mul3A_496 = arith.constant 512 : i32
      %mul3A_497 = arith.muli %while3A_495, %mul3A_496 : i32
      %get3A_498 = arith.constant 0 : index
      %get3A_499 = arith.index_cast %mul3A_497 : i32 to index
      %get3A_500 = vector.load %arg5[%get3A_498, %get3A_499] : memref<8x10240xf32, #tpu.memory_space<vmem>>, vector<8x512xf32>
      %mul3A_501 = arith.mulf %get3A_500, %get3A_500 : vector<8x512xf32>
      %reduce_sum3A_502 = arith.constant dense<0.000000e+00> : vector<512xf32>
      %reduce_sum3A_503 = vector.multi_reduction <add>, %mul3A_501, %reduce_sum3A_502 [0] : vector<8x512xf32> to vector<512xf32>
      %broadcast_in_dim3A_504 = vector.shape_cast %reduce_sum3A_503 : vector<512xf32> to vector<1x512xf32>
      %get3A_505 = arith.constant 0 : index
      %get3A_506 = arith.index_cast %mul3A_497 : i32 to index
      %get3A_507 = vector.load %arg6[%get3A_505, %get3A_506] : memref<1x10240xi32, #tpu.memory_space<vmem>>, vector<1x512xi32>
      %add3A_508 = vector.broadcast %broadcast_in_dim3A : vector<128x1xf32> to vector<128x512xf32>
      %add3A_509 = vector.broadcast %broadcast_in_dim3A_504 : vector<1x512xf32> to vector<128x512xf32>
      %add3A_510 = arith.addf %add3A_508, %add3A_509 : vector<128x512xf32>
      %dot_general3A = arith.constant dense<0.000000e+00> : vector<128x512xf32>
      %dot_general3A_511 = tpu.matmul %get3A_2, %get3A_500, %dot_general3A {dimension_numbers = #tpu.dot_dimension_numbers<[1], [0], [0], [1], [0, 0, 1, 1], [], []>, transpose_lhs_hint = false} : vector<128x8xf32>, vector<8x512xf32>, vector<128x512xf32> -> vector<128x512xf32>
      %mul3A_512 = arith.constant 2.000000e+00 : f32
      %mul3A_513 = vector.broadcast %mul3A_512 : f32 to vector<128x512xf32>
      %mul3A_514 = arith.mulf %mul3A_513, %dot_general3A_511 : vector<128x512xf32>
      %sub3A = arith.subf %add3A_510, %mul3A_514 : vector<128x512xf32>
      %max3A = arith.constant 0.000000e+00 : f32
      %max3A_515 = vector.broadcast %max3A : f32 to vector<128x512xf32>
      %max3A_516 = arith.maximumf %sub3A, %max3A_515 : vector<128x512xf32>
      %iota3A_517 = tpu.iota {dimensions = array<i32: 1>} : vector<128x512xi32>
      %add3A_518 = vector.broadcast %mul3A_497 : i32 to vector<128x512xi32>
      %add3A_519 = arith.addi %add3A_518, %iota3A_517 : vector<128x512xi32>
      %eq3A = vector.broadcast %get3A_9 : vector<128x1xi32> to vector<128x512xi32>
      %eq3A_520 = vector.broadcast %get3A_507 : vector<1x512xi32> to vector<128x512xi32>
      %eq3A_521 = arith.cmpi eq, %eq3A, %eq3A_520 : vector<128x512xi32>
      %ne3A = vector.broadcast %add3A_10 : vector<128x1xi32> to vector<128x512xi32>
      %ne3A_522 = arith.cmpi ne, %ne3A, %add3A_519 : vector<128x512xi32>
      %and3A_523 = arith.andi %eq3A_521, %ne3A_522 : vector<128x512xi1>
      %le3A = arith.constant 2.500000e+01 : f32
      %le3A_524 = vector.broadcast %le3A : f32 to vector<128x512xf32>
      %le3A_525 = arith.cmpf ole, %max3A_516, %le3A_524 : vector<128x512xf32>
      %and3A_526 = arith.andi %and3A_523, %le3A_525 : vector<128x512xi1>
      %jit3A_527 = arith.constant 1.000000e+30 : f32
      %broadcast_in_dim3A_528 = vector.broadcast %jit3A_527 : f32 to vector<128x512xf32>
      %select_n3A_529 = arith.select %and3A_526, %max3A_516, %broadcast_in_dim3A_528 : vector<128x512xi1>, vector<128x512xf32>
      %swap3A_530 = arith.constant 0 : index
      %swap3A_531 = arith.index_cast %mul3A_497 : i32 to index
      %swap3A_532 = vector.load %arg10[%swap3A_530, %swap3A_531] : memref<128x10240xf32, #tpu.memory_space<vmem>>, vector<128x512xf32>
      tpu.vector_store %arg10[%swap3A_530, %swap3A_531], %select_n3A_529 {strides = array<i32>} : memref<128x10240xf32, #tpu.memory_space<vmem>>, vector<128x512xf32>,
    }
    %broadcast_in_dim3A_23 = arith.constant -1.000000e+00 : f32
    %broadcast_in_dim3A_24 = vector.broadcast %broadcast_in_dim3A_23 : f32 to vector<128x1xf32>
    %broadcast_in_dim3A_25 = arith.constant -1 : i32
    %broadcast_in_dim3A_26 = vector.broadcast %broadcast_in_dim3A_25 : i32 to vector<128x1xi32>
    %broadcast_in_dim3A_27 = arith.constant 1.000000e+30 : f32
    %broadcast_in_dim3A_28 = vector.broadcast %broadcast_in_dim3A_27 : f32 to vector<128x1xf32>
    %broadcast_in_dim3A_29 = arith.constant 0 : i32
    %broadcast_in_dim3A_30 = vector.broadcast %broadcast_in_dim3A_29 : i32 to vector<128x1xi32>
    %while3A_31 = arith.subi %get3A_14, %get3A_12 : i32
    %while3A_32 = arith.addi %get3A_12, %while3A_31 : i32
    %while3A_33 = arith.constant 1 : i32
    %while3A_34 = arith.divsi %while3A_31, %while3A_33 : i32
    %while3A_35 = arith.muli %while3A_34, %while3A_33 : i32
    %while3A_36 = arith.addi %get3A_12, %while3A_35 : i32
    %while3A_37 = arith.constant 1 : i32
    %while3A_38:2 = scf.for %while3A_495 = %get3A_12 to %while3A_36 step %while3A_37 iter_args(%while3A_496 = %broadcast_in_dim3A_28, %while3A_497 = %broadcast_in_dim3A_30) -> (vector<128x1xf32>, vector<128x1xi32>)  : i32 {
      %mul3A_498 = arith.constant 512 : i32
      %mul3A_499 = arith.muli %while3A_495, %mul3A_498 : i32
      %get3A_500 = arith.constant 0 : index
      %get3A_501 = arith.index_cast %mul3A_499 : i32 to index
      %get3A_502 = vector.load %arg10[%get3A_500, %get3A_501] : memref<128x10240xf32, #tpu.memory_space<vmem>>, vector<128x512xf32>
      %iota3A_503 = tpu.iota {dimensions = array<i32: 1>} : vector<128x512xi32>
      %add3A_504 = vector.broadcast %mul3A_499 : i32 to vector<128x512xi32>
      %add3A_505 = arith.addi %add3A_504, %iota3A_503 : vector<128x512xi32>
      %gt3A = vector.broadcast %broadcast_in_dim3A_24 : vector<128x1xf32> to vector<128x512xf32>
      %gt3A_506 = arith.cmpf ogt, %get3A_502, %gt3A : vector<128x512xf32>
      %eq3A = vector.broadcast %broadcast_in_dim3A_24 : vector<128x1xf32> to vector<128x512xf32>
      %eq3A_507 = arith.cmpf oeq, %get3A_502, %eq3A : vector<128x512xf32>
      %gt3A_508 = vector.broadcast %broadcast_in_dim3A_26 : vector<128x1xi32> to vector<128x512xi32>
      %gt3A_509 = arith.cmpi sgt, %add3A_505, %gt3A_508 : vector<128x512xi32>
      %and3A_510 = arith.andi %eq3A_507, %gt3A_509 : vector<128x512xi1>
      %or3A = arith.ori %gt3A_506, %and3A_510 : vector<128x512xi1>
      %jit3A_511 = arith.constant 1.000000e+30 : f32
      %broadcast_in_dim3A_512 = vector.broadcast %jit3A_511 : f32 to vector<128x512xf32>
      %select_n3A_513 = arith.select %or3A, %get3A_502, %broadcast_in_dim3A_512 : vector<128x512xi1>, vector<128x512xf32>
      %reduce_min3A = arith.constant dense<0x7F800000> : vector<128xf32>
      %reduce_min3A_514 = vector.multi_reduction <minimumf>, %select_n3A_513, %reduce_min3A [1] : vector<128x512xf32> to vector<128xf32>
      %broadcast_in_dim3A_515 = vector.shape_cast %reduce_min3A_514 : vector<128xf32> to vector<128x1xf32>
      %eq3A_516 = vector.broadcast %broadcast_in_dim3A_515 : vector<128x1xf32> to vector<128x512xf32>
      %eq3A_517 = arith.cmpf oeq, %select_n3A_513, %eq3A_516 : vector<128x512xf32>
      %jit3A_518 = arith.constant 10240 : i32
      %broadcast_in_dim3A_519 = vector.broadcast %jit3A_518 : i32 to vector<128x512xi32>
      %select_n3A_520 = arith.select %eq3A_517, %add3A_505, %broadcast_in_dim3A_519 : vector<128x512xi1>, vector<128x512xi32>
      %reduce_min3A_521 = arith.constant dense<2147483647> : vector<128xi32>
      %reduce_min3A_522 = vector.multi_reduction <minsi>, %select_n3A_520, %reduce_min3A_521 [1] : vector<128x512xi32> to vector<128xi32>
      %broadcast_in_dim3A_523 = vector.shape_cast %reduce_min3A_522 : vector<128xi32> to vector<128x1xi32>
      %lt3A_524 = arith.cmpf olt, %broadcast_in_dim3A_515, %while3A_496 : vector<128x1xf32>
      %select_n3A_525 = arith.select %lt3A_524, %broadcast_in_dim3A_515, %while3A_496 : vector<128x1xi1>, vector<128x1xf32>
      %select_n3A_526 = arith.select %lt3A_524, %broadcast_in_dim3A_523, %while3A_497 : vector<128x1xi1>, vector<128x1xi32>
      scf.yield %select_n3A_525, %select_n3A_526 : vector<128x1xf32>, vector<128x1xi32>
    }
    %while3A_39 = arith.constant 1 : i32
    %while3A_40:2 = scf.for %while3A_495 = %while3A_36 to %while3A_32 step %while3A_39 iter_args(%while3A_496 = %while3A_38#0, %while3A_497 = %while3A_38#1) -> (vector<128x1xf32>, vector<128x1xi32>)  : i32 {
      %mul3A_498 = arith.constant 512 : i32
      %mul3A_499 = arith.muli %while3A_495, %mul3A_498 : i32
      %get3A_500 = arith.constant 0 : index
      %get3A_501 = arith.index_cast %mul3A_499 : i32 to index
      %get3A_502 = vector.load %arg10[%get3A_500, %get3A_501] : memref<128x10240xf32, #tpu.memory_space<vmem>>, vector<128x512xf32>
      %iota3A_503 = tpu.iota {dimensions = array<i32: 1>} : vector<128x512xi32>
      %add3A_504 = vector.broadcast %mul3A_499 : i32 to vector<128x512xi32>
      %add3A_505 = arith.addi %add3A_504, %iota3A_503 : vector<128x512xi32>
      %gt3A = vector.broadcast %broadcast_in_dim3A_24 : vector<128x1xf32> to vector<128x512xf32>
      %gt3A_506 = arith.cmpf ogt, %get3A_502, %gt3A : vector<128x512xf32>
      %eq3A = vector.broadcast %broadcast_in_dim3A_24 : vector<128x1xf32> to vector<128x512xf32>
      %eq3A_507 = arith.cmpf oeq, %get3A_502, %eq3A : vector<128x512xf32>
      %gt3A_508 = vector.broadcast %broadcast_in_dim3A_26 : vector<128x1xi32> to vector<128x512xi32>
      %gt3A_509 = arith.cmpi sgt, %add3A_505, %gt3A_508 : vector<128x512xi32>
      %and3A_510 = arith.andi %eq3A_507, %gt3A_509 : vector<128x512xi1>
      %or3A = arith.ori %gt3A_506, %and3A_510 : vector<128x512xi1>
      %jit3A_511 = arith.constant 1.000000e+30 : f32
      %broadcast_in_dim3A_512 = vector.broadcast %jit3A_511 : f32 to vector<128x512xf32>
      %select_n3A_513 = arith.select %or3A, %get3A_502, %broadcast_in_dim3A_512 : vector<128x512xi1>, vector<128x512xf32>
      %reduce_min3A = arith.constant dense<0x7F800000> : vector<128xf32>
      %reduce_min3A_514 = vector.multi_reduction <minimumf>, %select_n3A_513, %reduce_min3A [1] : vector<128x512xf32> to vector<128xf32>
      %broadcast_in_dim3A_515 = vector.shape_cast %reduce_min3A_514 : vector<128xf32> to vector<128x1xf32>
      %eq3A_516 = vector.broadcast %broadcast_in_dim3A_515 : vector<128x1xf32> to vector<128x512xf32>
      %eq3A_517 = arith.cmpf oeq, %select_n3A_513, %eq3A_516 : vector<128x512xf32>
      %jit3A_518 = arith.constant 10240 : i32
      %broadcast_in_dim3A_519 = vector.broadcast %jit3A_518 : i32 to vector<128x512xi32>
      %select_n3A_520 = arith.select %eq3A_517, %add3A_505, %broadcast_in_dim3A_519 : vector<128x512xi1>, vector<128x512xi32>
      %reduce_min3A_521 = arith.constant dense<2147483647> : vector<128xi32>
      %reduce_min3A_522 = vector.multi_reduction <minsi>, %select_n3A_520, %reduce_min3A_521 [1] : vector<128x512xi32> to vector<128xi32>
      %broadcast_in_dim3A_523 = vector.shape_cast %reduce_min3A_522 : vector<128xi32> to vector<128x1xi32>
      %lt3A_524 = arith.cmpf olt, %broadcast_in_dim3A_515, %while3A_496 : vector<128x1xf32>
      %select_n3A_525 = arith.select %lt3A_524, %broadcast_in_dim3A_515, %while3A_496 : vector<128x1xi1>, vector<128x1xf32>
      %select_n3A_526 = arith.select %lt3A_524, %broadcast_in_dim3A_523, %while3A_497 : vector<128x1xi1>, vector<128x1xi32>
      scf.yield %select_n3A_525, %select_n3A_526 : vector<128x1xf32>, vector<128x1xi32>
    }
    %broadcast_in_dim3A_41 = arith.constant 1.000000e+30 : f32
    %broadcast_in_dim3A_42 = vector.broadcast %broadcast_in_dim3A_41 : f32 to vector<128x1xf32>
    %broadcast_in_dim3A_43 = arith.constant 0 : i32
    %broadcast_in_dim3A_44 = vector.broadcast %broadcast_in_dim3A_43 : i32 to vector<128x1xi32>
    %while3A_45 = arith.subi %get3A_14, %get3A_12 : i32
    %while3A_46 = arith.addi %get3A_12, %while3A_45 : i32
    %while3A_47 = arith.constant 1 : i32
    %while3A_48 = arith.divsi %while3A_45, %while3A_47 : i32
    %while3A_49 = arith.muli %while3A_48, %while3A_47 : i32
    %while3A_50 = arith.addi %get3A_12, %while3A_49 : i32
    %while3A_51 = arith.constant 1 : i32
    %while3A_52:2 = scf.for %while3A_495 = %get3A_12 to %while3A_50 step %while3A_51 iter_args(%while3A_496 = %broadcast_in_dim3A_42, %while3A_497 = %broadcast_in_dim3A_44) -> (vector<128x1xf32>, vector<128x1xi32>)  : i32 {
      %mul3A_498 = arith.constant 512 : i32
      %mul3A_499 = arith.muli %while3A_495, %mul3A_498 : i32
      %get3A_500 = arith.constant 0 : index
      %get3A_501 = arith.index_cast %mul3A_499 : i32 to index
      %get3A_502 = vector.load %arg10[%get3A_500, %get3A_501] : memref<128x10240xf32, #tpu.memory_space<vmem>>, vector<128x512xf32>
      %iota3A_503 = tpu.iota {dimensions = array<i32: 1>} : vector<128x512xi32>
      %add3A_504 = vector.broadcast %mul3A_499 : i32 to vector<128x512xi32>
      %add3A_505 = arith.addi %add3A_504, %iota3A_503 : vector<128x512xi32>
      %gt3A = vector.broadcast %while3A_40#0 : vector<128x1xf32> to vector<128x512xf32>
      %gt3A_506 = arith.cmpf ogt, %get3A_502, %gt3A : vector<128x512xf32>
      %eq3A = vector.broadcast %while3A_40#0 : vector<128x1xf32> to vector<128x512xf32>
      %eq3A_507 = arith.cmpf oeq, %get3A_502, %eq3A : vector<128x512xf32>
      %gt3A_508 = vector.broadcast %while3A_40#1 : vector<128x1xi32> to vector<128x512xi32>
      %gt3A_509 = arith.cmpi sgt, %add3A_505, %gt3A_508 : vector<128x512xi32>
      %and3A_510 = arith.andi %eq3A_507, %gt3A_509 : vector<128x512xi1>
      %or3A = arith.ori %gt3A_506, %and3A_510 : vector<128x512xi1>
      %jit3A_511 = arith.constant 1.000000e+30 : f32
      %broadcast_in_dim3A_512 = vector.broadcast %jit3A_511 : f32 to vector<128x512xf32>
      %select_n3A_513 = arith.select %or3A, %get3A_502, %broadcast_in_dim3A_512 : vector<128x512xi1>, vector<128x512xf32>
      %reduce_min3A = arith.constant dense<0x7F800000> : vector<128xf32>
      %reduce_min3A_514 = vector.multi_reduction <minimumf>, %select_n3A_513, %reduce_min3A [1] : vector<128x512xf32> to vector<128xf32>
      %broadcast_in_dim3A_515 = vector.shape_cast %reduce_min3A_514 : vector<128xf32> to vector<128x1xf32>
      %eq3A_516 = vector.broadcast %broadcast_in_dim3A_515 : vector<128x1xf32> to vector<128x512xf32>
      %eq3A_517 = arith.cmpf oeq, %select_n3A_513, %eq3A_516 : vector<128x512xf32>
      %jit3A_518 = arith.constant 10240 : i32
      %broadcast_in_dim3A_519 = vector.broadcast %jit3A_518 : i32 to vector<128x512xi32>
      %select_n3A_520 = arith.select %eq3A_517, %add3A_505, %broadcast_in_dim3A_519 : vector<128x512xi1>, vector<128x512xi32>
      %reduce_min3A_521 = arith.constant dense<2147483647> : vector<128xi32>
      %reduce_min3A_522 = vector.multi_reduction <minsi>, %select_n3A_520, %reduce_min3A_521 [1] : vector<128x512xi32> to vector<128xi32>
      %broadcast_in_dim3A_523 = vector.shape_cast %reduce_min3A_522 : vector<128xi32> to vector<128x1xi32>
      %lt3A_524 = arith.cmpf olt, %broadcast_in_dim3A_515, %while3A_496 : vector<128x1xf32>
      %select_n3A_525 = arith.select %lt3A_524, %broadcast_in_dim3A_515, %while3A_496 : vector<128x1xi1>, vector<128x1xf32>
      %select_n3A_526 = arith.select %lt3A_524, %broadcast_in_dim3A_523, %while3A_497 : vector<128x1xi1>, vector<128x1xi32>
      scf.yield %select_n3A_525, %select_n3A_526 : vector<128x1xf32>, vector<128x1xi32>
    }
    %while3A_53 = arith.constant 1 : i32
    %while3A_54:2 = scf.for %while3A_495 = %while3A_50 to %while3A_46 step %while3A_53 iter_args(%while3A_496 = %while3A_52#0, %while3A_497 = %while3A_52#1) -> (vector<128x1xf32>, vector<128x1xi32>)  : i32 {
      %mul3A_498 = arith.constant 512 : i32
      %mul3A_499 = arith.muli %while3A_495, %mul3A_498 : i32
      %get3A_500 = arith.constant 0 : index
      %get3A_501 = arith.index_cast %mul3A_499 : i32 to index
      %get3A_502 = vector.load %arg10[%get3A_500, %get3A_501] : memref<128x10240xf32, #tpu.memory_space<vmem>>, vector<128x512xf32>
      %iota3A_503 = tpu.iota {dimensions = array<i32: 1>} : vector<128x512xi32>
      %add3A_504 = vector.broadcast %mul3A_499 : i32 to vector<128x512xi32>
      %add3A_505 = arith.addi %add3A_504, %iota3A_503 : vector<128x512xi32>
      %gt3A = vector.broadcast %while3A_40#0 : vector<128x1xf32> to vector<128x512xf32>
      %gt3A_506 = arith.cmpf ogt, %get3A_502, %gt3A : vector<128x512xf32>
      %eq3A = vector.broadcast %while3A_40#0 : vector<128x1xf32> to vector<128x512xf32>
      %eq3A_507 = arith.cmpf oeq, %get3A_502, %eq3A : vector<128x512xf32>
      %gt3A_508 = vector.broadcast %while3A_40#1 : vector<128x1xi32> to vector<128x512xi32>
      %gt3A_509 = arith.cmpi sgt, %add3A_505, %gt3A_508 : vector<128x512xi32>
      %and3A_510 = arith.andi %eq3A_507, %gt3A_509 : vector<128x512xi1>
      %or3A = arith.ori %gt3A_506, %and3A_510 : vector<128x512xi1>
      %jit3A_511 = arith.constant 1.000000e+30 : f32
      %broadcast_in_dim3A_512 = vector.broadcast %jit3A_511 : f32 to vector<128x512xf32>
      %select_n3A_513 = arith.select %or3A, %get3A_502, %broadcast_in_dim3A_512 : vector<128x512xi1>, vector<128x512xf32>
      %reduce_min3A = arith.constant dense<0x7F800000> : vector<128xf32>
      %reduce_min3A_514 = vector.multi_reduction <minimumf>, %select_n3A_513, %reduce_min3A [1] : vector<128x512xf32> to vector<128xf32>
      %broadcast_in_dim3A_515 = vector.shape_cast %reduce_min3A_514 : vector<128xf32> to vector<128x1xf32>
      %eq3A_516 = vector.broadcast %broadcast_in_dim3A_515 : vector<128x1xf32> to vector<128x512xf32>
      %eq3A_517 = arith.cmpf oeq, %select_n3A_513, %eq3A_516 : vector<128x512xf32>
      %jit3A_518 = arith.constant 10240 : i32
      %broadcast_in_dim3A_519 = vector.broadcast %jit3A_518 : i32 to vector<128x512xi32>
      %select_n3A_520 = arith.select %eq3A_517, %add3A_505, %broadcast_in_dim3A_519 : vector<128x512xi1>, vector<128x512xi32>
      %reduce_min3A_521 = arith.constant dense<2147483647> : vector<128xi32>
      %reduce_min3A_522 = vector.multi_reduction <minsi>, %select_n3A_520, %reduce_min3A_521 [1] : vector<128x512xi32> to vector<128xi32>
      %broadcast_in_dim3A_523 = vector.shape_cast %reduce_min3A_522 : vector<128xi32> to vector<128x1xi32>
      %lt3A_524 = arith.cmpf olt, %broadcast_in_dim3A_515, %while3A_496 : vector<128x1xf32>
      %select_n3A_525 = arith.select %lt3A_524, %broadcast_in_dim3A_515, %while3A_496 : vector<128x1xi1>, vector<128x1xf32>
      %select_n3A_526 = arith.select %lt3A_524, %broadcast_in_dim3A_523, %while3A_497 : vector<128x1xi1>, vector<128x1xi32>
      scf.yield %select_n3A_525, %select_n3A_526 : vector<128x1xf32>, vector<128x1xi32>
    }
    %broadcast_in_dim3A_55 = arith.constant 1.000000e+30 : f32
    %broadcast_in_dim3A_56 = vector.broadcast %broadcast_in_dim3A_55 : f32 to vector<128x1xf32>
    %broadcast_in_dim3A_57 = arith.constant 0 : i32
    %broadcast_in_dim3A_58 = vector.broadcast %broadcast_in_dim3A_57 : i32 to vector<128x1xi32>
    %while3A_59 = arith.subi %get3A_14, %get3A_12 : i32
    %while3A_60 = arith.addi %get3A_12, %while3A_59 : i32
    %while3A_61 = arith.constant 1 : i32
    %while3A_62 = arith.divsi %while3A_59, %while3A_61 : i32
    %while3A_63 = arith.muli %while3A_62, %while3A_61 : i32
    %while3A_64 = arith.addi %get3A_12, %while3A_63 : i32
    %while3A_65 = arith.constant 1 : i32
    %while3A_66:2 = scf.for %while3A_495 = %get3A_12 to %while3A_64 step %while3A_65 iter_args(%while3A_496 = %broadcast_in_dim3A_56, %while3A_497 = %broadcast_in_dim3A_58) -> (vector<128x1xf32>, vector<128x1xi32>)  : i32 {
      %mul3A_498 = arith.constant 512 : i32
      %mul3A_499 = arith.muli %while3A_495, %mul3A_498 : i32
      %get3A_500 = arith.constant 0 : index
      %get3A_501 = arith.index_cast %mul3A_499 : i32 to index
      %get3A_502 = vector.load %arg10[%get3A_500, %get3A_501] : memref<128x10240xf32, #tpu.memory_space<vmem>>, vector<128x512xf32>
      %iota3A_503 = tpu.iota {dimensions = array<i32: 1>} : vector<128x512xi32>
      %add3A_504 = vector.broadcast %mul3A_499 : i32 to vector<128x512xi32>
      %add3A_505 = arith.addi %add3A_504, %iota3A_503 : vector<128x512xi32>
      %gt3A = vector.broadcast %while3A_54#0 : vector<128x1xf32> to vector<128x512xf32>
      %gt3A_506 = arith.cmpf ogt, %get3A_502, %gt3A : vector<128x512xf32>
      %eq3A = vector.broadcast %while3A_54#0 : vector<128x1xf32> to vector<128x512xf32>
      %eq3A_507 = arith.cmpf oeq, %get3A_502, %eq3A : vector<128x512xf32>
      %gt3A_508 = vector.broadcast %while3A_54#1 : vector<128x1xi32> to vector<128x512xi32>
      %gt3A_509 = arith.cmpi sgt, %add3A_505, %gt3A_508 : vector<128x512xi32>
      %and3A_510 = arith.andi %eq3A_507, %gt3A_509 : vector<128x512xi1>
      %or3A = arith.ori %gt3A_506, %and3A_510 : vector<128x512xi1>
      %jit3A_511 = arith.constant 1.000000e+30 : f32
      %broadcast_in_dim3A_512 = vector.broadcast %jit3A_511 : f32 to vector<128x512xf32>
      %select_n3A_513 = arith.select %or3A, %get3A_502, %broadcast_in_dim3A_512 : vector<128x512xi1>, vector<128x512xf32>
      %reduce_min3A = arith.constant dense<0x7F800000> : vector<128xf32>
      %reduce_min3A_514 = vector.multi_reduction <minimumf>, %select_n3A_513, %reduce_min3A [1] : vector<128x512xf32> to vector<128xf32>
      %broadcast_in_dim3A_515 = vector.shape_cast %reduce_min3A_514 : vector<128xf32> to vector<128x1xf32>
      %eq3A_516 = vector.broadcast %broadcast_in_dim3A_515 : vector<128x1xf32> to vector<128x512xf32>
      %eq3A_517 = arith.cmpf oeq, %select_n3A_513, %eq3A_516 : vector<128x512xf32>
      %jit3A_518 = arith.constant 10240 : i32
      %broadcast_in_dim3A_519 = vector.broadcast %jit3A_518 : i32 to vector<128x512xi32>
      %select_n3A_520 = arith.select %eq3A_517, %add3A_505, %broadcast_in_dim3A_519 : vector<128x512xi1>, vector<128x512xi32>
      %reduce_min3A_521 = arith.constant dense<2147483647> : vector<128xi32>
      %reduce_min3A_522 = vector.multi_reduction <minsi>, %select_n3A_520, %reduce_min3A_521 [1] : vector<128x512xi32> to vector<128xi32>
      %broadcast_in_dim3A_523 = vector.shape_cast %reduce_min3A_522 : vector<128xi32> to vector<128x1xi32>
      %lt3A_524 = arith.cmpf olt, %broadcast_in_dim3A_515, %while3A_496 : vector<128x1xf32>
      %select_n3A_525 = arith.select %lt3A_524, %broadcast_in_dim3A_515, %while3A_496 : vector<128x1xi1>, vector<128x1xf32>
      %select_n3A_526 = arith.select %lt3A_524, %broadcast_in_dim3A_523, %while3A_497 : vector<128x1xi1>, vector<128x1xi32>
      scf.yield %select_n3A_525, %select_n3A_526 : vector<128x1xf32>, vector<128x1xi32>
    }
    %while3A_67 = arith.constant 1 : i32
    %while3A_68:2 = scf.for %while3A_495 = %while3A_64 to %while3A_60 step %while3A_67 iter_args(%while3A_496 = %while3A_66#0, %while3A_497 = %while3A_66#1) -> (vector<128x1xf32>, vector<128x1xi32>)  : i32 {
      %mul3A_498 = arith.constant 512 : i32
      %mul3A_499 = arith.muli %while3A_495, %mul3A_498 : i32
      %get3A_500 = arith.constant 0 : index
      %get3A_501 = arith.index_cast %mul3A_499 : i32 to index
      %get3A_502 = vector.load %arg10[%get3A_500, %get3A_501] : memref<128x10240xf32, #tpu.memory_space<vmem>>, vector<128x512xf32>
      %iota3A_503 = tpu.iota {dimensions = array<i32: 1>} : vector<128x512xi32>
      %add3A_504 = vector.broadcast %mul3A_499 : i32 to vector<128x512xi32>
      %add3A_505 = arith.addi %add3A_504, %iota3A_503 : vector<128x512xi32>
      %gt3A = vector.broadcast %while3A_54#0 : vector<128x1xf32> to vector<128x512xf32>
      %gt3A_506 = arith.cmpf ogt, %get3A_502, %gt3A : vector<128x512xf32>
      %eq3A = vector.broadcast %while3A_54#0 : vector<128x1xf32> to vector<128x512xf32>
      %eq3A_507 = arith.cmpf oeq, %get3A_502, %eq3A : vector<128x512xf32>
      %gt3A_508 = vector.broadcast %while3A_54#1 : vector<128x1xi32> to vector<128x512xi32>
      %gt3A_509 = arith.cmpi sgt, %add3A_505, %gt3A_508 : vector<128x512xi32>
      %and3A_510 = arith.andi %eq3A_507, %gt3A_509 : vector<128x512xi1>
      %or3A = arith.ori %gt3A_506, %and3A_510 : vector<128x512xi1>
      %jit3A_511 = arith.constant 1.000000e+30 : f32
      %broadcast_in_dim3A_512 = vector.broadcast %jit3A_511 : f32 to vector<128x512xf32>
      %select_n3A_513 = arith.select %or3A, %get3A_502, %broadcast_in_dim3A_512 : vector<128x512xi1>, vector<128x512xf32>
      %reduce_min3A = arith.constant dense<0x7F800000> : vector<128xf32>
      %reduce_min3A_514 = vector.multi_reduction <minimumf>, %select_n3A_513, %reduce_min3A [1] : vector<128x512xf32> to vector<128xf32>
      %broadcast_in_dim3A_515 = vector.shape_cast %reduce_min3A_514 : vector<128xf32> to vector<128x1xf32>
      %eq3A_516 = vector.broadcast %broadcast_in_dim3A_515 : vector<128x1xf32> to vector<128x512xf32>
      %eq3A_517 = arith.cmpf oeq, %select_n3A_513, %eq3A_516 : vector<128x512xf32>
      %jit3A_518 = arith.constant 10240 : i32
      %broadcast_in_dim3A_519 = vector.broadcast %jit3A_518 : i32 to vector<128x512xi32>
      %select_n3A_520 = arith.select %eq3A_517, %add3A_505, %broadcast_in_dim3A_519 : vector<128x512xi1>, vector<128x512xi32>
      %reduce_min3A_521 = arith.constant dense<2147483647> : vector<128xi32>
      %reduce_min3A_522 = vector.multi_reduction <minsi>, %select_n3A_520, %reduce_min3A_521 [1] : vector<128x512xi32> to vector<128xi32>
      %broadcast_in_dim3A_523 = vector.shape_cast %reduce_min3A_522 : vector<128xi32> to vector<128x1xi32>
      %lt3A_524 = arith.cmpf olt, %broadcast_in_dim3A_515, %while3A_496 : vector<128x1xf32>
      %select_n3A_525 = arith.select %lt3A_524, %broadcast_in_dim3A_515, %while3A_496 : vector<128x1xi1>, vector<128x1xf32>
      %select_n3A_526 = arith.select %lt3A_524, %broadcast_in_dim3A_523, %while3A_497 : vector<128x1xi1>, vector<128x1xi32>
      scf.yield %select_n3A_525, %select_n3A_526 : vector<128x1xf32>, vector<128x1xi32>
    }
    %broadcast_in_dim3A_69 = arith.constant 1.000000e+30 : f32
    %broadcast_in_dim3A_70 = vector.broadcast %broadcast_in_dim3A_69 : f32 to vector<128x1xf32>
    %broadcast_in_dim3A_71 = arith.constant 0 : i32
    %broadcast_in_dim3A_72 = vector.broadcast %broadcast_in_dim3A_71 : i32 to vector<128x1xi32>
    %while3A_73 = arith.subi %get3A_14, %get3A_12 : i32
    %while3A_74 = arith.addi %get3A_12, %while3A_73 : i32
    %while3A_75 = arith.constant 1 : i32
    %while3A_76 = arith.divsi %while3A_73, %while3A_75 : i32
    %while3A_77 = arith.muli %while3A_76, %while3A_75 : i32
    %while3A_78 = arith.addi %get3A_12, %while3A_77 : i32
    %while3A_79 = arith.constant 1 : i32
    %while3A_80:2 = scf.for %while3A_495 = %get3A_12 to %while3A_78 step %while3A_79 iter_args(%while3A_496 = %broadcast_in_dim3A_70, %while3A_497 = %broadcast_in_dim3A_72) -> (vector<128x1xf32>, vector<128x1xi32>)  : i32 {
      %mul3A_498 = arith.constant 512 : i32
      %mul3A_499 = arith.muli %while3A_495, %mul3A_498 : i32
      %get3A_500 = arith.constant 0 : index
      %get3A_501 = arith.index_cast %mul3A_499 : i32 to index
      %get3A_502 = vector.load %arg10[%get3A_500, %get3A_501] : memref<128x10240xf32, #tpu.memory_space<vmem>>, vector<128x512xf32>
      %iota3A_503 = tpu.iota {dimensions = array<i32: 1>} : vector<128x512xi32>
      %add3A_504 = vector.broadcast %mul3A_499 : i32 to vector<128x512xi32>
      %add3A_505 = arith.addi %add3A_504, %iota3A_503 : vector<128x512xi32>
      %gt3A = vector.broadcast %while3A_68#0 : vector<128x1xf32> to vector<128x512xf32>
      %gt3A_506 = arith.cmpf ogt, %get3A_502, %gt3A : vector<128x512xf32>
      %eq3A = vector.broadcast %while3A_68#0 : vector<128x1xf32> to vector<128x512xf32>
      %eq3A_507 = arith.cmpf oeq, %get3A_502, %eq3A : vector<128x512xf32>
      %gt3A_508 = vector.broadcast %while3A_68#1 : vector<128x1xi32> to vector<128x512xi32>
      %gt3A_509 = arith.cmpi sgt, %add3A_505, %gt3A_508 : vector<128x512xi32>
      %and3A_510 = arith.andi %eq3A_507, %gt3A_509 : vector<128x512xi1>
      %or3A = arith.ori %gt3A_506, %and3A_510 : vector<128x512xi1>
      %jit3A_511 = arith.constant 1.000000e+30 : f32
      %broadcast_in_dim3A_512 = vector.broadcast %jit3A_511 : f32 to vector<128x512xf32>
      %select_n3A_513 = arith.select %or3A, %get3A_502, %broadcast_in_dim3A_512 : vector<128x512xi1>, vector<128x512xf32>
      %reduce_min3A = arith.constant dense<0x7F800000> : vector<128xf32>
      %reduce_min3A_514 = vector.multi_reduction <minimumf>, %select_n3A_513, %reduce_min3A [1] : vector<128x512xf32> to vector<128xf32>
      %broadcast_in_dim3A_515 = vector.shape_cast %reduce_min3A_514 : vector<128xf32> to vector<128x1xf32>
      %eq3A_516 = vector.broadcast %broadcast_in_dim3A_515 : vector<128x1xf32> to vector<128x512xf32>
      %eq3A_517 = arith.cmpf oeq, %select_n3A_513, %eq3A_516 : vector<128x512xf32>
      %jit3A_518 = arith.constant 10240 : i32
      %broadcast_in_dim3A_519 = vector.broadcast %jit3A_518 : i32 to vector<128x512xi32>
      %select_n3A_520 = arith.select %eq3A_517, %add3A_505, %broadcast_in_dim3A_519 : vector<128x512xi1>, vector<128x512xi32>
      %reduce_min3A_521 = arith.constant dense<2147483647> : vector<128xi32>
      %reduce_min3A_522 = vector.multi_reduction <minsi>, %select_n3A_520, %reduce_min3A_521 [1] : vector<128x512xi32> to vector<128xi32>
      %broadcast_in_dim3A_523 = vector.shape_cast %reduce_min3A_522 : vector<128xi32> to vector<128x1xi32>
      %lt3A_524 = arith.cmpf olt, %broadcast_in_dim3A_515, %while3A_496 : vector<128x1xf32>
      %select_n3A_525 = arith.select %lt3A_524, %broadcast_in_dim3A_515, %while3A_496 : vector<128x1xi1>, vector<128x1xf32>
      %select_n3A_526 = arith.select %lt3A_524, %broadcast_in_dim3A_523, %while3A_497 : vector<128x1xi1>, vector<128x1xi32>
      scf.yield %select_n3A_525, %select_n3A_526 : vector<128x1xf32>, vector<128x1xi32>
    }
    %while3A_81 = arith.constant 1 : i32
    %while3A_82:2 = scf.for %while3A_495 = %while3A_78 to %while3A_74 step %while3A_81 iter_args(%while3A_496 = %while3A_80#0, %while3A_497 = %while3A_80#1) -> (vector<128x1xf32>, vector<128x1xi32>)  : i32 {
      %mul3A_498 = arith.constant 512 : i32
      %mul3A_499 = arith.muli %while3A_495, %mul3A_498 : i32
      %get3A_500 = arith.constant 0 : index
      %get3A_501 = arith.index_cast %mul3A_499 : i32 to index
      %get3A_502 = vector.load %arg10[%get3A_500, %get3A_501] : memref<128x10240xf32, #tpu.memory_space<vmem>>, vector<128x512xf32>
      %iota3A_503 = tpu.iota {dimensions = array<i32: 1>} : vector<128x512xi32>
      %add3A_504 = vector.broadcast %mul3A_499 : i32 to vector<128x512xi32>
      %add3A_505 = arith.addi %add3A_504, %iota3A_503 : vector<128x512xi32>
      %gt3A = vector.broadcast %while3A_68#0 : vector<128x1xf32> to vector<128x512xf32>
      %gt3A_506 = arith.cmpf ogt, %get3A_502, %gt3A : vector<128x512xf32>
      %eq3A = vector.broadcast %while3A_68#0 : vector<128x1xf32> to vector<128x512xf32>
      %eq3A_507 = arith.cmpf oeq, %get3A_502, %eq3A : vector<128x512xf32>
      %gt3A_508 = vector.broadcast %while3A_68#1 : vector<128x1xi32> to vector<128x512xi32>
      %gt3A_509 = arith.cmpi sgt, %add3A_505, %gt3A_508 : vector<128x512xi32>
      %and3A_510 = arith.andi %eq3A_507, %gt3A_509 : vector<128x512xi1>
      %or3A = arith.ori %gt3A_506, %and3A_510 : vector<128x512xi1>
      %jit3A_511 = arith.constant 1.000000e+30 : f32
      %broadcast_in_dim3A_512 = vector.broadcast %jit3A_511 : f32 to vector<128x512xf32>
      %select_n3A_513 = arith.select %or3A, %get3A_502, %broadcast_in_dim3A_512 : vector<128x512xi1>, vector<128x512xf32>
      %reduce_min3A = arith.constant dense<0x7F800000> : vector<128xf32>
      %reduce_min3A_514 = vector.multi_reduction <minimumf>, %select_n3A_513, %reduce_min3A [1] : vector<128x512xf32> to vector<128xf32>
      %broadcast_in_dim3A_515 = vector.shape_cast %reduce_min3A_514 : vector<128xf32> to vector<128x1xf32>
      %eq3A_516 = vector.broadcast %broadcast_in_dim3A_515 : vector<128x1xf32> to vector<128x512xf32>
      %eq3A_517 = arith.cmpf oeq, %select_n3A_513, %eq3A_516 : vector<128x512xf32>
      %jit3A_518 = arith.constant 10240 : i32
      %broadcast_in_dim3A_519 = vector.broadcast %jit3A_518 : i32 to vector<128x512xi32>
      %select_n3A_520 = arith.select %eq3A_517, %add3A_505, %broadcast_in_dim3A_519 : vector<128x512xi1>, vector<128x512xi32>
      %reduce_min3A_521 = arith.constant dense<2147483647> : vector<128xi32>
      %reduce_min3A_522 = vector.multi_reduction <minsi>, %select_n3A_520, %reduce_min3A_521 [1] : vector<128x512xi32> to vector<128xi32>
      %broadcast_in_dim3A_523 = vector.shape_cast %reduce_min3A_522 : vector<128xi32> to vector<128x1xi32>
      %lt3A_524 = arith.cmpf olt, %broadcast_in_dim3A_515, %while3A_496 : vector<128x1xf32>
      %select_n3A_525 = arith.select %lt3A_524, %broadcast_in_dim3A_515, %while3A_496 : vector<128x1xi1>, vector<128x1xf32>
      %select_n3A_526 = arith.select %lt3A_524, %broadcast_in_dim3A_523, %while3A_497 : vector<128x1xi1>, vector<128x1xi32>
      scf.yield %select_n3A_525, %select_n3A_526 : vector<128x1xf32>, vector<128x1xi32>
    }
    %broadcast_in_dim3A_83 = arith.constant 1.000000e+30 : f32
    %broadcast_in_dim3A_84 = vector.broadcast %broadcast_in_dim3A_83 : f32 to vector<128x1xf32>
    %broadcast_in_dim3A_85 = arith.constant 0 : i32
    %broadcast_in_dim3A_86 = vector.broadcast %broadcast_in_dim3A_85 : i32 to vector<128x1xi32>
    %while3A_87 = arith.subi %get3A_14, %get3A_12 : i32
    %while3A_88 = arith.addi %get3A_12, %while3A_87 : i32
    %while3A_89 = arith.constant 1 : i32
    %while3A_90 = arith.divsi %while3A_87, %while3A_89 : i32
    %while3A_91 = arith.muli %while3A_90, %while3A_89 : i32
    %while3A_92 = arith.addi %get3A_12, %while3A_91 : i32
    %while3A_93 = arith.constant 1 : i32
    %while3A_94:2 = scf.for %while3A_495 = %get3A_12 to %while3A_92 step %while3A_93 iter_args(%while3A_496 = %broadcast_in_dim3A_84, %while3A_497 = %broadcast_in_dim3A_86) -> (vector<128x1xf32>, vector<128x1xi32>)  : i32 {
      %mul3A_498 = arith.constant 512 : i32
      %mul3A_499 = arith.muli %while3A_495, %mul3A_498 : i32
      %get3A_500 = arith.constant 0 : index
      %get3A_501 = arith.index_cast %mul3A_499 : i32 to index
      %get3A_502 = vector.load %arg10[%get3A_500, %get3A_501] : memref<128x10240xf32, #tpu.memory_space<vmem>>, vector<128x512xf32>
      %iota3A_503 = tpu.iota {dimensions = array<i32: 1>} : vector<128x512xi32>
      %add3A_504 = vector.broadcast %mul3A_499 : i32 to vector<128x512xi32>
      %add3A_505 = arith.addi %add3A_504, %iota3A_503 : vector<128x512xi32>
      %gt3A = vector.broadcast %while3A_82#0 : vector<128x1xf32> to vector<128x512xf32>
      %gt3A_506 = arith.cmpf ogt, %get3A_502, %gt3A : vector<128x512xf32>
      %eq3A = vector.broadcast %while3A_82#0 : vector<128x1xf32> to vector<128x512xf32>
      %eq3A_507 = arith.cmpf oeq, %get3A_502, %eq3A : vector<128x512xf32>
      %gt3A_508 = vector.broadcast %while3A_82#1 : vector<128x1xi32> to vector<128x512xi32>
      %gt3A_509 = arith.cmpi sgt, %add3A_505, %gt3A_508 : vector<128x512xi32>
      %and3A_510 = arith.andi %eq3A_507, %gt3A_509 : vector<128x512xi1>
      %or3A = arith.ori %gt3A_506, %and3A_510 : vector<128x512xi1>
      %jit3A_511 = arith.constant 1.000000e+30 : f32
      %broadcast_in_dim3A_512 = vector.broadcast %jit3A_511 : f32 to vector<128x512xf32>
      %select_n3A_513 = arith.select %or3A, %get3A_502, %broadcast_in_dim3A_512 : vector<128x512xi1>, vector<128x512xf32>
      %reduce_min3A = arith.constant dense<0x7F800000> : vector<128xf32>
      %reduce_min3A_514 = vector.multi_reduction <minimumf>, %select_n3A_513, %reduce_min3A [1] : vector<128x512xf32> to vector<128xf32>
      %broadcast_in_dim3A_515 = vector.shape_cast %reduce_min3A_514 : vector<128xf32> to vector<128x1xf32>
      %eq3A_516 = vector.broadcast %broadcast_in_dim3A_515 : vector<128x1xf32> to vector<128x512xf32>
      %eq3A_517 = arith.cmpf oeq, %select_n3A_513, %eq3A_516 : vector<128x512xf32>
      %jit3A_518 = arith.constant 10240 : i32
      %broadcast_in_dim3A_519 = vector.broadcast %jit3A_518 : i32 to vector<128x512xi32>
      %select_n3A_520 = arith.select %eq3A_517, %add3A_505, %broadcast_in_dim3A_519 : vector<128x512xi1>, vector<128x512xi32>
      %reduce_min3A_521 = arith.constant dense<2147483647> : vector<128xi32>
      %reduce_min3A_522 = vector.multi_reduction <minsi>, %select_n3A_520, %reduce_min3A_521 [1] : vector<128x512xi32> to vector<128xi32>
      %broadcast_in_dim3A_523 = vector.shape_cast %reduce_min3A_522 : vector<128xi32> to vector<128x1xi32>
      %lt3A_524 = arith.cmpf olt, %broadcast_in_dim3A_515, %while3A_496 : vector<128x1xf32>
      %select_n3A_525 = arith.select %lt3A_524, %broadcast_in_dim3A_515, %while3A_496 : vector<128x1xi1>, vector<128x1xf32>
      %select_n3A_526 = arith.select %lt3A_524, %broadcast_in_dim3A_523, %while3A_497 : vector<128x1xi1>, vector<128x1xi32>
      scf.yield %select_n3A_525, %select_n3A_526 : vector<128x1xf32>, vector<128x1xi32>
    }
    %while3A_95 = arith.constant 1 : i32
    %while3A_96:2 = scf.for %while3A_495 = %while3A_92 to %while3A_88 step %while3A_95 iter_args(%while3A_496 = %while3A_94#0, %while3A_497 = %while3A_94#1) -> (vector<128x1xf32>, vector<128x1xi32>)  : i32 {
      %mul3A_498 = arith.constant 512 : i32
      %mul3A_499 = arith.muli %while3A_495, %mul3A_498 : i32
      %get3A_500 = arith.constant 0 : index
      %get3A_501 = arith.index_cast %mul3A_499 : i32 to index
      %get3A_502 = vector.load %arg10[%get3A_500, %get3A_501] : memref<128x10240xf32, #tpu.memory_space<vmem>>, vector<128x512xf32>
      %iota3A_503 = tpu.iota {dimensions = array<i32: 1>} : vector<128x512xi32>
      %add3A_504 = vector.broadcast %mul3A_499 : i32 to vector<128x512xi32>
      %add3A_505 = arith.addi %add3A_504, %iota3A_503 : vector<128x512xi32>
      %gt3A = vector.broadcast %while3A_82#0 : vector<128x1xf32> to vector<128x512xf32>
      %gt3A_506 = arith.cmpf ogt, %get3A_502, %gt3A : vector<128x512xf32>
      %eq3A = vector.broadcast %while3A_82#0 : vector<128x1xf32> to vector<128x512xf32>
      %eq3A_507 = arith.cmpf oeq, %get3A_502, %eq3A : vector<128x512xf32>
      %gt3A_508 = vector.broadcast %while3A_82#1 : vector<128x1xi32> to vector<128x512xi32>
      %gt3A_509 = arith.cmpi sgt, %add3A_505, %gt3A_508 : vector<128x512xi32>
      %and3A_510 = arith.andi %eq3A_507, %gt3A_509 : vector<128x512xi1>
      %or3A = arith.ori %gt3A_506, %and3A_510 : vector<128x512xi1>
      %jit3A_511 = arith.constant 1.000000e+30 : f32
      %broadcast_in_dim3A_512 = vector.broadcast %jit3A_511 : f32 to vector<128x512xf32>
      %select_n3A_513 = arith.select %or3A, %get3A_502, %broadcast_in_dim3A_512 : vector<128x512xi1>, vector<128x512xf32>
      %reduce_min3A = arith.constant dense<0x7F800000> : vector<128xf32>
      %reduce_min3A_514 = vector.multi_reduction <minimumf>, %select_n3A_513, %reduce_min3A [1] : vector<128x512xf32> to vector<128xf32>
      %broadcast_in_dim3A_515 = vector.shape_cast %reduce_min3A_514 : vector<128xf32> to vector<128x1xf32>
      %eq3A_516 = vector.broadcast %broadcast_in_dim3A_515 : vector<128x1xf32> to vector<128x512xf32>
      %eq3A_517 = arith.cmpf oeq, %select_n3A_513, %eq3A_516 : vector<128x512xf32>
      %jit3A_518 = arith.constant 10240 : i32
      %broadcast_in_dim3A_519 = vector.broadcast %jit3A_518 : i32 to vector<128x512xi32>
      %select_n3A_520 = arith.select %eq3A_517, %add3A_505, %broadcast_in_dim3A_519 : vector<128x512xi1>, vector<128x512xi32>
      %reduce_min3A_521 = arith.constant dense<2147483647> : vector<128xi32>
      %reduce_min3A_522 = vector.multi_reduction <minsi>, %select_n3A_520, %reduce_min3A_521 [1] : vector<128x512xi32> to vector<128xi32>
      %broadcast_in_dim3A_523 = vector.shape_cast %reduce_min3A_522 : vector<128xi32> to vector<128x1xi32>
      %lt3A_524 = arith.cmpf olt, %broadcast_in_dim3A_515, %while3A_496 : vector<128x1xf32>
      %select_n3A_525 = arith.select %lt3A_524, %broadcast_in_dim3A_515, %while3A_496 : vector<128x1xi1>, vector<128x1xf32>
      %select_n3A_526 = arith.select %lt3A_524, %broadcast_in_dim3A_523, %while3A_497 : vector<128x1xi1>, vector<128x1xi32>
      scf.yield %select_n3A_525, %select_n3A_526 : vector<128x1xf32>, vector<128x1xi32>
    }
    %broadcast_in_dim3A_97 = arith.constant 1.000000e+30 : f32
    %broadcast_in_dim3A_98 = vector.broadcast %broadcast_in_dim3A_97 : f32 to vector<128x1xf32>
    %broadcast_in_dim3A_99 = arith.constant 0 : i32
    %broadcast_in_dim3A_100 = vector.broadcast %broadcast_in_dim3A_99 : i32 to vector<128x1xi32>
    %while3A_101 = arith.subi %get3A_14, %get3A_12 : i32
    %while3A_102 = arith.addi %get3A_12, %while3A_101 : i32
    %while3A_103 = arith.constant 1 : i32
    %while3A_104 = arith.divsi %while3A_101, %while3A_103 : i32
    %while3A_105 = arith.muli %while3A_104, %while3A_103 : i32
    %while3A_106 = arith.addi %get3A_12, %while3A_105 : i32
    %while3A_107 = arith.constant 1 : i32
    %while3A_108:2 = scf.for %while3A_495 = %get3A_12 to %while3A_106 step %while3A_107 iter_args(%while3A_496 = %broadcast_in_dim3A_98, %while3A_497 = %broadcast_in_dim3A_100) -> (vector<128x1xf32>, vector<128x1xi32>)  : i32 {
      %mul3A_498 = arith.constant 512 : i32
      %mul3A_499 = arith.muli %while3A_495, %mul3A_498 : i32
      %get3A_500 = arith.constant 0 : index
      %get3A_501 = arith.index_cast %mul3A_499 : i32 to index
      %get3A_502 = vector.load %arg10[%get3A_500, %get3A_501] : memref<128x10240xf32, #tpu.memory_space<vmem>>, vector<128x512xf32>
      %iota3A_503 = tpu.iota {dimensions = array<i32: 1>} : vector<128x512xi32>
      %add3A_504 = vector.broadcast %mul3A_499 : i32 to vector<128x512xi32>
      %add3A_505 = arith.addi %add3A_504, %iota3A_503 : vector<128x512xi32>
      %gt3A = vector.broadcast %while3A_96#0 : vector<128x1xf32> to vector<128x512xf32>
      %gt3A_506 = arith.cmpf ogt, %get3A_502, %gt3A : vector<128x512xf32>
      %eq3A = vector.broadcast %while3A_96#0 : vector<128x1xf32> to vector<128x512xf32>
      %eq3A_507 = arith.cmpf oeq, %get3A_502, %eq3A : vector<128x512xf32>
      %gt3A_508 = vector.broadcast %while3A_96#1 : vector<128x1xi32> to vector<128x512xi32>
      %gt3A_509 = arith.cmpi sgt, %add3A_505, %gt3A_508 : vector<128x512xi32>
      %and3A_510 = arith.andi %eq3A_507, %gt3A_509 : vector<128x512xi1>
      %or3A = arith.ori %gt3A_506, %and3A_510 : vector<128x512xi1>
      %jit3A_511 = arith.constant 1.000000e+30 : f32
      %broadcast_in_dim3A_512 = vector.broadcast %jit3A_511 : f32 to vector<128x512xf32>
      %select_n3A_513 = arith.select %or3A, %get3A_502, %broadcast_in_dim3A_512 : vector<128x512xi1>, vector<128x512xf32>
      %reduce_min3A = arith.constant dense<0x7F800000> : vector<128xf32>
      %reduce_min3A_514 = vector.multi_reduction <minimumf>, %select_n3A_513, %reduce_min3A [1] : vector<128x512xf32> to vector<128xf32>
      %broadcast_in_dim3A_515 = vector.shape_cast %reduce_min3A_514 : vector<128xf32> to vector<128x1xf32>
      %eq3A_516 = vector.broadcast %broadcast_in_dim3A_515 : vector<128x1xf32> to vector<128x512xf32>
      %eq3A_517 = arith.cmpf oeq, %select_n3A_513, %eq3A_516 : vector<128x512xf32>
      %jit3A_518 = arith.constant 10240 : i32
      %broadcast_in_dim3A_519 = vector.broadcast %jit3A_518 : i32 to vector<128x512xi32>
      %select_n3A_520 = arith.select %eq3A_517, %add3A_505, %broadcast_in_dim3A_519 : vector<128x512xi1>, vector<128x512xi32>
      %reduce_min3A_521 = arith.constant dense<2147483647> : vector<128xi32>
      %reduce_min3A_522 = vector.multi_reduction <minsi>, %select_n3A_520, %reduce_min3A_521 [1] : vector<128x512xi32> to vector<128xi32>
      %broadcast_in_dim3A_523 = vector.shape_cast %reduce_min3A_522 : vector<128xi32> to vector<128x1xi32>
      %lt3A_524 = arith.cmpf olt, %broadcast_in_dim3A_515, %while3A_496 : vector<128x1xf32>
      %select_n3A_525 = arith.select %lt3A_524, %broadcast_in_dim3A_515, %while3A_496 : vector<128x1xi1>, vector<128x1xf32>
      %select_n3A_526 = arith.select %lt3A_524, %broadcast_in_dim3A_523, %while3A_497 : vector<128x1xi1>, vector<128x1xi32>
      scf.yield %select_n3A_525, %select_n3A_526 : vector<128x1xf32>, vector<128x1xi32>
    }
    %while3A_109 = arith.constant 1 : i32
    %while3A_110:2 = scf.for %while3A_495 = %while3A_106 to %while3A_102 step %while3A_109 iter_args(%while3A_496 = %while3A_108#0, %while3A_497 = %while3A_108#1) -> (vector<128x1xf32>, vector<128x1xi32>)  : i32 {
      %mul3A_498 = arith.constant 512 : i32
      %mul3A_499 = arith.muli %while3A_495, %mul3A_498 : i32
      %get3A_500 = arith.constant 0 : index
      %get3A_501 = arith.index_cast %mul3A_499 : i32 to index
      %get3A_502 = vector.load %arg10[%get3A_500, %get3A_501] : memref<128x10240xf32, #tpu.memory_space<vmem>>, vector<128x512xf32>
      %iota3A_503 = tpu.iota {dimensions = array<i32: 1>} : vector<128x512xi32>
      %add3A_504 = vector.broadcast %mul3A_499 : i32 to vector<128x512xi32>
      %add3A_505 = arith.addi %add3A_504, %iota3A_503 : vector<128x512xi32>
      %gt3A = vector.broadcast %while3A_96#0 : vector<128x1xf32> to vector<128x512xf32>
      %gt3A_506 = arith.cmpf ogt, %get3A_502, %gt3A : vector<128x512xf32>
      %eq3A = vector.broadcast %while3A_96#0 : vector<128x1xf32> to vector<128x512xf32>
      %eq3A_507 = arith.cmpf oeq, %get3A_502, %eq3A : vector<128x512xf32>
      %gt3A_508 = vector.broadcast %while3A_96#1 : vector<128x1xi32> to vector<128x512xi32>
      %gt3A_509 = arith.cmpi sgt, %add3A_505, %gt3A_508 : vector<128x512xi32>
      %and3A_510 = arith.andi %eq3A_507, %gt3A_509 : vector<128x512xi1>
      %or3A = arith.ori %gt3A_506, %and3A_510 : vector<128x512xi1>
      %jit3A_511 = arith.constant 1.000000e+30 : f32
      %broadcast_in_dim3A_512 = vector.broadcast %jit3A_511 : f32 to vector<128x512xf32>
      %select_n3A_513 = arith.select %or3A, %get3A_502, %broadcast_in_dim3A_512 : vector<128x512xi1>, vector<128x512xf32>
      %reduce_min3A = arith.constant dense<0x7F800000> : vector<128xf32>
      %reduce_min3A_514 = vector.multi_reduction <minimumf>, %select_n3A_513, %reduce_min3A [1] : vector<128x512xf32> to vector<128xf32>
      %broadcast_in_dim3A_515 = vector.shape_cast %reduce_min3A_514 : vector<128xf32> to vector<128x1xf32>
      %eq3A_516 = vector.broadcast %broadcast_in_dim3A_515 : vector<128x1xf32> to vector<128x512xf32>
      %eq3A_517 = arith.cmpf oeq, %select_n3A_513, %eq3A_516 : vector<128x512xf32>
      %jit3A_518 = arith.constant 10240 : i32
      %broadcast_in_dim3A_519 = vector.broadcast %jit3A_518 : i32 to vector<128x512xi32>
      %select_n3A_520 = arith.select %eq3A_517, %add3A_505, %broadcast_in_dim3A_519 : vector<128x512xi1>, vector<128x512xi32>
      %reduce_min3A_521 = arith.constant dense<2147483647> : vector<128xi32>
      %reduce_min3A_522 = vector.multi_reduction <minsi>, %select_n3A_520, %reduce_min3A_521 [1] : vector<128x512xi32> to vector<128xi32>
      %broadcast_in_dim3A_523 = vector.shape_cast %reduce_min3A_522 : vector<128xi32> to vector<128x1xi32>
      %lt3A_524 = arith.cmpf olt, %broadcast_in_dim3A_515, %while3A_496 : vector<128x1xf32>
      %select_n3A_525 = arith.select %lt3A_524, %broadcast_in_dim3A_515, %while3A_496 : vector<128x1xi1>, vector<128x1xf32>
      %select_n3A_526 = arith.select %lt3A_524, %broadcast_in_dim3A_523, %while3A_497 : vector<128x1xi1>, vector<128x1xi32>
      scf.yield %select_n3A_525, %select_n3A_526 : vector<128x1xf32>, vector<128x1xi32>
    }
    %broadcast_in_dim3A_111 = arith.constant 1.000000e+30 : f32
    %broadcast_in_dim3A_112 = vector.broadcast %broadcast_in_dim3A_111 : f32 to vector<128x1xf32>
    %broadcast_in_dim3A_113 = arith.constant 0 : i32
    %broadcast_in_dim3A_114 = vector.broadcast %broadcast_in_dim3A_113 : i32 to vector<128x1xi32>
    %while3A_115 = arith.subi %get3A_14, %get3A_12 : i32
    %while3A_116 = arith.addi %get3A_12, %while3A_115 : i32
    %while3A_117 = arith.constant 1 : i32
    %while3A_118 = arith.divsi %while3A_115, %while3A_117 : i32
    %while3A_119 = arith.muli %while3A_118, %while3A_117 : i32
    %while3A_120 = arith.addi %get3A_12, %while3A_119 : i32
    %while3A_121 = arith.constant 1 : i32
    %while3A_122:2 = scf.for %while3A_495 = %get3A_12 to %while3A_120 step %while3A_121 iter_args(%while3A_496 = %broadcast_in_dim3A_112, %while3A_497 = %broadcast_in_dim3A_114) -> (vector<128x1xf32>, vector<128x1xi32>)  : i32 {
      %mul3A_498 = arith.constant 512 : i32
      %mul3A_499 = arith.muli %while3A_495, %mul3A_498 : i32
      %get3A_500 = arith.constant 0 : index
      %get3A_501 = arith.index_cast %mul3A_499 : i32 to index
      %get3A_502 = vector.load %arg10[%get3A_500, %get3A_501] : memref<128x10240xf32, #tpu.memory_space<vmem>>, vector<128x512xf32>
      %iota3A_503 = tpu.iota {dimensions = array<i32: 1>} : vector<128x512xi32>
      %add3A_504 = vector.broadcast %mul3A_499 : i32 to vector<128x512xi32>
      %add3A_505 = arith.addi %add3A_504, %iota3A_503 : vector<128x512xi32>
      %gt3A = vector.broadcast %while3A_110#0 : vector<128x1xf32> to vector<128x512xf32>
      %gt3A_506 = arith.cmpf ogt, %get3A_502, %gt3A : vector<128x512xf32>
      %eq3A = vector.broadcast %while3A_110#0 : vector<128x1xf32> to vector<128x512xf32>
      %eq3A_507 = arith.cmpf oeq, %get3A_502, %eq3A : vector<128x512xf32>
      %gt3A_508 = vector.broadcast %while3A_110#1 : vector<128x1xi32> to vector<128x512xi32>
      %gt3A_509 = arith.cmpi sgt, %add3A_505, %gt3A_508 : vector<128x512xi32>
      %and3A_510 = arith.andi %eq3A_507, %gt3A_509 : vector<128x512xi1>
      %or3A = arith.ori %gt3A_506, %and3A_510 : vector<128x512xi1>
      %jit3A_511 = arith.constant 1.000000e+30 : f32
      %broadcast_in_dim3A_512 = vector.broadcast %jit3A_511 : f32 to vector<128x512xf32>
      %select_n3A_513 = arith.select %or3A, %get3A_502, %broadcast_in_dim3A_512 : vector<128x512xi1>, vector<128x512xf32>
      %reduce_min3A = arith.constant dense<0x7F800000> : vector<128xf32>
      %reduce_min3A_514 = vector.multi_reduction <minimumf>, %select_n3A_513, %reduce_min3A [1] : vector<128x512xf32> to vector<128xf32>
      %broadcast_in_dim3A_515 = vector.shape_cast %reduce_min3A_514 : vector<128xf32> to vector<128x1xf32>
      %eq3A_516 = vector.broadcast %broadcast_in_dim3A_515 : vector<128x1xf32> to vector<128x512xf32>
      %eq3A_517 = arith.cmpf oeq, %select_n3A_513, %eq3A_516 : vector<128x512xf32>
      %jit3A_518 = arith.constant 10240 : i32
      %broadcast_in_dim3A_519 = vector.broadcast %jit3A_518 : i32 to vector<128x512xi32>
      %select_n3A_520 = arith.select %eq3A_517, %add3A_505, %broadcast_in_dim3A_519 : vector<128x512xi1>, vector<128x512xi32>
      %reduce_min3A_521 = arith.constant dense<2147483647> : vector<128xi32>
      %reduce_min3A_522 = vector.multi_reduction <minsi>, %select_n3A_520, %reduce_min3A_521 [1] : vector<128x512xi32> to vector<128xi32>
      %broadcast_in_dim3A_523 = vector.shape_cast %reduce_min3A_522 : vector<128xi32> to vector<128x1xi32>
      %lt3A_524 = arith.cmpf olt, %broadcast_in_dim3A_515, %while3A_496 : vector<128x1xf32>
      %select_n3A_525 = arith.select %lt3A_524, %broadcast_in_dim3A_515, %while3A_496 : vector<128x1xi1>, vector<128x1xf32>
      %select_n3A_526 = arith.select %lt3A_524, %broadcast_in_dim3A_523, %while3A_497 : vector<128x1xi1>, vector<128x1xi32>
      scf.yield %select_n3A_525, %select_n3A_526 : vector<128x1xf32>, vector<128x1xi32>
    }
    %while3A_123 = arith.constant 1 : i32
    %while3A_124:2 = scf.for %while3A_495 = %while3A_120 to %while3A_116 step %while3A_123 iter_args(%while3A_496 = %while3A_122#0, %while3A_497 = %while3A_122#1) -> (vector<128x1xf32>, vector<128x1xi32>)  : i32 {
      %mul3A_498 = arith.constant 512 : i32
      %mul3A_499 = arith.muli %while3A_495, %mul3A_498 : i32
      %get3A_500 = arith.constant 0 : index
      %get3A_501 = arith.index_cast %mul3A_499 : i32 to index
      %get3A_502 = vector.load %arg10[%get3A_500, %get3A_501] : memref<128x10240xf32, #tpu.memory_space<vmem>>, vector<128x512xf32>
      %iota3A_503 = tpu.iota {dimensions = array<i32: 1>} : vector<128x512xi32>
      %add3A_504 = vector.broadcast %mul3A_499 : i32 to vector<128x512xi32>
      %add3A_505 = arith.addi %add3A_504, %iota3A_503 : vector<128x512xi32>
      %gt3A = vector.broadcast %while3A_110#0 : vector<128x1xf32> to vector<128x512xf32>
      %gt3A_506 = arith.cmpf ogt, %get3A_502, %gt3A : vector<128x512xf32>
      %eq3A = vector.broadcast %while3A_110#0 : vector<128x1xf32> to vector<128x512xf32>
      %eq3A_507 = arith.cmpf oeq, %get3A_502, %eq3A : vector<128x512xf32>
      %gt3A_508 = vector.broadcast %while3A_110#1 : vector<128x1xi32> to vector<128x512xi32>
      %gt3A_509 = arith.cmpi sgt, %add3A_505, %gt3A_508 : vector<128x512xi32>
      %and3A_510 = arith.andi %eq3A_507, %gt3A_509 : vector<128x512xi1>
      %or3A = arith.ori %gt3A_506, %and3A_510 : vector<128x512xi1>
      %jit3A_511 = arith.constant 1.000000e+30 : f32
      %broadcast_in_dim3A_512 = vector.broadcast %jit3A_511 : f32 to vector<128x512xf32>
      %select_n3A_513 = arith.select %or3A, %get3A_502, %broadcast_in_dim3A_512 : vector<128x512xi1>, vector<128x512xf32>
      %reduce_min3A = arith.constant dense<0x7F800000> : vector<128xf32>
      %reduce_min3A_514 = vector.multi_reduction <minimumf>, %select_n3A_513, %reduce_min3A [1] : vector<128x512xf32> to vector<128xf32>
      %broadcast_in_dim3A_515 = vector.shape_cast %reduce_min3A_514 : vector<128xf32> to vector<128x1xf32>
      %eq3A_516 = vector.broadcast %broadcast_in_dim3A_515 : vector<128x1xf32> to vector<128x512xf32>
      %eq3A_517 = arith.cmpf oeq, %select_n3A_513, %eq3A_516 : vector<128x512xf32>
      %jit3A_518 = arith.constant 10240 : i32
      %broadcast_in_dim3A_519 = vector.broadcast %jit3A_518 : i32 to vector<128x512xi32>
      %select_n3A_520 = arith.select %eq3A_517, %add3A_505, %broadcast_in_dim3A_519 : vector<128x512xi1>, vector<128x512xi32>
      %reduce_min3A_521 = arith.constant dense<2147483647> : vector<128xi32>
      %reduce_min3A_522 = vector.multi_reduction <minsi>, %select_n3A_520, %reduce_min3A_521 [1] : vector<128x512xi32> to vector<128xi32>
      %broadcast_in_dim3A_523 = vector.shape_cast %reduce_min3A_522 : vector<128xi32> to vector<128x1xi32>
      %lt3A_524 = arith.cmpf olt, %broadcast_in_dim3A_515, %while3A_496 : vector<128x1xf32>
      %select_n3A_525 = arith.select %lt3A_524, %broadcast_in_dim3A_515, %while3A_496 : vector<128x1xi1>, vector<128x1xf32>
      %select_n3A_526 = arith.select %lt3A_524, %broadcast_in_dim3A_523, %while3A_497 : vector<128x1xi1>, vector<128x1xi32>
      scf.yield %select_n3A_525, %select_n3A_526 : vector<128x1xf32>, vector<128x1xi32>
    }
    %broadcast_in_dim3A_125 = arith.constant 1.000000e+30 : f32
    %broadcast_in_dim3A_126 = vector.broadcast %broadcast_in_dim3A_125 : f32 to vector<128x1xf32>
    %broadcast_in_dim3A_127 = arith.constant 0 : i32
    %broadcast_in_dim3A_128 = vector.broadcast %broadcast_in_dim3A_127 : i32 to vector<128x1xi32>
    %while3A_129 = arith.subi %get3A_14, %get3A_12 : i32
    %while3A_130 = arith.addi %get3A_12, %while3A_129 : i32
    %while3A_131 = arith.constant 1 : i32
    %while3A_132 = arith.divsi %while3A_129, %while3A_131 : i32
    %while3A_133 = arith.muli %while3A_132, %while3A_131 : i32
    %while3A_134 = arith.addi %get3A_12, %while3A_133 : i32
    %while3A_135 = arith.constant 1 : i32
    %while3A_136:2 = scf.for %while3A_495 = %get3A_12 to %while3A_134 step %while3A_135 iter_args(%while3A_496 = %broadcast_in_dim3A_126, %while3A_497 = %broadcast_in_dim3A_128) -> (vector<128x1xf32>, vector<128x1xi32>)  : i32 {
      %mul3A_498 = arith.constant 512 : i32
      %mul3A_499 = arith.muli %while3A_495, %mul3A_498 : i32
      %get3A_500 = arith.constant 0 : index
      %get3A_501 = arith.index_cast %mul3A_499 : i32 to index
      %get3A_502 = vector.load %arg10[%get3A_500, %get3A_501] : memref<128x10240xf32, #tpu.memory_space<vmem>>, vector<128x512xf32>
      %iota3A_503 = tpu.iota {dimensions = array<i32: 1>} : vector<128x512xi32>
      %add3A_504 = vector.broadcast %mul3A_499 : i32 to vector<128x512xi32>
      %add3A_505 = arith.addi %add3A_504, %iota3A_503 : vector<128x512xi32>
      %gt3A = vector.broadcast %while3A_124#0 : vector<128x1xf32> to vector<128x512xf32>
      %gt3A_506 = arith.cmpf ogt, %get3A_502, %gt3A : vector<128x512xf32>
      %eq3A = vector.broadcast %while3A_124#0 : vector<128x1xf32> to vector<128x512xf32>
      %eq3A_507 = arith.cmpf oeq, %get3A_502, %eq3A : vector<128x512xf32>
      %gt3A_508 = vector.broadcast %while3A_124#1 : vector<128x1xi32> to vector<128x512xi32>
      %gt3A_509 = arith.cmpi sgt, %add3A_505, %gt3A_508 : vector<128x512xi32>
      %and3A_510 = arith.andi %eq3A_507, %gt3A_509 : vector<128x512xi1>
      %or3A = arith.ori %gt3A_506, %and3A_510 : vector<128x512xi1>
      %jit3A_511 = arith.constant 1.000000e+30 : f32
      %broadcast_in_dim3A_512 = vector.broadcast %jit3A_511 : f32 to vector<128x512xf32>
      %select_n3A_513 = arith.select %or3A, %get3A_502, %broadcast_in_dim3A_512 : vector<128x512xi1>, vector<128x512xf32>
      %reduce_min3A = arith.constant dense<0x7F800000> : vector<128xf32>
      %reduce_min3A_514 = vector.multi_reduction <minimumf>, %select_n3A_513, %reduce_min3A [1] : vector<128x512xf32> to vector<128xf32>
      %broadcast_in_dim3A_515 = vector.shape_cast %reduce_min3A_514 : vector<128xf32> to vector<128x1xf32>
      %eq3A_516 = vector.broadcast %broadcast_in_dim3A_515 : vector<128x1xf32> to vector<128x512xf32>
      %eq3A_517 = arith.cmpf oeq, %select_n3A_513, %eq3A_516 : vector<128x512xf32>
      %jit3A_518 = arith.constant 10240 : i32
      %broadcast_in_dim3A_519 = vector.broadcast %jit3A_518 : i32 to vector<128x512xi32>
      %select_n3A_520 = arith.select %eq3A_517, %add3A_505, %broadcast_in_dim3A_519 : vector<128x512xi1>, vector<128x512xi32>
      %reduce_min3A_521 = arith.constant dense<2147483647> : vector<128xi32>
      %reduce_min3A_522 = vector.multi_reduction <minsi>, %select_n3A_520, %reduce_min3A_521 [1] : vector<128x512xi32> to vector<128xi32>
      %broadcast_in_dim3A_523 = vector.shape_cast %reduce_min3A_522 : vector<128xi32> to vector<128x1xi32>
      %lt3A_524 = arith.cmpf olt, %broadcast_in_dim3A_515, %while3A_496 : vector<128x1xf32>
      %select_n3A_525 = arith.select %lt3A_524, %broadcast_in_dim3A_515, %while3A_496 : vector<128x1xi1>, vector<128x1xf32>
      %select_n3A_526 = arith.select %lt3A_524, %broadcast_in_dim3A_523, %while3A_497 : vector<128x1xi1>, vector<128x1xi32>
      scf.yield %select_n3A_525, %select_n3A_526 : vector<128x1xf32>, vector<128x1xi32>
    }
    %while3A_137 = arith.constant 1 : i32
    %while3A_138:2 = scf.for %while3A_495 = %while3A_134 to %while3A_130 step %while3A_137 iter_args(%while3A_496 = %while3A_136#0, %while3A_497 = %while3A_136#1) -> (vector<128x1xf32>, vector<128x1xi32>)  : i32 {
      %mul3A_498 = arith.constant 512 : i32
      %mul3A_499 = arith.muli %while3A_495, %mul3A_498 : i32
      %get3A_500 = arith.constant 0 : index
      %get3A_501 = arith.index_cast %mul3A_499 : i32 to index
      %get3A_502 = vector.load %arg10[%get3A_500, %get3A_501] : memref<128x10240xf32, #tpu.memory_space<vmem>>, vector<128x512xf32>
      %iota3A_503 = tpu.iota {dimensions = array<i32: 1>} : vector<128x512xi32>
      %add3A_504 = vector.broadcast %mul3A_499 : i32 to vector<128x512xi32>
      %add3A_505 = arith.addi %add3A_504, %iota3A_503 : vector<128x512xi32>
      %gt3A = vector.broadcast %while3A_124#0 : vector<128x1xf32> to vector<128x512xf32>
      %gt3A_506 = arith.cmpf ogt, %get3A_502, %gt3A : vector<128x512xf32>
      %eq3A = vector.broadcast %while3A_124#0 : vector<128x1xf32> to vector<128x512xf32>
      %eq3A_507 = arith.cmpf oeq, %get3A_502, %eq3A : vector<128x512xf32>
      %gt3A_508 = vector.broadcast %while3A_124#1 : vector<128x1xi32> to vector<128x512xi32>
      %gt3A_509 = arith.cmpi sgt, %add3A_505, %gt3A_508 : vector<128x512xi32>
      %and3A_510 = arith.andi %eq3A_507, %gt3A_509 : vector<128x512xi1>
      %or3A = arith.ori %gt3A_506, %and3A_510 : vector<128x512xi1>
      %jit3A_511 = arith.constant 1.000000e+30 : f32
      %broadcast_in_dim3A_512 = vector.broadcast %jit3A_511 : f32 to vector<128x512xf32>
      %select_n3A_513 = arith.select %or3A, %get3A_502, %broadcast_in_dim3A_512 : vector<128x512xi1>, vector<128x512xf32>
      %reduce_min3A = arith.constant dense<0x7F800000> : vector<128xf32>
      %reduce_min3A_514 = vector.multi_reduction <minimumf>, %select_n3A_513, %reduce_min3A [1] : vector<128x512xf32> to vector<128xf32>
      %broadcast_in_dim3A_515 = vector.shape_cast %reduce_min3A_514 : vector<128xf32> to vector<128x1xf32>
      %eq3A_516 = vector.broadcast %broadcast_in_dim3A_515 : vector<128x1xf32> to vector<128x512xf32>
      %eq3A_517 = arith.cmpf oeq, %select_n3A_513, %eq3A_516 : vector<128x512xf32>
      %jit3A_518 = arith.constant 10240 : i32
      %broadcast_in_dim3A_519 = vector.broadcast %jit3A_518 : i32 to vector<128x512xi32>
      %select_n3A_520 = arith.select %eq3A_517, %add3A_505, %broadcast_in_dim3A_519 : vector<128x512xi1>, vector<128x512xi32>
      %reduce_min3A_521 = arith.constant dense<2147483647> : vector<128xi32>
      %reduce_min3A_522 = vector.multi_reduction <minsi>, %select_n3A_520, %reduce_min3A_521 [1] : vector<128x512xi32> to vector<128xi32>
      %broadcast_in_dim3A_523 = vector.shape_cast %reduce_min3A_522 : vector<128xi32> to vector<128x1xi32>
      %lt3A_524 = arith.cmpf olt, %broadcast_in_dim3A_515, %while3A_496 : vector<128x1xf32>
      %select_n3A_525 = arith.select %lt3A_524, %broadcast_in_dim3A_515, %while3A_496 : vector<128x1xi1>, vector<128x1xf32>
      %select_n3A_526 = arith.select %lt3A_524, %broadcast_in_dim3A_523, %while3A_497 : vector<128x1xi1>, vector<128x1xi32>
      scf.yield %select_n3A_525, %select_n3A_526 : vector<128x1xf32>, vector<128x1xi32>
    }
    %broadcast_in_dim3A_139 = arith.constant 1.000000e+30 : f32
    %broadcast_in_dim3A_140 = vector.broadcast %broadcast_in_dim3A_139 : f32 to vector<128x1xf32>
    %broadcast_in_dim3A_141 = arith.constant 0 : i32
    %broadcast_in_dim3A_142 = vector.broadcast %broadcast_in_dim3A_141 : i32 to vector<128x1xi32>
    %while3A_143 = arith.subi %get3A_14, %get3A_12 : i32
    %while3A_144 = arith.addi %get3A_12, %while3A_143 : i32
    %while3A_145 = arith.constant 1 : i32
    %while3A_146 = arith.divsi %while3A_143, %while3A_145 : i32
    %while3A_147 = arith.muli %while3A_146, %while3A_145 : i32
    %while3A_148 = arith.addi %get3A_12, %while3A_147 : i32
    %while3A_149 = arith.constant 1 : i32
    %while3A_150:2 = scf.for %while3A_495 = %get3A_12 to %while3A_148 step %while3A_149 iter_args(%while3A_496 = %broadcast_in_dim3A_140, %while3A_497 = %broadcast_in_dim3A_142) -> (vector<128x1xf32>, vector<128x1xi32>)  : i32 {
      %mul3A_498 = arith.constant 512 : i32
      %mul3A_499 = arith.muli %while3A_495, %mul3A_498 : i32
      %get3A_500 = arith.constant 0 : index
      %get3A_501 = arith.index_cast %mul3A_499 : i32 to index
      %get3A_502 = vector.load %arg10[%get3A_500, %get3A_501] : memref<128x10240xf32, #tpu.memory_space<vmem>>, vector<128x512xf32>
      %iota3A_503 = tpu.iota {dimensions = array<i32: 1>} : vector<128x512xi32>
      %add3A_504 = vector.broadcast %mul3A_499 : i32 to vector<128x512xi32>
      %add3A_505 = arith.addi %add3A_504, %iota3A_503 : vector<128x512xi32>
      %gt3A = vector.broadcast %while3A_138#0 : vector<128x1xf32> to vector<128x512xf32>
      %gt3A_506 = arith.cmpf ogt, %get3A_502, %gt3A : vector<128x512xf32>
      %eq3A = vector.broadcast %while3A_138#0 : vector<128x1xf32> to vector<128x512xf32>
      %eq3A_507 = arith.cmpf oeq, %get3A_502, %eq3A : vector<128x512xf32>
      %gt3A_508 = vector.broadcast %while3A_138#1 : vector<128x1xi32> to vector<128x512xi32>
      %gt3A_509 = arith.cmpi sgt, %add3A_505, %gt3A_508 : vector<128x512xi32>
      %and3A_510 = arith.andi %eq3A_507, %gt3A_509 : vector<128x512xi1>
      %or3A = arith.ori %gt3A_506, %and3A_510 : vector<128x512xi1>
      %jit3A_511 = arith.constant 1.000000e+30 : f32
      %broadcast_in_dim3A_512 = vector.broadcast %jit3A_511 : f32 to vector<128x512xf32>
      %select_n3A_513 = arith.select %or3A, %get3A_502, %broadcast_in_dim3A_512 : vector<128x512xi1>, vector<128x512xf32>
      %reduce_min3A = arith.constant dense<0x7F800000> : vector<128xf32>
      %reduce_min3A_514 = vector.multi_reduction <minimumf>, %select_n3A_513, %reduce_min3A [1] : vector<128x512xf32> to vector<128xf32>
      %broadcast_in_dim3A_515 = vector.shape_cast %reduce_min3A_514 : vector<128xf32> to vector<128x1xf32>
      %eq3A_516 = vector.broadcast %broadcast_in_dim3A_515 : vector<128x1xf32> to vector<128x512xf32>
      %eq3A_517 = arith.cmpf oeq, %select_n3A_513, %eq3A_516 : vector<128x512xf32>
      %jit3A_518 = arith.constant 10240 : i32
      %broadcast_in_dim3A_519 = vector.broadcast %jit3A_518 : i32 to vector<128x512xi32>
      %select_n3A_520 = arith.select %eq3A_517, %add3A_505, %broadcast_in_dim3A_519 : vector<128x512xi1>, vector<128x512xi32>
      %reduce_min3A_521 = arith.constant dense<2147483647> : vector<128xi32>
      %reduce_min3A_522 = vector.multi_reduction <minsi>, %select_n3A_520, %reduce_min3A_521 [1] : vector<128x512xi32> to vector<128xi32>
      %broadcast_in_dim3A_523 = vector.shape_cast %reduce_min3A_522 : vector<128xi32> to vector<128x1xi32>
      %lt3A_524 = arith.cmpf olt, %broadcast_in_dim3A_515, %while3A_496 : vector<128x1xf32>
      %select_n3A_525 = arith.select %lt3A_524, %broadcast_in_dim3A_515, %while3A_496 : vector<128x1xi1>, vector<128x1xf32>
      %select_n3A_526 = arith.select %lt3A_524, %broadcast_in_dim3A_523, %while3A_497 : vector<128x1xi1>, vector<128x1xi32>
      scf.yield %select_n3A_525, %select_n3A_526 : vector<128x1xf32>, vector<128x1xi32>
    }
    %while3A_151 = arith.constant 1 : i32
    %while3A_152:2 = scf.for %while3A_495 = %while3A_148 to %while3A_144 step %while3A_151 iter_args(%while3A_496 = %while3A_150#0, %while3A_497 = %while3A_150#1) -> (vector<128x1xf32>, vector<128x1xi32>)  : i32 {
      %mul3A_498 = arith.constant 512 : i32
      %mul3A_499 = arith.muli %while3A_495, %mul3A_498 : i32
      %get3A_500 = arith.constant 0 : index
      %get3A_501 = arith.index_cast %mul3A_499 : i32 to index
      %get3A_502 = vector.load %arg10[%get3A_500, %get3A_501] : memref<128x10240xf32, #tpu.memory_space<vmem>>, vector<128x512xf32>
      %iota3A_503 = tpu.iota {dimensions = array<i32: 1>} : vector<128x512xi32>
      %add3A_504 = vector.broadcast %mul3A_499 : i32 to vector<128x512xi32>
      %add3A_505 = arith.addi %add3A_504, %iota3A_503 : vector<128x512xi32>
      %gt3A = vector.broadcast %while3A_138#0 : vector<128x1xf32> to vector<128x512xf32>
      %gt3A_506 = arith.cmpf ogt, %get3A_502, %gt3A : vector<128x512xf32>
      %eq3A = vector.broadcast %while3A_138#0 : vector<128x1xf32> to vector<128x512xf32>
      %eq3A_507 = arith.cmpf oeq, %get3A_502, %eq3A : vector<128x512xf32>
      %gt3A_508 = vector.broadcast %while3A_138#1 : vector<128x1xi32> to vector<128x512xi32>
      %gt3A_509 = arith.cmpi sgt, %add3A_505, %gt3A_508 : vector<128x512xi32>
      %and3A_510 = arith.andi %eq3A_507, %gt3A_509 : vector<128x512xi1>
      %or3A = arith.ori %gt3A_506, %and3A_510 : vector<128x512xi1>
      %jit3A_511 = arith.constant 1.000000e+30 : f32
      %broadcast_in_dim3A_512 = vector.broadcast %jit3A_511 : f32 to vector<128x512xf32>
      %select_n3A_513 = arith.select %or3A, %get3A_502, %broadcast_in_dim3A_512 : vector<128x512xi1>, vector<128x512xf32>
      %reduce_min3A = arith.constant dense<0x7F800000> : vector<128xf32>
      %reduce_min3A_514 = vector.multi_reduction <minimumf>, %select_n3A_513, %reduce_min3A [1] : vector<128x512xf32> to vector<128xf32>
      %broadcast_in_dim3A_515 = vector.shape_cast %reduce_min3A_514 : vector<128xf32> to vector<128x1xf32>
      %eq3A_516 = vector.broadcast %broadcast_in_dim3A_515 : vector<128x1xf32> to vector<128x512xf32>
      %eq3A_517 = arith.cmpf oeq, %select_n3A_513, %eq3A_516 : vector<128x512xf32>
      %jit3A_518 = arith.constant 10240 : i32
      %broadcast_in_dim3A_519 = vector.broadcast %jit3A_518 : i32 to vector<128x512xi32>
      %select_n3A_520 = arith.select %eq3A_517, %add3A_505, %broadcast_in_dim3A_519 : vector<128x512xi1>, vector<128x512xi32>
      %reduce_min3A_521 = arith.constant dense<2147483647> : vector<128xi32>
      %reduce_min3A_522 = vector.multi_reduction <minsi>, %select_n3A_520, %reduce_min3A_521 [1] : vector<128x512xi32> to vector<128xi32>
      %broadcast_in_dim3A_523 = vector.shape_cast %reduce_min3A_522 : vector<128xi32> to vector<128x1xi32>
      %lt3A_524 = arith.cmpf olt, %broadcast_in_dim3A_515, %while3A_496 : vector<128x1xf32>
      %select_n3A_525 = arith.select %lt3A_524, %broadcast_in_dim3A_515, %while3A_496 : vector<128x1xi1>, vector<128x1xf32>
      %select_n3A_526 = arith.select %lt3A_524, %broadcast_in_dim3A_523, %while3A_497 : vector<128x1xi1>, vector<128x1xi32>
      scf.yield %select_n3A_525, %select_n3A_526 : vector<128x1xf32>, vector<128x1xi32>
    }
    %broadcast_in_dim3A_153 = arith.constant 1.000000e+30 : f32
    %broadcast_in_dim3A_154 = vector.broadcast %broadcast_in_dim3A_153 : f32 to vector<128x1xf32>
    %broadcast_in_dim3A_155 = arith.constant 0 : i32
    %broadcast_in_dim3A_156 = vector.broadcast %broadcast_in_dim3A_155 : i32 to vector<128x1xi32>
    %while3A_157 = arith.subi %get3A_14, %get3A_12 : i32
    %while3A_158 = arith.addi %get3A_12, %while3A_157 : i32
    %while3A_159 = arith.constant 1 : i32
    %while3A_160 = arith.divsi %while3A_157, %while3A_159 : i32
    %while3A_161 = arith.muli %while3A_160, %while3A_159 : i32
    %while3A_162 = arith.addi %get3A_12, %while3A_161 : i32
    %while3A_163 = arith.constant 1 : i32
    %while3A_164:2 = scf.for %while3A_495 = %get3A_12 to %while3A_162 step %while3A_163 iter_args(%while3A_496 = %broadcast_in_dim3A_154, %while3A_497 = %broadcast_in_dim3A_156) -> (vector<128x1xf32>, vector<128x1xi32>)  : i32 {
      %mul3A_498 = arith.constant 512 : i32
      %mul3A_499 = arith.muli %while3A_495, %mul3A_498 : i32
      %get3A_500 = arith.constant 0 : index
      %get3A_501 = arith.index_cast %mul3A_499 : i32 to index
      %get3A_502 = vector.load %arg10[%get3A_500, %get3A_501] : memref<128x10240xf32, #tpu.memory_space<vmem>>, vector<128x512xf32>
      %iota3A_503 = tpu.iota {dimensions = array<i32: 1>} : vector<128x512xi32>
      %add3A_504 = vector.broadcast %mul3A_499 : i32 to vector<128x512xi32>
      %add3A_505 = arith.addi %add3A_504, %iota3A_503 : vector<128x512xi32>
      %gt3A = vector.broadcast %while3A_152#0 : vector<128x1xf32> to vector<128x512xf32>
      %gt3A_506 = arith.cmpf ogt, %get3A_502, %gt3A : vector<128x512xf32>
      %eq3A = vector.broadcast %while3A_152#0 : vector<128x1xf32> to vector<128x512xf32>
      %eq3A_507 = arith.cmpf oeq, %get3A_502, %eq3A : vector<128x512xf32>
      %gt3A_508 = vector.broadcast %while3A_152#1 : vector<128x1xi32> to vector<128x512xi32>
      %gt3A_509 = arith.cmpi sgt, %add3A_505, %gt3A_508 : vector<128x512xi32>
      %and3A_510 = arith.andi %eq3A_507, %gt3A_509 : vector<128x512xi1>
      %or3A = arith.ori %gt3A_506, %and3A_510 : vector<128x512xi1>
      %jit3A_511 = arith.constant 1.000000e+30 : f32
      %broadcast_in_dim3A_512 = vector.broadcast %jit3A_511 : f32 to vector<128x512xf32>
      %select_n3A_513 = arith.select %or3A, %get3A_502, %broadcast_in_dim3A_512 : vector<128x512xi1>, vector<128x512xf32>
      %reduce_min3A = arith.constant dense<0x7F800000> : vector<128xf32>
      %reduce_min3A_514 = vector.multi_reduction <minimumf>, %select_n3A_513, %reduce_min3A [1] : vector<128x512xf32> to vector<128xf32>
      %broadcast_in_dim3A_515 = vector.shape_cast %reduce_min3A_514 : vector<128xf32> to vector<128x1xf32>
      %eq3A_516 = vector.broadcast %broadcast_in_dim3A_515 : vector<128x1xf32> to vector<128x512xf32>
      %eq3A_517 = arith.cmpf oeq, %select_n3A_513, %eq3A_516 : vector<128x512xf32>
      %jit3A_518 = arith.constant 10240 : i32
      %broadcast_in_dim3A_519 = vector.broadcast %jit3A_518 : i32 to vector<128x512xi32>
      %select_n3A_520 = arith.select %eq3A_517, %add3A_505, %broadcast_in_dim3A_519 : vector<128x512xi1>, vector<128x512xi32>
      %reduce_min3A_521 = arith.constant dense<2147483647> : vector<128xi32>
      %reduce_min3A_522 = vector.multi_reduction <minsi>, %select_n3A_520, %reduce_min3A_521 [1] : vector<128x512xi32> to vector<128xi32>
      %broadcast_in_dim3A_523 = vector.shape_cast %reduce_min3A_522 : vector<128xi32> to vector<128x1xi32>
      %lt3A_524 = arith.cmpf olt, %broadcast_in_dim3A_515, %while3A_496 : vector<128x1xf32>
      %select_n3A_525 = arith.select %lt3A_524, %broadcast_in_dim3A_515, %while3A_496 : vector<128x1xi1>, vector<128x1xf32>
      %select_n3A_526 = arith.select %lt3A_524, %broadcast_in_dim3A_523, %while3A_497 : vector<128x1xi1>, vector<128x1xi32>
      scf.yield %select_n3A_525, %select_n3A_526 : vector<128x1xf32>, vector<128x1xi32>
    }
    %while3A_165 = arith.constant 1 : i32
    %while3A_166:2 = scf.for %while3A_495 = %while3A_162 to %while3A_158 step %while3A_165 iter_args(%while3A_496 = %while3A_164#0, %while3A_497 = %while3A_164#1) -> (vector<128x1xf32>, vector<128x1xi32>)  : i32 {
      %mul3A_498 = arith.constant 512 : i32
      %mul3A_499 = arith.muli %while3A_495, %mul3A_498 : i32
      %get3A_500 = arith.constant 0 : index
      %get3A_501 = arith.index_cast %mul3A_499 : i32 to index
      %get3A_502 = vector.load %arg10[%get3A_500, %get3A_501] : memref<128x10240xf32, #tpu.memory_space<vmem>>, vector<128x512xf32>
      %iota3A_503 = tpu.iota {dimensions = array<i32: 1>} : vector<128x512xi32>
      %add3A_504 = vector.broadcast %mul3A_499 : i32 to vector<128x512xi32>
      %add3A_505 = arith.addi %add3A_504, %iota3A_503 : vector<128x512xi32>
      %gt3A = vector.broadcast %while3A_152#0 : vector<128x1xf32> to vector<128x512xf32>
      %gt3A_506 = arith.cmpf ogt, %get3A_502, %gt3A : vector<128x512xf32>
      %eq3A = vector.broadcast %while3A_152#0 : vector<128x1xf32> to vector<128x512xf32>
      %eq3A_507 = arith.cmpf oeq, %get3A_502, %eq3A : vector<128x512xf32>
      %gt3A_508 = vector.broadcast %while3A_152#1 : vector<128x1xi32> to vector<128x512xi32>
      %gt3A_509 = arith.cmpi sgt, %add3A_505, %gt3A_508 : vector<128x512xi32>
      %and3A_510 = arith.andi %eq3A_507, %gt3A_509 : vector<128x512xi1>
      %or3A = arith.ori %gt3A_506, %and3A_510 : vector<128x512xi1>
      %jit3A_511 = arith.constant 1.000000e+30 : f32
      %broadcast_in_dim3A_512 = vector.broadcast %jit3A_511 : f32 to vector<128x512xf32>
      %select_n3A_513 = arith.select %or3A, %get3A_502, %broadcast_in_dim3A_512 : vector<128x512xi1>, vector<128x512xf32>
      %reduce_min3A = arith.constant dense<0x7F800000> : vector<128xf32>
      %reduce_min3A_514 = vector.multi_reduction <minimumf>, %select_n3A_513, %reduce_min3A [1] : vector<128x512xf32> to vector<128xf32>
      %broadcast_in_dim3A_515 = vector.shape_cast %reduce_min3A_514 : vector<128xf32> to vector<128x1xf32>
      %eq3A_516 = vector.broadcast %broadcast_in_dim3A_515 : vector<128x1xf32> to vector<128x512xf32>
      %eq3A_517 = arith.cmpf oeq, %select_n3A_513, %eq3A_516 : vector<128x512xf32>
      %jit3A_518 = arith.constant 10240 : i32
      %broadcast_in_dim3A_519 = vector.broadcast %jit3A_518 : i32 to vector<128x512xi32>
      %select_n3A_520 = arith.select %eq3A_517, %add3A_505, %broadcast_in_dim3A_519 : vector<128x512xi1>, vector<128x512xi32>
      %reduce_min3A_521 = arith.constant dense<2147483647> : vector<128xi32>
      %reduce_min3A_522 = vector.multi_reduction <minsi>, %select_n3A_520, %reduce_min3A_521 [1] : vector<128x512xi32> to vector<128xi32>
      %broadcast_in_dim3A_523 = vector.shape_cast %reduce_min3A_522 : vector<128xi32> to vector<128x1xi32>
      %lt3A_524 = arith.cmpf olt, %broadcast_in_dim3A_515, %while3A_496 : vector<128x1xf32>
      %select_n3A_525 = arith.select %lt3A_524, %broadcast_in_dim3A_515, %while3A_496 : vector<128x1xi1>, vector<128x1xf32>
      %select_n3A_526 = arith.select %lt3A_524, %broadcast_in_dim3A_523, %while3A_497 : vector<128x1xi1>, vector<128x1xi32>
      scf.yield %select_n3A_525, %select_n3A_526 : vector<128x1xf32>, vector<128x1xi32>
    }
    %broadcast_in_dim3A_167 = arith.constant 1.000000e+30 : f32
    %broadcast_in_dim3A_168 = vector.broadcast %broadcast_in_dim3A_167 : f32 to vector<128x1xf32>
    %broadcast_in_dim3A_169 = arith.constant 0 : i32
    %broadcast_in_dim3A_170 = vector.broadcast %broadcast_in_dim3A_169 : i32 to vector<128x1xi32>
    %while3A_171 = arith.subi %get3A_14, %get3A_12 : i32
    %while3A_172 = arith.addi %get3A_12, %while3A_171 : i32
    %while3A_173 = arith.constant 1 : i32
    %while3A_174 = arith.divsi %while3A_171, %while3A_173 : i32
    %while3A_175 = arith.muli %while3A_174, %while3A_173 : i32
    %while3A_176 = arith.addi %get3A_12, %while3A_175 : i32
    %while3A_177 = arith.constant 1 : i32
    %while3A_178:2 = scf.for %while3A_495 = %get3A_12 to %while3A_176 step %while3A_177 iter_args(%while3A_496 = %broadcast_in_dim3A_168, %while3A_497 = %broadcast_in_dim3A_170) -> (vector<128x1xf32>, vector<128x1xi32>)  : i32 {
      %mul3A_498 = arith.constant 512 : i32
      %mul3A_499 = arith.muli %while3A_495, %mul3A_498 : i32
      %get3A_500 = arith.constant 0 : index
      %get3A_501 = arith.index_cast %mul3A_499 : i32 to index
      %get3A_502 = vector.load %arg10[%get3A_500, %get3A_501] : memref<128x10240xf32, #tpu.memory_space<vmem>>, vector<128x512xf32>
      %iota3A_503 = tpu.iota {dimensions = array<i32: 1>} : vector<128x512xi32>
      %add3A_504 = vector.broadcast %mul3A_499 : i32 to vector<128x512xi32>
      %add3A_505 = arith.addi %add3A_504, %iota3A_503 : vector<128x512xi32>
      %gt3A = vector.broadcast %while3A_166#0 : vector<128x1xf32> to vector<128x512xf32>
      %gt3A_506 = arith.cmpf ogt, %get3A_502, %gt3A : vector<128x512xf32>
      %eq3A = vector.broadcast %while3A_166#0 : vector<128x1xf32> to vector<128x512xf32>
      %eq3A_507 = arith.cmpf oeq, %get3A_502, %eq3A : vector<128x512xf32>
      %gt3A_508 = vector.broadcast %while3A_166#1 : vector<128x1xi32> to vector<128x512xi32>
      %gt3A_509 = arith.cmpi sgt, %add3A_505, %gt3A_508 : vector<128x512xi32>
      %and3A_510 = arith.andi %eq3A_507, %gt3A_509 : vector<128x512xi1>
      %or3A = arith.ori %gt3A_506, %and3A_510 : vector<128x512xi1>
      %jit3A_511 = arith.constant 1.000000e+30 : f32
      %broadcast_in_dim3A_512 = vector.broadcast %jit3A_511 : f32 to vector<128x512xf32>
      %select_n3A_513 = arith.select %or3A, %get3A_502, %broadcast_in_dim3A_512 : vector<128x512xi1>, vector<128x512xf32>
      %reduce_min3A = arith.constant dense<0x7F800000> : vector<128xf32>
      %reduce_min3A_514 = vector.multi_reduction <minimumf>, %select_n3A_513, %reduce_min3A [1] : vector<128x512xf32> to vector<128xf32>
      %broadcast_in_dim3A_515 = vector.shape_cast %reduce_min3A_514 : vector<128xf32> to vector<128x1xf32>
      %eq3A_516 = vector.broadcast %broadcast_in_dim3A_515 : vector<128x1xf32> to vector<128x512xf32>
      %eq3A_517 = arith.cmpf oeq, %select_n3A_513, %eq3A_516 : vector<128x512xf32>
      %jit3A_518 = arith.constant 10240 : i32
      %broadcast_in_dim3A_519 = vector.broadcast %jit3A_518 : i32 to vector<128x512xi32>
      %select_n3A_520 = arith.select %eq3A_517, %add3A_505, %broadcast_in_dim3A_519 : vector<128x512xi1>, vector<128x512xi32>
      %reduce_min3A_521 = arith.constant dense<2147483647> : vector<128xi32>
      %reduce_min3A_522 = vector.multi_reduction <minsi>, %select_n3A_520, %reduce_min3A_521 [1] : vector<128x512xi32> to vector<128xi32>
      %broadcast_in_dim3A_523 = vector.shape_cast %reduce_min3A_522 : vector<128xi32> to vector<128x1xi32>
      %lt3A_524 = arith.cmpf olt, %broadcast_in_dim3A_515, %while3A_496 : vector<128x1xf32>
      %select_n3A_525 = arith.select %lt3A_524, %broadcast_in_dim3A_515, %while3A_496 : vector<128x1xi1>, vector<128x1xf32>
      %select_n3A_526 = arith.select %lt3A_524, %broadcast_in_dim3A_523, %while3A_497 : vector<128x1xi1>, vector<128x1xi32>
      scf.yield %select_n3A_525, %select_n3A_526 : vector<128x1xf32>, vector<128x1xi32>
    }
    %while3A_179 = arith.constant 1 : i32
    %while3A_180:2 = scf.for %while3A_495 = %while3A_176 to %while3A_172 step %while3A_179 iter_args(%while3A_496 = %while3A_178#0, %while3A_497 = %while3A_178#1) -> (vector<128x1xf32>, vector<128x1xi32>)  : i32 {
      %mul3A_498 = arith.constant 512 : i32
      %mul3A_499 = arith.muli %while3A_495, %mul3A_498 : i32
      %get3A_500 = arith.constant 0 : index
      %get3A_501 = arith.index_cast %mul3A_499 : i32 to index
      %get3A_502 = vector.load %arg10[%get3A_500, %get3A_501] : memref<128x10240xf32, #tpu.memory_space<vmem>>, vector<128x512xf32>
      %iota3A_503 = tpu.iota {dimensions = array<i32: 1>} : vector<128x512xi32>
      %add3A_504 = vector.broadcast %mul3A_499 : i32 to vector<128x512xi32>
      %add3A_505 = arith.addi %add3A_504, %iota3A_503 : vector<128x512xi32>
      %gt3A = vector.broadcast %while3A_166#0 : vector<128x1xf32> to vector<128x512xf32>
      %gt3A_506 = arith.cmpf ogt, %get3A_502, %gt3A : vector<128x512xf32>
      %eq3A = vector.broadcast %while3A_166#0 : vector<128x1xf32> to vector<128x512xf32>
      %eq3A_507 = arith.cmpf oeq, %get3A_502, %eq3A : vector<128x512xf32>
      %gt3A_508 = vector.broadcast %while3A_166#1 : vector<128x1xi32> to vector<128x512xi32>
      %gt3A_509 = arith.cmpi sgt, %add3A_505, %gt3A_508 : vector<128x512xi32>
      %and3A_510 = arith.andi %eq3A_507, %gt3A_509 : vector<128x512xi1>
      %or3A = arith.ori %gt3A_506, %and3A_510 : vector<128x512xi1>
      %jit3A_511 = arith.constant 1.000000e+30 : f32
      %broadcast_in_dim3A_512 = vector.broadcast %jit3A_511 : f32 to vector<128x512xf32>
      %select_n3A_513 = arith.select %or3A, %get3A_502, %broadcast_in_dim3A_512 : vector<128x512xi1>, vector<128x512xf32>
      %reduce_min3A = arith.constant dense<0x7F800000> : vector<128xf32>
      %reduce_min3A_514 = vector.multi_reduction <minimumf>, %select_n3A_513, %reduce_min3A [1] : vector<128x512xf32> to vector<128xf32>
      %broadcast_in_dim3A_515 = vector.shape_cast %reduce_min3A_514 : vector<128xf32> to vector<128x1xf32>
      %eq3A_516 = vector.broadcast %broadcast_in_dim3A_515 : vector<128x1xf32> to vector<128x512xf32>
      %eq3A_517 = arith.cmpf oeq, %select_n3A_513, %eq3A_516 : vector<128x512xf32>
      %jit3A_518 = arith.constant 10240 : i32
      %broadcast_in_dim3A_519 = vector.broadcast %jit3A_518 : i32 to vector<128x512xi32>
      %select_n3A_520 = arith.select %eq3A_517, %add3A_505, %broadcast_in_dim3A_519 : vector<128x512xi1>, vector<128x512xi32>
      %reduce_min3A_521 = arith.constant dense<2147483647> : vector<128xi32>
      %reduce_min3A_522 = vector.multi_reduction <minsi>, %select_n3A_520, %reduce_min3A_521 [1] : vector<128x512xi32> to vector<128xi32>
      %broadcast_in_dim3A_523 = vector.shape_cast %reduce_min3A_522 : vector<128xi32> to vector<128x1xi32>
      %lt3A_524 = arith.cmpf olt, %broadcast_in_dim3A_515, %while3A_496 : vector<128x1xf32>
      %select_n3A_525 = arith.select %lt3A_524, %broadcast_in_dim3A_515, %while3A_496 : vector<128x1xi1>, vector<128x1xf32>
      %select_n3A_526 = arith.select %lt3A_524, %broadcast_in_dim3A_523, %while3A_497 : vector<128x1xi1>, vector<128x1xi32>
      scf.yield %select_n3A_525, %select_n3A_526 : vector<128x1xf32>, vector<128x1xi32>
    }
    %broadcast_in_dim3A_181 = arith.constant 1.000000e+30 : f32
    %broadcast_in_dim3A_182 = vector.broadcast %broadcast_in_dim3A_181 : f32 to vector<128x1xf32>
    %broadcast_in_dim3A_183 = arith.constant 0 : i32
    %broadcast_in_dim3A_184 = vector.broadcast %broadcast_in_dim3A_183 : i32 to vector<128x1xi32>
    %while3A_185 = arith.subi %get3A_14, %get3A_12 : i32
    %while3A_186 = arith.addi %get3A_12, %while3A_185 : i32
    %while3A_187 = arith.constant 1 : i32
    %while3A_188 = arith.divsi %while3A_185, %while3A_187 : i32
    %while3A_189 = arith.muli %while3A_188, %while3A_187 : i32
    %while3A_190 = arith.addi %get3A_12, %while3A_189 : i32
    %while3A_191 = arith.constant 1 : i32
    %while3A_192:2 = scf.for %while3A_495 = %get3A_12 to %while3A_190 step %while3A_191 iter_args(%while3A_496 = %broadcast_in_dim3A_182, %while3A_497 = %broadcast_in_dim3A_184) -> (vector<128x1xf32>, vector<128x1xi32>)  : i32 {
      %mul3A_498 = arith.constant 512 : i32
      %mul3A_499 = arith.muli %while3A_495, %mul3A_498 : i32
      %get3A_500 = arith.constant 0 : index
      %get3A_501 = arith.index_cast %mul3A_499 : i32 to index
      %get3A_502 = vector.load %arg10[%get3A_500, %get3A_501] : memref<128x10240xf32, #tpu.memory_space<vmem>>, vector<128x512xf32>
      %iota3A_503 = tpu.iota {dimensions = array<i32: 1>} : vector<128x512xi32>
      %add3A_504 = vector.broadcast %mul3A_499 : i32 to vector<128x512xi32>
      %add3A_505 = arith.addi %add3A_504, %iota3A_503 : vector<128x512xi32>
      %gt3A = vector.broadcast %while3A_180#0 : vector<128x1xf32> to vector<128x512xf32>
      %gt3A_506 = arith.cmpf ogt, %get3A_502, %gt3A : vector<128x512xf32>
      %eq3A = vector.broadcast %while3A_180#0 : vector<128x1xf32> to vector<128x512xf32>
      %eq3A_507 = arith.cmpf oeq, %get3A_502, %eq3A : vector<128x512xf32>
      %gt3A_508 = vector.broadcast %while3A_180#1 : vector<128x1xi32> to vector<128x512xi32>
      %gt3A_509 = arith.cmpi sgt, %add3A_505, %gt3A_508 : vector<128x512xi32>
      %and3A_510 = arith.andi %eq3A_507, %gt3A_509 : vector<128x512xi1>
      %or3A = arith.ori %gt3A_506, %and3A_510 : vector<128x512xi1>
      %jit3A_511 = arith.constant 1.000000e+30 : f32
      %broadcast_in_dim3A_512 = vector.broadcast %jit3A_511 : f32 to vector<128x512xf32>
      %select_n3A_513 = arith.select %or3A, %get3A_502, %broadcast_in_dim3A_512 : vector<128x512xi1>, vector<128x512xf32>
      %reduce_min3A = arith.constant dense<0x7F800000> : vector<128xf32>
      %reduce_min3A_514 = vector.multi_reduction <minimumf>, %select_n3A_513, %reduce_min3A [1] : vector<128x512xf32> to vector<128xf32>
      %broadcast_in_dim3A_515 = vector.shape_cast %reduce_min3A_514 : vector<128xf32> to vector<128x1xf32>
      %eq3A_516 = vector.broadcast %broadcast_in_dim3A_515 : vector<128x1xf32> to vector<128x512xf32>
      %eq3A_517 = arith.cmpf oeq, %select_n3A_513, %eq3A_516 : vector<128x512xf32>
      %jit3A_518 = arith.constant 10240 : i32
      %broadcast_in_dim3A_519 = vector.broadcast %jit3A_518 : i32 to vector<128x512xi32>
      %select_n3A_520 = arith.select %eq3A_517, %add3A_505, %broadcast_in_dim3A_519 : vector<128x512xi1>, vector<128x512xi32>
      %reduce_min3A_521 = arith.constant dense<2147483647> : vector<128xi32>
      %reduce_min3A_522 = vector.multi_reduction <minsi>, %select_n3A_520, %reduce_min3A_521 [1] : vector<128x512xi32> to vector<128xi32>
      %broadcast_in_dim3A_523 = vector.shape_cast %reduce_min3A_522 : vector<128xi32> to vector<128x1xi32>
      %lt3A_524 = arith.cmpf olt, %broadcast_in_dim3A_515, %while3A_496 : vector<128x1xf32>
      %select_n3A_525 = arith.select %lt3A_524, %broadcast_in_dim3A_515, %while3A_496 : vector<128x1xi1>, vector<128x1xf32>
      %select_n3A_526 = arith.select %lt3A_524, %broadcast_in_dim3A_523, %while3A_497 : vector<128x1xi1>, vector<128x1xi32>
      scf.yield %select_n3A_525, %select_n3A_526 : vector<128x1xf32>, vector<128x1xi32>
    }
    %while3A_193 = arith.constant 1 : i32
    %while3A_194:2 = scf.for %while3A_495 = %while3A_190 to %while3A_186 step %while3A_193 iter_args(%while3A_496 = %while3A_192#0, %while3A_497 = %while3A_192#1) -> (vector<128x1xf32>, vector<128x1xi32>)  : i32 {
      %mul3A_498 = arith.constant 512 : i32
      %mul3A_499 = arith.muli %while3A_495, %mul3A_498 : i32
      %get3A_500 = arith.constant 0 : index
      %get3A_501 = arith.index_cast %mul3A_499 : i32 to index
      %get3A_502 = vector.load %arg10[%get3A_500, %get3A_501] : memref<128x10240xf32, #tpu.memory_space<vmem>>, vector<128x512xf32>
      %iota3A_503 = tpu.iota {dimensions = array<i32: 1>} : vector<128x512xi32>
      %add3A_504 = vector.broadcast %mul3A_499 : i32 to vector<128x512xi32>
      %add3A_505 = arith.addi %add3A_504, %iota3A_503 : vector<128x512xi32>
      %gt3A = vector.broadcast %while3A_180#0 : vector<128x1xf32> to vector<128x512xf32>
      %gt3A_506 = arith.cmpf ogt, %get3A_502, %gt3A : vector<128x512xf32>
      %eq3A = vector.broadcast %while3A_180#0 : vector<128x1xf32> to vector<128x512xf32>
      %eq3A_507 = arith.cmpf oeq, %get3A_502, %eq3A : vector<128x512xf32>
      %gt3A_508 = vector.broadcast %while3A_180#1 : vector<128x1xi32> to vector<128x512xi32>
      %gt3A_509 = arith.cmpi sgt, %add3A_505, %gt3A_508 : vector<128x512xi32>
      %and3A_510 = arith.andi %eq3A_507, %gt3A_509 : vector<128x512xi1>
      %or3A = arith.ori %gt3A_506, %and3A_510 : vector<128x512xi1>
      %jit3A_511 = arith.constant 1.000000e+30 : f32
      %broadcast_in_dim3A_512 = vector.broadcast %jit3A_511 : f32 to vector<128x512xf32>
      %select_n3A_513 = arith.select %or3A, %get3A_502, %broadcast_in_dim3A_512 : vector<128x512xi1>, vector<128x512xf32>
      %reduce_min3A = arith.constant dense<0x7F800000> : vector<128xf32>
      %reduce_min3A_514 = vector.multi_reduction <minimumf>, %select_n3A_513, %reduce_min3A [1] : vector<128x512xf32> to vector<128xf32>
      %broadcast_in_dim3A_515 = vector.shape_cast %reduce_min3A_514 : vector<128xf32> to vector<128x1xf32>
      %eq3A_516 = vector.broadcast %broadcast_in_dim3A_515 : vector<128x1xf32> to vector<128x512xf32>
      %eq3A_517 = arith.cmpf oeq, %select_n3A_513, %eq3A_516 : vector<128x512xf32>
      %jit3A_518 = arith.constant 10240 : i32
      %broadcast_in_dim3A_519 = vector.broadcast %jit3A_518 : i32 to vector<128x512xi32>
      %select_n3A_520 = arith.select %eq3A_517, %add3A_505, %broadcast_in_dim3A_519 : vector<128x512xi1>, vector<128x512xi32>
      %reduce_min3A_521 = arith.constant dense<2147483647> : vector<128xi32>
      %reduce_min3A_522 = vector.multi_reduction <minsi>, %select_n3A_520, %reduce_min3A_521 [1] : vector<128x512xi32> to vector<128xi32>
      %broadcast_in_dim3A_523 = vector.shape_cast %reduce_min3A_522 : vector<128xi32> to vector<128x1xi32>
      %lt3A_524 = arith.cmpf olt, %broadcast_in_dim3A_515, %while3A_496 : vector<128x1xf32>
      %select_n3A_525 = arith.select %lt3A_524, %broadcast_in_dim3A_515, %while3A_496 : vector<128x1xi1>, vector<128x1xf32>
      %select_n3A_526 = arith.select %lt3A_524, %broadcast_in_dim3A_523, %while3A_497 : vector<128x1xi1>, vector<128x1xi32>
      scf.yield %select_n3A_525, %select_n3A_526 : vector<128x1xf32>, vector<128x1xi32>
    }
    %broadcast_in_dim3A_195 = arith.constant 1.000000e+30 : f32
    %broadcast_in_dim3A_196 = vector.broadcast %broadcast_in_dim3A_195 : f32 to vector<128x1xf32>
    %broadcast_in_dim3A_197 = arith.constant 0 : i32
    %broadcast_in_dim3A_198 = vector.broadcast %broadcast_in_dim3A_197 : i32 to vector<128x1xi32>
    %while3A_199 = arith.subi %get3A_14, %get3A_12 : i32
    %while3A_200 = arith.addi %get3A_12, %while3A_199 : i32
    %while3A_201 = arith.constant 1 : i32
    %while3A_202 = arith.divsi %while3A_199, %while3A_201 : i32
    %while3A_203 = arith.muli %while3A_202, %while3A_201 : i32
    %while3A_204 = arith.addi %get3A_12, %while3A_203 : i32
    %while3A_205 = arith.constant 1 : i32
    %while3A_206:2 = scf.for %while3A_495 = %get3A_12 to %while3A_204 step %while3A_205 iter_args(%while3A_496 = %broadcast_in_dim3A_196, %while3A_497 = %broadcast_in_dim3A_198) -> (vector<128x1xf32>, vector<128x1xi32>)  : i32 {
      %mul3A_498 = arith.constant 512 : i32
      %mul3A_499 = arith.muli %while3A_495, %mul3A_498 : i32
      %get3A_500 = arith.constant 0 : index
      %get3A_501 = arith.index_cast %mul3A_499 : i32 to index
      %get3A_502 = vector.load %arg10[%get3A_500, %get3A_501] : memref<128x10240xf32, #tpu.memory_space<vmem>>, vector<128x512xf32>
      %iota3A_503 = tpu.iota {dimensions = array<i32: 1>} : vector<128x512xi32>
      %add3A_504 = vector.broadcast %mul3A_499 : i32 to vector<128x512xi32>
      %add3A_505 = arith.addi %add3A_504, %iota3A_503 : vector<128x512xi32>
      %gt3A = vector.broadcast %while3A_194#0 : vector<128x1xf32> to vector<128x512xf32>
      %gt3A_506 = arith.cmpf ogt, %get3A_502, %gt3A : vector<128x512xf32>
      %eq3A = vector.broadcast %while3A_194#0 : vector<128x1xf32> to vector<128x512xf32>
      %eq3A_507 = arith.cmpf oeq, %get3A_502, %eq3A : vector<128x512xf32>
      %gt3A_508 = vector.broadcast %while3A_194#1 : vector<128x1xi32> to vector<128x512xi32>
      %gt3A_509 = arith.cmpi sgt, %add3A_505, %gt3A_508 : vector<128x512xi32>
      %and3A_510 = arith.andi %eq3A_507, %gt3A_509 : vector<128x512xi1>
      %or3A = arith.ori %gt3A_506, %and3A_510 : vector<128x512xi1>
      %jit3A_511 = arith.constant 1.000000e+30 : f32
      %broadcast_in_dim3A_512 = vector.broadcast %jit3A_511 : f32 to vector<128x512xf32>
      %select_n3A_513 = arith.select %or3A, %get3A_502, %broadcast_in_dim3A_512 : vector<128x512xi1>, vector<128x512xf32>
      %reduce_min3A = arith.constant dense<0x7F800000> : vector<128xf32>
      %reduce_min3A_514 = vector.multi_reduction <minimumf>, %select_n3A_513, %reduce_min3A [1] : vector<128x512xf32> to vector<128xf32>
      %broadcast_in_dim3A_515 = vector.shape_cast %reduce_min3A_514 : vector<128xf32> to vector<128x1xf32>
      %eq3A_516 = vector.broadcast %broadcast_in_dim3A_515 : vector<128x1xf32> to vector<128x512xf32>
      %eq3A_517 = arith.cmpf oeq, %select_n3A_513, %eq3A_516 : vector<128x512xf32>
      %jit3A_518 = arith.constant 10240 : i32
      %broadcast_in_dim3A_519 = vector.broadcast %jit3A_518 : i32 to vector<128x512xi32>
      %select_n3A_520 = arith.select %eq3A_517, %add3A_505, %broadcast_in_dim3A_519 : vector<128x512xi1>, vector<128x512xi32>
      %reduce_min3A_521 = arith.constant dense<2147483647> : vector<128xi32>
      %reduce_min3A_522 = vector.multi_reduction <minsi>, %select_n3A_520, %reduce_min3A_521 [1] : vector<128x512xi32> to vector<128xi32>
      %broadcast_in_dim3A_523 = vector.shape_cast %reduce_min3A_522 : vector<128xi32> to vector<128x1xi32>
      %lt3A_524 = arith.cmpf olt, %broadcast_in_dim3A_515, %while3A_496 : vector<128x1xf32>
      %select_n3A_525 = arith.select %lt3A_524, %broadcast_in_dim3A_515, %while3A_496 : vector<128x1xi1>, vector<128x1xf32>
      %select_n3A_526 = arith.select %lt3A_524, %broadcast_in_dim3A_523, %while3A_497 : vector<128x1xi1>, vector<128x1xi32>
      scf.yield %select_n3A_525, %select_n3A_526 : vector<128x1xf32>, vector<128x1xi32>
    }
    %while3A_207 = arith.constant 1 : i32
    %while3A_208:2 = scf.for %while3A_495 = %while3A_204 to %while3A_200 step %while3A_207 iter_args(%while3A_496 = %while3A_206#0, %while3A_497 = %while3A_206#1) -> (vector<128x1xf32>, vector<128x1xi32>)  : i32 {
      %mul3A_498 = arith.constant 512 : i32
      %mul3A_499 = arith.muli %while3A_495, %mul3A_498 : i32
      %get3A_500 = arith.constant 0 : index
      %get3A_501 = arith.index_cast %mul3A_499 : i32 to index
      %get3A_502 = vector.load %arg10[%get3A_500, %get3A_501] : memref<128x10240xf32, #tpu.memory_space<vmem>>, vector<128x512xf32>
      %iota3A_503 = tpu.iota {dimensions = array<i32: 1>} : vector<128x512xi32>
      %add3A_504 = vector.broadcast %mul3A_499 : i32 to vector<128x512xi32>
      %add3A_505 = arith.addi %add3A_504, %iota3A_503 : vector<128x512xi32>
      %gt3A = vector.broadcast %while3A_194#0 : vector<128x1xf32> to vector<128x512xf32>
      %gt3A_506 = arith.cmpf ogt, %get3A_502, %gt3A : vector<128x512xf32>
      %eq3A = vector.broadcast %while3A_194#0 : vector<128x1xf32> to vector<128x512xf32>
      %eq3A_507 = arith.cmpf oeq, %get3A_502, %eq3A : vector<128x512xf32>
      %gt3A_508 = vector.broadcast %while3A_194#1 : vector<128x1xi32> to vector<128x512xi32>
      %gt3A_509 = arith.cmpi sgt, %add3A_505, %gt3A_508 : vector<128x512xi32>
      %and3A_510 = arith.andi %eq3A_507, %gt3A_509 : vector<128x512xi1>
      %or3A = arith.ori %gt3A_506, %and3A_510 : vector<128x512xi1>
      %jit3A_511 = arith.constant 1.000000e+30 : f32
      %broadcast_in_dim3A_512 = vector.broadcast %jit3A_511 : f32 to vector<128x512xf32>
      %select_n3A_513 = arith.select %or3A, %get3A_502, %broadcast_in_dim3A_512 : vector<128x512xi1>, vector<128x512xf32>
      %reduce_min3A = arith.constant dense<0x7F800000> : vector<128xf32>
      %reduce_min3A_514 = vector.multi_reduction <minimumf>, %select_n3A_513, %reduce_min3A [1] : vector<128x512xf32> to vector<128xf32>
      %broadcast_in_dim3A_515 = vector.shape_cast %reduce_min3A_514 : vector<128xf32> to vector<128x1xf32>
      %eq3A_516 = vector.broadcast %broadcast_in_dim3A_515 : vector<128x1xf32> to vector<128x512xf32>
      %eq3A_517 = arith.cmpf oeq, %select_n3A_513, %eq3A_516 : vector<128x512xf32>
      %jit3A_518 = arith.constant 10240 : i32
      %broadcast_in_dim3A_519 = vector.broadcast %jit3A_518 : i32 to vector<128x512xi32>
      %select_n3A_520 = arith.select %eq3A_517, %add3A_505, %broadcast_in_dim3A_519 : vector<128x512xi1>, vector<128x512xi32>
      %reduce_min3A_521 = arith.constant dense<2147483647> : vector<128xi32>
      %reduce_min3A_522 = vector.multi_reduction <minsi>, %select_n3A_520, %reduce_min3A_521 [1] : vector<128x512xi32> to vector<128xi32>
      %broadcast_in_dim3A_523 = vector.shape_cast %reduce_min3A_522 : vector<128xi32> to vector<128x1xi32>
      %lt3A_524 = arith.cmpf olt, %broadcast_in_dim3A_515, %while3A_496 : vector<128x1xf32>
      %select_n3A_525 = arith.select %lt3A_524, %broadcast_in_dim3A_515, %while3A_496 : vector<128x1xi1>, vector<128x1xf32>
      %select_n3A_526 = arith.select %lt3A_524, %broadcast_in_dim3A_523, %while3A_497 : vector<128x1xi1>, vector<128x1xi32>
      scf.yield %select_n3A_525, %select_n3A_526 : vector<128x1xf32>, vector<128x1xi32>
    }
    %broadcast_in_dim3A_209 = arith.constant 1.000000e+30 : f32
    %broadcast_in_dim3A_210 = vector.broadcast %broadcast_in_dim3A_209 : f32 to vector<128x1xf32>
    %broadcast_in_dim3A_211 = arith.constant 0 : i32
    %broadcast_in_dim3A_212 = vector.broadcast %broadcast_in_dim3A_211 : i32 to vector<128x1xi32>
    %while3A_213 = arith.subi %get3A_14, %get3A_12 : i32
    %while3A_214 = arith.addi %get3A_12, %while3A_213 : i32
    %while3A_215 = arith.constant 1 : i32
    %while3A_216 = arith.divsi %while3A_213, %while3A_215 : i32
    %while3A_217 = arith.muli %while3A_216, %while3A_215 : i32
    %while3A_218 = arith.addi %get3A_12, %while3A_217 : i32
    %while3A_219 = arith.constant 1 : i32
    %while3A_220:2 = scf.for %while3A_495 = %get3A_12 to %while3A_218 step %while3A_219 iter_args(%while3A_496 = %broadcast_in_dim3A_210, %while3A_497 = %broadcast_in_dim3A_212) -> (vector<128x1xf32>, vector<128x1xi32>)  : i32 {
      %mul3A_498 = arith.constant 512 : i32
      %mul3A_499 = arith.muli %while3A_495, %mul3A_498 : i32
      %get3A_500 = arith.constant 0 : index
      %get3A_501 = arith.index_cast %mul3A_499 : i32 to index
      %get3A_502 = vector.load %arg10[%get3A_500, %get3A_501] : memref<128x10240xf32, #tpu.memory_space<vmem>>, vector<128x512xf32>
      %iota3A_503 = tpu.iota {dimensions = array<i32: 1>} : vector<128x512xi32>
      %add3A_504 = vector.broadcast %mul3A_499 : i32 to vector<128x512xi32>
      %add3A_505 = arith.addi %add3A_504, %iota3A_503 : vector<128x512xi32>
      %gt3A = vector.broadcast %while3A_208#0 : vector<128x1xf32> to vector<128x512xf32>
      %gt3A_506 = arith.cmpf ogt, %get3A_502, %gt3A : vector<128x512xf32>
      %eq3A = vector.broadcast %while3A_208#0 : vector<128x1xf32> to vector<128x512xf32>
      %eq3A_507 = arith.cmpf oeq, %get3A_502, %eq3A : vector<128x512xf32>
      %gt3A_508 = vector.broadcast %while3A_208#1 : vector<128x1xi32> to vector<128x512xi32>
      %gt3A_509 = arith.cmpi sgt, %add3A_505, %gt3A_508 : vector<128x512xi32>
      %and3A_510 = arith.andi %eq3A_507, %gt3A_509 : vector<128x512xi1>
      %or3A = arith.ori %gt3A_506, %and3A_510 : vector<128x512xi1>
      %jit3A_511 = arith.constant 1.000000e+30 : f32
      %broadcast_in_dim3A_512 = vector.broadcast %jit3A_511 : f32 to vector<128x512xf32>
      %select_n3A_513 = arith.select %or3A, %get3A_502, %broadcast_in_dim3A_512 : vector<128x512xi1>, vector<128x512xf32>
      %reduce_min3A = arith.constant dense<0x7F800000> : vector<128xf32>
      %reduce_min3A_514 = vector.multi_reduction <minimumf>, %select_n3A_513, %reduce_min3A [1] : vector<128x512xf32> to vector<128xf32>
      %broadcast_in_dim3A_515 = vector.shape_cast %reduce_min3A_514 : vector<128xf32> to vector<128x1xf32>
      %eq3A_516 = vector.broadcast %broadcast_in_dim3A_515 : vector<128x1xf32> to vector<128x512xf32>
      %eq3A_517 = arith.cmpf oeq, %select_n3A_513, %eq3A_516 : vector<128x512xf32>
      %jit3A_518 = arith.constant 10240 : i32
      %broadcast_in_dim3A_519 = vector.broadcast %jit3A_518 : i32 to vector<128x512xi32>
      %select_n3A_520 = arith.select %eq3A_517, %add3A_505, %broadcast_in_dim3A_519 : vector<128x512xi1>, vector<128x512xi32>
      %reduce_min3A_521 = arith.constant dense<2147483647> : vector<128xi32>
      %reduce_min3A_522 = vector.multi_reduction <minsi>, %select_n3A_520, %reduce_min3A_521 [1] : vector<128x512xi32> to vector<128xi32>
      %broadcast_in_dim3A_523 = vector.shape_cast %reduce_min3A_522 : vector<128xi32> to vector<128x1xi32>
      %lt3A_524 = arith.cmpf olt, %broadcast_in_dim3A_515, %while3A_496 : vector<128x1xf32>
      %select_n3A_525 = arith.select %lt3A_524, %broadcast_in_dim3A_515, %while3A_496 : vector<128x1xi1>, vector<128x1xf32>
      %select_n3A_526 = arith.select %lt3A_524, %broadcast_in_dim3A_523, %while3A_497 : vector<128x1xi1>, vector<128x1xi32>
      scf.yield %select_n3A_525, %select_n3A_526 : vector<128x1xf32>, vector<128x1xi32>
    }
    %while3A_221 = arith.constant 1 : i32
    %while3A_222:2 = scf.for %while3A_495 = %while3A_218 to %while3A_214 step %while3A_221 iter_args(%while3A_496 = %while3A_220#0, %while3A_497 = %while3A_220#1) -> (vector<128x1xf32>, vector<128x1xi32>)  : i32 {
      %mul3A_498 = arith.constant 512 : i32
      %mul3A_499 = arith.muli %while3A_495, %mul3A_498 : i32
      %get3A_500 = arith.constant 0 : index
      %get3A_501 = arith.index_cast %mul3A_499 : i32 to index
      %get3A_502 = vector.load %arg10[%get3A_500, %get3A_501] : memref<128x10240xf32, #tpu.memory_space<vmem>>, vector<128x512xf32>
      %iota3A_503 = tpu.iota {dimensions = array<i32: 1>} : vector<128x512xi32>
      %add3A_504 = vector.broadcast %mul3A_499 : i32 to vector<128x512xi32>
      %add3A_505 = arith.addi %add3A_504, %iota3A_503 : vector<128x512xi32>
      %gt3A = vector.broadcast %while3A_208#0 : vector<128x1xf32> to vector<128x512xf32>
      %gt3A_506 = arith.cmpf ogt, %get3A_502, %gt3A : vector<128x512xf32>
      %eq3A = vector.broadcast %while3A_208#0 : vector<128x1xf32> to vector<128x512xf32>
      %eq3A_507 = arith.cmpf oeq, %get3A_502, %eq3A : vector<128x512xf32>
      %gt3A_508 = vector.broadcast %while3A_208#1 : vector<128x1xi32> to vector<128x512xi32>
      %gt3A_509 = arith.cmpi sgt, %add3A_505, %gt3A_508 : vector<128x512xi32>
      %and3A_510 = arith.andi %eq3A_507, %gt3A_509 : vector<128x512xi1>
      %or3A = arith.ori %gt3A_506, %and3A_510 : vector<128x512xi1>
      %jit3A_511 = arith.constant 1.000000e+30 : f32
      %broadcast_in_dim3A_512 = vector.broadcast %jit3A_511 : f32 to vector<128x512xf32>
      %select_n3A_513 = arith.select %or3A, %get3A_502, %broadcast_in_dim3A_512 : vector<128x512xi1>, vector<128x512xf32>
      %reduce_min3A = arith.constant dense<0x7F800000> : vector<128xf32>
      %reduce_min3A_514 = vector.multi_reduction <minimumf>, %select_n3A_513, %reduce_min3A [1] : vector<128x512xf32> to vector<128xf32>
      %broadcast_in_dim3A_515 = vector.shape_cast %reduce_min3A_514 : vector<128xf32> to vector<128x1xf32>
      %eq3A_516 = vector.broadcast %broadcast_in_dim3A_515 : vector<128x1xf32> to vector<128x512xf32>
      %eq3A_517 = arith.cmpf oeq, %select_n3A_513, %eq3A_516 : vector<128x512xf32>
      %jit3A_518 = arith.constant 10240 : i32
      %broadcast_in_dim3A_519 = vector.broadcast %jit3A_518 : i32 to vector<128x512xi32>
      %select_n3A_520 = arith.select %eq3A_517, %add3A_505, %broadcast_in_dim3A_519 : vector<128x512xi1>, vector<128x512xi32>
      %reduce_min3A_521 = arith.constant dense<2147483647> : vector<128xi32>
      %reduce_min3A_522 = vector.multi_reduction <minsi>, %select_n3A_520, %reduce_min3A_521 [1] : vector<128x512xi32> to vector<128xi32>
      %broadcast_in_dim3A_523 = vector.shape_cast %reduce_min3A_522 : vector<128xi32> to vector<128x1xi32>
      %lt3A_524 = arith.cmpf olt, %broadcast_in_dim3A_515, %while3A_496 : vector<128x1xf32>
      %select_n3A_525 = arith.select %lt3A_524, %broadcast_in_dim3A_515, %while3A_496 : vector<128x1xi1>, vector<128x1xf32>
      %select_n3A_526 = arith.select %lt3A_524, %broadcast_in_dim3A_523, %while3A_497 : vector<128x1xi1>, vector<128x1xi32>
      scf.yield %select_n3A_525, %select_n3A_526 : vector<128x1xf32>, vector<128x1xi32>
    }
    %broadcast_in_dim3A_223 = arith.constant 1.000000e+30 : f32
    %broadcast_in_dim3A_224 = vector.broadcast %broadcast_in_dim3A_223 : f32 to vector<128x1xf32>
    %broadcast_in_dim3A_225 = arith.constant 0 : i32
    %broadcast_in_dim3A_226 = vector.broadcast %broadcast_in_dim3A_225 : i32 to vector<128x1xi32>
    %while3A_227 = arith.subi %get3A_14, %get3A_12 : i32
    %while3A_228 = arith.addi %get3A_12, %while3A_227 : i32
    %while3A_229 = arith.constant 1 : i32
    %while3A_230 = arith.divsi %while3A_227, %while3A_229 : i32
    %while3A_231 = arith.muli %while3A_230, %while3A_229 : i32
    %while3A_232 = arith.addi %get3A_12, %while3A_231 : i32
    %while3A_233 = arith.constant 1 : i32
    %while3A_234:2 = scf.for %while3A_495 = %get3A_12 to %while3A_232 step %while3A_233 iter_args(%while3A_496 = %broadcast_in_dim3A_224, %while3A_497 = %broadcast_in_dim3A_226) -> (vector<128x1xf32>, vector<128x1xi32>)  : i32 {
      %mul3A_498 = arith.constant 512 : i32
      %mul3A_499 = arith.muli %while3A_495, %mul3A_498 : i32
      %get3A_500 = arith.constant 0 : index
      %get3A_501 = arith.index_cast %mul3A_499 : i32 to index
      %get3A_502 = vector.load %arg10[%get3A_500, %get3A_501] : memref<128x10240xf32, #tpu.memory_space<vmem>>, vector<128x512xf32>
      %iota3A_503 = tpu.iota {dimensions = array<i32: 1>} : vector<128x512xi32>
      %add3A_504 = vector.broadcast %mul3A_499 : i32 to vector<128x512xi32>
      %add3A_505 = arith.addi %add3A_504, %iota3A_503 : vector<128x512xi32>
      %gt3A = vector.broadcast %while3A_222#0 : vector<128x1xf32> to vector<128x512xf32>
      %gt3A_506 = arith.cmpf ogt, %get3A_502, %gt3A : vector<128x512xf32>
      %eq3A = vector.broadcast %while3A_222#0 : vector<128x1xf32> to vector<128x512xf32>
      %eq3A_507 = arith.cmpf oeq, %get3A_502, %eq3A : vector<128x512xf32>
      %gt3A_508 = vector.broadcast %while3A_222#1 : vector<128x1xi32> to vector<128x512xi32>
      %gt3A_509 = arith.cmpi sgt, %add3A_505, %gt3A_508 : vector<128x512xi32>
      %and3A_510 = arith.andi %eq3A_507, %gt3A_509 : vector<128x512xi1>
      %or3A = arith.ori %gt3A_506, %and3A_510 : vector<128x512xi1>
      %jit3A_511 = arith.constant 1.000000e+30 : f32
      %broadcast_in_dim3A_512 = vector.broadcast %jit3A_511 : f32 to vector<128x512xf32>
      %select_n3A_513 = arith.select %or3A, %get3A_502, %broadcast_in_dim3A_512 : vector<128x512xi1>, vector<128x512xf32>
      %reduce_min3A = arith.constant dense<0x7F800000> : vector<128xf32>
      %reduce_min3A_514 = vector.multi_reduction <minimumf>, %select_n3A_513, %reduce_min3A [1] : vector<128x512xf32> to vector<128xf32>
      %broadcast_in_dim3A_515 = vector.shape_cast %reduce_min3A_514 : vector<128xf32> to vector<128x1xf32>
      %eq3A_516 = vector.broadcast %broadcast_in_dim3A_515 : vector<128x1xf32> to vector<128x512xf32>
      %eq3A_517 = arith.cmpf oeq, %select_n3A_513, %eq3A_516 : vector<128x512xf32>
      %jit3A_518 = arith.constant 10240 : i32
      %broadcast_in_dim3A_519 = vector.broadcast %jit3A_518 : i32 to vector<128x512xi32>
      %select_n3A_520 = arith.select %eq3A_517, %add3A_505, %broadcast_in_dim3A_519 : vector<128x512xi1>, vector<128x512xi32>
      %reduce_min3A_521 = arith.constant dense<2147483647> : vector<128xi32>
      %reduce_min3A_522 = vector.multi_reduction <minsi>, %select_n3A_520, %reduce_min3A_521 [1] : vector<128x512xi32> to vector<128xi32>
      %broadcast_in_dim3A_523 = vector.shape_cast %reduce_min3A_522 : vector<128xi32> to vector<128x1xi32>
      %lt3A_524 = arith.cmpf olt, %broadcast_in_dim3A_515, %while3A_496 : vector<128x1xf32>
      %select_n3A_525 = arith.select %lt3A_524, %broadcast_in_dim3A_515, %while3A_496 : vector<128x1xi1>, vector<128x1xf32>
      %select_n3A_526 = arith.select %lt3A_524, %broadcast_in_dim3A_523, %while3A_497 : vector<128x1xi1>, vector<128x1xi32>
      scf.yield %select_n3A_525, %select_n3A_526 : vector<128x1xf32>, vector<128x1xi32>
    }
    %while3A_235 = arith.constant 1 : i32
    %while3A_236:2 = scf.for %while3A_495 = %while3A_232 to %while3A_228 step %while3A_235 iter_args(%while3A_496 = %while3A_234#0, %while3A_497 = %while3A_234#1) -> (vector<128x1xf32>, vector<128x1xi32>)  : i32 {
      %mul3A_498 = arith.constant 512 : i32
      %mul3A_499 = arith.muli %while3A_495, %mul3A_498 : i32
      %get3A_500 = arith.constant 0 : index
      %get3A_501 = arith.index_cast %mul3A_499 : i32 to index
      %get3A_502 = vector.load %arg10[%get3A_500, %get3A_501] : memref<128x10240xf32, #tpu.memory_space<vmem>>, vector<128x512xf32>
      %iota3A_503 = tpu.iota {dimensions = array<i32: 1>} : vector<128x512xi32>
      %add3A_504 = vector.broadcast %mul3A_499 : i32 to vector<128x512xi32>
      %add3A_505 = arith.addi %add3A_504, %iota3A_503 : vector<128x512xi32>
      %gt3A = vector.broadcast %while3A_222#0 : vector<128x1xf32> to vector<128x512xf32>
      %gt3A_506 = arith.cmpf ogt, %get3A_502, %gt3A : vector<128x512xf32>
      %eq3A = vector.broadcast %while3A_222#0 : vector<128x1xf32> to vector<128x512xf32>
      %eq3A_507 = arith.cmpf oeq, %get3A_502, %eq3A : vector<128x512xf32>
      %gt3A_508 = vector.broadcast %while3A_222#1 : vector<128x1xi32> to vector<128x512xi32>
      %gt3A_509 = arith.cmpi sgt, %add3A_505, %gt3A_508 : vector<128x512xi32>
      %and3A_510 = arith.andi %eq3A_507, %gt3A_509 : vector<128x512xi1>
      %or3A = arith.ori %gt3A_506, %and3A_510 : vector<128x512xi1>
      %jit3A_511 = arith.constant 1.000000e+30 : f32
      %broadcast_in_dim3A_512 = vector.broadcast %jit3A_511 : f32 to vector<128x512xf32>
      %select_n3A_513 = arith.select %or3A, %get3A_502, %broadcast_in_dim3A_512 : vector<128x512xi1>, vector<128x512xf32>
      %reduce_min3A = arith.constant dense<0x7F800000> : vector<128xf32>
      %reduce_min3A_514 = vector.multi_reduction <minimumf>, %select_n3A_513, %reduce_min3A [1] : vector<128x512xf32> to vector<128xf32>
      %broadcast_in_dim3A_515 = vector.shape_cast %reduce_min3A_514 : vector<128xf32> to vector<128x1xf32>
      %eq3A_516 = vector.broadcast %broadcast_in_dim3A_515 : vector<128x1xf32> to vector<128x512xf32>
      %eq3A_517 = arith.cmpf oeq, %select_n3A_513, %eq3A_516 : vector<128x512xf32>
      %jit3A_518 = arith.constant 10240 : i32
      %broadcast_in_dim3A_519 = vector.broadcast %jit3A_518 : i32 to vector<128x512xi32>
      %select_n3A_520 = arith.select %eq3A_517, %add3A_505, %broadcast_in_dim3A_519 : vector<128x512xi1>, vector<128x512xi32>
      %reduce_min3A_521 = arith.constant dense<2147483647> : vector<128xi32>
      %reduce_min3A_522 = vector.multi_reduction <minsi>, %select_n3A_520, %reduce_min3A_521 [1] : vector<128x512xi32> to vector<128xi32>
      %broadcast_in_dim3A_523 = vector.shape_cast %reduce_min3A_522 : vector<128xi32> to vector<128x1xi32>
      %lt3A_524 = arith.cmpf olt, %broadcast_in_dim3A_515, %while3A_496 : vector<128x1xf32>
      %select_n3A_525 = arith.select %lt3A_524, %broadcast_in_dim3A_515, %while3A_496 : vector<128x1xi1>, vector<128x1xf32>
      %select_n3A_526 = arith.select %lt3A_524, %broadcast_in_dim3A_523, %while3A_497 : vector<128x1xi1>, vector<128x1xi32>
      scf.yield %select_n3A_525, %select_n3A_526 : vector<128x1xf32>, vector<128x1xi32>
    }
    %broadcast_in_dim3A_237 = arith.constant 1.000000e+30 : f32
    %broadcast_in_dim3A_238 = vector.broadcast %broadcast_in_dim3A_237 : f32 to vector<128x1xf32>
    %broadcast_in_dim3A_239 = arith.constant 0 : i32
    %broadcast_in_dim3A_240 = vector.broadcast %broadcast_in_dim3A_239 : i32 to vector<128x1xi32>
    %while3A_241 = arith.subi %get3A_14, %get3A_12 : i32
    %while3A_242 = arith.addi %get3A_12, %while3A_241 : i32
    %while3A_243 = arith.constant 1 : i32
    %while3A_244 = arith.divsi %while3A_241, %while3A_243 : i32
    %while3A_245 = arith.muli %while3A_244, %while3A_243 : i32
    %while3A_246 = arith.addi %get3A_12, %while3A_245 : i32
    %while3A_247 = arith.constant 1 : i32
    %while3A_248:2 = scf.for %while3A_495 = %get3A_12 to %while3A_246 step %while3A_247 iter_args(%while3A_496 = %broadcast_in_dim3A_238, %while3A_497 = %broadcast_in_dim3A_240) -> (vector<128x1xf32>, vector<128x1xi32>)  : i32 {
      %mul3A_498 = arith.constant 512 : i32
      %mul3A_499 = arith.muli %while3A_495, %mul3A_498 : i32
      %get3A_500 = arith.constant 0 : index
      %get3A_501 = arith.index_cast %mul3A_499 : i32 to index
      %get3A_502 = vector.load %arg10[%get3A_500, %get3A_501] : memref<128x10240xf32, #tpu.memory_space<vmem>>, vector<128x512xf32>
      %iota3A_503 = tpu.iota {dimensions = array<i32: 1>} : vector<128x512xi32>
      %add3A_504 = vector.broadcast %mul3A_499 : i32 to vector<128x512xi32>
      %add3A_505 = arith.addi %add3A_504, %iota3A_503 : vector<128x512xi32>
      %gt3A = vector.broadcast %while3A_236#0 : vector<128x1xf32> to vector<128x512xf32>
      %gt3A_506 = arith.cmpf ogt, %get3A_502, %gt3A : vector<128x512xf32>
      %eq3A = vector.broadcast %while3A_236#0 : vector<128x1xf32> to vector<128x512xf32>
      %eq3A_507 = arith.cmpf oeq, %get3A_502, %eq3A : vector<128x512xf32>
      %gt3A_508 = vector.broadcast %while3A_236#1 : vector<128x1xi32> to vector<128x512xi32>
      %gt3A_509 = arith.cmpi sgt, %add3A_505, %gt3A_508 : vector<128x512xi32>
      %and3A_510 = arith.andi %eq3A_507, %gt3A_509 : vector<128x512xi1>
      %or3A = arith.ori %gt3A_506, %and3A_510 : vector<128x512xi1>
      %jit3A_511 = arith.constant 1.000000e+30 : f32
      %broadcast_in_dim3A_512 = vector.broadcast %jit3A_511 : f32 to vector<128x512xf32>
      %select_n3A_513 = arith.select %or3A, %get3A_502, %broadcast_in_dim3A_512 : vector<128x512xi1>, vector<128x512xf32>
      %reduce_min3A = arith.constant dense<0x7F800000> : vector<128xf32>
      %reduce_min3A_514 = vector.multi_reduction <minimumf>, %select_n3A_513, %reduce_min3A [1] : vector<128x512xf32> to vector<128xf32>
      %broadcast_in_dim3A_515 = vector.shape_cast %reduce_min3A_514 : vector<128xf32> to vector<128x1xf32>
      %eq3A_516 = vector.broadcast %broadcast_in_dim3A_515 : vector<128x1xf32> to vector<128x512xf32>
      %eq3A_517 = arith.cmpf oeq, %select_n3A_513, %eq3A_516 : vector<128x512xf32>
      %jit3A_518 = arith.constant 10240 : i32
      %broadcast_in_dim3A_519 = vector.broadcast %jit3A_518 : i32 to vector<128x512xi32>
      %select_n3A_520 = arith.select %eq3A_517, %add3A_505, %broadcast_in_dim3A_519 : vector<128x512xi1>, vector<128x512xi32>
      %reduce_min3A_521 = arith.constant dense<2147483647> : vector<128xi32>
      %reduce_min3A_522 = vector.multi_reduction <minsi>, %select_n3A_520, %reduce_min3A_521 [1] : vector<128x512xi32> to vector<128xi32>
      %broadcast_in_dim3A_523 = vector.shape_cast %reduce_min3A_522 : vector<128xi32> to vector<128x1xi32>
      %lt3A_524 = arith.cmpf olt, %broadcast_in_dim3A_515, %while3A_496 : vector<128x1xf32>
      %select_n3A_525 = arith.select %lt3A_524, %broadcast_in_dim3A_515, %while3A_496 : vector<128x1xi1>, vector<128x1xf32>
      %select_n3A_526 = arith.select %lt3A_524, %broadcast_in_dim3A_523, %while3A_497 : vector<128x1xi1>, vector<128x1xi32>
      scf.yield %select_n3A_525, %select_n3A_526 : vector<128x1xf32>, vector<128x1xi32>
    }
    %while3A_249 = arith.constant 1 : i32
    %while3A_250:2 = scf.for %while3A_495 = %while3A_246 to %while3A_242 step %while3A_249 iter_args(%while3A_496 = %while3A_248#0, %while3A_497 = %while3A_248#1) -> (vector<128x1xf32>, vector<128x1xi32>)  : i32 {
      %mul3A_498 = arith.constant 512 : i32
      %mul3A_499 = arith.muli %while3A_495, %mul3A_498 : i32
      %get3A_500 = arith.constant 0 : index
      %get3A_501 = arith.index_cast %mul3A_499 : i32 to index
      %get3A_502 = vector.load %arg10[%get3A_500, %get3A_501] : memref<128x10240xf32, #tpu.memory_space<vmem>>, vector<128x512xf32>
      %iota3A_503 = tpu.iota {dimensions = array<i32: 1>} : vector<128x512xi32>
      %add3A_504 = vector.broadcast %mul3A_499 : i32 to vector<128x512xi32>
      %add3A_505 = arith.addi %add3A_504, %iota3A_503 : vector<128x512xi32>
      %gt3A = vector.broadcast %while3A_236#0 : vector<128x1xf32> to vector<128x512xf32>
      %gt3A_506 = arith.cmpf ogt, %get3A_502, %gt3A : vector<128x512xf32>
      %eq3A = vector.broadcast %while3A_236#0 : vector<128x1xf32> to vector<128x512xf32>
      %eq3A_507 = arith.cmpf oeq, %get3A_502, %eq3A : vector<128x512xf32>
      %gt3A_508 = vector.broadcast %while3A_236#1 : vector<128x1xi32> to vector<128x512xi32>
      %gt3A_509 = arith.cmpi sgt, %add3A_505, %gt3A_508 : vector<128x512xi32>
      %and3A_510 = arith.andi %eq3A_507, %gt3A_509 : vector<128x512xi1>
      %or3A = arith.ori %gt3A_506, %and3A_510 : vector<128x512xi1>
      %jit3A_511 = arith.constant 1.000000e+30 : f32
      %broadcast_in_dim3A_512 = vector.broadcast %jit3A_511 : f32 to vector<128x512xf32>
      %select_n3A_513 = arith.select %or3A, %get3A_502, %broadcast_in_dim3A_512 : vector<128x512xi1>, vector<128x512xf32>
      %reduce_min3A = arith.constant dense<0x7F800000> : vector<128xf32>
      %reduce_min3A_514 = vector.multi_reduction <minimumf>, %select_n3A_513, %reduce_min3A [1] : vector<128x512xf32> to vector<128xf32>
      %broadcast_in_dim3A_515 = vector.shape_cast %reduce_min3A_514 : vector<128xf32> to vector<128x1xf32>
      %eq3A_516 = vector.broadcast %broadcast_in_dim3A_515 : vector<128x1xf32> to vector<128x512xf32>
      %eq3A_517 = arith.cmpf oeq, %select_n3A_513, %eq3A_516 : vector<128x512xf32>
      %jit3A_518 = arith.constant 10240 : i32
      %broadcast_in_dim3A_519 = vector.broadcast %jit3A_518 : i32 to vector<128x512xi32>
      %select_n3A_520 = arith.select %eq3A_517, %add3A_505, %broadcast_in_dim3A_519 : vector<128x512xi1>, vector<128x512xi32>
      %reduce_min3A_521 = arith.constant dense<2147483647> : vector<128xi32>
      %reduce_min3A_522 = vector.multi_reduction <minsi>, %select_n3A_520, %reduce_min3A_521 [1] : vector<128x512xi32> to vector<128xi32>
      %broadcast_in_dim3A_523 = vector.shape_cast %reduce_min3A_522 : vector<128xi32> to vector<128x1xi32>
      %lt3A_524 = arith.cmpf olt, %broadcast_in_dim3A_515, %while3A_496 : vector<128x1xf32>
      %select_n3A_525 = arith.select %lt3A_524, %broadcast_in_dim3A_515, %while3A_496 : vector<128x1xi1>, vector<128x1xf32>
      %select_n3A_526 = arith.select %lt3A_524, %broadcast_in_dim3A_523, %while3A_497 : vector<128x1xi1>, vector<128x1xi32>
      scf.yield %select_n3A_525, %select_n3A_526 : vector<128x1xf32>, vector<128x1xi32>
    }
    %broadcast_in_dim3A_251 = arith.constant 1.000000e+30 : f32
    %broadcast_in_dim3A_252 = vector.broadcast %broadcast_in_dim3A_251 : f32 to vector<128x1xf32>
    %broadcast_in_dim3A_253 = arith.constant 0 : i32
    %broadcast_in_dim3A_254 = vector.broadcast %broadcast_in_dim3A_253 : i32 to vector<128x1xi32>
    %while3A_255 = arith.subi %get3A_14, %get3A_12 : i32
    %while3A_256 = arith.addi %get3A_12, %while3A_255 : i32
    %while3A_257 = arith.constant 1 : i32
    %while3A_258 = arith.divsi %while3A_255, %while3A_257 : i32
    %while3A_259 = arith.muli %while3A_258, %while3A_257 : i32
    %while3A_260 = arith.addi %get3A_12, %while3A_259 : i32
    %while3A_261 = arith.constant 1 : i32
    %while3A_262:2 = scf.for %while3A_495 = %get3A_12 to %while3A_260 step %while3A_261 iter_args(%while3A_496 = %broadcast_in_dim3A_252, %while3A_497 = %broadcast_in_dim3A_254) -> (vector<128x1xf32>, vector<128x1xi32>)  : i32 {
      %mul3A_498 = arith.constant 512 : i32
      %mul3A_499 = arith.muli %while3A_495, %mul3A_498 : i32
      %get3A_500 = arith.constant 0 : index
      %get3A_501 = arith.index_cast %mul3A_499 : i32 to index
      %get3A_502 = vector.load %arg10[%get3A_500, %get3A_501] : memref<128x10240xf32, #tpu.memory_space<vmem>>, vector<128x512xf32>
      %iota3A_503 = tpu.iota {dimensions = array<i32: 1>} : vector<128x512xi32>
      %add3A_504 = vector.broadcast %mul3A_499 : i32 to vector<128x512xi32>
      %add3A_505 = arith.addi %add3A_504, %iota3A_503 : vector<128x512xi32>
      %gt3A = vector.broadcast %while3A_250#0 : vector<128x1xf32> to vector<128x512xf32>
      %gt3A_506 = arith.cmpf ogt, %get3A_502, %gt3A : vector<128x512xf32>
      %eq3A = vector.broadcast %while3A_250#0 : vector<128x1xf32> to vector<128x512xf32>
      %eq3A_507 = arith.cmpf oeq, %get3A_502, %eq3A : vector<128x512xf32>
      %gt3A_508 = vector.broadcast %while3A_250#1 : vector<128x1xi32> to vector<128x512xi32>
      %gt3A_509 = arith.cmpi sgt, %add3A_505, %gt3A_508 : vector<128x512xi32>
      %and3A_510 = arith.andi %eq3A_507, %gt3A_509 : vector<128x512xi1>
      %or3A = arith.ori %gt3A_506, %and3A_510 : vector<128x512xi1>
      %jit3A_511 = arith.constant 1.000000e+30 : f32
      %broadcast_in_dim3A_512 = vector.broadcast %jit3A_511 : f32 to vector<128x512xf32>
      %select_n3A_513 = arith.select %or3A, %get3A_502, %broadcast_in_dim3A_512 : vector<128x512xi1>, vector<128x512xf32>
      %reduce_min3A = arith.constant dense<0x7F800000> : vector<128xf32>
      %reduce_min3A_514 = vector.multi_reduction <minimumf>, %select_n3A_513, %reduce_min3A [1] : vector<128x512xf32> to vector<128xf32>
      %broadcast_in_dim3A_515 = vector.shape_cast %reduce_min3A_514 : vector<128xf32> to vector<128x1xf32>
      %eq3A_516 = vector.broadcast %broadcast_in_dim3A_515 : vector<128x1xf32> to vector<128x512xf32>
      %eq3A_517 = arith.cmpf oeq, %select_n3A_513, %eq3A_516 : vector<128x512xf32>
      %jit3A_518 = arith.constant 10240 : i32
      %broadcast_in_dim3A_519 = vector.broadcast %jit3A_518 : i32 to vector<128x512xi32>
      %select_n3A_520 = arith.select %eq3A_517, %add3A_505, %broadcast_in_dim3A_519 : vector<128x512xi1>, vector<128x512xi32>
      %reduce_min3A_521 = arith.constant dense<2147483647> : vector<128xi32>
      %reduce_min3A_522 = vector.multi_reduction <minsi>, %select_n3A_520, %reduce_min3A_521 [1] : vector<128x512xi32> to vector<128xi32>
      %broadcast_in_dim3A_523 = vector.shape_cast %reduce_min3A_522 : vector<128xi32> to vector<128x1xi32>
      %lt3A_524 = arith.cmpf olt, %broadcast_in_dim3A_515, %while3A_496 : vector<128x1xf32>
      %select_n3A_525 = arith.select %lt3A_524, %broadcast_in_dim3A_515, %while3A_496 : vector<128x1xi1>, vector<128x1xf32>
      %select_n3A_526 = arith.select %lt3A_524, %broadcast_in_dim3A_523, %while3A_497 : vector<128x1xi1>, vector<128x1xi32>
      scf.yield %select_n3A_525, %select_n3A_526 : vector<128x1xf32>, vector<128x1xi32>
    }
    %while3A_263 = arith.constant 1 : i32
    %while3A_264:2 = scf.for %while3A_495 = %while3A_260 to %while3A_256 step %while3A_263 iter_args(%while3A_496 = %while3A_262#0, %while3A_497 = %while3A_262#1) -> (vector<128x1xf32>, vector<128x1xi32>)  : i32 {
      %mul3A_498 = arith.constant 512 : i32
      %mul3A_499 = arith.muli %while3A_495, %mul3A_498 : i32
      %get3A_500 = arith.constant 0 : index
      %get3A_501 = arith.index_cast %mul3A_499 : i32 to index
      %get3A_502 = vector.load %arg10[%get3A_500, %get3A_501] : memref<128x10240xf32, #tpu.memory_space<vmem>>, vector<128x512xf32>
      %iota3A_503 = tpu.iota {dimensions = array<i32: 1>} : vector<128x512xi32>
      %add3A_504 = vector.broadcast %mul3A_499 : i32 to vector<128x512xi32>
      %add3A_505 = arith.addi %add3A_504, %iota3A_503 : vector<128x512xi32>
      %gt3A = vector.broadcast %while3A_250#0 : vector<128x1xf32> to vector<128x512xf32>
      %gt3A_506 = arith.cmpf ogt, %get3A_502, %gt3A : vector<128x512xf32>
      %eq3A = vector.broadcast %while3A_250#0 : vector<128x1xf32> to vector<128x512xf32>
      %eq3A_507 = arith.cmpf oeq, %get3A_502, %eq3A : vector<128x512xf32>
      %gt3A_508 = vector.broadcast %while3A_250#1 : vector<128x1xi32> to vector<128x512xi32>
      %gt3A_509 = arith.cmpi sgt, %add3A_505, %gt3A_508 : vector<128x512xi32>
      %and3A_510 = arith.andi %eq3A_507, %gt3A_509 : vector<128x512xi1>
      %or3A = arith.ori %gt3A_506, %and3A_510 : vector<128x512xi1>
      %jit3A_511 = arith.constant 1.000000e+30 : f32
      %broadcast_in_dim3A_512 = vector.broadcast %jit3A_511 : f32 to vector<128x512xf32>
      %select_n3A_513 = arith.select %or3A, %get3A_502, %broadcast_in_dim3A_512 : vector<128x512xi1>, vector<128x512xf32>
      %reduce_min3A = arith.constant dense<0x7F800000> : vector<128xf32>
      %reduce_min3A_514 = vector.multi_reduction <minimumf>, %select_n3A_513, %reduce_min3A [1] : vector<128x512xf32> to vector<128xf32>
      %broadcast_in_dim3A_515 = vector.shape_cast %reduce_min3A_514 : vector<128xf32> to vector<128x1xf32>
      %eq3A_516 = vector.broadcast %broadcast_in_dim3A_515 : vector<128x1xf32> to vector<128x512xf32>
      %eq3A_517 = arith.cmpf oeq, %select_n3A_513, %eq3A_516 : vector<128x512xf32>
      %jit3A_518 = arith.constant 10240 : i32
      %broadcast_in_dim3A_519 = vector.broadcast %jit3A_518 : i32 to vector<128x512xi32>
      %select_n3A_520 = arith.select %eq3A_517, %add3A_505, %broadcast_in_dim3A_519 : vector<128x512xi1>, vector<128x512xi32>
      %reduce_min3A_521 = arith.constant dense<2147483647> : vector<128xi32>
      %reduce_min3A_522 = vector.multi_reduction <minsi>, %select_n3A_520, %reduce_min3A_521 [1] : vector<128x512xi32> to vector<128xi32>
      %broadcast_in_dim3A_523 = vector.shape_cast %reduce_min3A_522 : vector<128xi32> to vector<128x1xi32>
      %lt3A_524 = arith.cmpf olt, %broadcast_in_dim3A_515, %while3A_496 : vector<128x1xf32>
      %select_n3A_525 = arith.select %lt3A_524, %broadcast_in_dim3A_515, %while3A_496 : vector<128x1xi1>, vector<128x1xf32>
      %select_n3A_526 = arith.select %lt3A_524, %broadcast_in_dim3A_523, %while3A_497 : vector<128x1xi1>, vector<128x1xi32>
      scf.yield %select_n3A_525, %select_n3A_526 : vector<128x1xf32>, vector<128x1xi32>
    }
    %broadcast_in_dim3A_265 = arith.constant 1.000000e+30 : f32
    %broadcast_in_dim3A_266 = vector.broadcast %broadcast_in_dim3A_265 : f32 to vector<128x1xf32>
    %broadcast_in_dim3A_267 = arith.constant 0 : i32
    %broadcast_in_dim3A_268 = vector.broadcast %broadcast_in_dim3A_267 : i32 to vector<128x1xi32>
    %while3A_269 = arith.subi %get3A_14, %get3A_12 : i32
    %while3A_270 = arith.addi %get3A_12, %while3A_269 : i32
    %while3A_271 = arith.constant 1 : i32
    %while3A_272 = arith.divsi %while3A_269, %while3A_271 : i32
    %while3A_273 = arith.muli %while3A_272, %while3A_271 : i32
    %while3A_274 = arith.addi %get3A_12, %while3A_273 : i32
    %while3A_275 = arith.constant 1 : i32
    %while3A_276:2 = scf.for %while3A_495 = %get3A_12 to %while3A_274 step %while3A_275 iter_args(%while3A_496 = %broadcast_in_dim3A_266, %while3A_497 = %broadcast_in_dim3A_268) -> (vector<128x1xf32>, vector<128x1xi32>)  : i32 {
      %mul3A_498 = arith.constant 512 : i32
      %mul3A_499 = arith.muli %while3A_495, %mul3A_498 : i32
      %get3A_500 = arith.constant 0 : index
      %get3A_501 = arith.index_cast %mul3A_499 : i32 to index
      %get3A_502 = vector.load %arg10[%get3A_500, %get3A_501] : memref<128x10240xf32, #tpu.memory_space<vmem>>, vector<128x512xf32>
      %iota3A_503 = tpu.iota {dimensions = array<i32: 1>} : vector<128x512xi32>
      %add3A_504 = vector.broadcast %mul3A_499 : i32 to vector<128x512xi32>
      %add3A_505 = arith.addi %add3A_504, %iota3A_503 : vector<128x512xi32>
      %gt3A = vector.broadcast %while3A_264#0 : vector<128x1xf32> to vector<128x512xf32>
      %gt3A_506 = arith.cmpf ogt, %get3A_502, %gt3A : vector<128x512xf32>
      %eq3A = vector.broadcast %while3A_264#0 : vector<128x1xf32> to vector<128x512xf32>
      %eq3A_507 = arith.cmpf oeq, %get3A_502, %eq3A : vector<128x512xf32>
      %gt3A_508 = vector.broadcast %while3A_264#1 : vector<128x1xi32> to vector<128x512xi32>
      %gt3A_509 = arith.cmpi sgt, %add3A_505, %gt3A_508 : vector<128x512xi32>
      %and3A_510 = arith.andi %eq3A_507, %gt3A_509 : vector<128x512xi1>
      %or3A = arith.ori %gt3A_506, %and3A_510 : vector<128x512xi1>
      %jit3A_511 = arith.constant 1.000000e+30 : f32
      %broadcast_in_dim3A_512 = vector.broadcast %jit3A_511 : f32 to vector<128x512xf32>
      %select_n3A_513 = arith.select %or3A, %get3A_502, %broadcast_in_dim3A_512 : vector<128x512xi1>, vector<128x512xf32>
      %reduce_min3A = arith.constant dense<0x7F800000> : vector<128xf32>
      %reduce_min3A_514 = vector.multi_reduction <minimumf>, %select_n3A_513, %reduce_min3A [1] : vector<128x512xf32> to vector<128xf32>
      %broadcast_in_dim3A_515 = vector.shape_cast %reduce_min3A_514 : vector<128xf32> to vector<128x1xf32>
      %eq3A_516 = vector.broadcast %broadcast_in_dim3A_515 : vector<128x1xf32> to vector<128x512xf32>
      %eq3A_517 = arith.cmpf oeq, %select_n3A_513, %eq3A_516 : vector<128x512xf32>
      %jit3A_518 = arith.constant 10240 : i32
      %broadcast_in_dim3A_519 = vector.broadcast %jit3A_518 : i32 to vector<128x512xi32>
      %select_n3A_520 = arith.select %eq3A_517, %add3A_505, %broadcast_in_dim3A_519 : vector<128x512xi1>, vector<128x512xi32>
      %reduce_min3A_521 = arith.constant dense<2147483647> : vector<128xi32>
      %reduce_min3A_522 = vector.multi_reduction <minsi>, %select_n3A_520, %reduce_min3A_521 [1] : vector<128x512xi32> to vector<128xi32>
      %broadcast_in_dim3A_523 = vector.shape_cast %reduce_min3A_522 : vector<128xi32> to vector<128x1xi32>
      %lt3A_524 = arith.cmpf olt, %broadcast_in_dim3A_515, %while3A_496 : vector<128x1xf32>
      %select_n3A_525 = arith.select %lt3A_524, %broadcast_in_dim3A_515, %while3A_496 : vector<128x1xi1>, vector<128x1xf32>
      %select_n3A_526 = arith.select %lt3A_524, %broadcast_in_dim3A_523, %while3A_497 : vector<128x1xi1>, vector<128x1xi32>
      scf.yield %select_n3A_525, %select_n3A_526 : vector<128x1xf32>, vector<128x1xi32>
    }
    %while3A_277 = arith.constant 1 : i32
    %while3A_278:2 = scf.for %while3A_495 = %while3A_274 to %while3A_270 step %while3A_277 iter_args(%while3A_496 = %while3A_276#0, %while3A_497 = %while3A_276#1) -> (vector<128x1xf32>, vector<128x1xi32>)  : i32 {
      %mul3A_498 = arith.constant 512 : i32
      %mul3A_499 = arith.muli %while3A_495, %mul3A_498 : i32
      %get3A_500 = arith.constant 0 : index
      %get3A_501 = arith.index_cast %mul3A_499 : i32 to index
      %get3A_502 = vector.load %arg10[%get3A_500, %get3A_501] : memref<128x10240xf32, #tpu.memory_space<vmem>>, vector<128x512xf32>
      %iota3A_503 = tpu.iota {dimensions = array<i32: 1>} : vector<128x512xi32>
      %add3A_504 = vector.broadcast %mul3A_499 : i32 to vector<128x512xi32>
      %add3A_505 = arith.addi %add3A_504, %iota3A_503 : vector<128x512xi32>
      %gt3A = vector.broadcast %while3A_264#0 : vector<128x1xf32> to vector<128x512xf32>
      %gt3A_506 = arith.cmpf ogt, %get3A_502, %gt3A : vector<128x512xf32>
      %eq3A = vector.broadcast %while3A_264#0 : vector<128x1xf32> to vector<128x512xf32>
      %eq3A_507 = arith.cmpf oeq, %get3A_502, %eq3A : vector<128x512xf32>
      %gt3A_508 = vector.broadcast %while3A_264#1 : vector<128x1xi32> to vector<128x512xi32>
      %gt3A_509 = arith.cmpi sgt, %add3A_505, %gt3A_508 : vector<128x512xi32>
      %and3A_510 = arith.andi %eq3A_507, %gt3A_509 : vector<128x512xi1>
      %or3A = arith.ori %gt3A_506, %and3A_510 : vector<128x512xi1>
      %jit3A_511 = arith.constant 1.000000e+30 : f32
      %broadcast_in_dim3A_512 = vector.broadcast %jit3A_511 : f32 to vector<128x512xf32>
      %select_n3A_513 = arith.select %or3A, %get3A_502, %broadcast_in_dim3A_512 : vector<128x512xi1>, vector<128x512xf32>
      %reduce_min3A = arith.constant dense<0x7F800000> : vector<128xf32>
      %reduce_min3A_514 = vector.multi_reduction <minimumf>, %select_n3A_513, %reduce_min3A [1] : vector<128x512xf32> to vector<128xf32>
      %broadcast_in_dim3A_515 = vector.shape_cast %reduce_min3A_514 : vector<128xf32> to vector<128x1xf32>
      %eq3A_516 = vector.broadcast %broadcast_in_dim3A_515 : vector<128x1xf32> to vector<128x512xf32>
      %eq3A_517 = arith.cmpf oeq, %select_n3A_513, %eq3A_516 : vector<128x512xf32>
      %jit3A_518 = arith.constant 10240 : i32
      %broadcast_in_dim3A_519 = vector.broadcast %jit3A_518 : i32 to vector<128x512xi32>
      %select_n3A_520 = arith.select %eq3A_517, %add3A_505, %broadcast_in_dim3A_519 : vector<128x512xi1>, vector<128x512xi32>
      %reduce_min3A_521 = arith.constant dense<2147483647> : vector<128xi32>
      %reduce_min3A_522 = vector.multi_reduction <minsi>, %select_n3A_520, %reduce_min3A_521 [1] : vector<128x512xi32> to vector<128xi32>
      %broadcast_in_dim3A_523 = vector.shape_cast %reduce_min3A_522 : vector<128xi32> to vector<128x1xi32>
      %lt3A_524 = arith.cmpf olt, %broadcast_in_dim3A_515, %while3A_496 : vector<128x1xf32>
      %select_n3A_525 = arith.select %lt3A_524, %broadcast_in_dim3A_515, %while3A_496 : vector<128x1xi1>, vector<128x1xf32>
      %select_n3A_526 = arith.select %lt3A_524, %broadcast_in_dim3A_523, %while3A_497 : vector<128x1xi1>, vector<128x1xi32>
      scf.yield %select_n3A_525, %select_n3A_526 : vector<128x1xf32>, vector<128x1xi32>
    }
    %broadcast_in_dim3A_279 = arith.constant 1.000000e+30 : f32
    %broadcast_in_dim3A_280 = vector.broadcast %broadcast_in_dim3A_279 : f32 to vector<128x1xf32>
    %broadcast_in_dim3A_281 = arith.constant 0 : i32
    %broadcast_in_dim3A_282 = vector.broadcast %broadcast_in_dim3A_281 : i32 to vector<128x1xi32>
    %while3A_283 = arith.subi %get3A_14, %get3A_12 : i32
    %while3A_284 = arith.addi %get3A_12, %while3A_283 : i32
    %while3A_285 = arith.constant 1 : i32
    %while3A_286 = arith.divsi %while3A_283, %while3A_285 : i32
    %while3A_287 = arith.muli %while3A_286, %while3A_285 : i32
    %while3A_288 = arith.addi %get3A_12, %while3A_287 : i32
    %while3A_289 = arith.constant 1 : i32
    %while3A_290:2 = scf.for %while3A_495 = %get3A_12 to %while3A_288 step %while3A_289 iter_args(%while3A_496 = %broadcast_in_dim3A_280, %while3A_497 = %broadcast_in_dim3A_282) -> (vector<128x1xf32>, vector<128x1xi32>)  : i32 {
      %mul3A_498 = arith.constant 512 : i32
      %mul3A_499 = arith.muli %while3A_495, %mul3A_498 : i32
      %get3A_500 = arith.constant 0 : index
      %get3A_501 = arith.index_cast %mul3A_499 : i32 to index
      %get3A_502 = vector.load %arg10[%get3A_500, %get3A_501] : memref<128x10240xf32, #tpu.memory_space<vmem>>, vector<128x512xf32>
      %iota3A_503 = tpu.iota {dimensions = array<i32: 1>} : vector<128x512xi32>
      %add3A_504 = vector.broadcast %mul3A_499 : i32 to vector<128x512xi32>
      %add3A_505 = arith.addi %add3A_504, %iota3A_503 : vector<128x512xi32>
      %gt3A = vector.broadcast %while3A_278#0 : vector<128x1xf32> to vector<128x512xf32>
      %gt3A_506 = arith.cmpf ogt, %get3A_502, %gt3A : vector<128x512xf32>
      %eq3A = vector.broadcast %while3A_278#0 : vector<128x1xf32> to vector<128x512xf32>
      %eq3A_507 = arith.cmpf oeq, %get3A_502, %eq3A : vector<128x512xf32>
      %gt3A_508 = vector.broadcast %while3A_278#1 : vector<128x1xi32> to vector<128x512xi32>
      %gt3A_509 = arith.cmpi sgt, %add3A_505, %gt3A_508 : vector<128x512xi32>
      %and3A_510 = arith.andi %eq3A_507, %gt3A_509 : vector<128x512xi1>
      %or3A = arith.ori %gt3A_506, %and3A_510 : vector<128x512xi1>
      %jit3A_511 = arith.constant 1.000000e+30 : f32
      %broadcast_in_dim3A_512 = vector.broadcast %jit3A_511 : f32 to vector<128x512xf32>
      %select_n3A_513 = arith.select %or3A, %get3A_502, %broadcast_in_dim3A_512 : vector<128x512xi1>, vector<128x512xf32>
      %reduce_min3A = arith.constant dense<0x7F800000> : vector<128xf32>
      %reduce_min3A_514 = vector.multi_reduction <minimumf>, %select_n3A_513, %reduce_min3A [1] : vector<128x512xf32> to vector<128xf32>
      %broadcast_in_dim3A_515 = vector.shape_cast %reduce_min3A_514 : vector<128xf32> to vector<128x1xf32>
      %eq3A_516 = vector.broadcast %broadcast_in_dim3A_515 : vector<128x1xf32> to vector<128x512xf32>
      %eq3A_517 = arith.cmpf oeq, %select_n3A_513, %eq3A_516 : vector<128x512xf32>
      %jit3A_518 = arith.constant 10240 : i32
      %broadcast_in_dim3A_519 = vector.broadcast %jit3A_518 : i32 to vector<128x512xi32>
      %select_n3A_520 = arith.select %eq3A_517, %add3A_505, %broadcast_in_dim3A_519 : vector<128x512xi1>, vector<128x512xi32>
      %reduce_min3A_521 = arith.constant dense<2147483647> : vector<128xi32>
      %reduce_min3A_522 = vector.multi_reduction <minsi>, %select_n3A_520, %reduce_min3A_521 [1] : vector<128x512xi32> to vector<128xi32>
      %broadcast_in_dim3A_523 = vector.shape_cast %reduce_min3A_522 : vector<128xi32> to vector<128x1xi32>
      %lt3A_524 = arith.cmpf olt, %broadcast_in_dim3A_515, %while3A_496 : vector<128x1xf32>
      %select_n3A_525 = arith.select %lt3A_524, %broadcast_in_dim3A_515, %while3A_496 : vector<128x1xi1>, vector<128x1xf32>
      %select_n3A_526 = arith.select %lt3A_524, %broadcast_in_dim3A_523, %while3A_497 : vector<128x1xi1>, vector<128x1xi32>
      scf.yield %select_n3A_525, %select_n3A_526 : vector<128x1xf32>, vector<128x1xi32>
    }
    %while3A_291 = arith.constant 1 : i32
    %while3A_292:2 = scf.for %while3A_495 = %while3A_288 to %while3A_284 step %while3A_291 iter_args(%while3A_496 = %while3A_290#0, %while3A_497 = %while3A_290#1) -> (vector<128x1xf32>, vector<128x1xi32>)  : i32 {
      %mul3A_498 = arith.constant 512 : i32
      %mul3A_499 = arith.muli %while3A_495, %mul3A_498 : i32
      %get3A_500 = arith.constant 0 : index
      %get3A_501 = arith.index_cast %mul3A_499 : i32 to index
      %get3A_502 = vector.load %arg10[%get3A_500, %get3A_501] : memref<128x10240xf32, #tpu.memory_space<vmem>>, vector<128x512xf32>
      %iota3A_503 = tpu.iota {dimensions = array<i32: 1>} : vector<128x512xi32>
      %add3A_504 = vector.broadcast %mul3A_499 : i32 to vector<128x512xi32>
      %add3A_505 = arith.addi %add3A_504, %iota3A_503 : vector<128x512xi32>
      %gt3A = vector.broadcast %while3A_278#0 : vector<128x1xf32> to vector<128x512xf32>
      %gt3A_506 = arith.cmpf ogt, %get3A_502, %gt3A : vector<128x512xf32>
      %eq3A = vector.broadcast %while3A_278#0 : vector<128x1xf32> to vector<128x512xf32>
      %eq3A_507 = arith.cmpf oeq, %get3A_502, %eq3A : vector<128x512xf32>
      %gt3A_508 = vector.broadcast %while3A_278#1 : vector<128x1xi32> to vector<128x512xi32>
      %gt3A_509 = arith.cmpi sgt, %add3A_505, %gt3A_508 : vector<128x512xi32>
      %and3A_510 = arith.andi %eq3A_507, %gt3A_509 : vector<128x512xi1>
      %or3A = arith.ori %gt3A_506, %and3A_510 : vector<128x512xi1>
      %jit3A_511 = arith.constant 1.000000e+30 : f32
      %broadcast_in_dim3A_512 = vector.broadcast %jit3A_511 : f32 to vector<128x512xf32>
      %select_n3A_513 = arith.select %or3A, %get3A_502, %broadcast_in_dim3A_512 : vector<128x512xi1>, vector<128x512xf32>
      %reduce_min3A = arith.constant dense<0x7F800000> : vector<128xf32>
      %reduce_min3A_514 = vector.multi_reduction <minimumf>, %select_n3A_513, %reduce_min3A [1] : vector<128x512xf32> to vector<128xf32>
      %broadcast_in_dim3A_515 = vector.shape_cast %reduce_min3A_514 : vector<128xf32> to vector<128x1xf32>
      %eq3A_516 = vector.broadcast %broadcast_in_dim3A_515 : vector<128x1xf32> to vector<128x512xf32>
      %eq3A_517 = arith.cmpf oeq, %select_n3A_513, %eq3A_516 : vector<128x512xf32>
      %jit3A_518 = arith.constant 10240 : i32
      %broadcast_in_dim3A_519 = vector.broadcast %jit3A_518 : i32 to vector<128x512xi32>
      %select_n3A_520 = arith.select %eq3A_517, %add3A_505, %broadcast_in_dim3A_519 : vector<128x512xi1>, vector<128x512xi32>
      %reduce_min3A_521 = arith.constant dense<2147483647> : vector<128xi32>
      %reduce_min3A_522 = vector.multi_reduction <minsi>, %select_n3A_520, %reduce_min3A_521 [1] : vector<128x512xi32> to vector<128xi32>
      %broadcast_in_dim3A_523 = vector.shape_cast %reduce_min3A_522 : vector<128xi32> to vector<128x1xi32>
      %lt3A_524 = arith.cmpf olt, %broadcast_in_dim3A_515, %while3A_496 : vector<128x1xf32>
      %select_n3A_525 = arith.select %lt3A_524, %broadcast_in_dim3A_515, %while3A_496 : vector<128x1xi1>, vector<128x1xf32>
      %select_n3A_526 = arith.select %lt3A_524, %broadcast_in_dim3A_523, %while3A_497 : vector<128x1xi1>, vector<128x1xi32>
      scf.yield %select_n3A_525, %select_n3A_526 : vector<128x1xf32>, vector<128x1xi32>
    }
    %broadcast_in_dim3A_293 = arith.constant 1.000000e+30 : f32
    %broadcast_in_dim3A_294 = vector.broadcast %broadcast_in_dim3A_293 : f32 to vector<128x1xf32>
    %broadcast_in_dim3A_295 = arith.constant 0 : i32
    %broadcast_in_dim3A_296 = vector.broadcast %broadcast_in_dim3A_295 : i32 to vector<128x1xi32>
    %while3A_297 = arith.subi %get3A_14, %get3A_12 : i32
    %while3A_298 = arith.addi %get3A_12, %while3A_297 : i32
    %while3A_299 = arith.constant 1 : i32
    %while3A_300 = arith.divsi %while3A_297, %while3A_299 : i32
    %while3A_301 = arith.muli %while3A_300, %while3A_299 : i32
    %while3A_302 = arith.addi %get3A_12, %while3A_301 : i32
    %while3A_303 = arith.constant 1 : i32
    %while3A_304:2 = scf.for %while3A_495 = %get3A_12 to %while3A_302 step %while3A_303 iter_args(%while3A_496 = %broadcast_in_dim3A_294, %while3A_497 = %broadcast_in_dim3A_296) -> (vector<128x1xf32>, vector<128x1xi32>)  : i32 {
      %mul3A_498 = arith.constant 512 : i32
      %mul3A_499 = arith.muli %while3A_495, %mul3A_498 : i32
      %get3A_500 = arith.constant 0 : index
      %get3A_501 = arith.index_cast %mul3A_499 : i32 to index
      %get3A_502 = vector.load %arg10[%get3A_500, %get3A_501] : memref<128x10240xf32, #tpu.memory_space<vmem>>, vector<128x512xf32>
      %iota3A_503 = tpu.iota {dimensions = array<i32: 1>} : vector<128x512xi32>
      %add3A_504 = vector.broadcast %mul3A_499 : i32 to vector<128x512xi32>
      %add3A_505 = arith.addi %add3A_504, %iota3A_503 : vector<128x512xi32>
      %gt3A = vector.broadcast %while3A_292#0 : vector<128x1xf32> to vector<128x512xf32>
      %gt3A_506 = arith.cmpf ogt, %get3A_502, %gt3A : vector<128x512xf32>
      %eq3A = vector.broadcast %while3A_292#0 : vector<128x1xf32> to vector<128x512xf32>
      %eq3A_507 = arith.cmpf oeq, %get3A_502, %eq3A : vector<128x512xf32>
      %gt3A_508 = vector.broadcast %while3A_292#1 : vector<128x1xi32> to vector<128x512xi32>
      %gt3A_509 = arith.cmpi sgt, %add3A_505, %gt3A_508 : vector<128x512xi32>
      %and3A_510 = arith.andi %eq3A_507, %gt3A_509 : vector<128x512xi1>
      %or3A = arith.ori %gt3A_506, %and3A_510 : vector<128x512xi1>
      %jit3A_511 = arith.constant 1.000000e+30 : f32
      %broadcast_in_dim3A_512 = vector.broadcast %jit3A_511 : f32 to vector<128x512xf32>
      %select_n3A_513 = arith.select %or3A, %get3A_502, %broadcast_in_dim3A_512 : vector<128x512xi1>, vector<128x512xf32>
      %reduce_min3A = arith.constant dense<0x7F800000> : vector<128xf32>
      %reduce_min3A_514 = vector.multi_reduction <minimumf>, %select_n3A_513, %reduce_min3A [1] : vector<128x512xf32> to vector<128xf32>
      %broadcast_in_dim3A_515 = vector.shape_cast %reduce_min3A_514 : vector<128xf32> to vector<128x1xf32>
      %eq3A_516 = vector.broadcast %broadcast_in_dim3A_515 : vector<128x1xf32> to vector<128x512xf32>
      %eq3A_517 = arith.cmpf oeq, %select_n3A_513, %eq3A_516 : vector<128x512xf32>
      %jit3A_518 = arith.constant 10240 : i32
      %broadcast_in_dim3A_519 = vector.broadcast %jit3A_518 : i32 to vector<128x512xi32>
      %select_n3A_520 = arith.select %eq3A_517, %add3A_505, %broadcast_in_dim3A_519 : vector<128x512xi1>, vector<128x512xi32>
      %reduce_min3A_521 = arith.constant dense<2147483647> : vector<128xi32>
      %reduce_min3A_522 = vector.multi_reduction <minsi>, %select_n3A_520, %reduce_min3A_521 [1] : vector<128x512xi32> to vector<128xi32>
      %broadcast_in_dim3A_523 = vector.shape_cast %reduce_min3A_522 : vector<128xi32> to vector<128x1xi32>
      %lt3A_524 = arith.cmpf olt, %broadcast_in_dim3A_515, %while3A_496 : vector<128x1xf32>
      %select_n3A_525 = arith.select %lt3A_524, %broadcast_in_dim3A_515, %while3A_496 : vector<128x1xi1>, vector<128x1xf32>
      %select_n3A_526 = arith.select %lt3A_524, %broadcast_in_dim3A_523, %while3A_497 : vector<128x1xi1>, vector<128x1xi32>
      scf.yield %select_n3A_525, %select_n3A_526 : vector<128x1xf32>, vector<128x1xi32>
    }
    %while3A_305 = arith.constant 1 : i32
    %while3A_306:2 = scf.for %while3A_495 = %while3A_302 to %while3A_298 step %while3A_305 iter_args(%while3A_496 = %while3A_304#0, %while3A_497 = %while3A_304#1) -> (vector<128x1xf32>, vector<128x1xi32>)  : i32 {
      %mul3A_498 = arith.constant 512 : i32
      %mul3A_499 = arith.muli %while3A_495, %mul3A_498 : i32
      %get3A_500 = arith.constant 0 : index
      %get3A_501 = arith.index_cast %mul3A_499 : i32 to index
      %get3A_502 = vector.load %arg10[%get3A_500, %get3A_501] : memref<128x10240xf32, #tpu.memory_space<vmem>>, vector<128x512xf32>
      %iota3A_503 = tpu.iota {dimensions = array<i32: 1>} : vector<128x512xi32>
      %add3A_504 = vector.broadcast %mul3A_499 : i32 to vector<128x512xi32>
      %add3A_505 = arith.addi %add3A_504, %iota3A_503 : vector<128x512xi32>
      %gt3A = vector.broadcast %while3A_292#0 : vector<128x1xf32> to vector<128x512xf32>
      %gt3A_506 = arith.cmpf ogt, %get3A_502, %gt3A : vector<128x512xf32>
      %eq3A = vector.broadcast %while3A_292#0 : vector<128x1xf32> to vector<128x512xf32>
      %eq3A_507 = arith.cmpf oeq, %get3A_502, %eq3A : vector<128x512xf32>
      %gt3A_508 = vector.broadcast %while3A_292#1 : vector<128x1xi32> to vector<128x512xi32>
      %gt3A_509 = arith.cmpi sgt, %add3A_505, %gt3A_508 : vector<128x512xi32>
      %and3A_510 = arith.andi %eq3A_507, %gt3A_509 : vector<128x512xi1>
      %or3A = arith.ori %gt3A_506, %and3A_510 : vector<128x512xi1>
      %jit3A_511 = arith.constant 1.000000e+30 : f32
      %broadcast_in_dim3A_512 = vector.broadcast %jit3A_511 : f32 to vector<128x512xf32>
      %select_n3A_513 = arith.select %or3A, %get3A_502, %broadcast_in_dim3A_512 : vector<128x512xi1>, vector<128x512xf32>
      %reduce_min3A = arith.constant dense<0x7F800000> : vector<128xf32>
      %reduce_min3A_514 = vector.multi_reduction <minimumf>, %select_n3A_513, %reduce_min3A [1] : vector<128x512xf32> to vector<128xf32>
      %broadcast_in_dim3A_515 = vector.shape_cast %reduce_min3A_514 : vector<128xf32> to vector<128x1xf32>
      %eq3A_516 = vector.broadcast %broadcast_in_dim3A_515 : vector<128x1xf32> to vector<128x512xf32>
      %eq3A_517 = arith.cmpf oeq, %select_n3A_513, %eq3A_516 : vector<128x512xf32>
      %jit3A_518 = arith.constant 10240 : i32
      %broadcast_in_dim3A_519 = vector.broadcast %jit3A_518 : i32 to vector<128x512xi32>
      %select_n3A_520 = arith.select %eq3A_517, %add3A_505, %broadcast_in_dim3A_519 : vector<128x512xi1>, vector<128x512xi32>
      %reduce_min3A_521 = arith.constant dense<2147483647> : vector<128xi32>
      %reduce_min3A_522 = vector.multi_reduction <minsi>, %select_n3A_520, %reduce_min3A_521 [1] : vector<128x512xi32> to vector<128xi32>
      %broadcast_in_dim3A_523 = vector.shape_cast %reduce_min3A_522 : vector<128xi32> to vector<128x1xi32>
      %lt3A_524 = arith.cmpf olt, %broadcast_in_dim3A_515, %while3A_496 : vector<128x1xf32>
      %select_n3A_525 = arith.select %lt3A_524, %broadcast_in_dim3A_515, %while3A_496 : vector<128x1xi1>, vector<128x1xf32>
      %select_n3A_526 = arith.select %lt3A_524, %broadcast_in_dim3A_523, %while3A_497 : vector<128x1xi1>, vector<128x1xi32>
      scf.yield %select_n3A_525, %select_n3A_526 : vector<128x1xf32>, vector<128x1xi32>
    }
    %broadcast_in_dim3A_307 = arith.constant 1.000000e+30 : f32
    %broadcast_in_dim3A_308 = vector.broadcast %broadcast_in_dim3A_307 : f32 to vector<128x1xf32>
    %broadcast_in_dim3A_309 = arith.constant 0 : i32
    %broadcast_in_dim3A_310 = vector.broadcast %broadcast_in_dim3A_309 : i32 to vector<128x1xi32>
    %while3A_311 = arith.subi %get3A_14, %get3A_12 : i32
    %while3A_312 = arith.addi %get3A_12, %while3A_311 : i32
    %while3A_313 = arith.constant 1 : i32
    %while3A_314 = arith.divsi %while3A_311, %while3A_313 : i32
    %while3A_315 = arith.muli %while3A_314, %while3A_313 : i32
    %while3A_316 = arith.addi %get3A_12, %while3A_315 : i32
    %while3A_317 = arith.constant 1 : i32
    %while3A_318:2 = scf.for %while3A_495 = %get3A_12 to %while3A_316 step %while3A_317 iter_args(%while3A_496 = %broadcast_in_dim3A_308, %while3A_497 = %broadcast_in_dim3A_310) -> (vector<128x1xf32>, vector<128x1xi32>)  : i32 {
      %mul3A_498 = arith.constant 512 : i32
      %mul3A_499 = arith.muli %while3A_495, %mul3A_498 : i32
      %get3A_500 = arith.constant 0 : index
      %get3A_501 = arith.index_cast %mul3A_499 : i32 to index
      %get3A_502 = vector.load %arg10[%get3A_500, %get3A_501] : memref<128x10240xf32, #tpu.memory_space<vmem>>, vector<128x512xf32>
      %iota3A_503 = tpu.iota {dimensions = array<i32: 1>} : vector<128x512xi32>
      %add3A_504 = vector.broadcast %mul3A_499 : i32 to vector<128x512xi32>
      %add3A_505 = arith.addi %add3A_504, %iota3A_503 : vector<128x512xi32>
      %gt3A = vector.broadcast %while3A_306#0 : vector<128x1xf32> to vector<128x512xf32>
      %gt3A_506 = arith.cmpf ogt, %get3A_502, %gt3A : vector<128x512xf32>
      %eq3A = vector.broadcast %while3A_306#0 : vector<128x1xf32> to vector<128x512xf32>
      %eq3A_507 = arith.cmpf oeq, %get3A_502, %eq3A : vector<128x512xf32>
      %gt3A_508 = vector.broadcast %while3A_306#1 : vector<128x1xi32> to vector<128x512xi32>
      %gt3A_509 = arith.cmpi sgt, %add3A_505, %gt3A_508 : vector<128x512xi32>
      %and3A_510 = arith.andi %eq3A_507, %gt3A_509 : vector<128x512xi1>
      %or3A = arith.ori %gt3A_506, %and3A_510 : vector<128x512xi1>
      %jit3A_511 = arith.constant 1.000000e+30 : f32
      %broadcast_in_dim3A_512 = vector.broadcast %jit3A_511 : f32 to vector<128x512xf32>
      %select_n3A_513 = arith.select %or3A, %get3A_502, %broadcast_in_dim3A_512 : vector<128x512xi1>, vector<128x512xf32>
      %reduce_min3A = arith.constant dense<0x7F800000> : vector<128xf32>
      %reduce_min3A_514 = vector.multi_reduction <minimumf>, %select_n3A_513, %reduce_min3A [1] : vector<128x512xf32> to vector<128xf32>
      %broadcast_in_dim3A_515 = vector.shape_cast %reduce_min3A_514 : vector<128xf32> to vector<128x1xf32>
      %eq3A_516 = vector.broadcast %broadcast_in_dim3A_515 : vector<128x1xf32> to vector<128x512xf32>
      %eq3A_517 = arith.cmpf oeq, %select_n3A_513, %eq3A_516 : vector<128x512xf32>
      %jit3A_518 = arith.constant 10240 : i32
      %broadcast_in_dim3A_519 = vector.broadcast %jit3A_518 : i32 to vector<128x512xi32>
      %select_n3A_520 = arith.select %eq3A_517, %add3A_505, %broadcast_in_dim3A_519 : vector<128x512xi1>, vector<128x512xi32>
      %reduce_min3A_521 = arith.constant dense<2147483647> : vector<128xi32>
      %reduce_min3A_522 = vector.multi_reduction <minsi>, %select_n3A_520, %reduce_min3A_521 [1] : vector<128x512xi32> to vector<128xi32>
      %broadcast_in_dim3A_523 = vector.shape_cast %reduce_min3A_522 : vector<128xi32> to vector<128x1xi32>
      %lt3A_524 = arith.cmpf olt, %broadcast_in_dim3A_515, %while3A_496 : vector<128x1xf32>
      %select_n3A_525 = arith.select %lt3A_524, %broadcast_in_dim3A_515, %while3A_496 : vector<128x1xi1>, vector<128x1xf32>
      %select_n3A_526 = arith.select %lt3A_524, %broadcast_in_dim3A_523, %while3A_497 : vector<128x1xi1>, vector<128x1xi32>
      scf.yield %select_n3A_525, %select_n3A_526 : vector<128x1xf32>, vector<128x1xi32>
    }
    %while3A_319 = arith.constant 1 : i32
    %while3A_320:2 = scf.for %while3A_495 = %while3A_316 to %while3A_312 step %while3A_319 iter_args(%while3A_496 = %while3A_318#0, %while3A_497 = %while3A_318#1) -> (vector<128x1xf32>, vector<128x1xi32>)  : i32 {
      %mul3A_498 = arith.constant 512 : i32
      %mul3A_499 = arith.muli %while3A_495, %mul3A_498 : i32
      %get3A_500 = arith.constant 0 : index
      %get3A_501 = arith.index_cast %mul3A_499 : i32 to index
      %get3A_502 = vector.load %arg10[%get3A_500, %get3A_501] : memref<128x10240xf32, #tpu.memory_space<vmem>>, vector<128x512xf32>
      %iota3A_503 = tpu.iota {dimensions = array<i32: 1>} : vector<128x512xi32>
      %add3A_504 = vector.broadcast %mul3A_499 : i32 to vector<128x512xi32>
      %add3A_505 = arith.addi %add3A_504, %iota3A_503 : vector<128x512xi32>
      %gt3A = vector.broadcast %while3A_306#0 : vector<128x1xf32> to vector<128x512xf32>
      %gt3A_506 = arith.cmpf ogt, %get3A_502, %gt3A : vector<128x512xf32>
      %eq3A = vector.broadcast %while3A_306#0 : vector<128x1xf32> to vector<128x512xf32>
      %eq3A_507 = arith.cmpf oeq, %get3A_502, %eq3A : vector<128x512xf32>
      %gt3A_508 = vector.broadcast %while3A_306#1 : vector<128x1xi32> to vector<128x512xi32>
      %gt3A_509 = arith.cmpi sgt, %add3A_505, %gt3A_508 : vector<128x512xi32>
      %and3A_510 = arith.andi %eq3A_507, %gt3A_509 : vector<128x512xi1>
      %or3A = arith.ori %gt3A_506, %and3A_510 : vector<128x512xi1>
      %jit3A_511 = arith.constant 1.000000e+30 : f32
      %broadcast_in_dim3A_512 = vector.broadcast %jit3A_511 : f32 to vector<128x512xf32>
      %select_n3A_513 = arith.select %or3A, %get3A_502, %broadcast_in_dim3A_512 : vector<128x512xi1>, vector<128x512xf32>
      %reduce_min3A = arith.constant dense<0x7F800000> : vector<128xf32>
      %reduce_min3A_514 = vector.multi_reduction <minimumf>, %select_n3A_513, %reduce_min3A [1] : vector<128x512xf32> to vector<128xf32>
      %broadcast_in_dim3A_515 = vector.shape_cast %reduce_min3A_514 : vector<128xf32> to vector<128x1xf32>
      %eq3A_516 = vector.broadcast %broadcast_in_dim3A_515 : vector<128x1xf32> to vector<128x512xf32>
      %eq3A_517 = arith.cmpf oeq, %select_n3A_513, %eq3A_516 : vector<128x512xf32>
      %jit3A_518 = arith.constant 10240 : i32
      %broadcast_in_dim3A_519 = vector.broadcast %jit3A_518 : i32 to vector<128x512xi32>
      %select_n3A_520 = arith.select %eq3A_517, %add3A_505, %broadcast_in_dim3A_519 : vector<128x512xi1>, vector<128x512xi32>
      %reduce_min3A_521 = arith.constant dense<2147483647> : vector<128xi32>
      %reduce_min3A_522 = vector.multi_reduction <minsi>, %select_n3A_520, %reduce_min3A_521 [1] : vector<128x512xi32> to vector<128xi32>
      %broadcast_in_dim3A_523 = vector.shape_cast %reduce_min3A_522 : vector<128xi32> to vector<128x1xi32>
      %lt3A_524 = arith.cmpf olt, %broadcast_in_dim3A_515, %while3A_496 : vector<128x1xf32>
      %select_n3A_525 = arith.select %lt3A_524, %broadcast_in_dim3A_515, %while3A_496 : vector<128x1xi1>, vector<128x1xf32>
      %select_n3A_526 = arith.select %lt3A_524, %broadcast_in_dim3A_523, %while3A_497 : vector<128x1xi1>, vector<128x1xi32>
      scf.yield %select_n3A_525, %select_n3A_526 : vector<128x1xf32>, vector<128x1xi32>
    }
    %broadcast_in_dim3A_321 = arith.constant 1.000000e+30 : f32
    %broadcast_in_dim3A_322 = vector.broadcast %broadcast_in_dim3A_321 : f32 to vector<128x1xf32>
    %broadcast_in_dim3A_323 = arith.constant 0 : i32
    %broadcast_in_dim3A_324 = vector.broadcast %broadcast_in_dim3A_323 : i32 to vector<128x1xi32>
    %while3A_325 = arith.subi %get3A_14, %get3A_12 : i32
    %while3A_326 = arith.addi %get3A_12, %while3A_325 : i32
    %while3A_327 = arith.constant 1 : i32
    %while3A_328 = arith.divsi %while3A_325, %while3A_327 : i32
    %while3A_329 = arith.muli %while3A_328, %while3A_327 : i32
    %while3A_330 = arith.addi %get3A_12, %while3A_329 : i32
    %while3A_331 = arith.constant 1 : i32
    %while3A_332:2 = scf.for %while3A_495 = %get3A_12 to %while3A_330 step %while3A_331 iter_args(%while3A_496 = %broadcast_in_dim3A_322, %while3A_497 = %broadcast_in_dim3A_324) -> (vector<128x1xf32>, vector<128x1xi32>)  : i32 {
      %mul3A_498 = arith.constant 512 : i32
      %mul3A_499 = arith.muli %while3A_495, %mul3A_498 : i32
      %get3A_500 = arith.constant 0 : index
      %get3A_501 = arith.index_cast %mul3A_499 : i32 to index
      %get3A_502 = vector.load %arg10[%get3A_500, %get3A_501] : memref<128x10240xf32, #tpu.memory_space<vmem>>, vector<128x512xf32>
      %iota3A_503 = tpu.iota {dimensions = array<i32: 1>} : vector<128x512xi32>
      %add3A_504 = vector.broadcast %mul3A_499 : i32 to vector<128x512xi32>
      %add3A_505 = arith.addi %add3A_504, %iota3A_503 : vector<128x512xi32>
      %gt3A = vector.broadcast %while3A_320#0 : vector<128x1xf32> to vector<128x512xf32>
      %gt3A_506 = arith.cmpf ogt, %get3A_502, %gt3A : vector<128x512xf32>
      %eq3A = vector.broadcast %while3A_320#0 : vector<128x1xf32> to vector<128x512xf32>
      %eq3A_507 = arith.cmpf oeq, %get3A_502, %eq3A : vector<128x512xf32>
      %gt3A_508 = vector.broadcast %while3A_320#1 : vector<128x1xi32> to vector<128x512xi32>
      %gt3A_509 = arith.cmpi sgt, %add3A_505, %gt3A_508 : vector<128x512xi32>
      %and3A_510 = arith.andi %eq3A_507, %gt3A_509 : vector<128x512xi1>
      %or3A = arith.ori %gt3A_506, %and3A_510 : vector<128x512xi1>
      %jit3A_511 = arith.constant 1.000000e+30 : f32
      %broadcast_in_dim3A_512 = vector.broadcast %jit3A_511 : f32 to vector<128x512xf32>
      %select_n3A_513 = arith.select %or3A, %get3A_502, %broadcast_in_dim3A_512 : vector<128x512xi1>, vector<128x512xf32>
      %reduce_min3A = arith.constant dense<0x7F800000> : vector<128xf32>
      %reduce_min3A_514 = vector.multi_reduction <minimumf>, %select_n3A_513, %reduce_min3A [1] : vector<128x512xf32> to vector<128xf32>
      %broadcast_in_dim3A_515 = vector.shape_cast %reduce_min3A_514 : vector<128xf32> to vector<128x1xf32>
      %eq3A_516 = vector.broadcast %broadcast_in_dim3A_515 : vector<128x1xf32> to vector<128x512xf32>
      %eq3A_517 = arith.cmpf oeq, %select_n3A_513, %eq3A_516 : vector<128x512xf32>
      %jit3A_518 = arith.constant 10240 : i32
      %broadcast_in_dim3A_519 = vector.broadcast %jit3A_518 : i32 to vector<128x512xi32>
      %select_n3A_520 = arith.select %eq3A_517, %add3A_505, %broadcast_in_dim3A_519 : vector<128x512xi1>, vector<128x512xi32>
      %reduce_min3A_521 = arith.constant dense<2147483647> : vector<128xi32>
      %reduce_min3A_522 = vector.multi_reduction <minsi>, %select_n3A_520, %reduce_min3A_521 [1] : vector<128x512xi32> to vector<128xi32>
      %broadcast_in_dim3A_523 = vector.shape_cast %reduce_min3A_522 : vector<128xi32> to vector<128x1xi32>
      %lt3A_524 = arith.cmpf olt, %broadcast_in_dim3A_515, %while3A_496 : vector<128x1xf32>
      %select_n3A_525 = arith.select %lt3A_524, %broadcast_in_dim3A_515, %while3A_496 : vector<128x1xi1>, vector<128x1xf32>
      %select_n3A_526 = arith.select %lt3A_524, %broadcast_in_dim3A_523, %while3A_497 : vector<128x1xi1>, vector<128x1xi32>
      scf.yield %select_n3A_525, %select_n3A_526 : vector<128x1xf32>, vector<128x1xi32>
    }
    %while3A_333 = arith.constant 1 : i32
    %while3A_334:2 = scf.for %while3A_495 = %while3A_330 to %while3A_326 step %while3A_333 iter_args(%while3A_496 = %while3A_332#0, %while3A_497 = %while3A_332#1) -> (vector<128x1xf32>, vector<128x1xi32>)  : i32 {
      %mul3A_498 = arith.constant 512 : i32
      %mul3A_499 = arith.muli %while3A_495, %mul3A_498 : i32
      %get3A_500 = arith.constant 0 : index
      %get3A_501 = arith.index_cast %mul3A_499 : i32 to index
      %get3A_502 = vector.load %arg10[%get3A_500, %get3A_501] : memref<128x10240xf32, #tpu.memory_space<vmem>>, vector<128x512xf32>
      %iota3A_503 = tpu.iota {dimensions = array<i32: 1>} : vector<128x512xi32>
      %add3A_504 = vector.broadcast %mul3A_499 : i32 to vector<128x512xi32>
      %add3A_505 = arith.addi %add3A_504, %iota3A_503 : vector<128x512xi32>
      %gt3A = vector.broadcast %while3A_320#0 : vector<128x1xf32> to vector<128x512xf32>
      %gt3A_506 = arith.cmpf ogt, %get3A_502, %gt3A : vector<128x512xf32>
      %eq3A = vector.broadcast %while3A_320#0 : vector<128x1xf32> to vector<128x512xf32>
      %eq3A_507 = arith.cmpf oeq, %get3A_502, %eq3A : vector<128x512xf32>
      %gt3A_508 = vector.broadcast %while3A_320#1 : vector<128x1xi32> to vector<128x512xi32>
      %gt3A_509 = arith.cmpi sgt, %add3A_505, %gt3A_508 : vector<128x512xi32>
      %and3A_510 = arith.andi %eq3A_507, %gt3A_509 : vector<128x512xi1>
      %or3A = arith.ori %gt3A_506, %and3A_510 : vector<128x512xi1>
      %jit3A_511 = arith.constant 1.000000e+30 : f32
      %broadcast_in_dim3A_512 = vector.broadcast %jit3A_511 : f32 to vector<128x512xf32>
      %select_n3A_513 = arith.select %or3A, %get3A_502, %broadcast_in_dim3A_512 : vector<128x512xi1>, vector<128x512xf32>
      %reduce_min3A = arith.constant dense<0x7F800000> : vector<128xf32>
      %reduce_min3A_514 = vector.multi_reduction <minimumf>, %select_n3A_513, %reduce_min3A [1] : vector<128x512xf32> to vector<128xf32>
      %broadcast_in_dim3A_515 = vector.shape_cast %reduce_min3A_514 : vector<128xf32> to vector<128x1xf32>
      %eq3A_516 = vector.broadcast %broadcast_in_dim3A_515 : vector<128x1xf32> to vector<128x512xf32>
      %eq3A_517 = arith.cmpf oeq, %select_n3A_513, %eq3A_516 : vector<128x512xf32>
      %jit3A_518 = arith.constant 10240 : i32
      %broadcast_in_dim3A_519 = vector.broadcast %jit3A_518 : i32 to vector<128x512xi32>
      %select_n3A_520 = arith.select %eq3A_517, %add3A_505, %broadcast_in_dim3A_519 : vector<128x512xi1>, vector<128x512xi32>
      %reduce_min3A_521 = arith.constant dense<2147483647> : vector<128xi32>
      %reduce_min3A_522 = vector.multi_reduction <minsi>, %select_n3A_520, %reduce_min3A_521 [1] : vector<128x512xi32> to vector<128xi32>
      %broadcast_in_dim3A_523 = vector.shape_cast %reduce_min3A_522 : vector<128xi32> to vector<128x1xi32>
      %lt3A_524 = arith.cmpf olt, %broadcast_in_dim3A_515, %while3A_496 : vector<128x1xf32>
      %select_n3A_525 = arith.select %lt3A_524, %broadcast_in_dim3A_515, %while3A_496 : vector<128x1xi1>, vector<128x1xf32>
      %select_n3A_526 = arith.select %lt3A_524, %broadcast_in_dim3A_523, %while3A_497 : vector<128x1xi1>, vector<128x1xi32>
      scf.yield %select_n3A_525, %select_n3A_526 : vector<128x1xf32>, vector<128x1xi32>
    }
    %broadcast_in_dim3A_335 = arith.constant 1.000000e+30 : f32
    %broadcast_in_dim3A_336 = vector.broadcast %broadcast_in_dim3A_335 : f32 to vector<128x1xf32>
    %broadcast_in_dim3A_337 = arith.constant 0 : i32
    %broadcast_in_dim3A_338 = vector.broadcast %broadcast_in_dim3A_337 : i32 to vector<128x1xi32>
    %while3A_339 = arith.subi %get3A_14, %get3A_12 : i32
    %while3A_340 = arith.addi %get3A_12, %while3A_339 : i32
    %while3A_341 = arith.constant 1 : i32
    %while3A_342 = arith.divsi %while3A_339, %while3A_341 : i32
    %while3A_343 = arith.muli %while3A_342, %while3A_341 : i32
    %while3A_344 = arith.addi %get3A_12, %while3A_343 : i32
    %while3A_345 = arith.constant 1 : i32
    %while3A_346:2 = scf.for %while3A_495 = %get3A_12 to %while3A_344 step %while3A_345 iter_args(%while3A_496 = %broadcast_in_dim3A_336, %while3A_497 = %broadcast_in_dim3A_338) -> (vector<128x1xf32>, vector<128x1xi32>)  : i32 {
      %mul3A_498 = arith.constant 512 : i32
      %mul3A_499 = arith.muli %while3A_495, %mul3A_498 : i32
      %get3A_500 = arith.constant 0 : index
      %get3A_501 = arith.index_cast %mul3A_499 : i32 to index
      %get3A_502 = vector.load %arg10[%get3A_500, %get3A_501] : memref<128x10240xf32, #tpu.memory_space<vmem>>, vector<128x512xf32>
      %iota3A_503 = tpu.iota {dimensions = array<i32: 1>} : vector<128x512xi32>
      %add3A_504 = vector.broadcast %mul3A_499 : i32 to vector<128x512xi32>
      %add3A_505 = arith.addi %add3A_504, %iota3A_503 : vector<128x512xi32>
      %gt3A = vector.broadcast %while3A_334#0 : vector<128x1xf32> to vector<128x512xf32>
      %gt3A_506 = arith.cmpf ogt, %get3A_502, %gt3A : vector<128x512xf32>
      %eq3A = vector.broadcast %while3A_334#0 : vector<128x1xf32> to vector<128x512xf32>
      %eq3A_507 = arith.cmpf oeq, %get3A_502, %eq3A : vector<128x512xf32>
      %gt3A_508 = vector.broadcast %while3A_334#1 : vector<128x1xi32> to vector<128x512xi32>
      %gt3A_509 = arith.cmpi sgt, %add3A_505, %gt3A_508 : vector<128x512xi32>
      %and3A_510 = arith.andi %eq3A_507, %gt3A_509 : vector<128x512xi1>
      %or3A = arith.ori %gt3A_506, %and3A_510 : vector<128x512xi1>
      %jit3A_511 = arith.constant 1.000000e+30 : f32
      %broadcast_in_dim3A_512 = vector.broadcast %jit3A_511 : f32 to vector<128x512xf32>
      %select_n3A_513 = arith.select %or3A, %get3A_502, %broadcast_in_dim3A_512 : vector<128x512xi1>, vector<128x512xf32>
      %reduce_min3A = arith.constant dense<0x7F800000> : vector<128xf32>
      %reduce_min3A_514 = vector.multi_reduction <minimumf>, %select_n3A_513, %reduce_min3A [1] : vector<128x512xf32> to vector<128xf32>
      %broadcast_in_dim3A_515 = vector.shape_cast %reduce_min3A_514 : vector<128xf32> to vector<128x1xf32>
      %eq3A_516 = vector.broadcast %broadcast_in_dim3A_515 : vector<128x1xf32> to vector<128x512xf32>
      %eq3A_517 = arith.cmpf oeq, %select_n3A_513, %eq3A_516 : vector<128x512xf32>
      %jit3A_518 = arith.constant 10240 : i32
      %broadcast_in_dim3A_519 = vector.broadcast %jit3A_518 : i32 to vector<128x512xi32>
      %select_n3A_520 = arith.select %eq3A_517, %add3A_505, %broadcast_in_dim3A_519 : vector<128x512xi1>, vector<128x512xi32>
      %reduce_min3A_521 = arith.constant dense<2147483647> : vector<128xi32>
      %reduce_min3A_522 = vector.multi_reduction <minsi>, %select_n3A_520, %reduce_min3A_521 [1] : vector<128x512xi32> to vector<128xi32>
      %broadcast_in_dim3A_523 = vector.shape_cast %reduce_min3A_522 : vector<128xi32> to vector<128x1xi32>
      %lt3A_524 = arith.cmpf olt, %broadcast_in_dim3A_515, %while3A_496 : vector<128x1xf32>
      %select_n3A_525 = arith.select %lt3A_524, %broadcast_in_dim3A_515, %while3A_496 : vector<128x1xi1>, vector<128x1xf32>
      %select_n3A_526 = arith.select %lt3A_524, %broadcast_in_dim3A_523, %while3A_497 : vector<128x1xi1>, vector<128x1xi32>
      scf.yield %select_n3A_525, %select_n3A_526 : vector<128x1xf32>, vector<128x1xi32>
    }
    %while3A_347 = arith.constant 1 : i32
    %while3A_348:2 = scf.for %while3A_495 = %while3A_344 to %while3A_340 step %while3A_347 iter_args(%while3A_496 = %while3A_346#0, %while3A_497 = %while3A_346#1) -> (vector<128x1xf32>, vector<128x1xi32>)  : i32 {
      %mul3A_498 = arith.constant 512 : i32
      %mul3A_499 = arith.muli %while3A_495, %mul3A_498 : i32
      %get3A_500 = arith.constant 0 : index
      %get3A_501 = arith.index_cast %mul3A_499 : i32 to index
      %get3A_502 = vector.load %arg10[%get3A_500, %get3A_501] : memref<128x10240xf32, #tpu.memory_space<vmem>>, vector<128x512xf32>
      %iota3A_503 = tpu.iota {dimensions = array<i32: 1>} : vector<128x512xi32>
      %add3A_504 = vector.broadcast %mul3A_499 : i32 to vector<128x512xi32>
      %add3A_505 = arith.addi %add3A_504, %iota3A_503 : vector<128x512xi32>
      %gt3A = vector.broadcast %while3A_334#0 : vector<128x1xf32> to vector<128x512xf32>
      %gt3A_506 = arith.cmpf ogt, %get3A_502, %gt3A : vector<128x512xf32>
      %eq3A = vector.broadcast %while3A_334#0 : vector<128x1xf32> to vector<128x512xf32>
      %eq3A_507 = arith.cmpf oeq, %get3A_502, %eq3A : vector<128x512xf32>
      %gt3A_508 = vector.broadcast %while3A_334#1 : vector<128x1xi32> to vector<128x512xi32>
      %gt3A_509 = arith.cmpi sgt, %add3A_505, %gt3A_508 : vector<128x512xi32>
      %and3A_510 = arith.andi %eq3A_507, %gt3A_509 : vector<128x512xi1>
      %or3A = arith.ori %gt3A_506, %and3A_510 : vector<128x512xi1>
      %jit3A_511 = arith.constant 1.000000e+30 : f32
      %broadcast_in_dim3A_512 = vector.broadcast %jit3A_511 : f32 to vector<128x512xf32>
      %select_n3A_513 = arith.select %or3A, %get3A_502, %broadcast_in_dim3A_512 : vector<128x512xi1>, vector<128x512xf32>
      %reduce_min3A = arith.constant dense<0x7F800000> : vector<128xf32>
      %reduce_min3A_514 = vector.multi_reduction <minimumf>, %select_n3A_513, %reduce_min3A [1] : vector<128x512xf32> to vector<128xf32>
      %broadcast_in_dim3A_515 = vector.shape_cast %reduce_min3A_514 : vector<128xf32> to vector<128x1xf32>
      %eq3A_516 = vector.broadcast %broadcast_in_dim3A_515 : vector<128x1xf32> to vector<128x512xf32>
      %eq3A_517 = arith.cmpf oeq, %select_n3A_513, %eq3A_516 : vector<128x512xf32>
      %jit3A_518 = arith.constant 10240 : i32
      %broadcast_in_dim3A_519 = vector.broadcast %jit3A_518 : i32 to vector<128x512xi32>
      %select_n3A_520 = arith.select %eq3A_517, %add3A_505, %broadcast_in_dim3A_519 : vector<128x512xi1>, vector<128x512xi32>
      %reduce_min3A_521 = arith.constant dense<2147483647> : vector<128xi32>
      %reduce_min3A_522 = vector.multi_reduction <minsi>, %select_n3A_520, %reduce_min3A_521 [1] : vector<128x512xi32> to vector<128xi32>
      %broadcast_in_dim3A_523 = vector.shape_cast %reduce_min3A_522 : vector<128xi32> to vector<128x1xi32>
      %lt3A_524 = arith.cmpf olt, %broadcast_in_dim3A_515, %while3A_496 : vector<128x1xf32>
      %select_n3A_525 = arith.select %lt3A_524, %broadcast_in_dim3A_515, %while3A_496 : vector<128x1xi1>, vector<128x1xf32>
      %select_n3A_526 = arith.select %lt3A_524, %broadcast_in_dim3A_523, %while3A_497 : vector<128x1xi1>, vector<128x1xi32>
      scf.yield %select_n3A_525, %select_n3A_526 : vector<128x1xf32>, vector<128x1xi32>
    }
    %broadcast_in_dim3A_349 = arith.constant 1.000000e+30 : f32
    %broadcast_in_dim3A_350 = vector.broadcast %broadcast_in_dim3A_349 : f32 to vector<128x1xf32>
    %broadcast_in_dim3A_351 = arith.constant 0 : i32
    %broadcast_in_dim3A_352 = vector.broadcast %broadcast_in_dim3A_351 : i32 to vector<128x1xi32>
    %while3A_353 = arith.subi %get3A_14, %get3A_12 : i32
    %while3A_354 = arith.addi %get3A_12, %while3A_353 : i32
    %while3A_355 = arith.constant 1 : i32
    %while3A_356 = arith.divsi %while3A_353, %while3A_355 : i32
    %while3A_357 = arith.muli %while3A_356, %while3A_355 : i32
    %while3A_358 = arith.addi %get3A_12, %while3A_357 : i32
    %while3A_359 = arith.constant 1 : i32
    %while3A_360:2 = scf.for %while3A_495 = %get3A_12 to %while3A_358 step %while3A_359 iter_args(%while3A_496 = %broadcast_in_dim3A_350, %while3A_497 = %broadcast_in_dim3A_352) -> (vector<128x1xf32>, vector<128x1xi32>)  : i32 {
      %mul3A_498 = arith.constant 512 : i32
      %mul3A_499 = arith.muli %while3A_495, %mul3A_498 : i32
      %get3A_500 = arith.constant 0 : index
      %get3A_501 = arith.index_cast %mul3A_499 : i32 to index
      %get3A_502 = vector.load %arg10[%get3A_500, %get3A_501] : memref<128x10240xf32, #tpu.memory_space<vmem>>, vector<128x512xf32>
      %iota3A_503 = tpu.iota {dimensions = array<i32: 1>} : vector<128x512xi32>
      %add3A_504 = vector.broadcast %mul3A_499 : i32 to vector<128x512xi32>
      %add3A_505 = arith.addi %add3A_504, %iota3A_503 : vector<128x512xi32>
      %gt3A = vector.broadcast %while3A_348#0 : vector<128x1xf32> to vector<128x512xf32>
      %gt3A_506 = arith.cmpf ogt, %get3A_502, %gt3A : vector<128x512xf32>
      %eq3A = vector.broadcast %while3A_348#0 : vector<128x1xf32> to vector<128x512xf32>
      %eq3A_507 = arith.cmpf oeq, %get3A_502, %eq3A : vector<128x512xf32>
      %gt3A_508 = vector.broadcast %while3A_348#1 : vector<128x1xi32> to vector<128x512xi32>
      %gt3A_509 = arith.cmpi sgt, %add3A_505, %gt3A_508 : vector<128x512xi32>
      %and3A_510 = arith.andi %eq3A_507, %gt3A_509 : vector<128x512xi1>
      %or3A = arith.ori %gt3A_506, %and3A_510 : vector<128x512xi1>
      %jit3A_511 = arith.constant 1.000000e+30 : f32
      %broadcast_in_dim3A_512 = vector.broadcast %jit3A_511 : f32 to vector<128x512xf32>
      %select_n3A_513 = arith.select %or3A, %get3A_502, %broadcast_in_dim3A_512 : vector<128x512xi1>, vector<128x512xf32>
      %reduce_min3A = arith.constant dense<0x7F800000> : vector<128xf32>
      %reduce_min3A_514 = vector.multi_reduction <minimumf>, %select_n3A_513, %reduce_min3A [1] : vector<128x512xf32> to vector<128xf32>
      %broadcast_in_dim3A_515 = vector.shape_cast %reduce_min3A_514 : vector<128xf32> to vector<128x1xf32>
      %eq3A_516 = vector.broadcast %broadcast_in_dim3A_515 : vector<128x1xf32> to vector<128x512xf32>
      %eq3A_517 = arith.cmpf oeq, %select_n3A_513, %eq3A_516 : vector<128x512xf32>
      %jit3A_518 = arith.constant 10240 : i32
      %broadcast_in_dim3A_519 = vector.broadcast %jit3A_518 : i32 to vector<128x512xi32>
      %select_n3A_520 = arith.select %eq3A_517, %add3A_505, %broadcast_in_dim3A_519 : vector<128x512xi1>, vector<128x512xi32>
      %reduce_min3A_521 = arith.constant dense<2147483647> : vector<128xi32>
      %reduce_min3A_522 = vector.multi_reduction <minsi>, %select_n3A_520, %reduce_min3A_521 [1] : vector<128x512xi32> to vector<128xi32>
      %broadcast_in_dim3A_523 = vector.shape_cast %reduce_min3A_522 : vector<128xi32> to vector<128x1xi32>
      %lt3A_524 = arith.cmpf olt, %broadcast_in_dim3A_515, %while3A_496 : vector<128x1xf32>
      %select_n3A_525 = arith.select %lt3A_524, %broadcast_in_dim3A_515, %while3A_496 : vector<128x1xi1>, vector<128x1xf32>
      %select_n3A_526 = arith.select %lt3A_524, %broadcast_in_dim3A_523, %while3A_497 : vector<128x1xi1>, vector<128x1xi32>
      scf.yield %select_n3A_525, %select_n3A_526 : vector<128x1xf32>, vector<128x1xi32>
    }
    %while3A_361 = arith.constant 1 : i32
    %while3A_362:2 = scf.for %while3A_495 = %while3A_358 to %while3A_354 step %while3A_361 iter_args(%while3A_496 = %while3A_360#0, %while3A_497 = %while3A_360#1) -> (vector<128x1xf32>, vector<128x1xi32>)  : i32 {
      %mul3A_498 = arith.constant 512 : i32
      %mul3A_499 = arith.muli %while3A_495, %mul3A_498 : i32
      %get3A_500 = arith.constant 0 : index
      %get3A_501 = arith.index_cast %mul3A_499 : i32 to index
      %get3A_502 = vector.load %arg10[%get3A_500, %get3A_501] : memref<128x10240xf32, #tpu.memory_space<vmem>>, vector<128x512xf32>
      %iota3A_503 = tpu.iota {dimensions = array<i32: 1>} : vector<128x512xi32>
      %add3A_504 = vector.broadcast %mul3A_499 : i32 to vector<128x512xi32>
      %add3A_505 = arith.addi %add3A_504, %iota3A_503 : vector<128x512xi32>
      %gt3A = vector.broadcast %while3A_348#0 : vector<128x1xf32> to vector<128x512xf32>
      %gt3A_506 = arith.cmpf ogt, %get3A_502, %gt3A : vector<128x512xf32>
      %eq3A = vector.broadcast %while3A_348#0 : vector<128x1xf32> to vector<128x512xf32>
      %eq3A_507 = arith.cmpf oeq, %get3A_502, %eq3A : vector<128x512xf32>
      %gt3A_508 = vector.broadcast %while3A_348#1 : vector<128x1xi32> to vector<128x512xi32>
      %gt3A_509 = arith.cmpi sgt, %add3A_505, %gt3A_508 : vector<128x512xi32>
      %and3A_510 = arith.andi %eq3A_507, %gt3A_509 : vector<128x512xi1>
      %or3A = arith.ori %gt3A_506, %and3A_510 : vector<128x512xi1>
      %jit3A_511 = arith.constant 1.000000e+30 : f32
      %broadcast_in_dim3A_512 = vector.broadcast %jit3A_511 : f32 to vector<128x512xf32>
      %select_n3A_513 = arith.select %or3A, %get3A_502, %broadcast_in_dim3A_512 : vector<128x512xi1>, vector<128x512xf32>
      %reduce_min3A = arith.constant dense<0x7F800000> : vector<128xf32>
      %reduce_min3A_514 = vector.multi_reduction <minimumf>, %select_n3A_513, %reduce_min3A [1] : vector<128x512xf32> to vector<128xf32>
      %broadcast_in_dim3A_515 = vector.shape_cast %reduce_min3A_514 : vector<128xf32> to vector<128x1xf32>
      %eq3A_516 = vector.broadcast %broadcast_in_dim3A_515 : vector<128x1xf32> to vector<128x512xf32>
      %eq3A_517 = arith.cmpf oeq, %select_n3A_513, %eq3A_516 : vector<128x512xf32>
      %jit3A_518 = arith.constant 10240 : i32
      %broadcast_in_dim3A_519 = vector.broadcast %jit3A_518 : i32 to vector<128x512xi32>
      %select_n3A_520 = arith.select %eq3A_517, %add3A_505, %broadcast_in_dim3A_519 : vector<128x512xi1>, vector<128x512xi32>
      %reduce_min3A_521 = arith.constant dense<2147483647> : vector<128xi32>
      %reduce_min3A_522 = vector.multi_reduction <minsi>, %select_n3A_520, %reduce_min3A_521 [1] : vector<128x512xi32> to vector<128xi32>
      %broadcast_in_dim3A_523 = vector.shape_cast %reduce_min3A_522 : vector<128xi32> to vector<128x1xi32>
      %lt3A_524 = arith.cmpf olt, %broadcast_in_dim3A_515, %while3A_496 : vector<128x1xf32>
      %select_n3A_525 = arith.select %lt3A_524, %broadcast_in_dim3A_515, %while3A_496 : vector<128x1xi1>, vector<128x1xf32>
      %select_n3A_526 = arith.select %lt3A_524, %broadcast_in_dim3A_523, %while3A_497 : vector<128x1xi1>, vector<128x1xi32>
      scf.yield %select_n3A_525, %select_n3A_526 : vector<128x1xf32>, vector<128x1xi32>
    }
    %broadcast_in_dim3A_363 = arith.constant 1.000000e+30 : f32
    %broadcast_in_dim3A_364 = vector.broadcast %broadcast_in_dim3A_363 : f32 to vector<128x1xf32>
    %broadcast_in_dim3A_365 = arith.constant 0 : i32
    %broadcast_in_dim3A_366 = vector.broadcast %broadcast_in_dim3A_365 : i32 to vector<128x1xi32>
    %while3A_367 = arith.subi %get3A_14, %get3A_12 : i32
    %while3A_368 = arith.addi %get3A_12, %while3A_367 : i32
    %while3A_369 = arith.constant 1 : i32
    %while3A_370 = arith.divsi %while3A_367, %while3A_369 : i32
    %while3A_371 = arith.muli %while3A_370, %while3A_369 : i32
    %while3A_372 = arith.addi %get3A_12, %while3A_371 : i32
    %while3A_373 = arith.constant 1 : i32
    %while3A_374:2 = scf.for %while3A_495 = %get3A_12 to %while3A_372 step %while3A_373 iter_args(%while3A_496 = %broadcast_in_dim3A_364, %while3A_497 = %broadcast_in_dim3A_366) -> (vector<128x1xf32>, vector<128x1xi32>)  : i32 {
      %mul3A_498 = arith.constant 512 : i32
      %mul3A_499 = arith.muli %while3A_495, %mul3A_498 : i32
      %get3A_500 = arith.constant 0 : index
      %get3A_501 = arith.index_cast %mul3A_499 : i32 to index
      %get3A_502 = vector.load %arg10[%get3A_500, %get3A_501] : memref<128x10240xf32, #tpu.memory_space<vmem>>, vector<128x512xf32>
      %iota3A_503 = tpu.iota {dimensions = array<i32: 1>} : vector<128x512xi32>
      %add3A_504 = vector.broadcast %mul3A_499 : i32 to vector<128x512xi32>
      %add3A_505 = arith.addi %add3A_504, %iota3A_503 : vector<128x512xi32>
      %gt3A = vector.broadcast %while3A_362#0 : vector<128x1xf32> to vector<128x512xf32>
      %gt3A_506 = arith.cmpf ogt, %get3A_502, %gt3A : vector<128x512xf32>
      %eq3A = vector.broadcast %while3A_362#0 : vector<128x1xf32> to vector<128x512xf32>
      %eq3A_507 = arith.cmpf oeq, %get3A_502, %eq3A : vector<128x512xf32>
      %gt3A_508 = vector.broadcast %while3A_362#1 : vector<128x1xi32> to vector<128x512xi32>
      %gt3A_509 = arith.cmpi sgt, %add3A_505, %gt3A_508 : vector<128x512xi32>
      %and3A_510 = arith.andi %eq3A_507, %gt3A_509 : vector<128x512xi1>
      %or3A = arith.ori %gt3A_506, %and3A_510 : vector<128x512xi1>
      %jit3A_511 = arith.constant 1.000000e+30 : f32
      %broadcast_in_dim3A_512 = vector.broadcast %jit3A_511 : f32 to vector<128x512xf32>
      %select_n3A_513 = arith.select %or3A, %get3A_502, %broadcast_in_dim3A_512 : vector<128x512xi1>, vector<128x512xf32>
      %reduce_min3A = arith.constant dense<0x7F800000> : vector<128xf32>
      %reduce_min3A_514 = vector.multi_reduction <minimumf>, %select_n3A_513, %reduce_min3A [1] : vector<128x512xf32> to vector<128xf32>
      %broadcast_in_dim3A_515 = vector.shape_cast %reduce_min3A_514 : vector<128xf32> to vector<128x1xf32>
      %eq3A_516 = vector.broadcast %broadcast_in_dim3A_515 : vector<128x1xf32> to vector<128x512xf32>
      %eq3A_517 = arith.cmpf oeq, %select_n3A_513, %eq3A_516 : vector<128x512xf32>
      %jit3A_518 = arith.constant 10240 : i32
      %broadcast_in_dim3A_519 = vector.broadcast %jit3A_518 : i32 to vector<128x512xi32>
      %select_n3A_520 = arith.select %eq3A_517, %add3A_505, %broadcast_in_dim3A_519 : vector<128x512xi1>, vector<128x512xi32>
      %reduce_min3A_521 = arith.constant dense<2147483647> : vector<128xi32>
      %reduce_min3A_522 = vector.multi_reduction <minsi>, %select_n3A_520, %reduce_min3A_521 [1] : vector<128x512xi32> to vector<128xi32>
      %broadcast_in_dim3A_523 = vector.shape_cast %reduce_min3A_522 : vector<128xi32> to vector<128x1xi32>
      %lt3A_524 = arith.cmpf olt, %broadcast_in_dim3A_515, %while3A_496 : vector<128x1xf32>
      %select_n3A_525 = arith.select %lt3A_524, %broadcast_in_dim3A_515, %while3A_496 : vector<128x1xi1>, vector<128x1xf32>
      %select_n3A_526 = arith.select %lt3A_524, %broadcast_in_dim3A_523, %while3A_497 : vector<128x1xi1>, vector<128x1xi32>
      scf.yield %select_n3A_525, %select_n3A_526 : vector<128x1xf32>, vector<128x1xi32>
    }
    %while3A_375 = arith.constant 1 : i32
    %while3A_376:2 = scf.for %while3A_495 = %while3A_372 to %while3A_368 step %while3A_375 iter_args(%while3A_496 = %while3A_374#0, %while3A_497 = %while3A_374#1) -> (vector<128x1xf32>, vector<128x1xi32>)  : i32 {
      %mul3A_498 = arith.constant 512 : i32
      %mul3A_499 = arith.muli %while3A_495, %mul3A_498 : i32
      %get3A_500 = arith.constant 0 : index
      %get3A_501 = arith.index_cast %mul3A_499 : i32 to index
      %get3A_502 = vector.load %arg10[%get3A_500, %get3A_501] : memref<128x10240xf32, #tpu.memory_space<vmem>>, vector<128x512xf32>
      %iota3A_503 = tpu.iota {dimensions = array<i32: 1>} : vector<128x512xi32>
      %add3A_504 = vector.broadcast %mul3A_499 : i32 to vector<128x512xi32>
      %add3A_505 = arith.addi %add3A_504, %iota3A_503 : vector<128x512xi32>
      %gt3A = vector.broadcast %while3A_362#0 : vector<128x1xf32> to vector<128x512xf32>
      %gt3A_506 = arith.cmpf ogt, %get3A_502, %gt3A : vector<128x512xf32>
      %eq3A = vector.broadcast %while3A_362#0 : vector<128x1xf32> to vector<128x512xf32>
      %eq3A_507 = arith.cmpf oeq, %get3A_502, %eq3A : vector<128x512xf32>
      %gt3A_508 = vector.broadcast %while3A_362#1 : vector<128x1xi32> to vector<128x512xi32>
      %gt3A_509 = arith.cmpi sgt, %add3A_505, %gt3A_508 : vector<128x512xi32>
      %and3A_510 = arith.andi %eq3A_507, %gt3A_509 : vector<128x512xi1>
      %or3A = arith.ori %gt3A_506, %and3A_510 : vector<128x512xi1>
      %jit3A_511 = arith.constant 1.000000e+30 : f32
      %broadcast_in_dim3A_512 = vector.broadcast %jit3A_511 : f32 to vector<128x512xf32>
      %select_n3A_513 = arith.select %or3A, %get3A_502, %broadcast_in_dim3A_512 : vector<128x512xi1>, vector<128x512xf32>
      %reduce_min3A = arith.constant dense<0x7F800000> : vector<128xf32>
      %reduce_min3A_514 = vector.multi_reduction <minimumf>, %select_n3A_513, %reduce_min3A [1] : vector<128x512xf32> to vector<128xf32>
      %broadcast_in_dim3A_515 = vector.shape_cast %reduce_min3A_514 : vector<128xf32> to vector<128x1xf32>
      %eq3A_516 = vector.broadcast %broadcast_in_dim3A_515 : vector<128x1xf32> to vector<128x512xf32>
      %eq3A_517 = arith.cmpf oeq, %select_n3A_513, %eq3A_516 : vector<128x512xf32>
      %jit3A_518 = arith.constant 10240 : i32
      %broadcast_in_dim3A_519 = vector.broadcast %jit3A_518 : i32 to vector<128x512xi32>
      %select_n3A_520 = arith.select %eq3A_517, %add3A_505, %broadcast_in_dim3A_519 : vector<128x512xi1>, vector<128x512xi32>
      %reduce_min3A_521 = arith.constant dense<2147483647> : vector<128xi32>
      %reduce_min3A_522 = vector.multi_reduction <minsi>, %select_n3A_520, %reduce_min3A_521 [1] : vector<128x512xi32> to vector<128xi32>
      %broadcast_in_dim3A_523 = vector.shape_cast %reduce_min3A_522 : vector<128xi32> to vector<128x1xi32>
      %lt3A_524 = arith.cmpf olt, %broadcast_in_dim3A_515, %while3A_496 : vector<128x1xf32>
      %select_n3A_525 = arith.select %lt3A_524, %broadcast_in_dim3A_515, %while3A_496 : vector<128x1xi1>, vector<128x1xf32>
      %select_n3A_526 = arith.select %lt3A_524, %broadcast_in_dim3A_523, %while3A_497 : vector<128x1xi1>, vector<128x1xi32>
      scf.yield %select_n3A_525, %select_n3A_526 : vector<128x1xf32>, vector<128x1xi32>
    }
    %broadcast_in_dim3A_377 = arith.constant 1.000000e+30 : f32
    %broadcast_in_dim3A_378 = vector.broadcast %broadcast_in_dim3A_377 : f32 to vector<128x1xf32>
    %broadcast_in_dim3A_379 = arith.constant 0 : i32
    %broadcast_in_dim3A_380 = vector.broadcast %broadcast_in_dim3A_379 : i32 to vector<128x1xi32>
    %while3A_381 = arith.subi %get3A_14, %get3A_12 : i32
    %while3A_382 = arith.addi %get3A_12, %while3A_381 : i32
    %while3A_383 = arith.constant 1 : i32
    %while3A_384 = arith.divsi %while3A_381, %while3A_383 : i32
    %while3A_385 = arith.muli %while3A_384, %while3A_383 : i32
    %while3A_386 = arith.addi %get3A_12, %while3A_385 : i32
    %while3A_387 = arith.constant 1 : i32
    %while3A_388:2 = scf.for %while3A_495 = %get3A_12 to %while3A_386 step %while3A_387 iter_args(%while3A_496 = %broadcast_in_dim3A_378, %while3A_497 = %broadcast_in_dim3A_380) -> (vector<128x1xf32>, vector<128x1xi32>)  : i32 {
      %mul3A_498 = arith.constant 512 : i32
      %mul3A_499 = arith.muli %while3A_495, %mul3A_498 : i32
      %get3A_500 = arith.constant 0 : index
      %get3A_501 = arith.index_cast %mul3A_499 : i32 to index
      %get3A_502 = vector.load %arg10[%get3A_500, %get3A_501] : memref<128x10240xf32, #tpu.memory_space<vmem>>, vector<128x512xf32>
      %iota3A_503 = tpu.iota {dimensions = array<i32: 1>} : vector<128x512xi32>
      %add3A_504 = vector.broadcast %mul3A_499 : i32 to vector<128x512xi32>
      %add3A_505 = arith.addi %add3A_504, %iota3A_503 : vector<128x512xi32>
      %gt3A = vector.broadcast %while3A_376#0 : vector<128x1xf32> to vector<128x512xf32>
      %gt3A_506 = arith.cmpf ogt, %get3A_502, %gt3A : vector<128x512xf32>
      %eq3A = vector.broadcast %while3A_376#0 : vector<128x1xf32> to vector<128x512xf32>
      %eq3A_507 = arith.cmpf oeq, %get3A_502, %eq3A : vector<128x512xf32>
      %gt3A_508 = vector.broadcast %while3A_376#1 : vector<128x1xi32> to vector<128x512xi32>
      %gt3A_509 = arith.cmpi sgt, %add3A_505, %gt3A_508 : vector<128x512xi32>
      %and3A_510 = arith.andi %eq3A_507, %gt3A_509 : vector<128x512xi1>
      %or3A = arith.ori %gt3A_506, %and3A_510 : vector<128x512xi1>
      %jit3A_511 = arith.constant 1.000000e+30 : f32
      %broadcast_in_dim3A_512 = vector.broadcast %jit3A_511 : f32 to vector<128x512xf32>
      %select_n3A_513 = arith.select %or3A, %get3A_502, %broadcast_in_dim3A_512 : vector<128x512xi1>, vector<128x512xf32>
      %reduce_min3A = arith.constant dense<0x7F800000> : vector<128xf32>
      %reduce_min3A_514 = vector.multi_reduction <minimumf>, %select_n3A_513, %reduce_min3A [1] : vector<128x512xf32> to vector<128xf32>
      %broadcast_in_dim3A_515 = vector.shape_cast %reduce_min3A_514 : vector<128xf32> to vector<128x1xf32>
      %eq3A_516 = vector.broadcast %broadcast_in_dim3A_515 : vector<128x1xf32> to vector<128x512xf32>
      %eq3A_517 = arith.cmpf oeq, %select_n3A_513, %eq3A_516 : vector<128x512xf32>
      %jit3A_518 = arith.constant 10240 : i32
      %broadcast_in_dim3A_519 = vector.broadcast %jit3A_518 : i32 to vector<128x512xi32>
      %select_n3A_520 = arith.select %eq3A_517, %add3A_505, %broadcast_in_dim3A_519 : vector<128x512xi1>, vector<128x512xi32>
      %reduce_min3A_521 = arith.constant dense<2147483647> : vector<128xi32>
      %reduce_min3A_522 = vector.multi_reduction <minsi>, %select_n3A_520, %reduce_min3A_521 [1] : vector<128x512xi32> to vector<128xi32>
      %broadcast_in_dim3A_523 = vector.shape_cast %reduce_min3A_522 : vector<128xi32> to vector<128x1xi32>
      %lt3A_524 = arith.cmpf olt, %broadcast_in_dim3A_515, %while3A_496 : vector<128x1xf32>
      %select_n3A_525 = arith.select %lt3A_524, %broadcast_in_dim3A_515, %while3A_496 : vector<128x1xi1>, vector<128x1xf32>
      %select_n3A_526 = arith.select %lt3A_524, %broadcast_in_dim3A_523, %while3A_497 : vector<128x1xi1>, vector<128x1xi32>
      scf.yield %select_n3A_525, %select_n3A_526 : vector<128x1xf32>, vector<128x1xi32>
    }
    %while3A_389 = arith.constant 1 : i32
    %while3A_390:2 = scf.for %while3A_495 = %while3A_386 to %while3A_382 step %while3A_389 iter_args(%while3A_496 = %while3A_388#0, %while3A_497 = %while3A_388#1) -> (vector<128x1xf32>, vector<128x1xi32>)  : i32 {
      %mul3A_498 = arith.constant 512 : i32
      %mul3A_499 = arith.muli %while3A_495, %mul3A_498 : i32
      %get3A_500 = arith.constant 0 : index
      %get3A_501 = arith.index_cast %mul3A_499 : i32 to index
      %get3A_502 = vector.load %arg10[%get3A_500, %get3A_501] : memref<128x10240xf32, #tpu.memory_space<vmem>>, vector<128x512xf32>
      %iota3A_503 = tpu.iota {dimensions = array<i32: 1>} : vector<128x512xi32>
      %add3A_504 = vector.broadcast %mul3A_499 : i32 to vector<128x512xi32>
      %add3A_505 = arith.addi %add3A_504, %iota3A_503 : vector<128x512xi32>
      %gt3A = vector.broadcast %while3A_376#0 : vector<128x1xf32> to vector<128x512xf32>
      %gt3A_506 = arith.cmpf ogt, %get3A_502, %gt3A : vector<128x512xf32>
      %eq3A = vector.broadcast %while3A_376#0 : vector<128x1xf32> to vector<128x512xf32>
      %eq3A_507 = arith.cmpf oeq, %get3A_502, %eq3A : vector<128x512xf32>
      %gt3A_508 = vector.broadcast %while3A_376#1 : vector<128x1xi32> to vector<128x512xi32>
      %gt3A_509 = arith.cmpi sgt, %add3A_505, %gt3A_508 : vector<128x512xi32>
      %and3A_510 = arith.andi %eq3A_507, %gt3A_509 : vector<128x512xi1>
      %or3A = arith.ori %gt3A_506, %and3A_510 : vector<128x512xi1>
      %jit3A_511 = arith.constant 1.000000e+30 : f32
      %broadcast_in_dim3A_512 = vector.broadcast %jit3A_511 : f32 to vector<128x512xf32>
      %select_n3A_513 = arith.select %or3A, %get3A_502, %broadcast_in_dim3A_512 : vector<128x512xi1>, vector<128x512xf32>
      %reduce_min3A = arith.constant dense<0x7F800000> : vector<128xf32>
      %reduce_min3A_514 = vector.multi_reduction <minimumf>, %select_n3A_513, %reduce_min3A [1] : vector<128x512xf32> to vector<128xf32>
      %broadcast_in_dim3A_515 = vector.shape_cast %reduce_min3A_514 : vector<128xf32> to vector<128x1xf32>
      %eq3A_516 = vector.broadcast %broadcast_in_dim3A_515 : vector<128x1xf32> to vector<128x512xf32>
      %eq3A_517 = arith.cmpf oeq, %select_n3A_513, %eq3A_516 : vector<128x512xf32>
      %jit3A_518 = arith.constant 10240 : i32
      %broadcast_in_dim3A_519 = vector.broadcast %jit3A_518 : i32 to vector<128x512xi32>
      %select_n3A_520 = arith.select %eq3A_517, %add3A_505, %broadcast_in_dim3A_519 : vector<128x512xi1>, vector<128x512xi32>
      %reduce_min3A_521 = arith.constant dense<2147483647> : vector<128xi32>
      %reduce_min3A_522 = vector.multi_reduction <minsi>, %select_n3A_520, %reduce_min3A_521 [1] : vector<128x512xi32> to vector<128xi32>
      %broadcast_in_dim3A_523 = vector.shape_cast %reduce_min3A_522 : vector<128xi32> to vector<128x1xi32>
      %lt3A_524 = arith.cmpf olt, %broadcast_in_dim3A_515, %while3A_496 : vector<128x1xf32>
      %select_n3A_525 = arith.select %lt3A_524, %broadcast_in_dim3A_515, %while3A_496 : vector<128x1xi1>, vector<128x1xf32>
      %select_n3A_526 = arith.select %lt3A_524, %broadcast_in_dim3A_523, %while3A_497 : vector<128x1xi1>, vector<128x1xi32>
      scf.yield %select_n3A_525, %select_n3A_526 : vector<128x1xf32>, vector<128x1xi32>
    }
    %broadcast_in_dim3A_391 = arith.constant 1.000000e+30 : f32
    %broadcast_in_dim3A_392 = vector.broadcast %broadcast_in_dim3A_391 : f32 to vector<128x1xf32>
    %broadcast_in_dim3A_393 = arith.constant 0 : i32
    %broadcast_in_dim3A_394 = vector.broadcast %broadcast_in_dim3A_393 : i32 to vector<128x1xi32>
    %while3A_395 = arith.subi %get3A_14, %get3A_12 : i32
    %while3A_396 = arith.addi %get3A_12, %while3A_395 : i32
    %while3A_397 = arith.constant 1 : i32
    %while3A_398 = arith.divsi %while3A_395, %while3A_397 : i32
    %while3A_399 = arith.muli %while3A_398, %while3A_397 : i32
    %while3A_400 = arith.addi %get3A_12, %while3A_399 : i32
    %while3A_401 = arith.constant 1 : i32
    %while3A_402:2 = scf.for %while3A_495 = %get3A_12 to %while3A_400 step %while3A_401 iter_args(%while3A_496 = %broadcast_in_dim3A_392, %while3A_497 = %broadcast_in_dim3A_394) -> (vector<128x1xf32>, vector<128x1xi32>)  : i32 {
      %mul3A_498 = arith.constant 512 : i32
      %mul3A_499 = arith.muli %while3A_495, %mul3A_498 : i32
      %get3A_500 = arith.constant 0 : index
      %get3A_501 = arith.index_cast %mul3A_499 : i32 to index
      %get3A_502 = vector.load %arg10[%get3A_500, %get3A_501] : memref<128x10240xf32, #tpu.memory_space<vmem>>, vector<128x512xf32>
      %iota3A_503 = tpu.iota {dimensions = array<i32: 1>} : vector<128x512xi32>
      %add3A_504 = vector.broadcast %mul3A_499 : i32 to vector<128x512xi32>
      %add3A_505 = arith.addi %add3A_504, %iota3A_503 : vector<128x512xi32>
      %gt3A = vector.broadcast %while3A_390#0 : vector<128x1xf32> to vector<128x512xf32>
      %gt3A_506 = arith.cmpf ogt, %get3A_502, %gt3A : vector<128x512xf32>
      %eq3A = vector.broadcast %while3A_390#0 : vector<128x1xf32> to vector<128x512xf32>
      %eq3A_507 = arith.cmpf oeq, %get3A_502, %eq3A : vector<128x512xf32>
      %gt3A_508 = vector.broadcast %while3A_390#1 : vector<128x1xi32> to vector<128x512xi32>
      %gt3A_509 = arith.cmpi sgt, %add3A_505, %gt3A_508 : vector<128x512xi32>
      %and3A_510 = arith.andi %eq3A_507, %gt3A_509 : vector<128x512xi1>
      %or3A = arith.ori %gt3A_506, %and3A_510 : vector<128x512xi1>
      %jit3A_511 = arith.constant 1.000000e+30 : f32
      %broadcast_in_dim3A_512 = vector.broadcast %jit3A_511 : f32 to vector<128x512xf32>
      %select_n3A_513 = arith.select %or3A, %get3A_502, %broadcast_in_dim3A_512 : vector<128x512xi1>, vector<128x512xf32>
      %reduce_min3A = arith.constant dense<0x7F800000> : vector<128xf32>
      %reduce_min3A_514 = vector.multi_reduction <minimumf>, %select_n3A_513, %reduce_min3A [1] : vector<128x512xf32> to vector<128xf32>
      %broadcast_in_dim3A_515 = vector.shape_cast %reduce_min3A_514 : vector<128xf32> to vector<128x1xf32>
      %eq3A_516 = vector.broadcast %broadcast_in_dim3A_515 : vector<128x1xf32> to vector<128x512xf32>
      %eq3A_517 = arith.cmpf oeq, %select_n3A_513, %eq3A_516 : vector<128x512xf32>
      %jit3A_518 = arith.constant 10240 : i32
      %broadcast_in_dim3A_519 = vector.broadcast %jit3A_518 : i32 to vector<128x512xi32>
      %select_n3A_520 = arith.select %eq3A_517, %add3A_505, %broadcast_in_dim3A_519 : vector<128x512xi1>, vector<128x512xi32>
      %reduce_min3A_521 = arith.constant dense<2147483647> : vector<128xi32>
      %reduce_min3A_522 = vector.multi_reduction <minsi>, %select_n3A_520, %reduce_min3A_521 [1] : vector<128x512xi32> to vector<128xi32>
      %broadcast_in_dim3A_523 = vector.shape_cast %reduce_min3A_522 : vector<128xi32> to vector<128x1xi32>
      %lt3A_524 = arith.cmpf olt, %broadcast_in_dim3A_515, %while3A_496 : vector<128x1xf32>
      %select_n3A_525 = arith.select %lt3A_524, %broadcast_in_dim3A_515, %while3A_496 : vector<128x1xi1>, vector<128x1xf32>
      %select_n3A_526 = arith.select %lt3A_524, %broadcast_in_dim3A_523, %while3A_497 : vector<128x1xi1>, vector<128x1xi32>
      scf.yield %select_n3A_525, %select_n3A_526 : vector<128x1xf32>, vector<128x1xi32>
    }
    %while3A_403 = arith.constant 1 : i32
    %while3A_404:2 = scf.for %while3A_495 = %while3A_400 to %while3A_396 step %while3A_403 iter_args(%while3A_496 = %while3A_402#0, %while3A_497 = %while3A_402#1) -> (vector<128x1xf32>, vector<128x1xi32>)  : i32 {
      %mul3A_498 = arith.constant 512 : i32
      %mul3A_499 = arith.muli %while3A_495, %mul3A_498 : i32
      %get3A_500 = arith.constant 0 : index
      %get3A_501 = arith.index_cast %mul3A_499 : i32 to index
      %get3A_502 = vector.load %arg10[%get3A_500, %get3A_501] : memref<128x10240xf32, #tpu.memory_space<vmem>>, vector<128x512xf32>
      %iota3A_503 = tpu.iota {dimensions = array<i32: 1>} : vector<128x512xi32>
      %add3A_504 = vector.broadcast %mul3A_499 : i32 to vector<128x512xi32>
      %add3A_505 = arith.addi %add3A_504, %iota3A_503 : vector<128x512xi32>
      %gt3A = vector.broadcast %while3A_390#0 : vector<128x1xf32> to vector<128x512xf32>
      %gt3A_506 = arith.cmpf ogt, %get3A_502, %gt3A : vector<128x512xf32>
      %eq3A = vector.broadcast %while3A_390#0 : vector<128x1xf32> to vector<128x512xf32>
      %eq3A_507 = arith.cmpf oeq, %get3A_502, %eq3A : vector<128x512xf32>
      %gt3A_508 = vector.broadcast %while3A_390#1 : vector<128x1xi32> to vector<128x512xi32>
      %gt3A_509 = arith.cmpi sgt, %add3A_505, %gt3A_508 : vector<128x512xi32>
      %and3A_510 = arith.andi %eq3A_507, %gt3A_509 : vector<128x512xi1>
      %or3A = arith.ori %gt3A_506, %and3A_510 : vector<128x512xi1>
      %jit3A_511 = arith.constant 1.000000e+30 : f32
      %broadcast_in_dim3A_512 = vector.broadcast %jit3A_511 : f32 to vector<128x512xf32>
      %select_n3A_513 = arith.select %or3A, %get3A_502, %broadcast_in_dim3A_512 : vector<128x512xi1>, vector<128x512xf32>
      %reduce_min3A = arith.constant dense<0x7F800000> : vector<128xf32>
      %reduce_min3A_514 = vector.multi_reduction <minimumf>, %select_n3A_513, %reduce_min3A [1] : vector<128x512xf32> to vector<128xf32>
      %broadcast_in_dim3A_515 = vector.shape_cast %reduce_min3A_514 : vector<128xf32> to vector<128x1xf32>
      %eq3A_516 = vector.broadcast %broadcast_in_dim3A_515 : vector<128x1xf32> to vector<128x512xf32>
      %eq3A_517 = arith.cmpf oeq, %select_n3A_513, %eq3A_516 : vector<128x512xf32>
      %jit3A_518 = arith.constant 10240 : i32
      %broadcast_in_dim3A_519 = vector.broadcast %jit3A_518 : i32 to vector<128x512xi32>
      %select_n3A_520 = arith.select %eq3A_517, %add3A_505, %broadcast_in_dim3A_519 : vector<128x512xi1>, vector<128x512xi32>
      %reduce_min3A_521 = arith.constant dense<2147483647> : vector<128xi32>
      %reduce_min3A_522 = vector.multi_reduction <minsi>, %select_n3A_520, %reduce_min3A_521 [1] : vector<128x512xi32> to vector<128xi32>
      %broadcast_in_dim3A_523 = vector.shape_cast %reduce_min3A_522 : vector<128xi32> to vector<128x1xi32>
      %lt3A_524 = arith.cmpf olt, %broadcast_in_dim3A_515, %while3A_496 : vector<128x1xf32>
      %select_n3A_525 = arith.select %lt3A_524, %broadcast_in_dim3A_515, %while3A_496 : vector<128x1xi1>, vector<128x1xf32>
      %select_n3A_526 = arith.select %lt3A_524, %broadcast_in_dim3A_523, %while3A_497 : vector<128x1xi1>, vector<128x1xi32>
      scf.yield %select_n3A_525, %select_n3A_526 : vector<128x1xf32>, vector<128x1xi32>
    }
    %broadcast_in_dim3A_405 = arith.constant 1.000000e+30 : f32
    %broadcast_in_dim3A_406 = vector.broadcast %broadcast_in_dim3A_405 : f32 to vector<128x1xf32>
    %broadcast_in_dim3A_407 = arith.constant 0 : i32
    %broadcast_in_dim3A_408 = vector.broadcast %broadcast_in_dim3A_407 : i32 to vector<128x1xi32>
    %while3A_409 = arith.subi %get3A_14, %get3A_12 : i32
    %while3A_410 = arith.addi %get3A_12, %while3A_409 : i32
    %while3A_411 = arith.constant 1 : i32
    %while3A_412 = arith.divsi %while3A_409, %while3A_411 : i32
    %while3A_413 = arith.muli %while3A_412, %while3A_411 : i32
    %while3A_414 = arith.addi %get3A_12, %while3A_413 : i32
    %while3A_415 = arith.constant 1 : i32
    %while3A_416:2 = scf.for %while3A_495 = %get3A_12 to %while3A_414 step %while3A_415 iter_args(%while3A_496 = %broadcast_in_dim3A_406, %while3A_497 = %broadcast_in_dim3A_408) -> (vector<128x1xf32>, vector<128x1xi32>)  : i32 {
      %mul3A_498 = arith.constant 512 : i32
      %mul3A_499 = arith.muli %while3A_495, %mul3A_498 : i32
      %get3A_500 = arith.constant 0 : index
      %get3A_501 = arith.index_cast %mul3A_499 : i32 to index
      %get3A_502 = vector.load %arg10[%get3A_500, %get3A_501] : memref<128x10240xf32, #tpu.memory_space<vmem>>, vector<128x512xf32>
      %iota3A_503 = tpu.iota {dimensions = array<i32: 1>} : vector<128x512xi32>
      %add3A_504 = vector.broadcast %mul3A_499 : i32 to vector<128x512xi32>
      %add3A_505 = arith.addi %add3A_504, %iota3A_503 : vector<128x512xi32>
      %gt3A = vector.broadcast %while3A_404#0 : vector<128x1xf32> to vector<128x512xf32>
      %gt3A_506 = arith.cmpf ogt, %get3A_502, %gt3A : vector<128x512xf32>
      %eq3A = vector.broadcast %while3A_404#0 : vector<128x1xf32> to vector<128x512xf32>
      %eq3A_507 = arith.cmpf oeq, %get3A_502, %eq3A : vector<128x512xf32>
      %gt3A_508 = vector.broadcast %while3A_404#1 : vector<128x1xi32> to vector<128x512xi32>
      %gt3A_509 = arith.cmpi sgt, %add3A_505, %gt3A_508 : vector<128x512xi32>
      %and3A_510 = arith.andi %eq3A_507, %gt3A_509 : vector<128x512xi1>
      %or3A = arith.ori %gt3A_506, %and3A_510 : vector<128x512xi1>
      %jit3A_511 = arith.constant 1.000000e+30 : f32
      %broadcast_in_dim3A_512 = vector.broadcast %jit3A_511 : f32 to vector<128x512xf32>
      %select_n3A_513 = arith.select %or3A, %get3A_502, %broadcast_in_dim3A_512 : vector<128x512xi1>, vector<128x512xf32>
      %reduce_min3A = arith.constant dense<0x7F800000> : vector<128xf32>
      %reduce_min3A_514 = vector.multi_reduction <minimumf>, %select_n3A_513, %reduce_min3A [1] : vector<128x512xf32> to vector<128xf32>
      %broadcast_in_dim3A_515 = vector.shape_cast %reduce_min3A_514 : vector<128xf32> to vector<128x1xf32>
      %eq3A_516 = vector.broadcast %broadcast_in_dim3A_515 : vector<128x1xf32> to vector<128x512xf32>
      %eq3A_517 = arith.cmpf oeq, %select_n3A_513, %eq3A_516 : vector<128x512xf32>
      %jit3A_518 = arith.constant 10240 : i32
      %broadcast_in_dim3A_519 = vector.broadcast %jit3A_518 : i32 to vector<128x512xi32>
      %select_n3A_520 = arith.select %eq3A_517, %add3A_505, %broadcast_in_dim3A_519 : vector<128x512xi1>, vector<128x512xi32>
      %reduce_min3A_521 = arith.constant dense<2147483647> : vector<128xi32>
      %reduce_min3A_522 = vector.multi_reduction <minsi>, %select_n3A_520, %reduce_min3A_521 [1] : vector<128x512xi32> to vector<128xi32>
      %broadcast_in_dim3A_523 = vector.shape_cast %reduce_min3A_522 : vector<128xi32> to vector<128x1xi32>
      %lt3A_524 = arith.cmpf olt, %broadcast_in_dim3A_515, %while3A_496 : vector<128x1xf32>
      %select_n3A_525 = arith.select %lt3A_524, %broadcast_in_dim3A_515, %while3A_496 : vector<128x1xi1>, vector<128x1xf32>
      %select_n3A_526 = arith.select %lt3A_524, %broadcast_in_dim3A_523, %while3A_497 : vector<128x1xi1>, vector<128x1xi32>
      scf.yield %select_n3A_525, %select_n3A_526 : vector<128x1xf32>, vector<128x1xi32>
    }
    %while3A_417 = arith.constant 1 : i32
    %while3A_418:2 = scf.for %while3A_495 = %while3A_414 to %while3A_410 step %while3A_417 iter_args(%while3A_496 = %while3A_416#0, %while3A_497 = %while3A_416#1) -> (vector<128x1xf32>, vector<128x1xi32>)  : i32 {
      %mul3A_498 = arith.constant 512 : i32
      %mul3A_499 = arith.muli %while3A_495, %mul3A_498 : i32
      %get3A_500 = arith.constant 0 : index
      %get3A_501 = arith.index_cast %mul3A_499 : i32 to index
      %get3A_502 = vector.load %arg10[%get3A_500, %get3A_501] : memref<128x10240xf32, #tpu.memory_space<vmem>>, vector<128x512xf32>
      %iota3A_503 = tpu.iota {dimensions = array<i32: 1>} : vector<128x512xi32>
      %add3A_504 = vector.broadcast %mul3A_499 : i32 to vector<128x512xi32>
      %add3A_505 = arith.addi %add3A_504, %iota3A_503 : vector<128x512xi32>
      %gt3A = vector.broadcast %while3A_404#0 : vector<128x1xf32> to vector<128x512xf32>
      %gt3A_506 = arith.cmpf ogt, %get3A_502, %gt3A : vector<128x512xf32>
      %eq3A = vector.broadcast %while3A_404#0 : vector<128x1xf32> to vector<128x512xf32>
      %eq3A_507 = arith.cmpf oeq, %get3A_502, %eq3A : vector<128x512xf32>
      %gt3A_508 = vector.broadcast %while3A_404#1 : vector<128x1xi32> to vector<128x512xi32>
      %gt3A_509 = arith.cmpi sgt, %add3A_505, %gt3A_508 : vector<128x512xi32>
      %and3A_510 = arith.andi %eq3A_507, %gt3A_509 : vector<128x512xi1>
      %or3A = arith.ori %gt3A_506, %and3A_510 : vector<128x512xi1>
      %jit3A_511 = arith.constant 1.000000e+30 : f32
      %broadcast_in_dim3A_512 = vector.broadcast %jit3A_511 : f32 to vector<128x512xf32>
      %select_n3A_513 = arith.select %or3A, %get3A_502, %broadcast_in_dim3A_512 : vector<128x512xi1>, vector<128x512xf32>
      %reduce_min3A = arith.constant dense<0x7F800000> : vector<128xf32>
      %reduce_min3A_514 = vector.multi_reduction <minimumf>, %select_n3A_513, %reduce_min3A [1] : vector<128x512xf32> to vector<128xf32>
      %broadcast_in_dim3A_515 = vector.shape_cast %reduce_min3A_514 : vector<128xf32> to vector<128x1xf32>
      %eq3A_516 = vector.broadcast %broadcast_in_dim3A_515 : vector<128x1xf32> to vector<128x512xf32>
      %eq3A_517 = arith.cmpf oeq, %select_n3A_513, %eq3A_516 : vector<128x512xf32>
      %jit3A_518 = arith.constant 10240 : i32
      %broadcast_in_dim3A_519 = vector.broadcast %jit3A_518 : i32 to vector<128x512xi32>
      %select_n3A_520 = arith.select %eq3A_517, %add3A_505, %broadcast_in_dim3A_519 : vector<128x512xi1>, vector<128x512xi32>
      %reduce_min3A_521 = arith.constant dense<2147483647> : vector<128xi32>
      %reduce_min3A_522 = vector.multi_reduction <minsi>, %select_n3A_520, %reduce_min3A_521 [1] : vector<128x512xi32> to vector<128xi32>
      %broadcast_in_dim3A_523 = vector.shape_cast %reduce_min3A_522 : vector<128xi32> to vector<128x1xi32>
      %lt3A_524 = arith.cmpf olt, %broadcast_in_dim3A_515, %while3A_496 : vector<128x1xf32>
      %select_n3A_525 = arith.select %lt3A_524, %broadcast_in_dim3A_515, %while3A_496 : vector<128x1xi1>, vector<128x1xf32>
      %select_n3A_526 = arith.select %lt3A_524, %broadcast_in_dim3A_523, %while3A_497 : vector<128x1xi1>, vector<128x1xi32>
      scf.yield %select_n3A_525, %select_n3A_526 : vector<128x1xf32>, vector<128x1xi32>
    }
    %broadcast_in_dim3A_419 = arith.constant 1.000000e+30 : f32
    %broadcast_in_dim3A_420 = vector.broadcast %broadcast_in_dim3A_419 : f32 to vector<128x1xf32>
    %broadcast_in_dim3A_421 = arith.constant 0 : i32
    %broadcast_in_dim3A_422 = vector.broadcast %broadcast_in_dim3A_421 : i32 to vector<128x1xi32>
    %while3A_423 = arith.subi %get3A_14, %get3A_12 : i32
    %while3A_424 = arith.addi %get3A_12, %while3A_423 : i32
    %while3A_425 = arith.constant 1 : i32
    %while3A_426 = arith.divsi %while3A_423, %while3A_425 : i32
    %while3A_427 = arith.muli %while3A_426, %while3A_425 : i32
    %while3A_428 = arith.addi %get3A_12, %while3A_427 : i32
    %while3A_429 = arith.constant 1 : i32
    %while3A_430:2 = scf.for %while3A_495 = %get3A_12 to %while3A_428 step %while3A_429 iter_args(%while3A_496 = %broadcast_in_dim3A_420, %while3A_497 = %broadcast_in_dim3A_422) -> (vector<128x1xf32>, vector<128x1xi32>)  : i32 {
      %mul3A_498 = arith.constant 512 : i32
      %mul3A_499 = arith.muli %while3A_495, %mul3A_498 : i32
      %get3A_500 = arith.constant 0 : index
      %get3A_501 = arith.index_cast %mul3A_499 : i32 to index
      %get3A_502 = vector.load %arg10[%get3A_500, %get3A_501] : memref<128x10240xf32, #tpu.memory_space<vmem>>, vector<128x512xf32>
      %iota3A_503 = tpu.iota {dimensions = array<i32: 1>} : vector<128x512xi32>
      %add3A_504 = vector.broadcast %mul3A_499 : i32 to vector<128x512xi32>
      %add3A_505 = arith.addi %add3A_504, %iota3A_503 : vector<128x512xi32>
      %gt3A = vector.broadcast %while3A_418#0 : vector<128x1xf32> to vector<128x512xf32>
      %gt3A_506 = arith.cmpf ogt, %get3A_502, %gt3A : vector<128x512xf32>
      %eq3A = vector.broadcast %while3A_418#0 : vector<128x1xf32> to vector<128x512xf32>
      %eq3A_507 = arith.cmpf oeq, %get3A_502, %eq3A : vector<128x512xf32>
      %gt3A_508 = vector.broadcast %while3A_418#1 : vector<128x1xi32> to vector<128x512xi32>
      %gt3A_509 = arith.cmpi sgt, %add3A_505, %gt3A_508 : vector<128x512xi32>
      %and3A_510 = arith.andi %eq3A_507, %gt3A_509 : vector<128x512xi1>
      %or3A = arith.ori %gt3A_506, %and3A_510 : vector<128x512xi1>
      %jit3A_511 = arith.constant 1.000000e+30 : f32
      %broadcast_in_dim3A_512 = vector.broadcast %jit3A_511 : f32 to vector<128x512xf32>
      %select_n3A_513 = arith.select %or3A, %get3A_502, %broadcast_in_dim3A_512 : vector<128x512xi1>, vector<128x512xf32>
      %reduce_min3A = arith.constant dense<0x7F800000> : vector<128xf32>
      %reduce_min3A_514 = vector.multi_reduction <minimumf>, %select_n3A_513, %reduce_min3A [1] : vector<128x512xf32> to vector<128xf32>
      %broadcast_in_dim3A_515 = vector.shape_cast %reduce_min3A_514 : vector<128xf32> to vector<128x1xf32>
      %eq3A_516 = vector.broadcast %broadcast_in_dim3A_515 : vector<128x1xf32> to vector<128x512xf32>
      %eq3A_517 = arith.cmpf oeq, %select_n3A_513, %eq3A_516 : vector<128x512xf32>
      %jit3A_518 = arith.constant 10240 : i32
      %broadcast_in_dim3A_519 = vector.broadcast %jit3A_518 : i32 to vector<128x512xi32>
      %select_n3A_520 = arith.select %eq3A_517, %add3A_505, %broadcast_in_dim3A_519 : vector<128x512xi1>, vector<128x512xi32>
      %reduce_min3A_521 = arith.constant dense<2147483647> : vector<128xi32>
      %reduce_min3A_522 = vector.multi_reduction <minsi>, %select_n3A_520, %reduce_min3A_521 [1] : vector<128x512xi32> to vector<128xi32>
      %broadcast_in_dim3A_523 = vector.shape_cast %reduce_min3A_522 : vector<128xi32> to vector<128x1xi32>
      %lt3A_524 = arith.cmpf olt, %broadcast_in_dim3A_515, %while3A_496 : vector<128x1xf32>
      %select_n3A_525 = arith.select %lt3A_524, %broadcast_in_dim3A_515, %while3A_496 : vector<128x1xi1>, vector<128x1xf32>
      %select_n3A_526 = arith.select %lt3A_524, %broadcast_in_dim3A_523, %while3A_497 : vector<128x1xi1>, vector<128x1xi32>
      scf.yield %select_n3A_525, %select_n3A_526 : vector<128x1xf32>, vector<128x1xi32>
    }
    %while3A_431 = arith.constant 1 : i32
    %while3A_432:2 = scf.for %while3A_495 = %while3A_428 to %while3A_424 step %while3A_431 iter_args(%while3A_496 = %while3A_430#0, %while3A_497 = %while3A_430#1) -> (vector<128x1xf32>, vector<128x1xi32>)  : i32 {
      %mul3A_498 = arith.constant 512 : i32
      %mul3A_499 = arith.muli %while3A_495, %mul3A_498 : i32
      %get3A_500 = arith.constant 0 : index
      %get3A_501 = arith.index_cast %mul3A_499 : i32 to index
      %get3A_502 = vector.load %arg10[%get3A_500, %get3A_501] : memref<128x10240xf32, #tpu.memory_space<vmem>>, vector<128x512xf32>
      %iota3A_503 = tpu.iota {dimensions = array<i32: 1>} : vector<128x512xi32>
      %add3A_504 = vector.broadcast %mul3A_499 : i32 to vector<128x512xi32>
      %add3A_505 = arith.addi %add3A_504, %iota3A_503 : vector<128x512xi32>
      %gt3A = vector.broadcast %while3A_418#0 : vector<128x1xf32> to vector<128x512xf32>
      %gt3A_506 = arith.cmpf ogt, %get3A_502, %gt3A : vector<128x512xf32>
      %eq3A = vector.broadcast %while3A_418#0 : vector<128x1xf32> to vector<128x512xf32>
      %eq3A_507 = arith.cmpf oeq, %get3A_502, %eq3A : vector<128x512xf32>
      %gt3A_508 = vector.broadcast %while3A_418#1 : vector<128x1xi32> to vector<128x512xi32>
      %gt3A_509 = arith.cmpi sgt, %add3A_505, %gt3A_508 : vector<128x512xi32>
      %and3A_510 = arith.andi %eq3A_507, %gt3A_509 : vector<128x512xi1>
      %or3A = arith.ori %gt3A_506, %and3A_510 : vector<128x512xi1>
      %jit3A_511 = arith.constant 1.000000e+30 : f32
      %broadcast_in_dim3A_512 = vector.broadcast %jit3A_511 : f32 to vector<128x512xf32>
      %select_n3A_513 = arith.select %or3A, %get3A_502, %broadcast_in_dim3A_512 : vector<128x512xi1>, vector<128x512xf32>
      %reduce_min3A = arith.constant dense<0x7F800000> : vector<128xf32>
      %reduce_min3A_514 = vector.multi_reduction <minimumf>, %select_n3A_513, %reduce_min3A [1] : vector<128x512xf32> to vector<128xf32>
      %broadcast_in_dim3A_515 = vector.shape_cast %reduce_min3A_514 : vector<128xf32> to vector<128x1xf32>
      %eq3A_516 = vector.broadcast %broadcast_in_dim3A_515 : vector<128x1xf32> to vector<128x512xf32>
      %eq3A_517 = arith.cmpf oeq, %select_n3A_513, %eq3A_516 : vector<128x512xf32>
      %jit3A_518 = arith.constant 10240 : i32
      %broadcast_in_dim3A_519 = vector.broadcast %jit3A_518 : i32 to vector<128x512xi32>
      %select_n3A_520 = arith.select %eq3A_517, %add3A_505, %broadcast_in_dim3A_519 : vector<128x512xi1>, vector<128x512xi32>
      %reduce_min3A_521 = arith.constant dense<2147483647> : vector<128xi32>
      %reduce_min3A_522 = vector.multi_reduction <minsi>, %select_n3A_520, %reduce_min3A_521 [1] : vector<128x512xi32> to vector<128xi32>
      %broadcast_in_dim3A_523 = vector.shape_cast %reduce_min3A_522 : vector<128xi32> to vector<128x1xi32>
      %lt3A_524 = arith.cmpf olt, %broadcast_in_dim3A_515, %while3A_496 : vector<128x1xf32>
      %select_n3A_525 = arith.select %lt3A_524, %broadcast_in_dim3A_515, %while3A_496 : vector<128x1xi1>, vector<128x1xf32>
      %select_n3A_526 = arith.select %lt3A_524, %broadcast_in_dim3A_523, %while3A_497 : vector<128x1xi1>, vector<128x1xi32>
      scf.yield %select_n3A_525, %select_n3A_526 : vector<128x1xf32>, vector<128x1xi32>
    }
    %broadcast_in_dim3A_433 = arith.constant 1.000000e+30 : f32
    %broadcast_in_dim3A_434 = vector.broadcast %broadcast_in_dim3A_433 : f32 to vector<128x1xf32>
    %broadcast_in_dim3A_435 = arith.constant 0 : i32
    %broadcast_in_dim3A_436 = vector.broadcast %broadcast_in_dim3A_435 : i32 to vector<128x1xi32>
    %while3A_437 = arith.subi %get3A_14, %get3A_12 : i32
    %while3A_438 = arith.addi %get3A_12, %while3A_437 : i32
    %while3A_439 = arith.constant 1 : i32
    %while3A_440 = arith.divsi %while3A_437, %while3A_439 : i32
    %while3A_441 = arith.muli %while3A_440, %while3A_439 : i32
    %while3A_442 = arith.addi %get3A_12, %while3A_441 : i32
    %while3A_443 = arith.constant 1 : i32
    %while3A_444:2 = scf.for %while3A_495 = %get3A_12 to %while3A_442 step %while3A_443 iter_args(%while3A_496 = %broadcast_in_dim3A_434, %while3A_497 = %broadcast_in_dim3A_436) -> (vector<128x1xf32>, vector<128x1xi32>)  : i32 {
      %mul3A_498 = arith.constant 512 : i32
      %mul3A_499 = arith.muli %while3A_495, %mul3A_498 : i32
      %get3A_500 = arith.constant 0 : index
      %get3A_501 = arith.index_cast %mul3A_499 : i32 to index
      %get3A_502 = vector.load %arg10[%get3A_500, %get3A_501] : memref<128x10240xf32, #tpu.memory_space<vmem>>, vector<128x512xf32>
      %iota3A_503 = tpu.iota {dimensions = array<i32: 1>} : vector<128x512xi32>
      %add3A_504 = vector.broadcast %mul3A_499 : i32 to vector<128x512xi32>
      %add3A_505 = arith.addi %add3A_504, %iota3A_503 : vector<128x512xi32>
      %gt3A = vector.broadcast %while3A_432#0 : vector<128x1xf32> to vector<128x512xf32>
      %gt3A_506 = arith.cmpf ogt, %get3A_502, %gt3A : vector<128x512xf32>
      %eq3A = vector.broadcast %while3A_432#0 : vector<128x1xf32> to vector<128x512xf32>
      %eq3A_507 = arith.cmpf oeq, %get3A_502, %eq3A : vector<128x512xf32>
      %gt3A_508 = vector.broadcast %while3A_432#1 : vector<128x1xi32> to vector<128x512xi32>
      %gt3A_509 = arith.cmpi sgt, %add3A_505, %gt3A_508 : vector<128x512xi32>
      %and3A_510 = arith.andi %eq3A_507, %gt3A_509 : vector<128x512xi1>
      %or3A = arith.ori %gt3A_506, %and3A_510 : vector<128x512xi1>
      %jit3A_511 = arith.constant 1.000000e+30 : f32
      %broadcast_in_dim3A_512 = vector.broadcast %jit3A_511 : f32 to vector<128x512xf32>
      %select_n3A_513 = arith.select %or3A, %get3A_502, %broadcast_in_dim3A_512 : vector<128x512xi1>, vector<128x512xf32>
      %reduce_min3A = arith.constant dense<0x7F800000> : vector<128xf32>
      %reduce_min3A_514 = vector.multi_reduction <minimumf>, %select_n3A_513, %reduce_min3A [1] : vector<128x512xf32> to vector<128xf32>
      %broadcast_in_dim3A_515 = vector.shape_cast %reduce_min3A_514 : vector<128xf32> to vector<128x1xf32>
      %eq3A_516 = vector.broadcast %broadcast_in_dim3A_515 : vector<128x1xf32> to vector<128x512xf32>
      %eq3A_517 = arith.cmpf oeq, %select_n3A_513, %eq3A_516 : vector<128x512xf32>
      %jit3A_518 = arith.constant 10240 : i32
      %broadcast_in_dim3A_519 = vector.broadcast %jit3A_518 : i32 to vector<128x512xi32>
      %select_n3A_520 = arith.select %eq3A_517, %add3A_505, %broadcast_in_dim3A_519 : vector<128x512xi1>, vector<128x512xi32>
      %reduce_min3A_521 = arith.constant dense<2147483647> : vector<128xi32>
      %reduce_min3A_522 = vector.multi_reduction <minsi>, %select_n3A_520, %reduce_min3A_521 [1] : vector<128x512xi32> to vector<128xi32>
      %broadcast_in_dim3A_523 = vector.shape_cast %reduce_min3A_522 : vector<128xi32> to vector<128x1xi32>
      %lt3A_524 = arith.cmpf olt, %broadcast_in_dim3A_515, %while3A_496 : vector<128x1xf32>
      %select_n3A_525 = arith.select %lt3A_524, %broadcast_in_dim3A_515, %while3A_496 : vector<128x1xi1>, vector<128x1xf32>
      %select_n3A_526 = arith.select %lt3A_524, %broadcast_in_dim3A_523, %while3A_497 : vector<128x1xi1>, vector<128x1xi32>
      scf.yield %select_n3A_525, %select_n3A_526 : vector<128x1xf32>, vector<128x1xi32>
    }
    %while3A_445 = arith.constant 1 : i32
    %while3A_446:2 = scf.for %while3A_495 = %while3A_442 to %while3A_438 step %while3A_445 iter_args(%while3A_496 = %while3A_444#0, %while3A_497 = %while3A_444#1) -> (vector<128x1xf32>, vector<128x1xi32>)  : i32 {
      %mul3A_498 = arith.constant 512 : i32
      %mul3A_499 = arith.muli %while3A_495, %mul3A_498 : i32
      %get3A_500 = arith.constant 0 : index
      %get3A_501 = arith.index_cast %mul3A_499 : i32 to index
      %get3A_502 = vector.load %arg10[%get3A_500, %get3A_501] : memref<128x10240xf32, #tpu.memory_space<vmem>>, vector<128x512xf32>
      %iota3A_503 = tpu.iota {dimensions = array<i32: 1>} : vector<128x512xi32>
      %add3A_504 = vector.broadcast %mul3A_499 : i32 to vector<128x512xi32>
      %add3A_505 = arith.addi %add3A_504, %iota3A_503 : vector<128x512xi32>
      %gt3A = vector.broadcast %while3A_432#0 : vector<128x1xf32> to vector<128x512xf32>
      %gt3A_506 = arith.cmpf ogt, %get3A_502, %gt3A : vector<128x512xf32>
      %eq3A = vector.broadcast %while3A_432#0 : vector<128x1xf32> to vector<128x512xf32>
      %eq3A_507 = arith.cmpf oeq, %get3A_502, %eq3A : vector<128x512xf32>
      %gt3A_508 = vector.broadcast %while3A_432#1 : vector<128x1xi32> to vector<128x512xi32>
      %gt3A_509 = arith.cmpi sgt, %add3A_505, %gt3A_508 : vector<128x512xi32>
      %and3A_510 = arith.andi %eq3A_507, %gt3A_509 : vector<128x512xi1>
      %or3A = arith.ori %gt3A_506, %and3A_510 : vector<128x512xi1>
      %jit3A_511 = arith.constant 1.000000e+30 : f32
      %broadcast_in_dim3A_512 = vector.broadcast %jit3A_511 : f32 to vector<128x512xf32>
      %select_n3A_513 = arith.select %or3A, %get3A_502, %broadcast_in_dim3A_512 : vector<128x512xi1>, vector<128x512xf32>
      %reduce_min3A = arith.constant dense<0x7F800000> : vector<128xf32>
      %reduce_min3A_514 = vector.multi_reduction <minimumf>, %select_n3A_513, %reduce_min3A [1] : vector<128x512xf32> to vector<128xf32>
      %broadcast_in_dim3A_515 = vector.shape_cast %reduce_min3A_514 : vector<128xf32> to vector<128x1xf32>
      %eq3A_516 = vector.broadcast %broadcast_in_dim3A_515 : vector<128x1xf32> to vector<128x512xf32>
      %eq3A_517 = arith.cmpf oeq, %select_n3A_513, %eq3A_516 : vector<128x512xf32>
      %jit3A_518 = arith.constant 10240 : i32
      %broadcast_in_dim3A_519 = vector.broadcast %jit3A_518 : i32 to vector<128x512xi32>
      %select_n3A_520 = arith.select %eq3A_517, %add3A_505, %broadcast_in_dim3A_519 : vector<128x512xi1>, vector<128x512xi32>
      %reduce_min3A_521 = arith.constant dense<2147483647> : vector<128xi32>
      %reduce_min3A_522 = vector.multi_reduction <minsi>, %select_n3A_520, %reduce_min3A_521 [1] : vector<128x512xi32> to vector<128xi32>
      %broadcast_in_dim3A_523 = vector.shape_cast %reduce_min3A_522 : vector<128xi32> to vector<128x1xi32>
      %lt3A_524 = arith.cmpf olt, %broadcast_in_dim3A_515, %while3A_496 : vector<128x1xf32>
      %select_n3A_525 = arith.select %lt3A_524, %broadcast_in_dim3A_515, %while3A_496 : vector<128x1xi1>, vector<128x1xf32>
      %select_n3A_526 = arith.select %lt3A_524, %broadcast_in_dim3A_523, %while3A_497 : vector<128x1xi1>, vector<128x1xi32>
      scf.yield %select_n3A_525, %select_n3A_526 : vector<128x1xf32>, vector<128x1xi32>
    }
    %broadcast_in_dim3A_447 = arith.constant 1.000000e+30 : f32
    %broadcast_in_dim3A_448 = vector.broadcast %broadcast_in_dim3A_447 : f32 to vector<128x1xf32>
    %broadcast_in_dim3A_449 = arith.constant 0 : i32
    %broadcast_in_dim3A_450 = vector.broadcast %broadcast_in_dim3A_449 : i32 to vector<128x1xi32>
    %while3A_451 = arith.subi %get3A_14, %get3A_12 : i32
    %while3A_452 = arith.addi %get3A_12, %while3A_451 : i32
    %while3A_453 = arith.constant 1 : i32
    %while3A_454 = arith.divsi %while3A_451, %while3A_453 : i32
    %while3A_455 = arith.muli %while3A_454, %while3A_453 : i32
    %while3A_456 = arith.addi %get3A_12, %while3A_455 : i32
    %while3A_457 = arith.constant 1 : i32
    %while3A_458:2 = scf.for %while3A_495 = %get3A_12 to %while3A_456 step %while3A_457 iter_args(%while3A_496 = %broadcast_in_dim3A_448, %while3A_497 = %broadcast_in_dim3A_450) -> (vector<128x1xf32>, vector<128x1xi32>)  : i32 {
      %mul3A_498 = arith.constant 512 : i32
      %mul3A_499 = arith.muli %while3A_495, %mul3A_498 : i32
      %get3A_500 = arith.constant 0 : index
      %get3A_501 = arith.index_cast %mul3A_499 : i32 to index
      %get3A_502 = vector.load %arg10[%get3A_500, %get3A_501] : memref<128x10240xf32, #tpu.memory_space<vmem>>, vector<128x512xf32>
      %iota3A_503 = tpu.iota {dimensions = array<i32: 1>} : vector<128x512xi32>
      %add3A_504 = vector.broadcast %mul3A_499 : i32 to vector<128x512xi32>
      %add3A_505 = arith.addi %add3A_504, %iota3A_503 : vector<128x512xi32>
      %gt3A = vector.broadcast %while3A_446#0 : vector<128x1xf32> to vector<128x512xf32>
      %gt3A_506 = arith.cmpf ogt, %get3A_502, %gt3A : vector<128x512xf32>
      %eq3A = vector.broadcast %while3A_446#0 : vector<128x1xf32> to vector<128x512xf32>
      %eq3A_507 = arith.cmpf oeq, %get3A_502, %eq3A : vector<128x512xf32>
      %gt3A_508 = vector.broadcast %while3A_446#1 : vector<128x1xi32> to vector<128x512xi32>
      %gt3A_509 = arith.cmpi sgt, %add3A_505, %gt3A_508 : vector<128x512xi32>
      %and3A_510 = arith.andi %eq3A_507, %gt3A_509 : vector<128x512xi1>
      %or3A = arith.ori %gt3A_506, %and3A_510 : vector<128x512xi1>
      %jit3A_511 = arith.constant 1.000000e+30 : f32
      %broadcast_in_dim3A_512 = vector.broadcast %jit3A_511 : f32 to vector<128x512xf32>
      %select_n3A_513 = arith.select %or3A, %get3A_502, %broadcast_in_dim3A_512 : vector<128x512xi1>, vector<128x512xf32>
      %reduce_min3A = arith.constant dense<0x7F800000> : vector<128xf32>
      %reduce_min3A_514 = vector.multi_reduction <minimumf>, %select_n3A_513, %reduce_min3A [1] : vector<128x512xf32> to vector<128xf32>
      %broadcast_in_dim3A_515 = vector.shape_cast %reduce_min3A_514 : vector<128xf32> to vector<128x1xf32>
      %eq3A_516 = vector.broadcast %broadcast_in_dim3A_515 : vector<128x1xf32> to vector<128x512xf32>
      %eq3A_517 = arith.cmpf oeq, %select_n3A_513, %eq3A_516 : vector<128x512xf32>
      %jit3A_518 = arith.constant 10240 : i32
      %broadcast_in_dim3A_519 = vector.broadcast %jit3A_518 : i32 to vector<128x512xi32>
      %select_n3A_520 = arith.select %eq3A_517, %add3A_505, %broadcast_in_dim3A_519 : vector<128x512xi1>, vector<128x512xi32>
      %reduce_min3A_521 = arith.constant dense<2147483647> : vector<128xi32>
      %reduce_min3A_522 = vector.multi_reduction <minsi>, %select_n3A_520, %reduce_min3A_521 [1] : vector<128x512xi32> to vector<128xi32>
      %broadcast_in_dim3A_523 = vector.shape_cast %reduce_min3A_522 : vector<128xi32> to vector<128x1xi32>
      %lt3A_524 = arith.cmpf olt, %broadcast_in_dim3A_515, %while3A_496 : vector<128x1xf32>
      %select_n3A_525 = arith.select %lt3A_524, %broadcast_in_dim3A_515, %while3A_496 : vector<128x1xi1>, vector<128x1xf32>
      %select_n3A_526 = arith.select %lt3A_524, %broadcast_in_dim3A_523, %while3A_497 : vector<128x1xi1>, vector<128x1xi32>
      scf.yield %select_n3A_525, %select_n3A_526 : vector<128x1xf32>, vector<128x1xi32>
    }
    %while3A_459 = arith.constant 1 : i32
    %while3A_460:2 = scf.for %while3A_495 = %while3A_456 to %while3A_452 step %while3A_459 iter_args(%while3A_496 = %while3A_458#0, %while3A_497 = %while3A_458#1) -> (vector<128x1xf32>, vector<128x1xi32>)  : i32 {
      %mul3A_498 = arith.constant 512 : i32
      %mul3A_499 = arith.muli %while3A_495, %mul3A_498 : i32
      %get3A_500 = arith.constant 0 : index
      %get3A_501 = arith.index_cast %mul3A_499 : i32 to index
      %get3A_502 = vector.load %arg10[%get3A_500, %get3A_501] : memref<128x10240xf32, #tpu.memory_space<vmem>>, vector<128x512xf32>
      %iota3A_503 = tpu.iota {dimensions = array<i32: 1>} : vector<128x512xi32>
      %add3A_504 = vector.broadcast %mul3A_499 : i32 to vector<128x512xi32>
      %add3A_505 = arith.addi %add3A_504, %iota3A_503 : vector<128x512xi32>
      %gt3A = vector.broadcast %while3A_446#0 : vector<128x1xf32> to vector<128x512xf32>
      %gt3A_506 = arith.cmpf ogt, %get3A_502, %gt3A : vector<128x512xf32>
      %eq3A = vector.broadcast %while3A_446#0 : vector<128x1xf32> to vector<128x512xf32>
      %eq3A_507 = arith.cmpf oeq, %get3A_502, %eq3A : vector<128x512xf32>
      %gt3A_508 = vector.broadcast %while3A_446#1 : vector<128x1xi32> to vector<128x512xi32>
      %gt3A_509 = arith.cmpi sgt, %add3A_505, %gt3A_508 : vector<128x512xi32>
      %and3A_510 = arith.andi %eq3A_507, %gt3A_509 : vector<128x512xi1>
      %or3A = arith.ori %gt3A_506, %and3A_510 : vector<128x512xi1>
      %jit3A_511 = arith.constant 1.000000e+30 : f32
      %broadcast_in_dim3A_512 = vector.broadcast %jit3A_511 : f32 to vector<128x512xf32>
      %select_n3A_513 = arith.select %or3A, %get3A_502, %broadcast_in_dim3A_512 : vector<128x512xi1>, vector<128x512xf32>
      %reduce_min3A = arith.constant dense<0x7F800000> : vector<128xf32>
      %reduce_min3A_514 = vector.multi_reduction <minimumf>, %select_n3A_513, %reduce_min3A [1] : vector<128x512xf32> to vector<128xf32>
      %broadcast_in_dim3A_515 = vector.shape_cast %reduce_min3A_514 : vector<128xf32> to vector<128x1xf32>
      %eq3A_516 = vector.broadcast %broadcast_in_dim3A_515 : vector<128x1xf32> to vector<128x512xf32>
      %eq3A_517 = arith.cmpf oeq, %select_n3A_513, %eq3A_516 : vector<128x512xf32>
      %jit3A_518 = arith.constant 10240 : i32
      %broadcast_in_dim3A_519 = vector.broadcast %jit3A_518 : i32 to vector<128x512xi32>
      %select_n3A_520 = arith.select %eq3A_517, %add3A_505, %broadcast_in_dim3A_519 : vector<128x512xi1>, vector<128x512xi32>
      %reduce_min3A_521 = arith.constant dense<2147483647> : vector<128xi32>
      %reduce_min3A_522 = vector.multi_reduction <minsi>, %select_n3A_520, %reduce_min3A_521 [1] : vector<128x512xi32> to vector<128xi32>
      %broadcast_in_dim3A_523 = vector.shape_cast %reduce_min3A_522 : vector<128xi32> to vector<128x1xi32>
      %lt3A_524 = arith.cmpf olt, %broadcast_in_dim3A_515, %while3A_496 : vector<128x1xf32>
      %select_n3A_525 = arith.select %lt3A_524, %broadcast_in_dim3A_515, %while3A_496 : vector<128x1xi1>, vector<128x1xf32>
      %select_n3A_526 = arith.select %lt3A_524, %broadcast_in_dim3A_523, %while3A_497 : vector<128x1xi1>, vector<128x1xi32>
      scf.yield %select_n3A_525, %select_n3A_526 : vector<128x1xf32>, vector<128x1xi32>
    }
    %broadcast_in_dim3A_461 = arith.constant 1.000000e+30 : f32
    %broadcast_in_dim3A_462 = vector.broadcast %broadcast_in_dim3A_461 : f32 to vector<128x1xf32>
    %broadcast_in_dim3A_463 = arith.constant 0 : i32
    %broadcast_in_dim3A_464 = vector.broadcast %broadcast_in_dim3A_463 : i32 to vector<128x1xi32>
    %while3A_465 = arith.subi %get3A_14, %get3A_12 : i32
    %while3A_466 = arith.addi %get3A_12, %while3A_465 : i32
    %while3A_467 = arith.constant 1 : i32
    %while3A_468 = arith.divsi %while3A_465, %while3A_467 : i32
    %while3A_469 = arith.muli %while3A_468, %while3A_467 : i32
    %while3A_470 = arith.addi %get3A_12, %while3A_469 : i32
    %while3A_471 = arith.constant 1 : i32
    %while3A_472:2 = scf.for %while3A_495 = %get3A_12 to %while3A_470 step %while3A_471 iter_args(%while3A_496 = %broadcast_in_dim3A_462, %while3A_497 = %broadcast_in_dim3A_464) -> (vector<128x1xf32>, vector<128x1xi32>)  : i32 {
      %mul3A_498 = arith.constant 512 : i32
      %mul3A_499 = arith.muli %while3A_495, %mul3A_498 : i32
      %get3A_500 = arith.constant 0 : index
      %get3A_501 = arith.index_cast %mul3A_499 : i32 to index
      %get3A_502 = vector.load %arg10[%get3A_500, %get3A_501] : memref<128x10240xf32, #tpu.memory_space<vmem>>, vector<128x512xf32>
      %iota3A_503 = tpu.iota {dimensions = array<i32: 1>} : vector<128x512xi32>
      %add3A_504 = vector.broadcast %mul3A_499 : i32 to vector<128x512xi32>
      %add3A_505 = arith.addi %add3A_504, %iota3A_503 : vector<128x512xi32>
      %gt3A = vector.broadcast %while3A_460#0 : vector<128x1xf32> to vector<128x512xf32>
      %gt3A_506 = arith.cmpf ogt, %get3A_502, %gt3A : vector<128x512xf32>
      %eq3A = vector.broadcast %while3A_460#0 : vector<128x1xf32> to vector<128x512xf32>
      %eq3A_507 = arith.cmpf oeq, %get3A_502, %eq3A : vector<128x512xf32>
      %gt3A_508 = vector.broadcast %while3A_460#1 : vector<128x1xi32> to vector<128x512xi32>
      %gt3A_509 = arith.cmpi sgt, %add3A_505, %gt3A_508 : vector<128x512xi32>
      %and3A_510 = arith.andi %eq3A_507, %gt3A_509 : vector<128x512xi1>
      %or3A = arith.ori %gt3A_506, %and3A_510 : vector<128x512xi1>
      %jit3A_511 = arith.constant 1.000000e+30 : f32
      %broadcast_in_dim3A_512 = vector.broadcast %jit3A_511 : f32 to vector<128x512xf32>
      %select_n3A_513 = arith.select %or3A, %get3A_502, %broadcast_in_dim3A_512 : vector<128x512xi1>, vector<128x512xf32>
      %reduce_min3A = arith.constant dense<0x7F800000> : vector<128xf32>
      %reduce_min3A_514 = vector.multi_reduction <minimumf>, %select_n3A_513, %reduce_min3A [1] : vector<128x512xf32> to vector<128xf32>
      %broadcast_in_dim3A_515 = vector.shape_cast %reduce_min3A_514 : vector<128xf32> to vector<128x1xf32>
      %eq3A_516 = vector.broadcast %broadcast_in_dim3A_515 : vector<128x1xf32> to vector<128x512xf32>
      %eq3A_517 = arith.cmpf oeq, %select_n3A_513, %eq3A_516 : vector<128x512xf32>
      %jit3A_518 = arith.constant 10240 : i32
      %broadcast_in_dim3A_519 = vector.broadcast %jit3A_518 : i32 to vector<128x512xi32>
      %select_n3A_520 = arith.select %eq3A_517, %add3A_505, %broadcast_in_dim3A_519 : vector<128x512xi1>, vector<128x512xi32>
      %reduce_min3A_521 = arith.constant dense<2147483647> : vector<128xi32>
      %reduce_min3A_522 = vector.multi_reduction <minsi>, %select_n3A_520, %reduce_min3A_521 [1] : vector<128x512xi32> to vector<128xi32>
      %broadcast_in_dim3A_523 = vector.shape_cast %reduce_min3A_522 : vector<128xi32> to vector<128x1xi32>
      %lt3A_524 = arith.cmpf olt, %broadcast_in_dim3A_515, %while3A_496 : vector<128x1xf32>
      %select_n3A_525 = arith.select %lt3A_524, %broadcast_in_dim3A_515, %while3A_496 : vector<128x1xi1>, vector<128x1xf32>
      %select_n3A_526 = arith.select %lt3A_524, %broadcast_in_dim3A_523, %while3A_497 : vector<128x1xi1>, vector<128x1xi32>
      scf.yield %select_n3A_525, %select_n3A_526 : vector<128x1xf32>, vector<128x1xi32>
    }
    %while3A_473 = arith.constant 1 : i32
    %while3A_474:2 = scf.for %while3A_495 = %while3A_470 to %while3A_466 step %while3A_473 iter_args(%while3A_496 = %while3A_472#0, %while3A_497 = %while3A_472#1) -> (vector<128x1xf32>, vector<128x1xi32>)  : i32 {
      %mul3A_498 = arith.constant 512 : i32
      %mul3A_499 = arith.muli %while3A_495, %mul3A_498 : i32
      %get3A_500 = arith.constant 0 : index
      %get3A_501 = arith.index_cast %mul3A_499 : i32 to index
      %get3A_502 = vector.load %arg10[%get3A_500, %get3A_501] : memref<128x10240xf32, #tpu.memory_space<vmem>>, vector<128x512xf32>
      %iota3A_503 = tpu.iota {dimensions = array<i32: 1>} : vector<128x512xi32>
      %add3A_504 = vector.broadcast %mul3A_499 : i32 to vector<128x512xi32>
      %add3A_505 = arith.addi %add3A_504, %iota3A_503 : vector<128x512xi32>
      %gt3A = vector.broadcast %while3A_460#0 : vector<128x1xf32> to vector<128x512xf32>
      %gt3A_506 = arith.cmpf ogt, %get3A_502, %gt3A : vector<128x512xf32>
      %eq3A = vector.broadcast %while3A_460#0 : vector<128x1xf32> to vector<128x512xf32>
      %eq3A_507 = arith.cmpf oeq, %get3A_502, %eq3A : vector<128x512xf32>
      %gt3A_508 = vector.broadcast %while3A_460#1 : vector<128x1xi32> to vector<128x512xi32>
      %gt3A_509 = arith.cmpi sgt, %add3A_505, %gt3A_508 : vector<128x512xi32>
      %and3A_510 = arith.andi %eq3A_507, %gt3A_509 : vector<128x512xi1>
      %or3A = arith.ori %gt3A_506, %and3A_510 : vector<128x512xi1>
      %jit3A_511 = arith.constant 1.000000e+30 : f32
      %broadcast_in_dim3A_512 = vector.broadcast %jit3A_511 : f32 to vector<128x512xf32>
      %select_n3A_513 = arith.select %or3A, %get3A_502, %broadcast_in_dim3A_512 : vector<128x512xi1>, vector<128x512xf32>
      %reduce_min3A = arith.constant dense<0x7F800000> : vector<128xf32>
      %reduce_min3A_514 = vector.multi_reduction <minimumf>, %select_n3A_513, %reduce_min3A [1] : vector<128x512xf32> to vector<128xf32>
      %broadcast_in_dim3A_515 = vector.shape_cast %reduce_min3A_514 : vector<128xf32> to vector<128x1xf32>
      %eq3A_516 = vector.broadcast %broadcast_in_dim3A_515 : vector<128x1xf32> to vector<128x512xf32>
      %eq3A_517 = arith.cmpf oeq, %select_n3A_513, %eq3A_516 : vector<128x512xf32>
      %jit3A_518 = arith.constant 10240 : i32
      %broadcast_in_dim3A_519 = vector.broadcast %jit3A_518 : i32 to vector<128x512xi32>
      %select_n3A_520 = arith.select %eq3A_517, %add3A_505, %broadcast_in_dim3A_519 : vector<128x512xi1>, vector<128x512xi32>
      %reduce_min3A_521 = arith.constant dense<2147483647> : vector<128xi32>
      %reduce_min3A_522 = vector.multi_reduction <minsi>, %select_n3A_520, %reduce_min3A_521 [1] : vector<128x512xi32> to vector<128xi32>
      %broadcast_in_dim3A_523 = vector.shape_cast %reduce_min3A_522 : vector<128xi32> to vector<128x1xi32>
      %lt3A_524 = arith.cmpf olt, %broadcast_in_dim3A_515, %while3A_496 : vector<128x1xf32>
      %select_n3A_525 = arith.select %lt3A_524, %broadcast_in_dim3A_515, %while3A_496 : vector<128x1xi1>, vector<128x1xf32>
      %select_n3A_526 = arith.select %lt3A_524, %broadcast_in_dim3A_523, %while3A_497 : vector<128x1xi1>, vector<128x1xi32>
      scf.yield %select_n3A_525, %select_n3A_526 : vector<128x1xf32>, vector<128x1xi32>
    }
    %concatenate3A = tpu.concatenate %while3A_40#1, %while3A_54#1, %while3A_68#1, %while3A_82#1, %while3A_96#1, %while3A_110#1, %while3A_124#1, %while3A_138#1, %while3A_152#1, %while3A_166#1, %while3A_180#1, %while3A_194#1, %while3A_208#1, %while3A_222#1, %while3A_236#1, %while3A_250#1, %while3A_264#1, %while3A_278#1, %while3A_292#1, %while3A_306#1, %while3A_320#1, %while3A_334#1, %while3A_348#1, %while3A_362#1, %while3A_376#1, %while3A_390#1, %while3A_404#1, %while3A_418#1, %while3A_432#1, %while3A_446#1, %while3A_460#1, %while3A_474#1 in 1 : vector<128x1xi32>, vector<128x1xi32>, vector<128x1xi32>, vector<128x1xi32>, vector<128x1xi32>, vector<128x1xi32>, vector<128x1xi32>, vector<128x1xi32>, vector<128x1xi32>, vector<128x1xi32>, vector<128x1xi32>, vector<128x1xi32>, vector<128x1xi32>, vector<128x1xi32>, vector<128x1xi32>, vector<128x1xi32>, vector<128x1xi32>, vector<128x1xi32>, vector<128x1xi32>, vector<128x1xi32>, vector<128x1xi32>, vector<128x1xi32>, vector<128x1xi32>, vector<128x1xi32>, vector<128x1xi32>, vector<128x1xi32>, vector<128x1xi32>, vector<128x1xi32>, vector<128x1xi32>, vector<128x1xi32>, vector<128x1xi32>, vector<128x1xi32> -> vector<128x32xi32>
    %swap3A = arith.constant 0 : index
    %swap3A_475 = arith.constant 0 : index
    %swap3A_476 = vector.load %arg7[%swap3A, %swap3A_475] : memref<128x32xi32, #tpu.memory_space<vmem>>, vector<128x32xi32>
    tpu.vector_store %arg7[%swap3A, %swap3A_475], %concatenate3A {strides = array<i32>} : memref<128x32xi32, #tpu.memory_space<vmem>>, vector<128x32xi32>,
    %concatenate3A_477 = tpu.concatenate %while3A_40#0, %while3A_54#0, %while3A_68#0, %while3A_82#0, %while3A_96#0, %while3A_110#0, %while3A_124#0, %while3A_138#0, %while3A_152#0, %while3A_166#0, %while3A_180#0, %while3A_194#0, %while3A_208#0, %while3A_222#0, %while3A_236#0, %while3A_250#0, %while3A_264#0, %while3A_278#0, %while3A_292#0, %while3A_306#0, %while3A_320#0, %while3A_334#0, %while3A_348#0, %while3A_362#0, %while3A_376#0, %while3A_390#0, %while3A_404#0, %while3A_418#0, %while3A_432#0, %while3A_446#0, %while3A_460#0, %while3A_474#0 in 1 : vector<128x1xf32>, vector<128x1xf32>, vector<128x1xf32>, vector<128x1xf32>, vector<128x1xf32>, vector<128x1xf32>, vector<128x1xf32>, vector<128x1xf32>, vector<128x1xf32>, vector<128x1xf32>, vector<128x1xf32>, vector<128x1xf32>, vector<128x1xf32>, vector<128x1xf32>, vector<128x1xf32>, vector<128x1xf32>, vector<128x1xf32>, vector<128x1xf32>, vector<128x1xf32>, vector<128x1xf32>, vector<128x1xf32>, vector<128x1xf32>, vector<128x1xf32>, vector<128x1xf32>, vector<128x1xf32>, vector<128x1xf32>, vector<128x1xf32>, vector<128x1xf32>, vector<128x1xf32>, vector<128x1xf32>, vector<128x1xf32>, vector<128x1xf32> -> vector<128x32xf32>
    %lt3A = arith.constant 5.000000e+29 : f32
    %lt3A_478 = vector.broadcast %lt3A : f32 to vector<128x32xf32>
    %lt3A_479 = arith.cmpf olt, %concatenate3A_477, %lt3A_478 : vector<128x32xf32>
    %lt3A_480 = arith.constant 10000 : i32
    %lt3A_481 = vector.broadcast %lt3A_480 : i32 to vector<128x1xi32>
    %lt3A_482 = arith.cmpi slt, %add3A_10, %lt3A_481 : vector<128x1xi32>
    %and3A = vector.broadcast %lt3A_482 : vector<128x1xi1> to vector<128x32xi1>
    %and3A_483 = arith.andi %lt3A_479, %and3A : vector<128x32xi1>
    %jit3A = arith.constant 1.000000e+00 : f32
    %jit3A_484 = arith.constant 0.000000e+00 : f32
    %broadcast_in_dim3A_485 = vector.broadcast %jit3A : f32 to vector<128x32xf32>
    %broadcast_in_dim3A_486 = vector.broadcast %jit3A_484 : f32 to vector<128x32xf32>
    %select_n3A = arith.select %and3A_483, %broadcast_in_dim3A_485, %broadcast_in_dim3A_486 : vector<128x32xi1>, vector<128x32xf32>
    %swap3A_487 = arith.constant 0 : index
    %swap3A_488 = arith.constant 0 : index
    %swap3A_489 = vector.load %arg8[%swap3A_487, %swap3A_488] : memref<128x32xf32, #tpu.memory_space<vmem>>, vector<128x32xf32>
    tpu.vector_store %arg8[%swap3A_487, %swap3A_488], %select_n3A {strides = array<i32>} : memref<128x32xf32, #tpu.memory_space<vmem>>, vector<128x32xf32>,
    %min3A = arith.constant 2.500000e+01 : f32
    %min3A_490 = vector.broadcast %min3A : f32 to vector<128x32xf32>
    %min3A_491 = arith.minimumf %concatenate3A_477, %min3A_490 : vector<128x32xf32>
    %swap3A_492 = arith.constant 0 : index
    %swap3A_493 = arith.constant 0 : index
    %swap3A_494 = vector.load %arg9[%swap3A_492, %swap3A_493] : memref<128x32xf32, #tpu.memory_space<vmem>>, vector<128x32xf32>
    tpu.vector_store %arg9[%swap3A_492, %swap3A_493], %min3A_491 {strides = array<i32>} : memref<128x32xf32, #tpu.memory_space<vmem>>, vector<128x32xf32>,
    return
  }
  func.func @transform_0(%arg0: i32, %arg1: memref<80xi32, #tpu.memory_space<smem>>, %arg2: memref<80xi32, #tpu.memory_space<smem>>) -> (i32, i32, i32) {
    %c0_i32 = arith.constant 0 : i32
    %c0_i32_0 = arith.constant 0 : i32
    %c0_i32_1 = arith.constant 0 : i32
    return %arg0, %c0_i32, %c0_i32_0 : i32, i32, i32
  }
  func.func @transform_1(%arg0: i32, %arg1: memref<80xi32, #tpu.memory_space<smem>>, %arg2: memref<80xi32, #tpu.memory_space<smem>>) -> (i32, i32) {
    %c0_i32 = arith.constant 0 : i32
    %c0_i32_0 = arith.constant 0 : i32
    return %arg0, %c0_i32 : i32, i32
  }
  func.func @transform_2(%arg0: i32, %arg1: memref<80xi32, #tpu.memory_space<smem>>, %arg2: memref<80xi32, #tpu.memory_space<smem>>) -> (i32, i32) {
    %c0_i32 = arith.constant 0 : i32
    %c0_i32_0 = arith.constant 0 : i32
    %c0_i32_1 = arith.constant 0 : i32
    return %c0_i32, %c0_i32_0 : i32, i32
  }
  func.func @transform_3(%arg0: i32, %arg1: memref<80xi32, #tpu.memory_space<smem>>, %arg2: memref<80xi32, #tpu.memory_space<smem>>) -> (i32, i32) {
    %c0_i32 = arith.constant 0 : i32
    %c0_i32_0 = arith.constant 0 : i32
    %c0_i32_1 = arith.constant 0 : i32
    return %c0_i32, %c0_i32_0 : i32, i32
  }
  func.func @transform_4(%arg0: i32, %arg1: memref<80xi32, #tpu.memory_space<smem>>, %arg2: memref<80xi32, #tpu.memory_space<smem>>) -> (i32, i32) {
    %c0_i32 = arith.constant 0 : i32
    %c0_i32_0 = arith.constant 0 : i32
    return %arg0, %c0_i32 : i32, i32
  }
  func.func @transform_5(%arg0: i32, %arg1: memref<80xi32, #tpu.memory_space<smem>>, %arg2: memref<80xi32, #tpu.memory_space<smem>>) -> (i32, i32) {
    %c0_i32 = arith.constant 0 : i32
    %c0_i32_0 = arith.constant 0 : i32
    return %arg0, %c0_i32 : i32, i32
  }
  func.func @transform_6(%arg0: i32, %arg1: memref<80xi32, #tpu.memory_space<smem>>, %arg2: memref<80xi32, #tpu.memory_space<smem>>) -> (i32, i32) {
    %c0_i32 = arith.constant 0 : i32
    %c0_i32_0 = arith.constant 0 : i32
    return %arg0, %c0_i32 : i32, i32
  }
}

module attributes {stable_mosaic.version = 14 : i64} {
  func.func @_init_kernel(%arg0: memref<10240x1xi32, #tpu.memory_space<vmem>>, %arg1: memref<128x128xf32, #tpu.memory_space<vmem>>, %arg2: memref<128x128xf32, #tpu.memory_space<vmem>>, %arg3: memref<1x128xf32, #tpu.memory_space<vmem>>, %arg4: memref<128x128xf32, #tpu.memory_space<vmem>>, %arg5: memref<1x128xf32, #tpu.memory_space<vmem>>, %arg6: memref<10240x128xf32, #tpu.memory_space<vmem>>, %arg7: memref<10240x128xf32, #tpu.memory_space<vmem>>, %arg8: memref<10240x128xf32, #tpu.memory_space<vmem>>) attributes {dimension_semantics = [], scalar_prefetch = 0 : i64, scratch_operands = 0 : i64, tpu.core_type = #tpu.core_type<tc>} {
    %get3A = arith.constant 0 : index
    %get3A_0 = arith.constant 0 : index
    %get3A_1 = vector.load %arg0[%get3A, %get3A_0] : memref<10240x1xi32, #tpu.memory_space<vmem>>, vector<10240x1xi32>
    %iota3A = tpu.iota {dimensions = array<i32: 1>} : vector<10240x128xi32>
    %eq3A = vector.broadcast %get3A_1 : vector<10240x1xi32> to vector<10240x128xi32>
    %eq3A_2 = arith.cmpi eq, %eq3A, %iota3A : vector<10240x128xi32>
    %convert_element_type3A = arith.extui %eq3A_2 : vector<10240x128xi1> to vector<10240x128xi32>
    %convert_element_type3A_3 = arith.sitofp %convert_element_type3A : vector<10240x128xi32> to vector<10240x128xf32>
    %get3A_4 = arith.constant 0 : index
    %get3A_5 = arith.constant 0 : index
    %get3A_6 = vector.load %arg1[%get3A_4, %get3A_5] : memref<128x128xf32, #tpu.memory_space<vmem>>, vector<128x128xf32>
    %dot_general3A = arith.constant dense<0.000000e+00> : vector<10240x128xf32>
    %dot_general3A_7 = tpu.matmul %convert_element_type3A_3, %get3A_6, %dot_general3A {dimension_numbers = #tpu.dot_dimension_numbers<[1], [0], [0], [1], [0, 0, 1, 1], [], []>, transpose_lhs_hint = false} : vector<10240x128xf32>, vector<128x128xf32>, vector<10240x128xf32> -> vector<10240x128xf32>
    %swap3A = arith.constant 0 : index
    %swap3A_8 = arith.constant 0 : index
    %swap3A_9 = vector.load %arg6[%swap3A, %swap3A_8] : memref<10240x128xf32, #tpu.memory_space<vmem>>, vector<10240x128xf32>
    tpu.vector_store %arg6[%swap3A, %swap3A_8], %dot_general3A_7 {strides = array<i32>} : memref<10240x128xf32, #tpu.memory_space<vmem>>, vector<10240x128xf32>,
    %get3A_10 = arith.constant 0 : index
    %get3A_11 = arith.constant 0 : index
    %get3A_12 = vector.load %arg2[%get3A_10, %get3A_11] : memref<128x128xf32, #tpu.memory_space<vmem>>, vector<128x128xf32>
    %dot_general3A_13 = arith.constant dense<0.000000e+00> : vector<10240x128xf32>
    %dot_general3A_14 = tpu.matmul %dot_general3A_7, %get3A_12, %dot_general3A_13 {dimension_numbers = #tpu.dot_dimension_numbers<[1], [0], [0], [1], [0, 0, 1, 1], [], []>, transpose_lhs_hint = false} : vector<10240x128xf32>, vector<128x128xf32>, vector<10240x128xf32> -> vector<10240x128xf32>
    %get3A_15 = arith.constant 0 : index
    %get3A_16 = arith.constant 0 : index
    %get3A_17 = vector.load %arg3[%get3A_15, %get3A_16] : memref<1x128xf32, #tpu.memory_space<vmem>>, vector<1x128xf32>
    %add3A = vector.broadcast %get3A_17 : vector<1x128xf32> to vector<10240x128xf32>
    %add3A_18 = arith.addf %dot_general3A_14, %add3A : vector<10240x128xf32>
    %swap3A_19 = arith.constant 0 : index
    %swap3A_20 = arith.constant 0 : index
    %swap3A_21 = vector.load %arg7[%swap3A_19, %swap3A_20] : memref<10240x128xf32, #tpu.memory_space<vmem>>, vector<10240x128xf32>
    tpu.vector_store %arg7[%swap3A_19, %swap3A_20], %add3A_18 {strides = array<i32>} : memref<10240x128xf32, #tpu.memory_space<vmem>>, vector<10240x128xf32>,
    %get3A_22 = arith.constant 0 : index
    %get3A_23 = arith.constant 0 : index
    %get3A_24 = vector.load %arg4[%get3A_22, %get3A_23] : memref<128x128xf32, #tpu.memory_space<vmem>>, vector<128x128xf32>
    %dot_general3A_25 = arith.constant dense<0.000000e+00> : vector<10240x128xf32>
    %dot_general3A_26 = tpu.matmul %dot_general3A_7, %get3A_24, %dot_general3A_25 {dimension_numbers = #tpu.dot_dimension_numbers<[1], [0], [0], [1], [0, 0, 1, 1], [], []>, transpose_lhs_hint = false} : vector<10240x128xf32>, vector<128x128xf32>, vector<10240x128xf32> -> vector<10240x128xf32>
    %get3A_27 = arith.constant 0 : index
    %get3A_28 = arith.constant 0 : index
    %get3A_29 = vector.load %arg5[%get3A_27, %get3A_28] : memref<1x128xf32, #tpu.memory_space<vmem>>, vector<1x128xf32>
    %add3A_30 = vector.broadcast %get3A_29 : vector<1x128xf32> to vector<10240x128xf32>
    %add3A_31 = arith.addf %dot_general3A_26, %add3A_30 : vector<10240x128xf32>
    %swap3A_32 = arith.constant 0 : index
    %swap3A_33 = arith.constant 0 : index
    %swap3A_34 = vector.load %arg8[%swap3A_32, %swap3A_33] : memref<10240x128xf32, #tpu.memory_space<vmem>>, vector<10240x128xf32>
    tpu.vector_store %arg8[%swap3A_32, %swap3A_33], %add3A_31 {strides = array<i32>} : memref<10240x128xf32, #tpu.memory_space<vmem>>, vector<10240x128xf32>,
    return
  }
}

module attributes {stable_mosaic.version = 14 : i64} {
  func.func @_dist_kernel(%arg0: i32, %arg1: memref<512x128xf32, #tpu.memory_space<vmem>>, %arg2: memref<16x128xf32, #tpu.memory_space<vmem>>, %arg3: memref<512x1xf32, #tpu.memory_space<vmem>>) attributes {dimension_semantics = [#tpu.dimension_semantics<arbitrary>], iteration_bounds = array<i64: 640>, scalar_prefetch = 0 : i64, scratch_operands = 0 : i64, tpu.core_type = #tpu.core_type<tc>, window_params = [{transform_indices = @transform_0, window_bounds = array<i64: 512, 128>}, {transform_indices = @transform_1, window_bounds = array<i64: 16, 128>}, {transform_indices = @transform_2, window_bounds = array<i64: 512, 1>}]} {
    %get3A = arith.constant 0 : index
    %get3A_0 = arith.constant 0 : index
    %get3A_1 = vector.load %arg2[%get3A, %get3A_0] : memref<16x128xf32, #tpu.memory_space<vmem>>, vector<16x128xf32>
    %broadcast_in_dim3A = vector.shape_cast %get3A_1 : vector<16x128xf32> to vector<16x1x128xf32>
    %broadcast_in_dim3A_2 = vector.shape_cast %broadcast_in_dim3A : vector<16x1x128xf32> to vector<16x1x128xf32>
    %broadcast_in_dim3A_3 = vector.broadcast %broadcast_in_dim3A_2 : vector<16x1x128xf32> to vector<16x32x128xf32>
    %reshape3A = vector.shape_cast %broadcast_in_dim3A_3 : vector<16x32x128xf32> to vector<512x128xf32>
    %get3A_4 = arith.constant 0 : index
    %get3A_5 = arith.constant 0 : index
    %get3A_6 = vector.load %arg1[%get3A_4, %get3A_5] : memref<512x128xf32, #tpu.memory_space<vmem>>, vector<512x128xf32>
    %sub3A = arith.subf %get3A_6, %reshape3A : vector<512x128xf32>
    %mul3A = arith.mulf %sub3A, %sub3A : vector<512x128xf32>
    %reduce_sum3A = arith.constant dense<0.000000e+00> : vector<512xf32>
    %reduce_sum3A_7 = vector.multi_reduction <add>, %mul3A, %reduce_sum3A [1] : vector<512x128xf32> to vector<512xf32>
    %broadcast_in_dim3A_8 = vector.shape_cast %reduce_sum3A_7 : vector<512xf32> to vector<512x1xf32>
    %add3A = arith.constant 9.99999996E-13 : f32
    %add3A_9 = vector.broadcast %add3A : f32 to vector<512x1xf32>
    %add3A_10 = arith.addf %broadcast_in_dim3A_8, %add3A_9 : vector<512x1xf32>
    %sqrt3A = math.sqrt %add3A_10 : vector<512x1xf32>
    %swap3A = arith.constant 0 : index
    %swap3A_11 = arith.constant 0 : index
    %swap3A_12 = vector.load %arg3[%swap3A, %swap3A_11] : memref<512x1xf32, #tpu.memory_space<vmem>>, vector<512x1xf32>
    tpu.vector_store %arg3[%swap3A, %swap3A_11], %sqrt3A {strides = array<i32>} : memref<512x1xf32, #tpu.memory_space<vmem>>, vector<512x1xf32>,
    return
  }
  func.func @transform_0(%arg0: i32) -> (i32, i32) {
    %c0_i32 = arith.constant 0 : i32
    %c0_i32_0 = arith.constant 0 : i32
    return %arg0, %c0_i32 : i32, i32
  }
  func.func @transform_1(%arg0: i32) -> (i32, i32) {
    %c0_i32 = arith.constant 0 : i32
    %c0_i32_0 = arith.constant 0 : i32
    return %arg0, %c0_i32 : i32, i32
  }
  func.func @transform_2(%arg0: i32) -> (i32, i32) {
    %c0_i32 = arith.constant 0 : i32
    %c0_i32_0 = arith.constant 0 : i32
    return %arg0, %c0_i32 : i32, i32
  }
}

module attributes {stable_mosaic.version = 14 : i64} {
  func.func @_edge_kernel(%arg0: i32, %arg1: memref<512x128xf32, #tpu.memory_space<vmem>>, %arg2: memref<512x1xf32, #tpu.memory_space<vmem>>, %arg3: memref<16x128xf32, #tpu.memory_space<vmem>>, %arg4: memref<16x128xf32, #tpu.memory_space<vmem>>, %arg5: memref<512x1xf32, #tpu.memory_space<vmem>>, %arg6: memref<128x128xf32, #tpu.memory_space<vmem>>, %arg7: memref<128x128xf32, #tpu.memory_space<vmem>>, %arg8: memref<1x128xf32, #tpu.memory_space<vmem>>, %arg9: memref<1x128xf32, #tpu.memory_space<vmem>>, %arg10: memref<16x128xf32, #tpu.memory_space<vmem>>) attributes {dimension_semantics = [#tpu.dimension_semantics<arbitrary>], iteration_bounds = array<i64: 640>, scalar_prefetch = 0 : i64, scratch_operands = 0 : i64, tpu.core_type = #tpu.core_type<tc>, window_params = [{transform_indices = @transform_0, window_bounds = array<i64: 512, 128>}, {transform_indices = @transform_1, window_bounds = array<i64: 512, 1>}, {transform_indices = @transform_2, window_bounds = array<i64: 16, 128>}, {transform_indices = @transform_3, window_bounds = array<i64: 16, 128>}, {transform_indices = @transform_4, window_bounds = array<i64: 512, 1>}, {pipeline_mode = #tpu.pipeline_mode<synchronous>, transform_indices = @transform_5, window_bounds = array<i64: 128, 128>}, {pipeline_mode = #tpu.pipeline_mode<synchronous>, transform_indices = @transform_6, window_bounds = array<i64: 128, 128>}, {pipeline_mode = #tpu.pipeline_mode<synchronous>, transform_indices = @transform_7, window_bounds = array<i64: 1, 128>}, {pipeline_mode = #tpu.pipeline_mode<synchronous>, transform_indices = @transform_8, window_bounds = array<i64: 1, 128>}, {transform_indices = @transform_9, window_bounds = array<i64: 16, 128>}]} {
    %get3A = arith.constant 0 : index
    %get3A_0 = arith.constant 0 : index
    %get3A_1 = vector.load %arg1[%get3A, %get3A_0] : memref<512x128xf32, #tpu.memory_space<vmem>>, vector<512x128xf32>
    %get3A_2 = arith.constant 0 : index
    %get3A_3 = arith.constant 0 : index
    %get3A_4 = vector.load %arg6[%get3A_2, %get3A_3] : memref<128x128xf32, #tpu.memory_space<vmem>>, vector<128x128xf32>
    %dot_general3A = arith.constant dense<0.000000e+00> : vector<512x128xf32>
    %dot_general3A_5 = tpu.matmul %get3A_1, %get3A_4, %dot_general3A {dimension_numbers = #tpu.dot_dimension_numbers<[1], [0], [0], [1], [0, 0, 1, 1], [], []>, transpose_lhs_hint = false} : vector<512x128xf32>, vector<128x128xf32>, vector<512x128xf32> -> vector<512x128xf32>
    %get3A_6 = arith.constant 0 : index
    %get3A_7 = arith.constant 0 : index
    %get3A_8 = vector.load %arg7[%get3A_6, %get3A_7] : memref<128x128xf32, #tpu.memory_space<vmem>>, vector<128x128xf32>
    %dot_general3A_9 = arith.constant dense<0.000000e+00> : vector<512x128xf32>
    %dot_general3A_10 = tpu.matmul %get3A_1, %get3A_8, %dot_general3A_9 {dimension_numbers = #tpu.dot_dimension_numbers<[1], [0], [0], [1], [0, 0, 1, 1], [], []>, transpose_lhs_hint = false} : vector<512x128xf32>, vector<128x128xf32>, vector<512x128xf32> -> vector<512x128xf32>
    %get3A_11 = arith.constant 0 : index
    %get3A_12 = arith.constant 0 : index
    %get3A_13 = vector.load %arg2[%get3A_11, %get3A_12] : memref<512x1xf32, #tpu.memory_space<vmem>>, vector<512x1xf32>
    %get3A_14 = arith.constant 0 : index
    %get3A_15 = arith.constant 0 : index
    %get3A_16 = vector.load %arg3[%get3A_14, %get3A_15] : memref<16x128xf32, #tpu.memory_space<vmem>>, vector<16x128xf32>
    %broadcast_in_dim3A = vector.shape_cast %get3A_16 : vector<16x128xf32> to vector<16x1x128xf32>
    %broadcast_in_dim3A_17 = vector.shape_cast %broadcast_in_dim3A : vector<16x1x128xf32> to vector<16x1x128xf32>
    %broadcast_in_dim3A_18 = vector.broadcast %broadcast_in_dim3A_17 : vector<16x1x128xf32> to vector<16x32x128xf32>
    %reshape3A = vector.shape_cast %broadcast_in_dim3A_18 : vector<16x32x128xf32> to vector<512x128xf32>
    %get3A_19 = arith.constant 0 : index
    %get3A_20 = arith.constant 0 : index
    %get3A_21 = vector.load %arg4[%get3A_19, %get3A_20] : memref<16x128xf32, #tpu.memory_space<vmem>>, vector<16x128xf32>
    %broadcast_in_dim3A_22 = vector.shape_cast %get3A_21 : vector<16x128xf32> to vector<16x1x128xf32>
    %broadcast_in_dim3A_23 = vector.shape_cast %broadcast_in_dim3A_22 : vector<16x1x128xf32> to vector<16x1x128xf32>
    %broadcast_in_dim3A_24 = vector.broadcast %broadcast_in_dim3A_23 : vector<16x1x128xf32> to vector<16x32x128xf32>
    %reshape3A_25 = vector.shape_cast %broadcast_in_dim3A_24 : vector<16x32x128xf32> to vector<512x128xf32>
    %add3A = arith.addf %reshape3A, %dot_general3A_5 : vector<512x128xf32>
    %get3A_26 = arith.constant 0 : index
    %get3A_27 = arith.constant 0 : index
    %get3A_28 = vector.load %arg8[%get3A_26, %get3A_27] : memref<1x128xf32, #tpu.memory_space<vmem>>, vector<1x128xf32>
    %mul3A = vector.broadcast %get3A_13 : vector<512x1xf32> to vector<512x128xf32>
    %mul3A_29 = vector.broadcast %get3A_28 : vector<1x128xf32> to vector<512x128xf32>
    %mul3A_30 = arith.mulf %mul3A, %mul3A_29 : vector<512x128xf32>
    %add3A_31 = arith.addf %add3A, %mul3A_30 : vector<512x128xf32>
    %logistic3A = arith.negf %add3A_31 : vector<512x128xf32>
    %logistic3A_32 = math.exp %logistic3A : vector<512x128xf32>
    %logistic3A_33 = arith.constant 1.000000e+00 : f32
    %logistic3A_34 = vector.broadcast %logistic3A_33 : f32 to vector<512x128xf32>
    %logistic3A_35 = arith.addf %logistic3A_34, %logistic3A_32 : vector<512x128xf32>
    %logistic3A_36 = arith.divf %logistic3A_34, %logistic3A_35 : vector<512x128xf32>
    %add3A_37 = arith.addf %reshape3A_25, %dot_general3A_10 : vector<512x128xf32>
    %get3A_38 = arith.constant 0 : index
    %get3A_39 = arith.constant 0 : index
    %get3A_40 = vector.load %arg9[%get3A_38, %get3A_39] : memref<1x128xf32, #tpu.memory_space<vmem>>, vector<1x128xf32>
    %mul3A_41 = vector.broadcast %get3A_13 : vector<512x1xf32> to vector<512x128xf32>
    %mul3A_42 = vector.broadcast %get3A_40 : vector<1x128xf32> to vector<512x128xf32>
    %mul3A_43 = arith.mulf %mul3A_41, %mul3A_42 : vector<512x128xf32>
    %add3A_44 = arith.addf %add3A_37, %mul3A_43 : vector<512x128xf32>
    %custom_jvp_call3A = arith.constant 0.000000e+00 : f32
    %max3A = vector.broadcast %custom_jvp_call3A : f32 to vector<512x128xf32>
    %max3A_45 = arith.maximumf %add3A_44, %max3A : vector<512x128xf32>
    %sub3A = vector.broadcast %custom_jvp_call3A : f32 to vector<512x128xf32>
    %sub3A_46 = arith.subf %add3A_44, %sub3A : vector<512x128xf32>
    %ne3A = arith.cmpf one, %sub3A_46, %sub3A_46 : vector<512x128xf32>
    %add3A_47 = vector.broadcast %custom_jvp_call3A : f32 to vector<512x128xf32>
    %add3A_48 = arith.addf %add3A_44, %add3A_47 : vector<512x128xf32>
    %abs3A = math.absf %sub3A_46 : vector<512x128xf32>
    %neg3A = arith.constant 0.000000e+00 : f32
    %neg3A_49 = vector.broadcast %neg3A : f32 to vector<512x128xf32>
    %neg3A_50 = arith.subf %neg3A_49, %abs3A : vector<512x128xf32>
    %exp3A = math.exp %neg3A_50 : vector<512x128xf32>
    %log1p3A = math.log1p %exp3A : vector<512x128xf32>
    %add3A_51 = arith.addf %max3A_45, %log1p3A : vector<512x128xf32>
    %select_n3A = arith.select %ne3A, %add3A_48, %add3A_51 : vector<512x128xi1>, vector<512x128xf32>
    %mul3A_52 = arith.mulf %logistic3A_36, %select_n3A : vector<512x128xf32>
    %get3A_53 = arith.constant 0 : index
    %get3A_54 = arith.constant 0 : index
    %get3A_55 = vector.load %arg5[%get3A_53, %get3A_54] : memref<512x1xf32, #tpu.memory_space<vmem>>, vector<512x1xf32>
    %mul3A_56 = vector.broadcast %get3A_55 : vector<512x1xf32> to vector<512x128xf32>
    %mul3A_57 = arith.mulf %mul3A_52, %mul3A_56 : vector<512x128xf32>
    %reshape3A_58 = vector.shape_cast %mul3A_57 : vector<512x128xf32> to vector<16x32x128xf32>
    %reduce_sum3A = arith.constant dense<0.000000e+00> : vector<16x128xf32>
    %reduce_sum3A_59 = vector.multi_reduction <add>, %reshape3A_58, %reduce_sum3A [1] : vector<16x32x128xf32> to vector<16x128xf32>
    %swap3A = arith.constant 0 : index
    %swap3A_60 = arith.constant 0 : index
    %swap3A_61 = vector.load %arg10[%swap3A, %swap3A_60] : memref<16x128xf32, #tpu.memory_space<vmem>>, vector<16x128xf32>
    tpu.vector_store %arg10[%swap3A, %swap3A_60], %reduce_sum3A_59 {strides = array<i32>} : memref<16x128xf32, #tpu.memory_space<vmem>>, vector<16x128xf32>,
    return
  }
  func.func @transform_0(%arg0: i32) -> (i32, i32) {
    %c0_i32 = arith.constant 0 : i32
    %c0_i32_0 = arith.constant 0 : i32
    return %arg0, %c0_i32 : i32, i32
  }
  func.func @transform_1(%arg0: i32) -> (i32, i32) {
    %c0_i32 = arith.constant 0 : i32
    %c0_i32_0 = arith.constant 0 : i32
    return %arg0, %c0_i32 : i32, i32
  }
  func.func @transform_2(%arg0: i32) -> (i32, i32) {
    %c0_i32 = arith.constant 0 : i32
    %c0_i32_0 = arith.constant 0 : i32
    return %arg0, %c0_i32 : i32, i32
  }
  func.func @transform_3(%arg0: i32) -> (i32, i32) {
    %c0_i32 = arith.constant 0 : i32
    %c0_i32_0 = arith.constant 0 : i32
    return %arg0, %c0_i32 : i32, i32
  }
  func.func @transform_4(%arg0: i32) -> (i32, i32) {
    %c0_i32 = arith.constant 0 : i32
    %c0_i32_0 = arith.constant 0 : i32
    return %arg0, %c0_i32 : i32, i32
  }
  func.func @transform_5(%arg0: i32) -> (i32, i32) {
    %c0_i32 = arith.constant 0 : i32
    %c0_i32_0 = arith.constant 0 : i32
    %c0_i32_1 = arith.constant 0 : i32
    return %c0_i32, %c0_i32_0 : i32, i32
  }
  func.func @transform_6(%arg0: i32) -> (i32, i32) {
    %c0_i32 = arith.constant 0 : i32
    %c0_i32_0 = arith.constant 0 : i32
    %c0_i32_1 = arith.constant 0 : i32
    return %c0_i32, %c0_i32_0 : i32, i32
  }
  func.func @transform_7(%arg0: i32) -> (i32, i32) {
    %c0_i32 = arith.constant 0 : i32
    %c0_i32_0 = arith.constant 0 : i32
    %c0_i32_1 = arith.constant 0 : i32
    return %c0_i32, %c0_i32_0 : i32, i32
  }
  func.func @transform_8(%arg0: i32) -> (i32, i32) {
    %c0_i32 = arith.constant 0 : i32
    %c0_i32_0 = arith.constant 0 : i32
    %c0_i32_1 = arith.constant 0 : i32
    return %c0_i32, %c0_i32_0 : i32, i32
  }
  func.func @transform_9(%arg0: i32) -> (i32, i32) {
    %c0_i32 = arith.constant 0 : i32
    %c0_i32_0 = arith.constant 0 : i32
    return %arg0, %c0_i32 : i32, i32
  }
}

module attributes {stable_mosaic.version = 14 : i64} {
  func.func @_bn_kernel(%arg0: memref<10240x128xf32, #tpu.memory_space<vmem>>, %arg1: memref<10240x128xf32, #tpu.memory_space<vmem>>, %arg2: memref<1x128xf32, #tpu.memory_space<vmem>>, %arg3: memref<1x128xf32, #tpu.memory_space<vmem>>, %arg4: memref<1x128xf32, #tpu.memory_space<vmem>>, %arg5: memref<1x128xf32, #tpu.memory_space<vmem>>, %arg6: memref<128x128xf32, #tpu.memory_space<vmem>>, %arg7: memref<1x128xf32, #tpu.memory_space<vmem>>, %arg8: memref<128x128xf32, #tpu.memory_space<vmem>>, %arg9: memref<1x128xf32, #tpu.memory_space<vmem>>, %arg10: memref<10240x128xf32, #tpu.memory_space<vmem>>, %arg11: memref<10240x128xf32, #tpu.memory_space<vmem>>, %arg12: memref<10240x128xf32, #tpu.memory_space<vmem>>) attributes {dimension_semantics = [], scalar_prefetch = 0 : i64, scratch_operands = 0 : i64, tpu.core_type = #tpu.core_type<tc>} {
    %iota3A = tpu.iota {dimensions = array<i32: 0>} : vector<10240x1xi32>
    %lt3A = arith.constant 10000 : i32
    %lt3A_0 = vector.broadcast %lt3A : i32 to vector<10240x1xi32>
    %lt3A_1 = arith.cmpi slt, %iota3A, %lt3A_0 : vector<10240x1xi32>
    %convert_element_type3A = arith.extui %lt3A_1 : vector<10240x1xi1> to vector<10240x1xi32>
    %convert_element_type3A_2 = arith.sitofp %convert_element_type3A : vector<10240x1xi32> to vector<10240x1xf32>
    %get3A = arith.constant 0 : index
    %get3A_3 = arith.constant 0 : index
    %get3A_4 = vector.load %arg0[%get3A, %get3A_3] : memref<10240x128xf32, #tpu.memory_space<vmem>>, vector<10240x128xf32>
    %mul3A = vector.broadcast %convert_element_type3A_2 : vector<10240x1xf32> to vector<10240x128xf32>
    %mul3A_5 = arith.mulf %get3A_4, %mul3A : vector<10240x128xf32>
    %reduce_sum3A = arith.constant dense<0.000000e+00> : vector<128xf32>
    %reduce_sum3A_6 = vector.multi_reduction <add>, %mul3A_5, %reduce_sum3A [0] : vector<10240x128xf32> to vector<128xf32>
    %broadcast_in_dim3A = vector.shape_cast %reduce_sum3A_6 : vector<128xf32> to vector<1x128xf32>
    %div3A = arith.constant 1.000000e+04 : f32
    %div3A_7 = vector.broadcast %div3A : f32 to vector<1x128xf32>
    %div3A_8 = arith.divf %broadcast_in_dim3A, %div3A_7 : vector<1x128xf32>
    %mul3A_9 = arith.mulf %mul3A_5, %mul3A_5 : vector<10240x128xf32>
    %reduce_sum3A_10 = arith.constant dense<0.000000e+00> : vector<128xf32>
    %reduce_sum3A_11 = vector.multi_reduction <add>, %mul3A_9, %reduce_sum3A_10 [0] : vector<10240x128xf32> to vector<128xf32>
    %broadcast_in_dim3A_12 = vector.shape_cast %reduce_sum3A_11 : vector<128xf32> to vector<1x128xf32>
    %div3A_13 = arith.constant 1.000000e+04 : f32
    %div3A_14 = vector.broadcast %div3A_13 : f32 to vector<1x128xf32>
    %div3A_15 = arith.divf %broadcast_in_dim3A_12, %div3A_14 : vector<1x128xf32>
    %mul3A_16 = arith.mulf %div3A_8, %div3A_8 : vector<1x128xf32>
    %sub3A = arith.subf %div3A_15, %mul3A_16 : vector<1x128xf32>
    %sub3A_17 = vector.broadcast %div3A_8 : vector<1x128xf32> to vector<10240x128xf32>
    %sub3A_18 = arith.subf %mul3A_5, %sub3A_17 : vector<10240x128xf32>
    %add3A = arith.constant 9.99999974E-6 : f32
    %add3A_19 = vector.broadcast %add3A : f32 to vector<1x128xf32>
    %add3A_20 = arith.addf %sub3A, %add3A_19 : vector<1x128xf32>
    %sqrt3A = math.sqrt %add3A_20 : vector<1x128xf32>
    %div3A_21 = vector.broadcast %sqrt3A : vector<1x128xf32> to vector<10240x128xf32>
    %div3A_22 = arith.divf %sub3A_18, %div3A_21 : vector<10240x128xf32>
    %get3A_23 = arith.constant 0 : index
    %get3A_24 = arith.constant 0 : index
    %get3A_25 = vector.load %arg2[%get3A_23, %get3A_24] : memref<1x128xf32, #tpu.memory_space<vmem>>, vector<1x128xf32>
    %mul3A_26 = vector.broadcast %get3A_25 : vector<1x128xf32> to vector<10240x128xf32>
    %mul3A_27 = arith.mulf %div3A_22, %mul3A_26 : vector<10240x128xf32>
    %get3A_28 = arith.constant 0 : index
    %get3A_29 = arith.constant 0 : index
    %get3A_30 = vector.load %arg3[%get3A_28, %get3A_29] : memref<1x128xf32, #tpu.memory_space<vmem>>, vector<1x128xf32>
    %add3A_31 = vector.broadcast %get3A_30 : vector<1x128xf32> to vector<10240x128xf32>
    %add3A_32 = arith.addf %mul3A_27, %add3A_31 : vector<10240x128xf32>
    %get3A_33 = arith.constant 0 : index
    %get3A_34 = arith.constant 0 : index
    %get3A_35 = vector.load %arg1[%get3A_33, %get3A_34] : memref<10240x128xf32, #tpu.memory_space<vmem>>, vector<10240x128xf32>
    %add3A_36 = arith.addf %add3A_32, %get3A_35 : vector<10240x128xf32>
    %mul3A_37 = vector.broadcast %convert_element_type3A_2 : vector<10240x1xf32> to vector<10240x128xf32>
    %mul3A_38 = arith.mulf %add3A_36, %mul3A_37 : vector<10240x128xf32>
    %reduce_sum3A_39 = arith.constant dense<0.000000e+00> : vector<128xf32>
    %reduce_sum3A_40 = vector.multi_reduction <add>, %mul3A_38, %reduce_sum3A_39 [0] : vector<10240x128xf32> to vector<128xf32>
    %broadcast_in_dim3A_41 = vector.shape_cast %reduce_sum3A_40 : vector<128xf32> to vector<1x128xf32>
    %div3A_42 = arith.constant 1.000000e+04 : f32
    %div3A_43 = vector.broadcast %div3A_42 : f32 to vector<1x128xf32>
    %div3A_44 = arith.divf %broadcast_in_dim3A_41, %div3A_43 : vector<1x128xf32>
    %mul3A_45 = arith.mulf %mul3A_38, %mul3A_38 : vector<10240x128xf32>
    %reduce_sum3A_46 = arith.constant dense<0.000000e+00> : vector<128xf32>
    %reduce_sum3A_47 = vector.multi_reduction <add>, %mul3A_45, %reduce_sum3A_46 [0] : vector<10240x128xf32> to vector<128xf32>
    %broadcast_in_dim3A_48 = vector.shape_cast %reduce_sum3A_47 : vector<128xf32> to vector<1x128xf32>
    %div3A_49 = arith.constant 1.000000e+04 : f32
    %div3A_50 = vector.broadcast %div3A_49 : f32 to vector<1x128xf32>
    %div3A_51 = arith.divf %broadcast_in_dim3A_48, %div3A_50 : vector<1x128xf32>
    %mul3A_52 = arith.mulf %div3A_44, %div3A_44 : vector<1x128xf32>
    %sub3A_53 = arith.subf %div3A_51, %mul3A_52 : vector<1x128xf32>
    %sub3A_54 = vector.broadcast %div3A_44 : vector<1x128xf32> to vector<10240x128xf32>
    %sub3A_55 = arith.subf %add3A_36, %sub3A_54 : vector<10240x128xf32>
    %add3A_56 = arith.constant 9.99999974E-6 : f32
    %add3A_57 = vector.broadcast %add3A_56 : f32 to vector<1x128xf32>
    %add3A_58 = arith.addf %sub3A_53, %add3A_57 : vector<1x128xf32>
    %sqrt3A_59 = math.sqrt %add3A_58 : vector<1x128xf32>
    %div3A_60 = vector.broadcast %sqrt3A_59 : vector<1x128xf32> to vector<10240x128xf32>
    %div3A_61 = arith.divf %sub3A_55, %div3A_60 : vector<10240x128xf32>
    %get3A_62 = arith.constant 0 : index
    %get3A_63 = arith.constant 0 : index
    %get3A_64 = vector.load %arg4[%get3A_62, %get3A_63] : memref<1x128xf32, #tpu.memory_space<vmem>>, vector<1x128xf32>
    %mul3A_65 = vector.broadcast %get3A_64 : vector<1x128xf32> to vector<10240x128xf32>
    %mul3A_66 = arith.mulf %div3A_61, %mul3A_65 : vector<10240x128xf32>
    %get3A_67 = arith.constant 0 : index
    %get3A_68 = arith.constant 0 : index
    %get3A_69 = vector.load %arg5[%get3A_67, %get3A_68] : memref<1x128xf32, #tpu.memory_space<vmem>>, vector<1x128xf32>
    %add3A_70 = vector.broadcast %get3A_69 : vector<1x128xf32> to vector<10240x128xf32>
    %add3A_71 = arith.addf %mul3A_66, %add3A_70 : vector<10240x128xf32>
    %max3A = arith.constant 0.000000e+00 : f32
    %max3A_72 = vector.broadcast %max3A : f32 to vector<10240x128xf32>
    %max3A_73 = arith.maximumf %add3A_71, %max3A_72 : vector<10240x128xf32>
    %mul3A_74 = vector.broadcast %convert_element_type3A_2 : vector<10240x1xf32> to vector<10240x128xf32>
    %mul3A_75 = arith.mulf %max3A_73, %mul3A_74 : vector<10240x128xf32>
    %swap3A = arith.constant 0 : index
    %swap3A_76 = arith.constant 0 : index
    %swap3A_77 = vector.load %arg10[%swap3A, %swap3A_76] : memref<10240x128xf32, #tpu.memory_space<vmem>>, vector<10240x128xf32>
    tpu.vector_store %arg10[%swap3A, %swap3A_76], %mul3A_75 {strides = array<i32>} : memref<10240x128xf32, #tpu.memory_space<vmem>>, vector<10240x128xf32>,
    %get3A_78 = arith.constant 0 : index
    %get3A_79 = arith.constant 0 : index
    %get3A_80 = vector.load %arg6[%get3A_78, %get3A_79] : memref<128x128xf32, #tpu.memory_space<vmem>>, vector<128x128xf32>
    %dot_general3A = arith.constant dense<0.000000e+00> : vector<10240x128xf32>
    %dot_general3A_81 = tpu.matmul %mul3A_75, %get3A_80, %dot_general3A {dimension_numbers = #tpu.dot_dimension_numbers<[1], [0], [0], [1], [0, 0, 1, 1], [], []>, transpose_lhs_hint = false} : vector<10240x128xf32>, vector<128x128xf32>, vector<10240x128xf32> -> vector<10240x128xf32>
    %get3A_82 = arith.constant 0 : index
    %get3A_83 = arith.constant 0 : index
    %get3A_84 = vector.load %arg7[%get3A_82, %get3A_83] : memref<1x128xf32, #tpu.memory_space<vmem>>, vector<1x128xf32>
    %add3A_85 = vector.broadcast %get3A_84 : vector<1x128xf32> to vector<10240x128xf32>
    %add3A_86 = arith.addf %dot_general3A_81, %add3A_85 : vector<10240x128xf32>
    %swap3A_87 = arith.constant 0 : index
    %swap3A_88 = arith.constant 0 : index
    %swap3A_89 = vector.load %arg11[%swap3A_87, %swap3A_88] : memref<10240x128xf32, #tpu.memory_space<vmem>>, vector<10240x128xf32>
    tpu.vector_store %arg11[%swap3A_87, %swap3A_88], %add3A_86 {strides = array<i32>} : memref<10240x128xf32, #tpu.memory_space<vmem>>, vector<10240x128xf32>,
    %get3A_90 = arith.constant 0 : index
    %get3A_91 = arith.constant 0 : index
    %get3A_92 = vector.load %arg8[%get3A_90, %get3A_91] : memref<128x128xf32, #tpu.memory_space<vmem>>, vector<128x128xf32>
    %dot_general3A_93 = arith.constant dense<0.000000e+00> : vector<10240x128xf32>
    %dot_general3A_94 = tpu.matmul %mul3A_75, %get3A_92, %dot_general3A_93 {dimension_numbers = #tpu.dot_dimension_numbers<[1], [0], [0], [1], [0, 0, 1, 1], [], []>, transpose_lhs_hint = false} : vector<10240x128xf32>, vector<128x128xf32>, vector<10240x128xf32> -> vector<10240x128xf32>
    %get3A_95 = arith.constant 0 : index
    %get3A_96 = arith.constant 0 : index
    %get3A_97 = vector.load %arg9[%get3A_95, %get3A_96] : memref<1x128xf32, #tpu.memory_space<vmem>>, vector<1x128xf32>
    %add3A_98 = vector.broadcast %get3A_97 : vector<1x128xf32> to vector<10240x128xf32>
    %add3A_99 = arith.addf %dot_general3A_94, %add3A_98 : vector<10240x128xf32>
    %swap3A_100 = arith.constant 0 : index
    %swap3A_101 = arith.constant 0 : index
    %swap3A_102 = vector.load %arg12[%swap3A_100, %swap3A_101] : memref<10240x128xf32, #tpu.memory_space<vmem>>, vector<10240x128xf32>
    tpu.vector_store %arg12[%swap3A_100, %swap3A_101], %add3A_99 {strides = array<i32>} : memref<10240x128xf32, #tpu.memory_space<vmem>>, vector<10240x128xf32>,
    return
  }
}

module attributes {stable_mosaic.version = 14 : i64} {
  func.func @_bn_kernel(%arg0: memref<10240x128xf32, #tpu.memory_space<vmem>>, %arg1: memref<10240x128xf32, #tpu.memory_space<vmem>>, %arg2: memref<1x128xf32, #tpu.memory_space<vmem>>, %arg3: memref<1x128xf32, #tpu.memory_space<vmem>>, %arg4: memref<1x128xf32, #tpu.memory_space<vmem>>, %arg5: memref<1x128xf32, #tpu.memory_space<vmem>>, %arg6: memref<128x128xf32, #tpu.memory_space<vmem>>, %arg7: memref<1x128xf32, #tpu.memory_space<vmem>>, %arg8: memref<128x128xf32, #tpu.memory_space<vmem>>, %arg9: memref<1x128xf32, #tpu.memory_space<vmem>>, %arg10: memref<10240x128xf32, #tpu.memory_space<vmem>>, %arg11: memref<10240x128xf32, #tpu.memory_space<vmem>>, %arg12: memref<10240x128xf32, #tpu.memory_space<vmem>>) attributes {dimension_semantics = [], scalar_prefetch = 0 : i64, scratch_operands = 0 : i64, tpu.core_type = #tpu.core_type<tc>} {
    %iota3A = tpu.iota {dimensions = array<i32: 0>} : vector<10240x1xi32>
    %lt3A = arith.constant 10000 : i32
    %lt3A_0 = vector.broadcast %lt3A : i32 to vector<10240x1xi32>
    %lt3A_1 = arith.cmpi slt, %iota3A, %lt3A_0 : vector<10240x1xi32>
    %convert_element_type3A = arith.extui %lt3A_1 : vector<10240x1xi1> to vector<10240x1xi32>
    %convert_element_type3A_2 = arith.sitofp %convert_element_type3A : vector<10240x1xi32> to vector<10240x1xf32>
    %get3A = arith.constant 0 : index
    %get3A_3 = arith.constant 0 : index
    %get3A_4 = vector.load %arg0[%get3A, %get3A_3] : memref<10240x128xf32, #tpu.memory_space<vmem>>, vector<10240x128xf32>
    %mul3A = vector.broadcast %convert_element_type3A_2 : vector<10240x1xf32> to vector<10240x128xf32>
    %mul3A_5 = arith.mulf %get3A_4, %mul3A : vector<10240x128xf32>
    %reduce_sum3A = arith.constant dense<0.000000e+00> : vector<128xf32>
    %reduce_sum3A_6 = vector.multi_reduction <add>, %mul3A_5, %reduce_sum3A [0] : vector<10240x128xf32> to vector<128xf32>
    %broadcast_in_dim3A = vector.shape_cast %reduce_sum3A_6 : vector<128xf32> to vector<1x128xf32>
    %div3A = arith.constant 1.000000e+04 : f32
    %div3A_7 = vector.broadcast %div3A : f32 to vector<1x128xf32>
    %div3A_8 = arith.divf %broadcast_in_dim3A, %div3A_7 : vector<1x128xf32>
    %mul3A_9 = arith.mulf %mul3A_5, %mul3A_5 : vector<10240x128xf32>
    %reduce_sum3A_10 = arith.constant dense<0.000000e+00> : vector<128xf32>
    %reduce_sum3A_11 = vector.multi_reduction <add>, %mul3A_9, %reduce_sum3A_10 [0] : vector<10240x128xf32> to vector<128xf32>
    %broadcast_in_dim3A_12 = vector.shape_cast %reduce_sum3A_11 : vector<128xf32> to vector<1x128xf32>
    %div3A_13 = arith.constant 1.000000e+04 : f32
    %div3A_14 = vector.broadcast %div3A_13 : f32 to vector<1x128xf32>
    %div3A_15 = arith.divf %broadcast_in_dim3A_12, %div3A_14 : vector<1x128xf32>
    %mul3A_16 = arith.mulf %div3A_8, %div3A_8 : vector<1x128xf32>
    %sub3A = arith.subf %div3A_15, %mul3A_16 : vector<1x128xf32>
    %sub3A_17 = vector.broadcast %div3A_8 : vector<1x128xf32> to vector<10240x128xf32>
    %sub3A_18 = arith.subf %mul3A_5, %sub3A_17 : vector<10240x128xf32>
    %add3A = arith.constant 9.99999974E-6 : f32
    %add3A_19 = vector.broadcast %add3A : f32 to vector<1x128xf32>
    %add3A_20 = arith.addf %sub3A, %add3A_19 : vector<1x128xf32>
    %sqrt3A = math.sqrt %add3A_20 : vector<1x128xf32>
    %div3A_21 = vector.broadcast %sqrt3A : vector<1x128xf32> to vector<10240x128xf32>
    %div3A_22 = arith.divf %sub3A_18, %div3A_21 : vector<10240x128xf32>
    %get3A_23 = arith.constant 0 : index
    %get3A_24 = arith.constant 0 : index
    %get3A_25 = vector.load %arg2[%get3A_23, %get3A_24] : memref<1x128xf32, #tpu.memory_space<vmem>>, vector<1x128xf32>
    %mul3A_26 = vector.broadcast %get3A_25 : vector<1x128xf32> to vector<10240x128xf32>
    %mul3A_27 = arith.mulf %div3A_22, %mul3A_26 : vector<10240x128xf32>
    %get3A_28 = arith.constant 0 : index
    %get3A_29 = arith.constant 0 : index
    %get3A_30 = vector.load %arg3[%get3A_28, %get3A_29] : memref<1x128xf32, #tpu.memory_space<vmem>>, vector<1x128xf32>
    %add3A_31 = vector.broadcast %get3A_30 : vector<1x128xf32> to vector<10240x128xf32>
    %add3A_32 = arith.addf %mul3A_27, %add3A_31 : vector<10240x128xf32>
    %get3A_33 = arith.constant 0 : index
    %get3A_34 = arith.constant 0 : index
    %get3A_35 = vector.load %arg1[%get3A_33, %get3A_34] : memref<10240x128xf32, #tpu.memory_space<vmem>>, vector<10240x128xf32>
    %add3A_36 = arith.addf %add3A_32, %get3A_35 : vector<10240x128xf32>
    %mul3A_37 = vector.broadcast %convert_element_type3A_2 : vector<10240x1xf32> to vector<10240x128xf32>
    %mul3A_38 = arith.mulf %add3A_36, %mul3A_37 : vector<10240x128xf32>
    %reduce_sum3A_39 = arith.constant dense<0.000000e+00> : vector<128xf32>
    %reduce_sum3A_40 = vector.multi_reduction <add>, %mul3A_38, %reduce_sum3A_39 [0] : vector<10240x128xf32> to vector<128xf32>
    %broadcast_in_dim3A_41 = vector.shape_cast %reduce_sum3A_40 : vector<128xf32> to vector<1x128xf32>
    %div3A_42 = arith.constant 1.000000e+04 : f32
    %div3A_43 = vector.broadcast %div3A_42 : f32 to vector<1x128xf32>
    %div3A_44 = arith.divf %broadcast_in_dim3A_41, %div3A_43 : vector<1x128xf32>
    %mul3A_45 = arith.mulf %mul3A_38, %mul3A_38 : vector<10240x128xf32>
    %reduce_sum3A_46 = arith.constant dense<0.000000e+00> : vector<128xf32>
    %reduce_sum3A_47 = vector.multi_reduction <add>, %mul3A_45, %reduce_sum3A_46 [0] : vector<10240x128xf32> to vector<128xf32>
    %broadcast_in_dim3A_48 = vector.shape_cast %reduce_sum3A_47 : vector<128xf32> to vector<1x128xf32>
    %div3A_49 = arith.constant 1.000000e+04 : f32
    %div3A_50 = vector.broadcast %div3A_49 : f32 to vector<1x128xf32>
    %div3A_51 = arith.divf %broadcast_in_dim3A_48, %div3A_50 : vector<1x128xf32>
    %mul3A_52 = arith.mulf %div3A_44, %div3A_44 : vector<1x128xf32>
    %sub3A_53 = arith.subf %div3A_51, %mul3A_52 : vector<1x128xf32>
    %sub3A_54 = vector.broadcast %div3A_44 : vector<1x128xf32> to vector<10240x128xf32>
    %sub3A_55 = arith.subf %add3A_36, %sub3A_54 : vector<10240x128xf32>
    %add3A_56 = arith.constant 9.99999974E-6 : f32
    %add3A_57 = vector.broadcast %add3A_56 : f32 to vector<1x128xf32>
    %add3A_58 = arith.addf %sub3A_53, %add3A_57 : vector<1x128xf32>
    %sqrt3A_59 = math.sqrt %add3A_58 : vector<1x128xf32>
    %div3A_60 = vector.broadcast %sqrt3A_59 : vector<1x128xf32> to vector<10240x128xf32>
    %div3A_61 = arith.divf %sub3A_55, %div3A_60 : vector<10240x128xf32>
    %get3A_62 = arith.constant 0 : index
    %get3A_63 = arith.constant 0 : index
    %get3A_64 = vector.load %arg4[%get3A_62, %get3A_63] : memref<1x128xf32, #tpu.memory_space<vmem>>, vector<1x128xf32>
    %mul3A_65 = vector.broadcast %get3A_64 : vector<1x128xf32> to vector<10240x128xf32>
    %mul3A_66 = arith.mulf %div3A_61, %mul3A_65 : vector<10240x128xf32>
    %get3A_67 = arith.constant 0 : index
    %get3A_68 = arith.constant 0 : index
    %get3A_69 = vector.load %arg5[%get3A_67, %get3A_68] : memref<1x128xf32, #tpu.memory_space<vmem>>, vector<1x128xf32>
    %add3A_70 = vector.broadcast %get3A_69 : vector<1x128xf32> to vector<10240x128xf32>
    %add3A_71 = arith.addf %mul3A_66, %add3A_70 : vector<10240x128xf32>
    %max3A = arith.constant 0.000000e+00 : f32
    %max3A_72 = vector.broadcast %max3A : f32 to vector<10240x128xf32>
    %max3A_73 = arith.maximumf %add3A_71, %max3A_72 : vector<10240x128xf32>
    %mul3A_74 = vector.broadcast %convert_element_type3A_2 : vector<10240x1xf32> to vector<10240x128xf32>
    %mul3A_75 = arith.mulf %max3A_73, %mul3A_74 : vector<10240x128xf32>
    %swap3A = arith.constant 0 : index
    %swap3A_76 = arith.constant 0 : index
    %swap3A_77 = vector.load %arg10[%swap3A, %swap3A_76] : memref<10240x128xf32, #tpu.memory_space<vmem>>, vector<10240x128xf32>
    tpu.vector_store %arg10[%swap3A, %swap3A_76], %mul3A_75 {strides = array<i32>} : memref<10240x128xf32, #tpu.memory_space<vmem>>, vector<10240x128xf32>,
    %get3A_78 = arith.constant 0 : index
    %get3A_79 = arith.constant 0 : index
    %get3A_80 = vector.load %arg6[%get3A_78, %get3A_79] : memref<128x128xf32, #tpu.memory_space<vmem>>, vector<128x128xf32>
    %dot_general3A = arith.constant dense<0.000000e+00> : vector<10240x128xf32>
    %dot_general3A_81 = tpu.matmul %mul3A_75, %get3A_80, %dot_general3A {dimension_numbers = #tpu.dot_dimension_numbers<[1], [0], [0], [1], [0, 0, 1, 1], [], []>, transpose_lhs_hint = false} : vector<10240x128xf32>, vector<128x128xf32>, vector<10240x128xf32> -> vector<10240x128xf32>
    %get3A_82 = arith.constant 0 : index
    %get3A_83 = arith.constant 0 : index
    %get3A_84 = vector.load %arg7[%get3A_82, %get3A_83] : memref<1x128xf32, #tpu.memory_space<vmem>>, vector<1x128xf32>
    %add3A_85 = vector.broadcast %get3A_84 : vector<1x128xf32> to vector<10240x128xf32>
    %add3A_86 = arith.addf %dot_general3A_81, %add3A_85 : vector<10240x128xf32>
    %swap3A_87 = arith.constant 0 : index
    %swap3A_88 = arith.constant 0 : index
    %swap3A_89 = vector.load %arg11[%swap3A_87, %swap3A_88] : memref<10240x128xf32, #tpu.memory_space<vmem>>, vector<10240x128xf32>
    tpu.vector_store %arg11[%swap3A_87, %swap3A_88], %add3A_86 {strides = array<i32>} : memref<10240x128xf32, #tpu.memory_space<vmem>>, vector<10240x128xf32>,
    %get3A_90 = arith.constant 0 : index
    %get3A_91 = arith.constant 0 : index
    %get3A_92 = vector.load %arg8[%get3A_90, %get3A_91] : memref<128x128xf32, #tpu.memory_space<vmem>>, vector<128x128xf32>
    %dot_general3A_93 = arith.constant dense<0.000000e+00> : vector<10240x128xf32>
    %dot_general3A_94 = tpu.matmul %mul3A_75, %get3A_92, %dot_general3A_93 {dimension_numbers = #tpu.dot_dimension_numbers<[1], [0], [0], [1], [0, 0, 1, 1], [], []>, transpose_lhs_hint = false} : vector<10240x128xf32>, vector<128x128xf32>, vector<10240x128xf32> -> vector<10240x128xf32>
    %get3A_95 = arith.constant 0 : index
    %get3A_96 = arith.constant 0 : index
    %get3A_97 = vector.load %arg9[%get3A_95, %get3A_96] : memref<1x128xf32, #tpu.memory_space<vmem>>, vector<1x128xf32>
    %add3A_98 = vector.broadcast %get3A_97 : vector<1x128xf32> to vector<10240x128xf32>
    %add3A_99 = arith.addf %dot_general3A_94, %add3A_98 : vector<10240x128xf32>
    %swap3A_100 = arith.constant 0 : index
    %swap3A_101 = arith.constant 0 : index
    %swap3A_102 = vector.load %arg12[%swap3A_100, %swap3A_101] : memref<10240x128xf32, #tpu.memory_space<vmem>>, vector<10240x128xf32>
    tpu.vector_store %arg12[%swap3A_100, %swap3A_101], %add3A_99 {strides = array<i32>} : memref<10240x128xf32, #tpu.memory_space<vmem>>, vector<10240x128xf32>,
    return
  }
}

module attributes {stable_mosaic.version = 14 : i64} {
  func.func @_head_kernel(%arg0: memref<10240x128xf32, #tpu.memory_space<vmem>>, %arg1: memref<10240x1xi32, #tpu.memory_space<vmem>>, %arg2: memref<128x128xf32, #tpu.memory_space<vmem>>, %arg3: memref<1x128xf32, #tpu.memory_space<vmem>>, %arg4: memref<1x128xf32, #tpu.memory_space<vmem>>, %arg5: memref<1x1xf32, #tpu.memory_space<vmem>>, %arg6: memref<128x1xf32, #tpu.memory_space<vmem>>) attributes {dimension_semantics = [], scalar_prefetch = 0 : i64, scratch_operands = 0 : i64, tpu.core_type = #tpu.core_type<tc>} {
    %get3A = arith.constant 0 : index
    %get3A_0 = arith.constant 0 : index
    %get3A_1 = vector.load %arg1[%get3A, %get3A_0] : memref<10240x1xi32, #tpu.memory_space<vmem>>, vector<10240x1xi32>
    %iota3A = tpu.iota {dimensions = array<i32: 1>} : vector<10240x128xi32>
    %eq3A = vector.broadcast %get3A_1 : vector<10240x1xi32> to vector<10240x128xi32>
    %eq3A_2 = arith.cmpi eq, %eq3A, %iota3A : vector<10240x128xi32>
    %convert_element_type3A = arith.extui %eq3A_2 : vector<10240x128xi1> to vector<10240x128xi32>
    %convert_element_type3A_3 = arith.sitofp %convert_element_type3A : vector<10240x128xi32> to vector<10240x128xf32>
    %get3A_4 = arith.constant 0 : index
    %get3A_5 = arith.constant 0 : index
    %get3A_6 = vector.load %arg0[%get3A_4, %get3A_5] : memref<10240x128xf32, #tpu.memory_space<vmem>>, vector<10240x128xf32>
    %dot_general3A = arith.constant dense<0.000000e+00> : vector<128x128xf32>
    %dot_general3A_7 = tpu.matmul %convert_element_type3A_3, %get3A_6, %dot_general3A {dimension_numbers = #tpu.dot_dimension_numbers<[0], [0], [1], [1], [0, 1, 1, 1], [], []>, transpose_lhs_hint = false} : vector<10240x128xf32>, vector<10240x128xf32>, vector<128x128xf32> -> vector<128x128xf32>
    %broadcast_in_dim3A = arith.constant 1.000000e+00 : f32
    %broadcast_in_dim3A_8 = vector.broadcast %broadcast_in_dim3A : f32 to vector<10240x1xf32>
    %dot_general3A_9 = arith.constant dense<0.000000e+00> : vector<128x1xf32>
    %dot_general3A_10 = tpu.matmul %convert_element_type3A_3, %broadcast_in_dim3A_8, %dot_general3A_9 {dimension_numbers = #tpu.dot_dimension_numbers<[0], [0], [1], [1], [0, 1, 1, 1], [], []>, transpose_lhs_hint = false} : vector<10240x128xf32>, vector<10240x1xf32>, vector<128x1xf32> -> vector<128x1xf32>
    %max3A = arith.constant 1.000000e+00 : f32
    %max3A_11 = vector.broadcast %max3A : f32 to vector<128x1xf32>
    %max3A_12 = arith.maximumf %dot_general3A_10, %max3A_11 : vector<128x1xf32>
    %div3A = vector.broadcast %max3A_12 : vector<128x1xf32> to vector<128x128xf32>
    %div3A_13 = arith.divf %dot_general3A_7, %div3A : vector<128x128xf32>
    %get3A_14 = arith.constant 0 : index
    %get3A_15 = arith.constant 0 : index
    %get3A_16 = vector.load %arg2[%get3A_14, %get3A_15] : memref<128x128xf32, #tpu.memory_space<vmem>>, vector<128x128xf32>
    %dot_general3A_17 = arith.constant dense<0.000000e+00> : vector<128x128xf32>
    %dot_general3A_18 = tpu.matmul %div3A_13, %get3A_16, %dot_general3A_17 {dimension_numbers = #tpu.dot_dimension_numbers<[1], [0], [0], [1], [0, 0, 1, 1], [], []>, transpose_lhs_hint = false} : vector<128x128xf32>, vector<128x128xf32>, vector<128x128xf32> -> vector<128x128xf32>
    %get3A_19 = arith.constant 0 : index
    %get3A_20 = arith.constant 0 : index
    %get3A_21 = vector.load %arg3[%get3A_19, %get3A_20] : memref<1x128xf32, #tpu.memory_space<vmem>>, vector<1x128xf32>
    %add3A = vector.broadcast %get3A_21 : vector<1x128xf32> to vector<128x128xf32>
    %add3A_22 = arith.addf %dot_general3A_18, %add3A : vector<128x128xf32>
    %max3A_23 = arith.constant 0.000000e+00 : f32
    %max3A_24 = vector.broadcast %max3A_23 : f32 to vector<128x128xf32>
    %max3A_25 = arith.maximumf %add3A_22, %max3A_24 : vector<128x128xf32>
    %get3A_26 = arith.constant 0 : index
    %get3A_27 = arith.constant 0 : index
    %get3A_28 = vector.load %arg4[%get3A_26, %get3A_27] : memref<1x128xf32, #tpu.memory_space<vmem>>, vector<1x128xf32>
    %mul3A = vector.broadcast %get3A_28 : vector<1x128xf32> to vector<128x128xf32>
    %mul3A_29 = arith.mulf %max3A_25, %mul3A : vector<128x128xf32>
    %reduce_sum3A = arith.constant dense<0.000000e+00> : vector<128xf32>
    %reduce_sum3A_30 = vector.multi_reduction <add>, %mul3A_29, %reduce_sum3A [1] : vector<128x128xf32> to vector<128xf32>
    %broadcast_in_dim3A_31 = vector.shape_cast %reduce_sum3A_30 : vector<128xf32> to vector<128x1xf32>
    %get3A_32 = arith.constant 0 : index
    %get3A_33 = arith.constant 0 : index
    %get3A_34 = vector.load %arg5[%get3A_32, %get3A_33] : memref<1x1xf32, #tpu.memory_space<vmem>>, vector<1x1xf32>
    %add3A_35 = vector.broadcast %get3A_34 : vector<1x1xf32> to vector<128x1xf32>
    %add3A_36 = arith.addf %broadcast_in_dim3A_31, %add3A_35 : vector<128x1xf32>
    %swap3A = arith.constant 0 : index
    %swap3A_37 = arith.constant 0 : index
    %swap3A_38 = vector.load %arg6[%swap3A, %swap3A_37] : memref<128x1xf32, #tpu.memory_space<vmem>>, vector<128x1xf32>
    tpu.vector_store %arg6[%swap3A, %swap3A_37], %add3A_36 {strides = array<i32>} : memref<128x1xf32, #tpu.memory_space<vmem>>, vector<128x1xf32>,
    return
  }
}

</mosaic_0001>

<sc_bundles>
// kernel: kernel.19.cloned.1.call-start
scs
__scs_entry_jumppad:
0x0: {  	(pc) =	sbr.rel $0x88, $3  }
0x1: {  	(tag) =	ssettag $0x0;
	lr =	simm.s32 $0x1  }
0x2: {  	[smem:$0x3F91] =	sst lr;
	_ =	strace $0xD0000000  }
0x3: {  	_ = 	snop  }
0x4: {  	_ = 	snop  }
0x5: {  	_ = 	snop  }
0x6: {  	_ = 	snop  }
0x7: {  	_ = 	snop  }
__scs_overlays_trampoline_lowered:
0x8: {  	[smem:$0x3FA0] =	sst s0  }
0x9: {  	[smem:$0x3FA1] =	sst s1  }
0xa: {  	[smem:$0x3FA2] =	sst s2  }
0xb: {  	[smem:$0x3FA3] =	sst s3  }
0xc: {  	[smem:$0x3FA4] =	sst s4  }
0xd: {  	[smem:$0x3FA5] =	sst s5  }
0xe: {  	[smem:$0x3FA6] =	sst s6  }
0xf: {  	[smem:$0x3FA7] =	sst s7  }
0x10: {  	[smem:$0x3FA8] =	sst s8  }
0x11: {  	[smem:$0x3FA9] =	sst s9;
	s0 =	simm.s32 @!p0 $0x0  }
0x12: {  	s1 =	sld [smem:$0x3F8F];
	s0 =	simm.s32 @p0 $0x1  }
0x13: {  	[smem:$0x3FAA] =	sst s0;
	s0 =	simm.s32 @!p1 $0x0  }
0x14: {  	s2 =	sld [smem:$0x3F8E];
	s0 =	simm.s32 @p1 $0x1  }
0x15: {  	[smem:$0x3FAB] =	sst s0;
	s0 =	simm.s32 @!p2 $0x0  }
0x16: {  	s3 =	sld [smem:$0x3FDB];
	s0 =	simm.s32 @p2 $0x1  }
0x17: {  	s4 =	simm.s32 $0x1BF5;
	[smem:$0x3FAD] =	sst s0  }
0x18: {  	s0 =	sld [smem:$0x3F90];
	_ =	swait.ge [sflag:s4], $0x0  }
0x19: {  	s7 =	sld [smem:$0x3F91]  }
0x1a: {  	s8 =	sadd.s32 $0xFFFFE003, lr  }
0x1b: {  	s9 =	sadd.s32 $0xFFFFFEF7, lr;
	s5 =	simm.s32 $0xFFFFFFFF;
	p2 =	slt.u32 s8, $0xFFFFF086  }
0x1c: {  	p1 =	slt.u32 s9, $0xF7A;
	s5 =	simm.s32 @!p2 $0x0  }
0x1d: {  	s5 =	simm.s32 @p1 $0x1;
	p0 =	seq.s32 s7, s2  }
0x1e: {  	s7 =	smul.u32 @!p0 $0xF7A, s2;
	p2 =	seq.s32 @!p0 s5, $0x0  }
0x1f: {  	s9 =	smul.u32 $0xF7A, s1;
	s8 =	simm.s32 @!p0 $0x1BF5;
	p2 =	por !p2, p0  }
0x20: {  	[sflag:s8] =	ssyncset.s32 @!p0 $0xFFFFF086;
	s6 =	sadd.s32 @!p0 s3, s7;
	s7 =	simm.s32 @!p0 $0x108  }
0x21: {  	s3 =	sadd.s32 s3, s9;
	s6 =	sadd.s32 @!p0 $0x88, s6;
	s7 =	simm.s32 @p2 $0x1082  }
0x22: {  	[simem:s7], [sflag:s8] =	dma.local @!p0 [hbm:s6], $0xF7A  }
0x23: {  	s9 =	sor.u32 $0xD0000000, s2;
	s6 =	simm.s32 $0x108;
	_ =	swait.ge @!p0 [sflag:s8], $0x0  }
0x24: {  	s3 =	sadd.s32 $0x88, s3;
	s6 =	simm.s32 @!p1 $0x1082;
	[sflag:s4] =	ssyncset.s32 $0xFFFFF086  }
0x25: {  	[simem:s6], [sflag:s4] =	dma.local [hbm:s3], $0xF7A  }
0x26: {  	[smem:$0x3F91] =	sst s1;
	(tag) =	ssettag s2;
	_ =	strace s9  }
0x27: {  	s1 =	sld [smem:$0x3FA1]  }
0x28: {  	s2 =	sld [smem:$0x3FA2]  }
0x29: {  	s4 =	sld [smem:$0x3FA4]  }
0x2a: {  	p0 =	seq.s32 s5, $0x0;
	s5 =	sld [smem:$0x3FA5]  }
0x2b: {  	s6 =	sld [smem:$0x3FA6]  }
0x2c: {  	s7 =	sld [smem:$0x3FA7]  }
0x2d: {  	s3 =	simm.s32 $0x108;
	s8 =	sld [smem:$0x3FA8]  }
0x2e: {  	s3 =	simm.s32 @!p0 $0x1082;
	s9 =	sld [smem:$0x3FA9]  }
0x2f: {  	lr =	sadd.s32 s0, s3;
	s0 =	sld [smem:$0x3FA0]  }
0x30: {  	s3 =	sld [smem:$0x3FA3]  }
0x31: {  	[smem:$0x3FAC] =	sst s10  }
0x32: {  	s10 =	sld [smem:$0x3FAA];
	_ =	sdelay $0x3  }
0x33: {  	p0 =	seq.s32 s10, $0x1;
	s10 =	sld [smem:$0x3FAC];
	_ =	sdelay $0x3  }
0x34: {  	[smem:$0x3FAC] =	sst s10  }
0x35: {  	s10 =	sld [smem:$0x3FAB];
	_ =	sdelay $0x3  }
0x36: {  	p1 =	seq.s32 s10, $0x1;
	s10 =	sld [smem:$0x3FAC];
	_ =	sdelay $0x3  }
0x37: {  	[smem:$0x3FAC] =	sst s10  }
0x38: {  	s10 =	sld [smem:$0x3FAD]  }
0x39: {  	_ = 	snop;
	(pc) =	sbr.ind lr, $3  }
0x3a: {  	_ = 	snop  }
0x3b: {  	_ = 	snop  }
0x3c: {  	p2 =	seq.s32 s10, $0x1;
	s10 =	sld [smem:$0x3FAC]  }
0x3d: {  	_ =	shalt  }
0x3e: {  	_ =	shalt  }
0x3f: {  	_ =	shalt  }
0x40: {  	_ =	shalt  }
0x41: {  	_ =	shalt  }
0x42: {  	_ =	shalt  }
0x43: {  	_ =	shalt  }
0x44: {  	_ =	shalt  }
0x45: {  	_ =	shalt  }
0x46: {  	_ =	shalt  }
0x47: {  	_ =	shalt  }
0x48: {  	_ =	shalt  }
0x49: {  	_ =	shalt  }
0x4a: {  	_ =	shalt  }
0x4b: {  	_ =	shalt  }
0x4c: {  	_ =	shalt  }
0x4d: {  	_ =	shalt  }
0x4e: {  	_ =	shalt  }
0x4f: {  	_ =	shalt  }
0x50: {  	_ =	shalt  }
0x51: {  	_ =	shalt  }
0x52: {  	_ =	shalt  }
0x53: {  	_ =	shalt  }
0x54: {  	_ =	shalt  }
0x55: {  	_ =	shalt  }
0x56: {  	_ =	shalt  }
0x57: {  	_ =	shalt  }
0x58: {  	_ =	shalt  }
0x59: {  	_ =	shalt  }
0x5a: {  	_ =	shalt  }
0x5b: {  	_ =	shalt  }
0x5c: {  	_ =	shalt  }
0x5d: {  	_ =	shalt  }
0x5e: {  	_ =	shalt  }
0x5f: {  	_ =	shalt  }
0x60: {  	_ =	shalt  }
0x61: {  	_ =	shalt  }
0x62: {  	_ =	shalt  }
0x63: {  	_ =	shalt  }
0x64: {  	_ =	shalt  }
0x65: {  	_ =	shalt  }
0x66: {  	_ =	shalt  }
0x67: {  	_ =	shalt  }
0x68: {  	_ =	shalt  }
0x69: {  	_ =	shalt  }
0x6a: {  	_ =	shalt  }
0x6b: {  	_ =	shalt  }
0x6c: {  	_ =	shalt  }
0x6d: {  	_ =	shalt  }
0x6e: {  	_ =	shalt  }
0x6f: {  	_ =	shalt  }
0x70: {  	_ =	shalt  }
0x71: {  	_ =	shalt  }
0x72: {  	_ =	shalt  }
0x73: {  	_ =	shalt  }
0x74: {  	_ =	shalt  }
0x75: {  	_ =	shalt  }
0x76: {  	_ =	shalt  }
0x77: {  	_ =	shalt  }
0x78: {  	_ =	shalt  }
0x79: {  	_ =	shalt  }
0x7a: {  	_ =	shalt  }
0x7b: {  	_ =	shalt  }
0x7c: {  	_ =	shalt  }
0x7d: {  	_ =	shalt  }
0x7e: {  	_ =	shalt  }
0x7f: {  	_ =	shalt  }
0x80: {  	_ =	shalt  }
0x81: {  	_ =	shalt  }
0x82: {  	_ =	shalt  }
0x83: {  	_ =	shalt  }
0x84: {  	_ =	shalt  }
0x85: {  	_ =	shalt  }
0x86: {  	_ =	shalt  }
0x87: {  	_ =	shalt  }
.Lfunc_end0:
.L_simem_size_0:
called_computation_lowered:
.L_overlay_start_0:
0x88: {  	s2 =	sld [smem:$0x3FD9]  }
0x89: {  	s3 =	sld [smem:$0x3FFE];
	_ =	sdelay $0x1  }
0x8a: {  	s1 =	srdreg.scid  }
0x8b: {  	s0 =	sand.u32 $0x1, s1  }
0x8c: {  	s16 =	sshll.u32 s0, $0xA;
	s2 =	sadd.s32 s3, s2  }
0x8d: {  	s2 =	sadd.s32 s2, s16  }
0x8e: {  	[smem:$0x3FB8] =	sst s2  }
0x8f: {  	_ = 	snop  }
0x90: {  	(tm) =	ssettm $0x1  }
0x91: {  	s17 =	sld [smem:$0x3FFB];
	_ =	sdelay $0x3  }
0x92: {  	_ =	strace s17  }
0x93: {  	s2 =	sld [smem:$0x3FFC];
	_ =	sdelay $0x3  }
0x94: {  	_ =	strace s2  }
0x95: {  	s2 =	sld [smem:$0x3FFD];
	_ =	sdelay $0x3  }
0x96: {  	_ =	strace s2  }
0x97: {  	_ =	strace $0x8FFFFFFF  }
0x98: {  	s18 =	sld [smem:$0x3FDB];
	_ =	sdelay $0x1  }
0x99: {  	s19 =	simm.s32 $_scs_section_size  }
0x9a: {  	s4 =	simm.s32 $_size__tile_overlayer_lowered;
	s5 =	simm.s32 $_tile_overlayer_lowered  }
0x9b: {  	s22 =	simm.s32 $0x1BFF;
	s21 =	sshll.u32 s5, $0x1;
	s2 =	sadd.s32 s19, s18  }
0x9c: {  	s6 =	simm.s32 $0x0;
	s20 =	sshll.u32 s4, $0x1;
	s4 =	sadd.s32 s21, s2  }
0x9d: {  	[timem:s6], [sflag:s22] =	dma.local [hbm:s4], s20  }
0x9e: {  	_ =	swait.ge [sflag:s22], s20  }
0x9f: {  	s3 =	ssub.s32 $0x0, s20;
	[sflag:s22] =	ssyncset.done $0x0  }
0xa0: {  	[sflag:s22] =	ssyncadd.s32 s3;
	_ =	sdelay $0x1  }
0xa1: {  	s23 =	simm.s32 $0x1B8B  }
0xa2: {  	_ =	swait.ge [sflag:s23], $0x1  }
0xa3: {  	[sflag:s23] =	ssyncset.done $0x0  }
0xa4: {  	s25 =	simm.s32 $0x1B8E;
	s24 =	sld [smem:$0x3FFE];
	[sflag:s23] =	ssyncadd.s32 $0xFFFFFFFF  }
0xa5: {  	s26 =	simm.s32 $execute0_lowered;
	[smem:$0x3FD2] =	sst s25  }
0xa6: {  	s4 =	sshll.u32 s26, $0x1;
	_ =	strace $0x80000046;
	[dreg:$0x1] =	wrdreg $0xFFFFFFFF  }
0xa7: {  	s28 =	simm.s32 $_size_execute0_lowered;
	s2 =	sadd.s32 s2, s4;
	[dreg:$0x0] =	wrdreg $0x0  }
0xa8: {  	s4 =	sshll.u32 s28, $0x1;
	[dreg:$0x2] =	wrdreg s2  }
0xa9: {  	[dreg:$0x3] =	wrdreg s4  }
0xaa: {  	[dreg:$0x4] =	wrdreg $0xC0  }
0xab: {  	_ =	task [dreg:s6], $0x5FFFF  }
0xac: {  	[dreg:$0x1] =	wrdreg $0xFFFFFFFF  }
0xad: {  	[dreg:$0x0] =	wrdreg $0x60  }
0xae: {  	[dreg:$0x2] =	wrdreg s24  }
0xaf: {  	[dreg:$0x3] =	wrdreg $0x28000  }
0xb0: {  	[dreg:$0x4] =	wrdreg $0x9  }
0xb1: {  	_ =	task.clear_ibuf [dreg:s6], $0x5FFFF;
	_ =	strace $0x90000046  }
0xb2: {  	s29 =	simm.s32 $0x9;
	_ =	strace $0x80000048  }
0xb3: {  	_ =	swait.ge [sflag:s29], $0x1  }
0xb4: {  	[sflag:s29] =	ssyncadd.s32 $0xFFFFFFFF  }
0xb5: {  	_ =	strace $0x90000048  }
0xb6: {  	_ =	sfence  }
0xb7: {  	s30 =	sld [smem:$0x0];
	_ =	sdelay $0x2  }
0xb8: {  	s31 =	sshll.u32 s1, $0xD;
	s1 =	sshrl.u32 s1, $0x2  }
0xb9: {  	s3 =	sand.u32 $0x4000, s31;
	s1 =	sadd.s32 s1, s30  }
0xba: {  	s0 =	sor.u32 s3, s0;
	s1 =	sshll.u32 s1, $0x11  }
0xbb: {  	s0 =	sor.u32 s1, s0  }
0xbc: {  	s0 =	sadd.s32 $0x8F2B, s0  }
0xbd: {  	[sflag:s0] =	ssyncadd.remote.s32 $0x1  }
0xbe: {  	_ =	sfence.sel $0xFFFF  }
0xbf: {  	[dreg:$0x0] =	wrdreg $0xFFFFFFFF;
	(pc) =	sbr.abs _section_cstart, $3  }
0xc0: {  	[dreg:$0x1] =	wrdreg $0xFFFFFFFF  }
0xc1: {  	_ =	task.clear_ibuf [dreg:s6], $0x2FFFF;
	_ =	strace $0x9FFFFFFF  }
0xc2: {  	(tm) =	ssettm $0x7FFFFFFF  }
0xc3: {  	_ =	shalt  }
tec
execute0_lowered:
.L_overlay_start_1:
0x0: {  	(tag) =	ssettag $0x1  }
0x1: {  	s12 =	stileid.u32;
	s1 =	rddreg [dreg:$0x0]  }
0x2: {  	s0 =	srdreg.scid;
	s2 =	rddreg [dreg:$0x1];
	s16 =	simm.s32 $0x20  }
0x3: {  	s17 =	simm.s32 $0x16800;
	s18 =	simm.s32 $0x17800;
	s20 =	simm.s32 $0x18800  }
0x4: {  	s28 =	simm.s32 $0x5;
	s29 =	simm.s32 $0x6;
	s6 =	smul.u32 $0x2800, s12  }
0x5: {  	s30 =	simm.s32 $0x7;
	s0 =	sand.u32 $0x1, s0;
	s11 =	smul.u32 $0x50000, s12  }
0x6: {  	s3 =	sshll.u32 s12, $0x1;
	s24 =	sshll.u32 s12, $0x6;
	s12 =	smul.u32 $0x280000, s12  }
0x7: {  	s31 =	simm.s32 $0x8;
	s5 =	sor.u32 s0, s3;
	s13 =	smul.u32 $0x140000, s0  }
0x8: {  	s3 =	simm.s32 $0x0;
	s21 =	ssub.s32 $0x2, s0;
	s0 =	smul.u32 $0x28000, s0  }
0x9: {  	s25 =	sor.u32 $0x1C09, s24;
	s24 =	simm.s32 $0x2;
	s4 =	smul.u32 $0x2800, s5  }
0xa: {  	[smem:$0x7FF] =	sst s3;
	s6 =	sadd.s32 s6, s1;
	s22 =	smul.u32 $0x140000, s5  }
0xb: {  	s8 =	sshrl.u32 s21, $0x1;
	s9 =	sshrl.u32 s11, $0x2;
	s10 =	smul.u32 $0x28000, s5  }
0xc: {  	_ =	strace $0x80000047;
	s8 =	ssub.s32 s21, s8;
	s14 =	sadd.s32 s9, s2  }
0xd: {  	s23 =	sadd.s32 $0x36A00, s6;
	[dreg:$0x4] =	wrdreg s25;
	s12 =	sadd.s32 s13, s12  }
0xe: {  	s25 =	simm.s32 $0x3;
	s4 =	sshrl.u32 s4, $0x3;
	[dreg:$0x3] =	wrdreg s23  }
0xf: {  	s9 =	sshrl.u32 s22, $0x3;
	s12 =	sshrl.u32 s12, $0x3;
	s14 =	sshrl.u32 s14, $0x3  }
0x10: {  	s22 =	simm.s32 $0x19800;
	s7 =	sadd.s32 s4, s1;
	s1 =	sadd.s32 $0x69000, s1  }
0x11: {  	s23 =	simm.s32 $0x1;
	s6 =	sadd.s32 $0x5F000, s7;
	s9 =	sadd.s32 s1, s9  }
0x12: {  	s7 =	smax.u32 s8, $0x1;
	s15 =	sadd.s32 s1, s10;
	s26 =	sadd.s32 s11, s1  }
0x13: {  	s12 =	sadd.s32 s12, s1;
	s1 =	simm.s32 $0x0;
	s8 =	sadd.s32 $0x27800, s9  }
0x14: {  	s9 =	sadd.s32 $0x27A00, s15;
	s10 =	sadd.s32 $0x27C00, s15;
	s11 =	sadd.s32 $0x27E00, s15  }
0x15: {  	s13 =	sadd.s32 s0, s26;
	s15 =	simm.s32 $0x9;
	s26 =	simm.s32 $0x4  }
.LBB2_1:
0x16: {  	s0 =	rddreg [dreg:$0x3]  }
0x17: {  	s4 =	rddreg [dreg:$0x4]  }
0x18: {  	[spmem:s14], [sflag:s4] =	dma.local [hbm:s0], $0x2800  }
0x19: {  	_ =	swait.ge [sflag:s15], $0x2800  }
0x1a: {  	[sflag:s15] =	ssyncset.done $0x0  }
0x1b: {  	[sflag:s15] =	ssyncadd.s32 $0xFFFFD800  }
0x1c: {  	[tilespmem:s3], [sflag:$0x9] =	stream.linear.gather [hbm4b:s6+s3], $0x2800, $0x38;
	[tilespmem:$0x1A800] =	vst v63  }
0x1d: {  	_ =	swait.ge [sflag:s15], $0x2800  }
0x1e: {  	[sflag:s15] =	ssyncset.done $0x0  }
0x1f: {  	[sflag:s15] =	ssyncadd.s32 $0xFFFFD800  }
0x20: {  	[bflag:$0x0] =	sbarrier.arrive $0xFFFF  }
0x21: {  	[tilespmem:s17], [sflag:$0x1] =	stream.indirect.gather [spmem:s2], $0x80, s3, s16, $0xb8;
	[tilespmem:$0x1A800] =	vst v63  }
0x22: {  	_ = 	snop  }
0x23: {  	[tilespmem:s18], [sflag:$0x2] =	stream.indirect.gather [spmem:s2], $0x80, s16, s16, $0xb8;
	[tilespmem:$0x1A800] =	vst v63  }
0x24: {  	s4 =	simm.s32 $0x40  }
0x25: {  	[tilespmem:s20], [sflag:$0x3] =	stream.indirect.gather [spmem:s2], $0x80, s4, s16, $0xb8;
	[tilespmem:$0x1A800] =	vst v63  }
0x26: {  	s5 =	simm.s32 $0x60  }
0x27: {  	[tilespmem:s22], [sflag:$0x4] =	stream.indirect.gather [spmem:s2], $0x80, s5, s16, $0xb8;
	[tilespmem:$0x1A800] =	vst v63  }
0x28: {  	_ =	swait.ge [sflag:s23], $0x1000  }
0x29: {  	[sflag:s23] =	ssyncset.done $0x0  }
0x2a: {  	s19 =	sadd.s32 $0x0, s12;
	[sflag:s23] =	ssyncadd.s32 $0xFFFFF000  }
0x2b: {  	[hbm4b:s19+s3] =	stream.linear.scatter [tilespmem:s17], [sflag:$0x5], $0x1000, $0x38;
	[tilespmem:$0x1A800] =	vst v63  }
0x2c: {  	_ =	swait.ge [sflag:s24], $0x1000  }
0x2d: {  	s21 =	sadd.s32 $0x0, s13;
	[sflag:s24] =	ssyncset.done $0x0  }
0x2e: {  	s19 =	sadd.s32 $0x200, s21;
	[sflag:s24] =	ssyncadd.s32 $0xFFFFF000  }
0x2f: {  	[hbm4b:s19+s3] =	stream.linear.scatter [tilespmem:s18], [sflag:$0x6], $0x1000, $0x38;
	[tilespmem:$0x1A800] =	vst v63  }
0x30: {  	_ =	swait.ge [sflag:s25], $0x1000  }
0x31: {  	[sflag:s25] =	ssyncset.done $0x0  }
0x32: {  	s4 =	sadd.s32 $0x400, s21;
	[sflag:s25] =	ssyncadd.s32 $0xFFFFF000  }
0x33: {  	[hbm4b:s4+s3] =	stream.linear.scatter [tilespmem:s20], [sflag:$0x7], $0x1000, $0x38;
	[tilespmem:$0x1A800] =	vst v63  }
0x34: {  	_ =	swait.ge [sflag:s26], $0x1000  }
0x35: {  	[sflag:s26] =	ssyncset.done $0x0  }
0x36: {  	s0 =	sadd.s32 $0x600, s21;
	[sflag:s26] =	ssyncadd.s32 $0xFFFFF000  }
0x37: {  	[hbm4b:s0+s3] =	stream.linear.scatter [tilespmem:s22], [sflag:$0x8], $0x1000, $0x38;
	[tilespmem:$0x1A800] =	vst v63  }
0x38: {  	_ =	swait.ge [sflag:s28], $0x1000  }
0x39: {  	[sflag:s28] =	ssyncset.done $0x0  }
0x3a: {  	s5 =	simm.s32 $0x80;
	[sflag:s28] =	ssyncadd.s32 $0xFFFFF000  }
0x3b: {  	[tilespmem:s17], [sflag:$0x1] =	stream.indirect.gather [spmem:s2], $0x80, s5, s16, $0xb8;
	[tilespmem:$0x1A800] =	vst v63  }
0x3c: {  	_ =	swait.ge [sflag:s29], $0x1000  }
0x3d: {  	[sflag:s29] =	ssyncset.done $0x0  }
0x3e: {  	s19 =	simm.s32 $0xA0;
	[sflag:s29] =	ssyncadd.s32 $0xFFFFF000  }
0x3f: {  	[tilespmem:s18], [sflag:$0x2] =	stream.indirect.gather [spmem:s2], $0x80, s19, s16, $0xb8;
	[tilespmem:$0x1A800] =	vst v63  }
0x40: {  	_ =	swait.ge [sflag:s30], $0x1000  }
0x41: {  	[sflag:s30] =	ssyncset.done $0x0  }
0x42: {  	s21 =	simm.s32 $0xC0;
	[sflag:s30] =	ssyncadd.s32 $0xFFFFF000  }
0x43: {  	[tilespmem:s20], [sflag:$0x3] =	stream.indirect.gather [spmem:s2], $0x80, s21, s16, $0xb8;
	[tilespmem:$0x1A800] =	vst v63  }
0x44: {  	_ =	swait.ge [sflag:s31], $0x1000  }
0x45: {  	s0 =	simm.s32 $0xE0;
	[sflag:s31] =	ssyncset.done $0x0  }
0x46: {  	s19 =	simm.s32 $0x800;
	s21 =	simm.s32 $0x160;
	[sflag:s31] =	ssyncadd.s32 $0xFFFFF000  }
.LBB2_2:
0x47: {  	[tilespmem:s22], [sflag:$0x4] =	stream.indirect.gather [spmem:s2], $0x80, s0, s16, $0xb8;
	[tilespmem:$0x1A800] =	vst v63  }
0x48: {  	s4 =	smov.u32 s19;
	s0 =	smov.u32 s21  }
0x49: {  	p0 =	sne.s32 s19, $0x27000;
	s19 =	sadd.s32 $0x800, s19;
	_ =	swait.ge [sflag:s23], $0x1000  }
0x4a: {  	[sflag:s23] =	ssyncset.done $0x0  }
0x4b: {  	s5 =	sadd.s32 s4, s12;
	[sflag:s23] =	ssyncadd.s32 $0xFFFFF000  }
0x4c: {  	[hbm4b:s5+s3] =	stream.linear.scatter [tilespmem:s17], [sflag:$0x5], $0x1000, $0x38;
	[tilespmem:$0x1A800] =	vst v63  }
0x4d: {  	_ =	swait.ge [sflag:s24], $0x1000  }
0x4e: {  	s4 =	sadd.s32 s4, s13;
	[sflag:s24] =	ssyncset.done $0x0  }
0x4f: {  	s5 =	sadd.s32 $0x200, s4;
	[sflag:s24] =	ssyncadd.s32 $0xFFFFF000  }
0x50: {  	[hbm4b:s5+s3] =	stream.linear.scatter [tilespmem:s18], [sflag:$0x6], $0x1000, $0x38;
	[tilespmem:$0x1A800] =	vst v63  }
0x51: {  	_ =	swait.ge [sflag:s25], $0x1000  }
0x52: {  	[sflag:s25] =	ssyncset.done $0x0  }
0x53: {  	s5 =	sadd.s32 $0x400, s4;
	[sflag:s25] =	ssyncadd.s32 $0xFFFFF000  }
0x54: {  	[hbm4b:s5+s3] =	stream.linear.scatter [tilespmem:s20], [sflag:$0x7], $0x1000, $0x38;
	[tilespmem:$0x1A800] =	vst v63  }
0x55: {  	_ =	swait.ge [sflag:s26], $0x1000  }
0x56: {  	[sflag:s26] =	ssyncset.done $0x0  }
0x57: {  	s4 =	sadd.s32 $0x600, s4;
	[sflag:s26] =	ssyncadd.s32 $0xFFFFF000  }
0x58: {  	[hbm4b:s4+s3] =	stream.linear.scatter [tilespmem:s22], [sflag:$0x8], $0x1000, $0x38;
	[tilespmem:$0x1A800] =	vst v63  }
0x59: {  	_ =	swait.ge [sflag:s28], $0x1000  }
0x5a: {  	[sflag:s28] =	ssyncset.done $0x0  }
0x5b: {  	s4 =	sadd.s32 $0xFFFFFFA0, s21;
	[sflag:s28] =	ssyncadd.s32 $0xFFFFF000  }
0x5c: {  	[tilespmem:s17], [sflag:$0x1] =	stream.indirect.gather [spmem:s2], $0x80, s4, s16, $0xb8;
	[tilespmem:$0x1A800] =	vst v63  }
0x5d: {  	_ =	swait.ge [sflag:s29], $0x1000  }
0x5e: {  	[sflag:s29] =	ssyncset.done $0x0  }
0x5f: {  	s4 =	sadd.s32 $0xFFFFFFC0, s21;
	[sflag:s29] =	ssyncadd.s32 $0xFFFFF000  }
0x60: {  	[tilespmem:s18], [sflag:$0x2] =	stream.indirect.gather [spmem:s2], $0x80, s4, s16, $0xb8;
	[tilespmem:$0x1A800] =	vst v63  }
0x61: {  	_ =	swait.ge [sflag:s30], $0x1000  }
0x62: {  	[sflag:s30] =	ssyncset.done $0x0  }
.Ltmp0:
0x63: {  	s4 =	sadd.s32 $0xFFFFFFE0, s21;
	[sflag:s30] =	ssyncadd.s32 $0xFFFFF000;
	(pc) =	sbr.rel @p0 .LBB2_2-.Ltmp0, $4  }
0x64: {  	[tilespmem:s20], [sflag:$0x3] =	stream.indirect.gather [spmem:s2], $0x80, s4, s16, $0xb8;
	[tilespmem:$0x1A800] =	vst v63  }
0x65: {  	_ =	swait.ge [sflag:s31], $0x1000  }
0x66: {  	[sflag:s31] =	ssyncset.done $0x0  }
0x67: {  	s21 =	sadd.s32 $0x80, s21;
	[sflag:s31] =	ssyncadd.s32 $0xFFFFF000  }
0x68: {  	[tilespmem:s22], [sflag:$0x4] =	stream.indirect.gather [spmem:s2], $0x80, s0, s16, $0xb8;
	[tilespmem:$0x1A800] =	vst v63  }
0x69: {  	_ =	swait.ge [sflag:s23], $0x1000  }
0x6a: {  	[sflag:s23] =	ssyncset.done $0x0  }
0x6b: {  	[sflag:s23] =	ssyncadd.s32 $0xFFFFF000  }
0x6c: {  	[hbm4b:s8+s3] =	stream.linear.scatter [tilespmem:s17], [sflag:$0x5], $0x1000, $0x38;
	[tilespmem:$0x1A800] =	vst v63  }
0x6d: {  	_ =	swait.ge [sflag:s24], $0x1000  }
0x6e: {  	[sflag:s24] =	ssyncset.done $0x0  }
0x6f: {  	[sflag:s24] =	ssyncadd.s32 $0xFFFFF000  }
0x70: {  	[hbm4b:s9+s3] =	stream.linear.scatter [tilespmem:s18], [sflag:$0x6], $0x1000, $0x38;
	[tilespmem:$0x1A800] =	vst v63  }
0x71: {  	_ =	swait.ge [sflag:s25], $0x1000  }
0x72: {  	[sflag:s25] =	ssyncset.done $0x0  }
0x73: {  	[sflag:s25] =	ssyncadd.s32 $0xFFFFF000  }
0x74: {  	[hbm4b:s10+s3] =	stream.linear.scatter [tilespmem:s20], [sflag:$0x7], $0x1000, $0x38;
	[tilespmem:$0x1A800] =	vst v63  }
0x75: {  	_ =	swait.ge [sflag:s26], $0x1000  }
0x76: {  	[sflag:s26] =	ssyncset.done $0x0  }
0x77: {  	[sflag:s26] =	ssyncadd.s32 $0xFFFFF000  }
0x78: {  	[hbm4b:s11+s3] =	stream.linear.scatter [tilespmem:s22], [sflag:$0x8], $0x1000, $0x38;
	[tilespmem:$0x1A800] =	vst v63  }
0x79: {  	_ =	swait.ge [sflag:s28], $0x1000  }
0x7a: {  	[sflag:s28] =	ssyncset.done $0x0  }
0x7b: {  	[sflag:s28] =	ssyncadd.s32 $0xFFFFF000  }
0x7c: {  	_ =	swait.ge [sflag:s29], $0x1000  }
0x7d: {  	[sflag:s29] =	ssyncset.done $0x0  }
0x7e: {  	s1 =	sadd.s32 $0x1, s1;
	[sflag:s29] =	ssyncadd.s32 $0xFFFFF000  }
0x7f: {  	p0 =	sne.s32 s1, s7;
	_ =	swait.ge [sflag:s30], $0x1000  }
.Ltmp1:
0x80: {  	[sflag:s30] =	ssyncset.done $0x0;
	(pc) =	sbr.rel @p0 .LBB2_1-.Ltmp1, $4  }
0x81: {  	[sflag:s30] =	ssyncadd.s32 $0xFFFFF000  }
0x82: {  	_ =	swait.ge [sflag:s31], $0x1000  }
0x83: {  	[sflag:s31] =	ssyncset.done $0x0  }
0x84: {  	[sflag:s31] =	ssyncadd.s32 $0xFFFFF000  }
0x85: {  	_ =	sfence.sel $0x180000  }
0x86: {  	[bflag:$0x0] =	sbarrier.arrive $0xFFFF  }
0x87: {  	_ =	strace $0x90000047  }
0x88: {  	s0 =	stileid.u32;
	[bflag:$0x2] =	sbarrier.arrive $0xFFFF  }
0x89: {  	p0 =	sne.s32 s0, $0x0;
	s0 =	rddreg [dreg:$0x2]  }
0x8a: {  	s0 =	sadd.s32 @!p0 $0x100000, s0  }
0x8b: {  	[sflag:s0] =	ssyncadd.tile.s32 @!p0 $0x1;
	_ =	shalt  }
.Lfunc_end2:
_tile_overlayer_lowered:
.L_overlay_start_2:
0x8c: {  	(tag) =	ssettag $0x2  }
0x8d: {  	s0 =	rddreg [dreg:$0x0];
	s2 =	stileid.u32  }
0x8e: {  	s1 =	rddreg [dreg:$0x1];
	p0 =	sne.s32 s2, $0x0  }
0x8f: {  	s3 =	rddreg [dreg:$0x2];
	[bflag:$0x3] =	sbarrier.arrive $0xFFFF;
	s2 =	simm.s32 @!p0 $0x1C09  }
0x90: {  	[timem:s3], [sflag:s2] =	dma.local @!p0 [hbm:s0], s1  }
0x91: {  	s0 =	simm.s32 @!p0 $0x9  }
0x92: {  	_ =	swait.ge @!p0 [sflag:s0], s1  }
0x93: {  	s1 =	ssub.s32 @!p0 $0x0, s1;
	[sflag:s0] =	ssyncset.done @!p0 $0x0  }
0x94: {  	[sflag:s0] =	ssyncadd.s32 @!p0 s1  }
0x95: {  	[bflag:$0x3] =	sbarrier.arrive $0xFFFF  }
0x96: {  	_ =	shalt  }

// kernel: kernel.22.cloned.1.call-start
scs
__scs_entry_jumppad:
0x0: {  	(pc) =	sbr.rel $0x88, $3  }
0x1: {  	(tag) =	ssettag $0x0;
	lr =	simm.s32 $0x1  }
0x2: {  	[smem:$0x3F91] =	sst lr;
	_ =	strace $0xD0000000  }
0x3: {  	_ = 	snop  }
0x4: {  	_ = 	snop  }
0x5: {  	_ = 	snop  }
0x6: {  	_ = 	snop  }
0x7: {  	_ = 	snop  }
__scs_overlays_trampoline_lowered:
0x8: {  	[smem:$0x3FA0] =	sst s0  }
0x9: {  	[smem:$0x3FA1] =	sst s1  }
0xa: {  	[smem:$0x3FA2] =	sst s2  }
0xb: {  	[smem:$0x3FA3] =	sst s3  }
0xc: {  	[smem:$0x3FA4] =	sst s4  }
0xd: {  	[smem:$0x3FA5] =	sst s5  }
0xe: {  	[smem:$0x3FA6] =	sst s6  }
0xf: {  	[smem:$0x3FA7] =	sst s7  }
0x10: {  	[smem:$0x3FA8] =	sst s8  }
0x11: {  	[smem:$0x3FA9] =	sst s9;
	s0 =	simm.s32 @!p0 $0x0  }
0x12: {  	s1 =	sld [smem:$0x3F8F];
	s0 =	simm.s32 @p0 $0x1  }
0x13: {  	[smem:$0x3FAA] =	sst s0;
	s0 =	simm.s32 @!p1 $0x0  }
0x14: {  	s2 =	sld [smem:$0x3F8E];
	s0 =	simm.s32 @p1 $0x1  }
0x15: {  	[smem:$0x3FAB] =	sst s0;
	s0 =	simm.s32 @!p2 $0x0  }
0x16: {  	s3 =	sld [smem:$0x3FDB];
	s0 =	simm.s32 @p2 $0x1  }
0x17: {  	s4 =	simm.s32 $0x1BF5;
	[smem:$0x3FAD] =	sst s0  }
0x18: {  	s0 =	sld [smem:$0x3F90];
	_ =	swait.ge [sflag:s4], $0x0  }
0x19: {  	s7 =	sld [smem:$0x3F91]  }
0x1a: {  	s8 =	sadd.s32 $0xFFFFE003, lr  }
0x1b: {  	s9 =	sadd.s32 $0xFFFFFEF7, lr;
	s5 =	simm.s32 $0xFFFFFFFF;
	p2 =	slt.u32 s8, $0xFFFFF086  }
0x1c: {  	p1 =	slt.u32 s9, $0xF7A;
	s5 =	simm.s32 @!p2 $0x0  }
0x1d: {  	s5 =	simm.s32 @p1 $0x1;
	p0 =	seq.s32 s7, s2  }
0x1e: {  	s7 =	smul.u32 @!p0 $0xF7A, s2;
	p2 =	seq.s32 @!p0 s5, $0x0  }
0x1f: {  	s9 =	smul.u32 $0xF7A, s1;
	s8 =	simm.s32 @!p0 $0x1BF5;
	p2 =	por !p2, p0  }
0x20: {  	[sflag:s8] =	ssyncset.s32 @!p0 $0xFFFFF086;
	s6 =	sadd.s32 @!p0 s3, s7;
	s7 =	simm.s32 @!p0 $0x108  }
0x21: {  	s3 =	sadd.s32 s3, s9;
	s6 =	sadd.s32 @!p0 $0x88, s6;
	s7 =	simm.s32 @p2 $0x1082  }
0x22: {  	[simem:s7], [sflag:s8] =	dma.local @!p0 [hbm:s6], $0xF7A  }
0x23: {  	s9 =	sor.u32 $0xD0000000, s2;
	s6 =	simm.s32 $0x108;
	_ =	swait.ge @!p0 [sflag:s8], $0x0  }
0x24: {  	s3 =	sadd.s32 $0x88, s3;
	s6 =	simm.s32 @!p1 $0x1082;
	[sflag:s4] =	ssyncset.s32 $0xFFFFF086  }
0x25: {  	[simem:s6], [sflag:s4] =	dma.local [hbm:s3], $0xF7A  }
0x26: {  	[smem:$0x3F91] =	sst s1;
	(tag) =	ssettag s2;
	_ =	strace s9  }
0x27: {  	s1 =	sld [smem:$0x3FA1]  }
0x28: {  	s2 =	sld [smem:$0x3FA2]  }
0x29: {  	s4 =	sld [smem:$0x3FA4]  }
0x2a: {  	p0 =	seq.s32 s5, $0x0;
	s5 =	sld [smem:$0x3FA5]  }
0x2b: {  	s6 =	sld [smem:$0x3FA6]  }
0x2c: {  	s7 =	sld [smem:$0x3FA7]  }
0x2d: {  	s3 =	simm.s32 $0x108;
	s8 =	sld [smem:$0x3FA8]  }
0x2e: {  	s3 =	simm.s32 @!p0 $0x1082;
	s9 =	sld [smem:$0x3FA9]  }
0x2f: {  	lr =	sadd.s32 s0, s3;
	s0 =	sld [smem:$0x3FA0]  }
0x30: {  	s3 =	sld [smem:$0x3FA3]  }
0x31: {  	[smem:$0x3FAC] =	sst s10  }
0x32: {  	s10 =	sld [smem:$0x3FAA];
	_ =	sdelay $0x3  }
0x33: {  	p0 =	seq.s32 s10, $0x1;
	s10 =	sld [smem:$0x3FAC];
	_ =	sdelay $0x3  }
0x34: {  	[smem:$0x3FAC] =	sst s10  }
0x35: {  	s10 =	sld [smem:$0x3FAB];
	_ =	sdelay $0x3  }
0x36: {  	p1 =	seq.s32 s10, $0x1;
	s10 =	sld [smem:$0x3FAC];
	_ =	sdelay $0x3  }
0x37: {  	[smem:$0x3FAC] =	sst s10  }
0x38: {  	s10 =	sld [smem:$0x3FAD]  }
0x39: {  	_ = 	snop;
	(pc) =	sbr.ind lr, $3  }
0x3a: {  	_ = 	snop  }
0x3b: {  	_ = 	snop  }
0x3c: {  	p2 =	seq.s32 s10, $0x1;
	s10 =	sld [smem:$0x3FAC]  }
0x3d: {  	_ =	shalt  }
0x3e: {  	_ =	shalt  }
0x3f: {  	_ =	shalt  }
0x40: {  	_ =	shalt  }
0x41: {  	_ =	shalt  }
0x42: {  	_ =	shalt  }
0x43: {  	_ =	shalt  }
0x44: {  	_ =	shalt  }
0x45: {  	_ =	shalt  }
0x46: {  	_ =	shalt  }
0x47: {  	_ =	shalt  }
0x48: {  	_ =	shalt  }
0x49: {  	_ =	shalt  }
0x4a: {  	_ =	shalt  }
0x4b: {  	_ =	shalt  }
0x4c: {  	_ =	shalt  }
0x4d: {  	_ =	shalt  }
0x4e: {  	_ =	shalt  }
0x4f: {  	_ =	shalt  }
0x50: {  	_ =	shalt  }
0x51: {  	_ =	shalt  }
0x52: {  	_ =	shalt  }
0x53: {  	_ =	shalt  }
0x54: {  	_ =	shalt  }
0x55: {  	_ =	shalt  }
0x56: {  	_ =	shalt  }
0x57: {  	_ =	shalt  }
0x58: {  	_ =	shalt  }
0x59: {  	_ =	shalt  }
0x5a: {  	_ =	shalt  }
0x5b: {  	_ =	shalt  }
0x5c: {  	_ =	shalt  }
0x5d: {  	_ =	shalt  }
0x5e: {  	_ =	shalt  }
0x5f: {  	_ =	shalt  }
0x60: {  	_ =	shalt  }
0x61: {  	_ =	shalt  }
0x62: {  	_ =	shalt  }
0x63: {  	_ =	shalt  }
0x64: {  	_ =	shalt  }
0x65: {  	_ =	shalt  }
0x66: {  	_ =	shalt  }
0x67: {  	_ =	shalt  }
0x68: {  	_ =	shalt  }
0x69: {  	_ =	shalt  }
0x6a: {  	_ =	shalt  }
0x6b: {  	_ =	shalt  }
0x6c: {  	_ =	shalt  }
0x6d: {  	_ =	shalt  }
0x6e: {  	_ =	shalt  }
0x6f: {  	_ =	shalt  }
0x70: {  	_ =	shalt  }
0x71: {  	_ =	shalt  }
0x72: {  	_ =	shalt  }
0x73: {  	_ =	shalt  }
0x74: {  	_ =	shalt  }
0x75: {  	_ =	shalt  }
0x76: {  	_ =	shalt  }
0x77: {  	_ =	shalt  }
0x78: {  	_ =	shalt  }
0x79: {  	_ =	shalt  }
0x7a: {  	_ =	shalt  }
0x7b: {  	_ =	shalt  }
0x7c: {  	_ =	shalt  }
0x7d: {  	_ =	shalt  }
0x7e: {  	_ =	shalt  }
0x7f: {  	_ =	shalt  }
0x80: {  	_ =	shalt  }
0x81: {  	_ =	shalt  }
0x82: {  	_ =	shalt  }
0x83: {  	_ =	shalt  }
0x84: {  	_ =	shalt  }
0x85: {  	_ =	shalt  }
0x86: {  	_ =	shalt  }
0x87: {  	_ =	shalt  }
.Lfunc_end0:
.L_simem_size_0:
called_computation.1_lowered:
.L_overlay_start_0:
0x88: {  	s2 =	sld [smem:$0x3FD9]  }
0x89: {  	s3 =	sld [smem:$0x3FFE];
	_ =	sdelay $0x1  }
0x8a: {  	s1 =	srdreg.scid  }
0x8b: {  	s0 =	sand.u32 $0x1, s1  }
0x8c: {  	s17 =	sshll.u32 s0, $0xA;
	s2 =	sadd.s32 s3, s2  }
0x8d: {  	s2 =	sadd.s32 s2, s17  }
0x8e: {  	[smem:$0x3FB8] =	sst s2  }
0x8f: {  	_ = 	snop  }
0x90: {  	(tm) =	ssettm $0x1  }
0x91: {  	s18 =	sld [smem:$0x3FFB];
	_ =	sdelay $0x3  }
0x92: {  	_ =	strace s18  }
0x93: {  	s2 =	sld [smem:$0x3FFC];
	_ =	sdelay $0x3  }
0x94: {  	_ =	strace s2  }
0x95: {  	s2 =	sld [smem:$0x3FFD];
	_ =	sdelay $0x3  }
0x96: {  	_ =	strace s2  }
0x97: {  	_ =	strace $0x8FFFFFFF  }
0x98: {  	s19 =	sld [smem:$0x3FDB];
	_ =	sdelay $0x1  }
0x99: {  	s20 =	simm.s32 $_scs_section_size  }
0x9a: {  	s4 =	simm.s32 $_size__tile_overlayer_lowered;
	s5 =	simm.s32 $_tile_overlayer_lowered  }
0x9b: {  	s6 =	simm.s32 $0x1BFF;
	s21 =	sshll.u32 s5, $0x1;
	s3 =	sadd.s32 s20, s19  }
0x9c: {  	s22 =	simm.s32 $0x0;
	s4 =	sshll.u32 s4, $0x1;
	s5 =	sadd.s32 s21, s3  }
0x9d: {  	[timem:s22], [sflag:s6] =	dma.local [hbm:s5], s4  }
0x9e: {  	_ =	swait.ge [sflag:s6], s4  }
0x9f: {  	s4 =	ssub.s32 $0x0, s4;
	[sflag:s6] =	ssyncset.done $0x0  }
0xa0: {  	[sflag:s6] =	ssyncadd.s32 s4;
	_ =	sdelay $0x1  }
0xa1: {  	s23 =	simm.s32 $0x1B8B  }
0xa2: {  	_ =	swait.ge [sflag:s23], $0x1  }
0xa3: {  	[sflag:s23] =	ssyncset.done $0x0  }
0xa4: {  	[sflag:s23] =	ssyncadd.s32 $0xFFFFFFFF  }
0xa5: {  	s4 =	sld [smem:$0x0]  }
0xa6: {  	s5 =	sand.u32 $0xFFFFFFFE, s1  }
0xa7: {  	p0 =	sne.s32 s1, s5  }
0xa8: {  	s5 =	sshll.u32 @p0 s5, $0xE  }
0xa9: {  	s5 =	sadd.s32 @p0 $0x11B8D, s5;
	s6 =	sshll.u32 @p0 s4, $0x11  }
0xaa: {  	s5 =	sor.u32 @p0 s6, s5  }
0xab: {  	[sflag:s5] =	ssyncadd.remote.s32 @p0 $0x1;
	_ =	sdelay $0x1  }
0xac: {  	s5 =	simm.s32 @p0 $0x1B8D  }
0xad: {  	_ =	swait.eq @p0 [sflag:s5], $0x1  }
0xae: {  	[sflag:s5] =	ssyncadd.s32 @p0 $0xFFFFFFFF  }
0xaf: {  	s6 =	sshll.u32 @!p0 s1, $0xE  }
0xb0: {  	s6 =	sor.u32 @!p0 $0x4000, s6;
	s5 =	simm.s32 @!p0 $0x1B8D  }
0xb1: {  	s4 =	sshll.u32 @!p0 s4, $0x11;
	s6 =	sadd.s32 @!p0 $0x11B8D, s6;
	_ =	swait.eq @!p0 [sflag:s5], $0x1  }
0xb2: {  	s4 =	sor.u32 @!p0 s4, s6;
	[sflag:s5] =	ssyncadd.s32 @!p0 $0xFFFFFFFF  }
0xb3: {  	s25 =	simm.s32 $0x1B8E;
	s24 =	sld [smem:$0x3FFE];
	[sflag:s4] =	ssyncadd.remote.s32 @!p0 $0x1  }
0xb4: {  	s26 =	simm.s32 $execute0_lowered;
	[smem:$0x3FD2] =	sst s25  }
0xb5: {  	s5 =	sshll.u32 s26, $0x1;
	_ =	strace $0x80000049;
	[dreg:$0x1] =	wrdreg $0xFFFFFFFF  }
0xb6: {  	s28 =	simm.s32 $_size_execute0_lowered;
	s3 =	sadd.s32 s3, s5;
	[dreg:$0x0] =	wrdreg $0x0  }
0xb7: {  	s5 =	sshll.u32 s28, $0x1;
	[dreg:$0x2] =	wrdreg s3  }
0xb8: {  	[dreg:$0x3] =	wrdreg s5  }
0xb9: {  	[dreg:$0x4] =	wrdreg $0xC0  }
0xba: {  	_ =	task [dreg:s22], $0x5FFFF  }
0xbb: {  	[dreg:$0x1] =	wrdreg $0xFFFFFFFF  }
0xbc: {  	[dreg:$0x0] =	wrdreg $0x60  }
0xbd: {  	[dreg:$0x2] =	wrdreg s24  }
0xbe: {  	[dreg:$0x3] =	wrdreg $0x28000  }
0xbf: {  	[dreg:$0x4] =	wrdreg $0xA  }
0xc0: {  	_ =	task.clear_ibuf [dreg:s22], $0x5FFFF;
	_ =	strace $0x90000049  }
0xc1: {  	s29 =	simm.s32 $0xA;
	_ =	strace $0x8000004B  }
0xc2: {  	_ =	swait.ge [sflag:s29], $0x1  }
0xc3: {  	[sflag:s29] =	ssyncadd.s32 $0xFFFFFFFF  }
0xc4: {  	_ =	strace $0x9000004B  }
0xc5: {  	_ =	sfence  }
0xc6: {  	s30 =	sld [smem:$0x0];
	_ =	sdelay $0x2  }
0xc7: {  	s31 =	sshll.u32 s1, $0xD;
	s1 =	sshrl.u32 s1, $0x2  }
0xc8: {  	s4 =	sand.u32 $0x4000, s31;
	s1 =	sadd.s32 s1, s30  }
0xc9: {  	s0 =	sor.u32 s4, s0;
	s1 =	sshll.u32 s1, $0x11  }
0xca: {  	s0 =	sor.u32 s1, s0  }
0xcb: {  	s0 =	sadd.s32 $0x8F2B, s0  }
0xcc: {  	[sflag:s0] =	ssyncadd.remote.s32 $0x1  }
0xcd: {  	_ =	sfence.sel $0xFFFF  }
0xce: {  	[dreg:$0x0] =	wrdreg $0xFFFFFFFF;
	(pc) =	sbr.abs _section_cstart, $3  }
0xcf: {  	[dreg:$0x1] =	wrdreg $0xFFFFFFFF  }
0xd0: {  	_ =	task.clear_ibuf [dreg:s22], $0x2FFFF;
	_ =	strace $0x9FFFFFFF  }
0xd1: {  	(tm) =	ssettm $0x7FFFFFFF  }
tec
execute0_lowered:
.L_overlay_start_1:
0x0: {  	(tag) =	ssettag $0x1  }
0x1: {  	s12 =	stileid.u32;
	s1 =	rddreg [dreg:$0x0]  }
0x2: {  	s0 =	srdreg.scid;
	s2 =	rddreg [dreg:$0x1];
	s16 =	simm.s32 $0x20  }
0x3: {  	s17 =	simm.s32 $0x16800;
	s18 =	simm.s32 $0x17800;
	s20 =	simm.s32 $0x18800  }
0x4: {  	s28 =	simm.s32 $0x5;
	s29 =	simm.s32 $0x6;
	s6 =	smul.u32 $0x2800, s12  }
0x5: {  	s30 =	simm.s32 $0x7;
	s0 =	sand.u32 $0x1, s0;
	s11 =	smul.u32 $0x50000, s12  }
0x6: {  	s3 =	sshll.u32 s12, $0x1;
	s24 =	sshll.u32 s12, $0x6;
	s12 =	smul.u32 $0x280000, s12  }
0x7: {  	s31 =	simm.s32 $0x8;
	s5 =	sor.u32 s0, s3;
	s13 =	smul.u32 $0x140000, s0  }
0x8: {  	s3 =	simm.s32 $0x0;
	s21 =	ssub.s32 $0x2, s0;
	s0 =	smul.u32 $0x28000, s0  }
0x9: {  	s25 =	sor.u32 $0x1C09, s24;
	s24 =	simm.s32 $0x2;
	s4 =	smul.u32 $0x2800, s5  }
0xa: {  	[smem:$0x7FF] =	sst s3;
	s6 =	sadd.s32 s6, s1;
	s22 =	smul.u32 $0x140000, s5  }
0xb: {  	s8 =	sshrl.u32 s21, $0x1;
	s9 =	sshrl.u32 s11, $0x2;
	s10 =	smul.u32 $0x28000, s5  }
0xc: {  	_ =	strace $0x8000004A;
	s8 =	ssub.s32 s21, s8;
	s14 =	sadd.s32 s9, s2  }
0xd: {  	s23 =	sadd.s32 $0x571C00, s6;
	[dreg:$0x4] =	wrdreg s25;
	s12 =	sadd.s32 s13, s12  }
0xe: {  	s25 =	simm.s32 $0x3;
	s4 =	sshrl.u32 s4, $0x3;
	[dreg:$0x3] =	wrdreg s23  }
0xf: {  	s9 =	sshrl.u32 s22, $0x3;
	s12 =	sshrl.u32 s12, $0x3;
	s14 =	sshrl.u32 s14, $0x3  }
0x10: {  	s22 =	simm.s32 $0x19800;
	s7 =	sadd.s32 s4, s1;
	s1 =	sadd.s32 $0x5E9C00, s1  }
0x11: {  	s23 =	simm.s32 $0x1;
	s6 =	sadd.s32 $0x5F000, s7;
	s9 =	sadd.s32 s1, s9  }
0x12: {  	s7 =	smax.u32 s8, $0x1;
	s15 =	sadd.s32 s1, s10;
	s26 =	sadd.s32 s11, s1  }
0x13: {  	s12 =	sadd.s32 s12, s1;
	s1 =	simm.s32 $0x0;
	s8 =	sadd.s32 $0x27800, s9  }
0x14: {  	s9 =	sadd.s32 $0x27A00, s15;
	s10 =	sadd.s32 $0x27C00, s15;
	s11 =	sadd.s32 $0x27E00, s15  }
0x15: {  	s13 =	sadd.s32 s0, s26;
	s15 =	simm.s32 $0x9;
	s26 =	simm.s32 $0x4  }
.LBB2_1:
0x16: {  	s0 =	rddreg [dreg:$0x3]  }
0x17: {  	s4 =	rddreg [dreg:$0x4]  }
0x18: {  	[spmem:s14], [sflag:s4] =	dma.local [hbm:s0], $0x2800  }
0x19: {  	_ =	swait.ge [sflag:s15], $0x2800  }
0x1a: {  	[sflag:s15] =	ssyncset.done $0x0  }
0x1b: {  	[sflag:s15] =	ssyncadd.s32 $0xFFFFD800  }
0x1c: {  	[tilespmem:s3], [sflag:$0x9] =	stream.linear.gather [hbm4b:s6+s3], $0x2800, $0x38;
	[tilespmem:$0x1A800] =	vst v63  }
0x1d: {  	_ =	swait.ge [sflag:s15], $0x2800  }
0x1e: {  	[sflag:s15] =	ssyncset.done $0x0  }
0x1f: {  	[sflag:s15] =	ssyncadd.s32 $0xFFFFD800  }
0x20: {  	[bflag:$0x0] =	sbarrier.arrive $0xFFFF  }
0x21: {  	[tilespmem:s17], [sflag:$0x1] =	stream.indirect.gather [spmem:s2], $0x80, s3, s16, $0xb8;
	[tilespmem:$0x1A800] =	vst v63  }
0x22: {  	_ = 	snop  }
0x23: {  	[tilespmem:s18], [sflag:$0x2] =	stream.indirect.gather [spmem:s2], $0x80, s16, s16, $0xb8;
	[tilespmem:$0x1A800] =	vst v63  }
0x24: {  	s4 =	simm.s32 $0x40  }
0x25: {  	[tilespmem:s20], [sflag:$0x3] =	stream.indirect.gather [spmem:s2], $0x80, s4, s16, $0xb8;
	[tilespmem:$0x1A800] =	vst v63  }
0x26: {  	s5 =	simm.s32 $0x60  }
0x27: {  	[tilespmem:s22], [sflag:$0x4] =	stream.indirect.gather [spmem:s2], $0x80, s5, s16, $0xb8;
	[tilespmem:$0x1A800] =	vst v63  }
0x28: {  	_ =	swait.ge [sflag:s23], $0x1000  }
0x29: {  	[sflag:s23] =	ssyncset.done $0x0  }
0x2a: {  	s19 =	sadd.s32 $0x0, s12;
	[sflag:s23] =	ssyncadd.s32 $0xFFFFF000  }
0x2b: {  	[hbm4b:s19+s3] =	stream.linear.scatter [tilespmem:s17], [sflag:$0x5], $0x1000, $0x38;
	[tilespmem:$0x1A800] =	vst v63  }
0x2c: {  	_ =	swait.ge [sflag:s24], $0x1000  }
0x2d: {  	s21 =	sadd.s32 $0x0, s13;
	[sflag:s24] =	ssyncset.done $0x0  }
0x2e: {  	s19 =	sadd.s32 $0x200, s21;
	[sflag:s24] =	ssyncadd.s32 $0xFFFFF000  }
0x2f: {  	[hbm4b:s19+s3] =	stream.linear.scatter [tilespmem:s18], [sflag:$0x6], $0x1000, $0x38;
	[tilespmem:$0x1A800] =	vst v63  }
0x30: {  	_ =	swait.ge [sflag:s25], $0x1000  }
0x31: {  	[sflag:s25] =	ssyncset.done $0x0  }
0x32: {  	s4 =	sadd.s32 $0x400, s21;
	[sflag:s25] =	ssyncadd.s32 $0xFFFFF000  }
0x33: {  	[hbm4b:s4+s3] =	stream.linear.scatter [tilespmem:s20], [sflag:$0x7], $0x1000, $0x38;
	[tilespmem:$0x1A800] =	vst v63  }
0x34: {  	_ =	swait.ge [sflag:s26], $0x1000  }
0x35: {  	[sflag:s26] =	ssyncset.done $0x0  }
0x36: {  	s0 =	sadd.s32 $0x600, s21;
	[sflag:s26] =	ssyncadd.s32 $0xFFFFF000  }
0x37: {  	[hbm4b:s0+s3] =	stream.linear.scatter [tilespmem:s22], [sflag:$0x8], $0x1000, $0x38;
	[tilespmem:$0x1A800] =	vst v63  }
0x38: {  	_ =	swait.ge [sflag:s28], $0x1000  }
0x39: {  	[sflag:s28] =	ssyncset.done $0x0  }
0x3a: {  	s5 =	simm.s32 $0x80;
	[sflag:s28] =	ssyncadd.s32 $0xFFFFF000  }
0x3b: {  	[tilespmem:s17], [sflag:$0x1] =	stream.indirect.gather [spmem:s2], $0x80, s5, s16, $0xb8;
	[tilespmem:$0x1A800] =	vst v63  }
0x3c: {  	_ =	swait.ge [sflag:s29], $0x1000  }
0x3d: {  	[sflag:s29] =	ssyncset.done $0x0  }
0x3e: {  	s19 =	simm.s32 $0xA0;
	[sflag:s29] =	ssyncadd.s32 $0xFFFFF000  }
0x3f: {  	[tilespmem:s18], [sflag:$0x2] =	stream.indirect.gather [spmem:s2], $0x80, s19, s16, $0xb8;
	[tilespmem:$0x1A800] =	vst v63  }
0x40: {  	_ =	swait.ge [sflag:s30], $0x1000  }
0x41: {  	[sflag:s30] =	ssyncset.done $0x0  }
0x42: {  	s21 =	simm.s32 $0xC0;
	[sflag:s30] =	ssyncadd.s32 $0xFFFFF000  }
0x43: {  	[tilespmem:s20], [sflag:$0x3] =	stream.indirect.gather [spmem:s2], $0x80, s21, s16, $0xb8;
	[tilespmem:$0x1A800] =	vst v63  }
0x44: {  	_ =	swait.ge [sflag:s31], $0x1000  }
0x45: {  	s0 =	simm.s32 $0xE0;
	[sflag:s31] =	ssyncset.done $0x0  }
0x46: {  	s19 =	simm.s32 $0x800;
	s21 =	simm.s32 $0x160;
	[sflag:s31] =	ssyncadd.s32 $0xFFFFF000  }
.LBB2_2:
0x47: {  	[tilespmem:s22], [sflag:$0x4] =	stream.indirect.gather [spmem:s2], $0x80, s0, s16, $0xb8;
	[tilespmem:$0x1A800] =	vst v63  }
0x48: {  	s4 =	smov.u32 s19;
	s0 =	smov.u32 s21  }
0x49: {  	p0 =	sne.s32 s19, $0x27000;
	s19 =	sadd.s32 $0x800, s19;
	_ =	swait.ge [sflag:s23], $0x1000  }
0x4a: {  	[sflag:s23] =	ssyncset.done $0x0  }
0x4b: {  	s5 =	sadd.s32 s4, s12;
	[sflag:s23] =	ssyncadd.s32 $0xFFFFF000  }
0x4c: {  	[hbm4b:s5+s3] =	stream.linear.scatter [tilespmem:s17], [sflag:$0x5], $0x1000, $0x38;
	[tilespmem:$0x1A800] =	vst v63  }
0x4d: {  	_ =	swait.ge [sflag:s24], $0x1000  }
0x4e: {  	s4 =	sadd.s32 s4, s13;
	[sflag:s24] =	ssyncset.done $0x0  }
0x4f: {  	s5 =	sadd.s32 $0x200, s4;
	[sflag:s24] =	ssyncadd.s32 $0xFFFFF000  }
0x50: {  	[hbm4b:s5+s3] =	stream.linear.scatter [tilespmem:s18], [sflag:$0x6], $0x1000, $0x38;
	[tilespmem:$0x1A800] =	vst v63  }
0x51: {  	_ =	swait.ge [sflag:s25], $0x1000  }
0x52: {  	[sflag:s25] =	ssyncset.done $0x0  }
0x53: {  	s5 =	sadd.s32 $0x400, s4;
	[sflag:s25] =	ssyncadd.s32 $0xFFFFF000  }
0x54: {  	[hbm4b:s5+s3] =	stream.linear.scatter [tilespmem:s20], [sflag:$0x7], $0x1000, $0x38;
	[tilespmem:$0x1A800] =	vst v63  }
0x55: {  	_ =	swait.ge [sflag:s26], $0x1000  }
0x56: {  	[sflag:s26] =	ssyncset.done $0x0  }
0x57: {  	s4 =	sadd.s32 $0x600, s4;
	[sflag:s26] =	ssyncadd.s32 $0xFFFFF000  }
0x58: {  	[hbm4b:s4+s3] =	stream.linear.scatter [tilespmem:s22], [sflag:$0x8], $0x1000, $0x38;
	[tilespmem:$0x1A800] =	vst v63  }
0x59: {  	_ =	swait.ge [sflag:s28], $0x1000  }
0x5a: {  	[sflag:s28] =	ssyncset.done $0x0  }
0x5b: {  	s4 =	sadd.s32 $0xFFFFFFA0, s21;
	[sflag:s28] =	ssyncadd.s32 $0xFFFFF000  }
0x5c: {  	[tilespmem:s17], [sflag:$0x1] =	stream.indirect.gather [spmem:s2], $0x80, s4, s16, $0xb8;
	[tilespmem:$0x1A800] =	vst v63  }
0x5d: {  	_ =	swait.ge [sflag:s29], $0x1000  }
0x5e: {  	[sflag:s29] =	ssyncset.done $0x0  }
0x5f: {  	s4 =	sadd.s32 $0xFFFFFFC0, s21;
	[sflag:s29] =	ssyncadd.s32 $0xFFFFF000  }
0x60: {  	[tilespmem:s18], [sflag:$0x2] =	stream.indirect.gather [spmem:s2], $0x80, s4, s16, $0xb8;
	[tilespmem:$0x1A800] =	vst v63  }
0x61: {  	_ =	swait.ge [sflag:s30], $0x1000  }
0x62: {  	[sflag:s30] =	ssyncset.done $0x0  }
.Ltmp0:
0x63: {  	s4 =	sadd.s32 $0xFFFFFFE0, s21;
	[sflag:s30] =	ssyncadd.s32 $0xFFFFF000;
	(pc) =	sbr.rel @p0 .LBB2_2-.Ltmp0, $4  }
0x64: {  	[tilespmem:s20], [sflag:$0x3] =	stream.indirect.gather [spmem:s2], $0x80, s4, s16, $0xb8;
	[tilespmem:$0x1A800] =	vst v63  }
0x65: {  	_ =	swait.ge [sflag:s31], $0x1000  }
0x66: {  	[sflag:s31] =	ssyncset.done $0x0  }
0x67: {  	s21 =	sadd.s32 $0x80, s21;
	[sflag:s31] =	ssyncadd.s32 $0xFFFFF000  }
0x68: {  	[tilespmem:s22], [sflag:$0x4] =	stream.indirect.gather [spmem:s2], $0x80, s0, s16, $0xb8;
	[tilespmem:$0x1A800] =	vst v63  }
0x69: {  	_ =	swait.ge [sflag:s23], $0x1000  }
0x6a: {  	[sflag:s23] =	ssyncset.done $0x0  }
0x6b: {  	[sflag:s23] =	ssyncadd.s32 $0xFFFFF000  }
0x6c: {  	[hbm4b:s8+s3] =	stream.linear.scatter [tilespmem:s17], [sflag:$0x5], $0x1000, $0x38;
	[tilespmem:$0x1A800] =	vst v63  }
0x6d: {  	_ =	swait.ge [sflag:s24], $0x1000  }
0x6e: {  	[sflag:s24] =	ssyncset.done $0x0  }
0x6f: {  	[sflag:s24] =	ssyncadd.s32 $0xFFFFF000  }
0x70: {  	[hbm4b:s9+s3] =	stream.linear.scatter [tilespmem:s18], [sflag:$0x6], $0x1000, $0x38;
	[tilespmem:$0x1A800] =	vst v63  }
0x71: {  	_ =	swait.ge [sflag:s25], $0x1000  }
0x72: {  	[sflag:s25] =	ssyncset.done $0x0  }
0x73: {  	[sflag:s25] =	ssyncadd.s32 $0xFFFFF000  }
0x74: {  	[hbm4b:s10+s3] =	stream.linear.scatter [tilespmem:s20], [sflag:$0x7], $0x1000, $0x38;
	[tilespmem:$0x1A800] =	vst v63  }
0x75: {  	_ =	swait.ge [sflag:s26], $0x1000  }
0x76: {  	[sflag:s26] =	ssyncset.done $0x0  }
0x77: {  	[sflag:s26] =	ssyncadd.s32 $0xFFFFF000  }
0x78: {  	[hbm4b:s11+s3] =	stream.linear.scatter [tilespmem:s22], [sflag:$0x8], $0x1000, $0x38;
	[tilespmem:$0x1A800] =	vst v63  }
0x79: {  	_ =	swait.ge [sflag:s28], $0x1000  }
0x7a: {  	[sflag:s28] =	ssyncset.done $0x0  }
0x7b: {  	[sflag:s28] =	ssyncadd.s32 $0xFFFFF000  }
0x7c: {  	_ =	swait.ge [sflag:s29], $0x1000  }
0x7d: {  	[sflag:s29] =	ssyncset.done $0x0  }
0x7e: {  	s1 =	sadd.s32 $0x1, s1;
	[sflag:s29] =	ssyncadd.s32 $0xFFFFF000  }
0x7f: {  	p0 =	sne.s32 s1, s7;
	_ =	swait.ge [sflag:s30], $0x1000  }
.Ltmp1:
0x80: {  	[sflag:s30] =	ssyncset.done $0x0;
	(pc) =	sbr.rel @p0 .LBB2_1-.Ltmp1, $4  }
0x81: {  	[sflag:s30] =	ssyncadd.s32 $0xFFFFF000  }
0x82: {  	_ =	swait.ge [sflag:s31], $0x1000  }
0x83: {  	[sflag:s31] =	ssyncset.done $0x0  }
0x84: {  	[sflag:s31] =	ssyncadd.s32 $0xFFFFF000  }
0x85: {  	_ =	sfence.sel $0x180000  }
0x86: {  	[bflag:$0x0] =	sbarrier.arrive $0xFFFF  }
0x87: {  	_ =	strace $0x9000004A  }
0x88: {  	s0 =	stileid.u32;
	[bflag:$0x2] =	sbarrier.arrive $0xFFFF  }
0x89: {  	p0 =	sne.s32 s0, $0x0;
	s0 =	rddreg [dreg:$0x2]  }
0x8a: {  	s0 =	sadd.s32 @!p0 $0x100000, s0  }
0x8b: {  	[sflag:s0] =	ssyncadd.tile.s32 @!p0 $0x1;
	_ =	shalt  }
.Lfunc_end2:
_tile_overlayer_lowered:
.L_overlay_start_2:
0x8c: {  	(tag) =	ssettag $0x2  }
0x8d: {  	s0 =	rddreg [dreg:$0x0];
	s2 =	stileid.u32  }
0x8e: {  	s1 =	rddreg [dreg:$0x1];
	p0 =	sne.s32 s2, $0x0  }
0x8f: {  	s3 =	rddreg [dreg:$0x2];
	[bflag:$0x3] =	sbarrier.arrive $0xFFFF;
	s2 =	simm.s32 @!p0 $0x1C09  }
0x90: {  	[timem:s3], [sflag:s2] =	dma.local @!p0 [hbm:s0], s1  }
0x91: {  	s0 =	simm.s32 @!p0 $0x9  }
0x92: {  	_ =	swait.ge @!p0 [sflag:s0], s1  }
0x93: {  	s1 =	ssub.s32 @!p0 $0x0, s1;
	[sflag:s0] =	ssyncset.done @!p0 $0x0  }
0x94: {  	[sflag:s0] =	ssyncadd.s32 @!p0 s1  }
0x95: {  	[bflag:$0x3] =	sbarrier.arrive $0xFFFF  }
0x96: {  	_ =	shalt  }

// kernel: kernel.25.cloned.1.call-start
scs
__scs_entry_jumppad:
0x0: {  	(pc) =	sbr.rel $0x88, $3  }
0x1: {  	(tag) =	ssettag $0x0;
	lr =	simm.s32 $0x1  }
0x2: {  	[smem:$0x3F91] =	sst lr;
	_ =	strace $0xD0000000  }
0x3: {  	_ = 	snop  }
0x4: {  	_ = 	snop  }
0x5: {  	_ = 	snop  }
0x6: {  	_ = 	snop  }
0x7: {  	_ = 	snop  }
__scs_overlays_trampoline_lowered:
0x8: {  	[smem:$0x3FA0] =	sst s0  }
0x9: {  	[smem:$0x3FA1] =	sst s1  }
0xa: {  	[smem:$0x3FA2] =	sst s2  }
0xb: {  	[smem:$0x3FA3] =	sst s3  }
0xc: {  	[smem:$0x3FA4] =	sst s4  }
0xd: {  	[smem:$0x3FA5] =	sst s5  }
0xe: {  	[smem:$0x3FA6] =	sst s6  }
0xf: {  	[smem:$0x3FA7] =	sst s7  }
0x10: {  	[smem:$0x3FA8] =	sst s8  }
0x11: {  	[smem:$0x3FA9] =	sst s9;
	s0 =	simm.s32 @!p0 $0x0  }
0x12: {  	s1 =	sld [smem:$0x3F8F];
	s0 =	simm.s32 @p0 $0x1  }
0x13: {  	[smem:$0x3FAA] =	sst s0;
	s0 =	simm.s32 @!p1 $0x0  }
0x14: {  	s2 =	sld [smem:$0x3F8E];
	s0 =	simm.s32 @p1 $0x1  }
0x15: {  	[smem:$0x3FAB] =	sst s0;
	s0 =	simm.s32 @!p2 $0x0  }
0x16: {  	s3 =	sld [smem:$0x3FDB];
	s0 =	simm.s32 @p2 $0x1  }
0x17: {  	s4 =	simm.s32 $0x1BF5;
	[smem:$0x3FAD] =	sst s0  }
0x18: {  	s0 =	sld [smem:$0x3F90];
	_ =	swait.ge [sflag:s4], $0x0  }
0x19: {  	s7 =	sld [smem:$0x3F91]  }
0x1a: {  	s8 =	sadd.s32 $0xFFFFE003, lr  }
0x1b: {  	s9 =	sadd.s32 $0xFFFFFEF7, lr;
	s5 =	simm.s32 $0xFFFFFFFF;
	p2 =	slt.u32 s8, $0xFFFFF086  }
0x1c: {  	p1 =	slt.u32 s9, $0xF7A;
	s5 =	simm.s32 @!p2 $0x0  }
0x1d: {  	s5 =	simm.s32 @p1 $0x1;
	p0 =	seq.s32 s7, s2  }
0x1e: {  	s7 =	smul.u32 @!p0 $0xF7A, s2;
	p2 =	seq.s32 @!p0 s5, $0x0  }
0x1f: {  	s9 =	smul.u32 $0xF7A, s1;
	s8 =	simm.s32 @!p0 $0x1BF5;
	p2 =	por !p2, p0  }
0x20: {  	[sflag:s8] =	ssyncset.s32 @!p0 $0xFFFFF086;
	s6 =	sadd.s32 @!p0 s3, s7;
	s7 =	simm.s32 @!p0 $0x108  }
0x21: {  	s3 =	sadd.s32 s3, s9;
	s6 =	sadd.s32 @!p0 $0x88, s6;
	s7 =	simm.s32 @p2 $0x1082  }
0x22: {  	[simem:s7], [sflag:s8] =	dma.local @!p0 [hbm:s6], $0xF7A  }
0x23: {  	s9 =	sor.u32 $0xD0000000, s2;
	s6 =	simm.s32 $0x108;
	_ =	swait.ge @!p0 [sflag:s8], $0x0  }
0x24: {  	s3 =	sadd.s32 $0x88, s3;
	s6 =	simm.s32 @!p1 $0x1082;
	[sflag:s4] =	ssyncset.s32 $0xFFFFF086  }
0x25: {  	[simem:s6], [sflag:s4] =	dma.local [hbm:s3], $0xF7A  }
0x26: {  	[smem:$0x3F91] =	sst s1;
	(tag) =	ssettag s2;
	_ =	strace s9  }
0x27: {  	s1 =	sld [smem:$0x3FA1]  }
0x28: {  	s2 =	sld [smem:$0x3FA2]  }
0x29: {  	s4 =	sld [smem:$0x3FA4]  }
0x2a: {  	p0 =	seq.s32 s5, $0x0;
	s5 =	sld [smem:$0x3FA5]  }
0x2b: {  	s6 =	sld [smem:$0x3FA6]  }
0x2c: {  	s7 =	sld [smem:$0x3FA7]  }
0x2d: {  	s3 =	simm.s32 $0x108;
	s8 =	sld [smem:$0x3FA8]  }
0x2e: {  	s3 =	simm.s32 @!p0 $0x1082;
	s9 =	sld [smem:$0x3FA9]  }
0x2f: {  	lr =	sadd.s32 s0, s3;
	s0 =	sld [smem:$0x3FA0]  }
0x30: {  	s3 =	sld [smem:$0x3FA3]  }
0x31: {  	[smem:$0x3FAC] =	sst s10  }
0x32: {  	s10 =	sld [smem:$0x3FAA];
	_ =	sdelay $0x3  }
0x33: {  	p0 =	seq.s32 s10, $0x1;
	s10 =	sld [smem:$0x3FAC];
	_ =	sdelay $0x3  }
0x34: {  	[smem:$0x3FAC] =	sst s10  }
0x35: {  	s10 =	sld [smem:$0x3FAB];
	_ =	sdelay $0x3  }
0x36: {  	p1 =	seq.s32 s10, $0x1;
	s10 =	sld [smem:$0x3FAC];
	_ =	sdelay $0x3  }
0x37: {  	[smem:$0x3FAC] =	sst s10  }
0x38: {  	s10 =	sld [smem:$0x3FAD]  }
0x39: {  	_ = 	snop;
	(pc) =	sbr.ind lr, $3  }
0x3a: {  	_ = 	snop  }
0x3b: {  	_ = 	snop  }
0x3c: {  	p2 =	seq.s32 s10, $0x1;
	s10 =	sld [smem:$0x3FAC]  }
0x3d: {  	_ =	shalt  }
0x3e: {  	_ =	shalt  }
0x3f: {  	_ =	shalt  }
0x40: {  	_ =	shalt  }
0x41: {  	_ =	shalt  }
0x42: {  	_ =	shalt  }
0x43: {  	_ =	shalt  }
0x44: {  	_ =	shalt  }
0x45: {  	_ =	shalt  }
0x46: {  	_ =	shalt  }
0x47: {  	_ =	shalt  }
0x48: {  	_ =	shalt  }
0x49: {  	_ =	shalt  }
0x4a: {  	_ =	shalt  }
0x4b: {  	_ =	shalt  }
0x4c: {  	_ =	shalt  }
0x4d: {  	_ =	shalt  }
0x4e: {  	_ =	shalt  }
0x4f: {  	_ =	shalt  }
0x50: {  	_ =	shalt  }
0x51: {  	_ =	shalt  }
0x52: {  	_ =	shalt  }
0x53: {  	_ =	shalt  }
0x54: {  	_ =	shalt  }
0x55: {  	_ =	shalt  }
0x56: {  	_ =	shalt  }
0x57: {  	_ =	shalt  }
0x58: {  	_ =	shalt  }
0x59: {  	_ =	shalt  }
0x5a: {  	_ =	shalt  }
0x5b: {  	_ =	shalt  }
0x5c: {  	_ =	shalt  }
0x5d: {  	_ =	shalt  }
0x5e: {  	_ =	shalt  }
0x5f: {  	_ =	shalt  }
0x60: {  	_ =	shalt  }
0x61: {  	_ =	shalt  }
0x62: {  	_ =	shalt  }
0x63: {  	_ =	shalt  }
0x64: {  	_ =	shalt  }
0x65: {  	_ =	shalt  }
0x66: {  	_ =	shalt  }
0x67: {  	_ =	shalt  }
0x68: {  	_ =	shalt  }
0x69: {  	_ =	shalt  }
0x6a: {  	_ =	shalt  }
0x6b: {  	_ =	shalt  }
0x6c: {  	_ =	shalt  }
0x6d: {  	_ =	shalt  }
0x6e: {  	_ =	shalt  }
0x6f: {  	_ =	shalt  }
0x70: {  	_ =	shalt  }
0x71: {  	_ =	shalt  }
0x72: {  	_ =	shalt  }
0x73: {  	_ =	shalt  }
0x74: {  	_ =	shalt  }
0x75: {  	_ =	shalt  }
0x76: {  	_ =	shalt  }
0x77: {  	_ =	shalt  }
0x78: {  	_ =	shalt  }
0x79: {  	_ =	shalt  }
0x7a: {  	_ =	shalt  }
0x7b: {  	_ =	shalt  }
0x7c: {  	_ =	shalt  }
0x7d: {  	_ =	shalt  }
0x7e: {  	_ =	shalt  }
0x7f: {  	_ =	shalt  }
0x80: {  	_ =	shalt  }
0x81: {  	_ =	shalt  }
0x82: {  	_ =	shalt  }
0x83: {  	_ =	shalt  }
0x84: {  	_ =	shalt  }
0x85: {  	_ =	shalt  }
0x86: {  	_ =	shalt  }
0x87: {  	_ =	shalt  }
.Lfunc_end0:
.L_simem_size_0:
called_computation.2_lowered:
.L_overlay_start_0:
0x88: {  	s2 =	sld [smem:$0x3FD9]  }
0x89: {  	s3 =	sld [smem:$0x3FFE];
	_ =	sdelay $0x1  }
0x8a: {  	s1 =	srdreg.scid  }
0x8b: {  	s0 =	sand.u32 $0x1, s1  }
0x8c: {  	s16 =	sshll.u32 s0, $0xA;
	s2 =	sadd.s32 s3, s2  }
0x8d: {  	s2 =	sadd.s32 s2, s16  }
0x8e: {  	[smem:$0x3FB8] =	sst s2  }
0x8f: {  	_ = 	snop  }
0x90: {  	(tm) =	ssettm $0x1  }
0x91: {  	s17 =	sld [smem:$0x3FFB];
	_ =	sdelay $0x3  }
0x92: {  	_ =	strace s17  }
0x93: {  	s2 =	sld [smem:$0x3FFC];
	_ =	sdelay $0x3  }
0x94: {  	_ =	strace s2  }
0x95: {  	s2 =	sld [smem:$0x3FFD];
	_ =	sdelay $0x3  }
0x96: {  	_ =	strace s2  }
0x97: {  	_ =	strace $0x8FFFFFFF  }
0x98: {  	s18 =	sld [smem:$0x3FDB];
	_ =	sdelay $0x1  }
0x99: {  	s19 =	simm.s32 $_scs_section_size  }
0x9a: {  	s4 =	simm.s32 $_size__tile_overlayer_lowered;
	s5 =	simm.s32 $_tile_overlayer_lowered  }
0x9b: {  	s22 =	simm.s32 $0x1BFF;
	s21 =	sshll.u32 s5, $0x1;
	s2 =	sadd.s32 s19, s18  }
0x9c: {  	s6 =	simm.s32 $0x0;
	s20 =	sshll.u32 s4, $0x1;
	s4 =	sadd.s32 s21, s2  }
0x9d: {  	[timem:s6], [sflag:s22] =	dma.local [hbm:s4], s20  }
0x9e: {  	_ =	swait.ge [sflag:s22], s20  }
0x9f: {  	s3 =	ssub.s32 $0x0, s20;
	[sflag:s22] =	ssyncset.done $0x0  }
0xa0: {  	[sflag:s22] =	ssyncadd.s32 s3;
	_ =	sdelay $0x1  }
0xa1: {  	s23 =	simm.s32 $0x1B8B  }
0xa2: {  	_ =	swait.ge [sflag:s23], $0x1  }
0xa3: {  	[sflag:s23] =	ssyncset.done $0x0  }
0xa4: {  	s25 =	simm.s32 $0x1B8E;
	s24 =	sld [smem:$0x3FFE];
	[sflag:s23] =	ssyncadd.s32 $0xFFFFFFFF  }
0xa5: {  	s26 =	simm.s32 $execute0_lowered;
	[smem:$0x3FD2] =	sst s25  }
0xa6: {  	s4 =	sshll.u32 s26, $0x1;
	_ =	strace $0x8000004C;
	[dreg:$0x1] =	wrdreg $0xFFFFFFFF  }
0xa7: {  	s28 =	simm.s32 $_size_execute0_lowered;
	s2 =	sadd.s32 s2, s4;
	[dreg:$0x0] =	wrdreg $0x0  }
0xa8: {  	s4 =	sshll.u32 s28, $0x1;
	[dreg:$0x2] =	wrdreg s2  }
0xa9: {  	[dreg:$0x3] =	wrdreg s4  }
0xaa: {  	[dreg:$0x4] =	wrdreg $0xC0  }
0xab: {  	_ =	task [dreg:s6], $0x5FFFF  }
0xac: {  	[dreg:$0x1] =	wrdreg $0xFFFFFFFF  }
0xad: {  	[dreg:$0x0] =	wrdreg $0x60  }
0xae: {  	[dreg:$0x2] =	wrdreg s24  }
0xaf: {  	[dreg:$0x3] =	wrdreg $0x28000  }
0xb0: {  	[dreg:$0x4] =	wrdreg $0x9  }
0xb1: {  	_ =	task.clear_ibuf [dreg:s6], $0x5FFFF;
	_ =	strace $0x9000004C  }
0xb2: {  	s29 =	simm.s32 $0x9;
	_ =	strace $0x8000004E  }
0xb3: {  	_ =	swait.ge [sflag:s29], $0x1  }
0xb4: {  	[sflag:s29] =	ssyncadd.s32 $0xFFFFFFFF  }
0xb5: {  	_ =	strace $0x9000004E  }
0xb6: {  	_ =	sfence  }
0xb7: {  	s30 =	sld [smem:$0x0];
	_ =	sdelay $0x2  }
0xb8: {  	s31 =	sshll.u32 s1, $0xD;
	s1 =	sshrl.u32 s1, $0x2  }
0xb9: {  	s3 =	sand.u32 $0x4000, s31;
	s1 =	sadd.s32 s1, s30  }
0xba: {  	s0 =	sor.u32 s3, s0;
	s1 =	sshll.u32 s1, $0x11  }
0xbb: {  	s0 =	sor.u32 s1, s0  }
0xbc: {  	s0 =	sadd.s32 $0x8F2B, s0  }
0xbd: {  	[sflag:s0] =	ssyncadd.remote.s32 $0x1  }
0xbe: {  	_ =	sfence.sel $0xFFFF  }
0xbf: {  	[dreg:$0x0] =	wrdreg $0xFFFFFFFF;
	(pc) =	sbr.abs _section_cstart, $3  }
0xc0: {  	[dreg:$0x1] =	wrdreg $0xFFFFFFFF  }
0xc1: {  	_ =	task.clear_ibuf [dreg:s6], $0x2FFFF;
	_ =	strace $0x9FFFFFFF  }
0xc2: {  	(tm) =	ssettm $0x7FFFFFFF  }
0xc3: {  	_ =	shalt  }
tec
execute0_lowered:
.L_overlay_start_1:
0x0: {  	(tag) =	ssettag $0x1  }
0x1: {  	s12 =	stileid.u32;
	s1 =	rddreg [dreg:$0x0]  }
0x2: {  	s0 =	srdreg.scid;
	s2 =	rddreg [dreg:$0x1];
	s16 =	simm.s32 $0x20  }
0x3: {  	s17 =	simm.s32 $0x16800;
	s18 =	simm.s32 $0x17800;
	s20 =	simm.s32 $0x18800  }
0x4: {  	s28 =	simm.s32 $0x5;
	s29 =	simm.s32 $0x6;
	s6 =	smul.u32 $0x2800, s12  }
0x5: {  	s30 =	simm.s32 $0x7;
	s0 =	sand.u32 $0x1, s0;
	s11 =	smul.u32 $0x50000, s12  }
0x6: {  	s3 =	sshll.u32 s12, $0x1;
	s24 =	sshll.u32 s12, $0x6;
	s12 =	smul.u32 $0x280000, s12  }
0x7: {  	s31 =	simm.s32 $0x8;
	s5 =	sor.u32 s0, s3;
	s13 =	smul.u32 $0x140000, s0  }
0x8: {  	s3 =	simm.s32 $0x0;
	s21 =	ssub.s32 $0x2, s0;
	s0 =	smul.u32 $0x28000, s0  }
0x9: {  	s25 =	sor.u32 $0x1C09, s24;
	s24 =	simm.s32 $0x2;
	s4 =	smul.u32 $0x2800, s5  }
0xa: {  	[smem:$0x7FF] =	sst s3;
	s6 =	sadd.s32 s6, s1;
	s22 =	smul.u32 $0x140000, s5  }
0xb: {  	s8 =	sshrl.u32 s21, $0x1;
	s9 =	sshrl.u32 s11, $0x2;
	s10 =	smul.u32 $0x28000, s5  }
0xc: {  	_ =	strace $0x8000004D;
	s8 =	ssub.s32 s21, s8;
	s14 =	sadd.s32 s9, s2  }
0xd: {  	s23 =	sadd.s32 $0x11400, s6;
	[dreg:$0x4] =	wrdreg s25;
	s12 =	sadd.s32 s13, s12  }
0xe: {  	s25 =	simm.s32 $0x3;
	s4 =	sshrl.u32 s4, $0x3;
	[dreg:$0x3] =	wrdreg s23  }
0xf: {  	s9 =	sshrl.u32 s22, $0x3;
	s12 =	sshrl.u32 s12, $0x3;
	s14 =	sshrl.u32 s14, $0x3  }
0x10: {  	s22 =	simm.s32 $0x19800;
	s7 =	sadd.s32 s4, s1;
	s1 =	sadd.s32 $0x571C00, s1  }
0x11: {  	s23 =	simm.s32 $0x1;
	s6 =	sadd.s32 $0x5F000, s7;
	s9 =	sadd.s32 s1, s9  }
0x12: {  	s7 =	smax.u32 s8, $0x1;
	s15 =	sadd.s32 s1, s10;
	s26 =	sadd.s32 s11, s1  }
0x13: {  	s12 =	sadd.s32 s12, s1;
	s1 =	simm.s32 $0x0;
	s8 =	sadd.s32 $0x27800, s9  }
0x14: {  	s9 =	sadd.s32 $0x27A00, s15;
	s10 =	sadd.s32 $0x27C00, s15;
	s11 =	sadd.s32 $0x27E00, s15  }
0x15: {  	s13 =	sadd.s32 s0, s26;
	s15 =	simm.s32 $0x9;
	s26 =	simm.s32 $0x4  }
.LBB2_1:
0x16: {  	s0 =	rddreg [dreg:$0x3]  }
0x17: {  	s4 =	rddreg [dreg:$0x4]  }
0x18: {  	[spmem:s14], [sflag:s4] =	dma.local [hbm:s0], $0x2800  }
0x19: {  	_ =	swait.ge [sflag:s15], $0x2800  }
0x1a: {  	[sflag:s15] =	ssyncset.done $0x0  }
0x1b: {  	[sflag:s15] =	ssyncadd.s32 $0xFFFFD800  }
0x1c: {  	[tilespmem:s3], [sflag:$0x9] =	stream.linear.gather [hbm4b:s6+s3], $0x2800, $0x38;
	[tilespmem:$0x1A800] =	vst v63  }
0x1d: {  	_ =	swait.ge [sflag:s15], $0x2800  }
0x1e: {  	[sflag:s15] =	ssyncset.done $0x0  }
0x1f: {  	[sflag:s15] =	ssyncadd.s32 $0xFFFFD800  }
0x20: {  	[bflag:$0x0] =	sbarrier.arrive $0xFFFF  }
0x21: {  	[tilespmem:s17], [sflag:$0x1] =	stream.indirect.gather [spmem:s2], $0x80, s3, s16, $0xb8;
	[tilespmem:$0x1A800] =	vst v63  }
0x22: {  	_ = 	snop  }
0x23: {  	[tilespmem:s18], [sflag:$0x2] =	stream.indirect.gather [spmem:s2], $0x80, s16, s16, $0xb8;
	[tilespmem:$0x1A800] =	vst v63  }
0x24: {  	s4 =	simm.s32 $0x40  }
0x25: {  	[tilespmem:s20], [sflag:$0x3] =	stream.indirect.gather [spmem:s2], $0x80, s4, s16, $0xb8;
	[tilespmem:$0x1A800] =	vst v63  }
0x26: {  	s5 =	simm.s32 $0x60  }
0x27: {  	[tilespmem:s22], [sflag:$0x4] =	stream.indirect.gather [spmem:s2], $0x80, s5, s16, $0xb8;
	[tilespmem:$0x1A800] =	vst v63  }
0x28: {  	_ =	swait.ge [sflag:s23], $0x1000  }
0x29: {  	[sflag:s23] =	ssyncset.done $0x0  }
0x2a: {  	s19 =	sadd.s32 $0x0, s12;
	[sflag:s23] =	ssyncadd.s32 $0xFFFFF000  }
0x2b: {  	[hbm4b:s19+s3] =	stream.linear.scatter [tilespmem:s17], [sflag:$0x5], $0x1000, $0x38;
	[tilespmem:$0x1A800] =	vst v63  }
0x2c: {  	_ =	swait.ge [sflag:s24], $0x1000  }
0x2d: {  	s21 =	sadd.s32 $0x0, s13;
	[sflag:s24] =	ssyncset.done $0x0  }
0x2e: {  	s19 =	sadd.s32 $0x200, s21;
	[sflag:s24] =	ssyncadd.s32 $0xFFFFF000  }
0x2f: {  	[hbm4b:s19+s3] =	stream.linear.scatter [tilespmem:s18], [sflag:$0x6], $0x1000, $0x38;
	[tilespmem:$0x1A800] =	vst v63  }
0x30: {  	_ =	swait.ge [sflag:s25], $0x1000  }
0x31: {  	[sflag:s25] =	ssyncset.done $0x0  }
0x32: {  	s4 =	sadd.s32 $0x400, s21;
	[sflag:s25] =	ssyncadd.s32 $0xFFFFF000  }
0x33: {  	[hbm4b:s4+s3] =	stream.linear.scatter [tilespmem:s20], [sflag:$0x7], $0x1000, $0x38;
	[tilespmem:$0x1A800] =	vst v63  }
0x34: {  	_ =	swait.ge [sflag:s26], $0x1000  }
0x35: {  	[sflag:s26] =	ssyncset.done $0x0  }
0x36: {  	s0 =	sadd.s32 $0x600, s21;
	[sflag:s26] =	ssyncadd.s32 $0xFFFFF000  }
0x37: {  	[hbm4b:s0+s3] =	stream.linear.scatter [tilespmem:s22], [sflag:$0x8], $0x1000, $0x38;
	[tilespmem:$0x1A800] =	vst v63  }
0x38: {  	_ =	swait.ge [sflag:s28], $0x1000  }
0x39: {  	[sflag:s28] =	ssyncset.done $0x0  }
0x3a: {  	s5 =	simm.s32 $0x80;
	[sflag:s28] =	ssyncadd.s32 $0xFFFFF000  }
0x3b: {  	[tilespmem:s17], [sflag:$0x1] =	stream.indirect.gather [spmem:s2], $0x80, s5, s16, $0xb8;
	[tilespmem:$0x1A800] =	vst v63  }
0x3c: {  	_ =	swait.ge [sflag:s29], $0x1000  }
0x3d: {  	[sflag:s29] =	ssyncset.done $0x0  }
0x3e: {  	s19 =	simm.s32 $0xA0;
	[sflag:s29] =	ssyncadd.s32 $0xFFFFF000  }
0x3f: {  	[tilespmem:s18], [sflag:$0x2] =	stream.indirect.gather [spmem:s2], $0x80, s19, s16, $0xb8;
	[tilespmem:$0x1A800] =	vst v63  }
0x40: {  	_ =	swait.ge [sflag:s30], $0x1000  }
0x41: {  	[sflag:s30] =	ssyncset.done $0x0  }
0x42: {  	s21 =	simm.s32 $0xC0;
	[sflag:s30] =	ssyncadd.s32 $0xFFFFF000  }
0x43: {  	[tilespmem:s20], [sflag:$0x3] =	stream.indirect.gather [spmem:s2], $0x80, s21, s16, $0xb8;
	[tilespmem:$0x1A800] =	vst v63  }
0x44: {  	_ =	swait.ge [sflag:s31], $0x1000  }
0x45: {  	s0 =	simm.s32 $0xE0;
	[sflag:s31] =	ssyncset.done $0x0  }
0x46: {  	s19 =	simm.s32 $0x800;
	s21 =	simm.s32 $0x160;
	[sflag:s31] =	ssyncadd.s32 $0xFFFFF000  }
.LBB2_2:
0x47: {  	[tilespmem:s22], [sflag:$0x4] =	stream.indirect.gather [spmem:s2], $0x80, s0, s16, $0xb8;
	[tilespmem:$0x1A800] =	vst v63  }
0x48: {  	s4 =	smov.u32 s19;
	s0 =	smov.u32 s21  }
0x49: {  	p0 =	sne.s32 s19, $0x27000;
	s19 =	sadd.s32 $0x800, s19;
	_ =	swait.ge [sflag:s23], $0x1000  }
0x4a: {  	[sflag:s23] =	ssyncset.done $0x0  }
0x4b: {  	s5 =	sadd.s32 s4, s12;
	[sflag:s23] =	ssyncadd.s32 $0xFFFFF000  }
0x4c: {  	[hbm4b:s5+s3] =	stream.linear.scatter [tilespmem:s17], [sflag:$0x5], $0x1000, $0x38;
	[tilespmem:$0x1A800] =	vst v63  }
0x4d: {  	_ =	swait.ge [sflag:s24], $0x1000  }
0x4e: {  	s4 =	sadd.s32 s4, s13;
	[sflag:s24] =	ssyncset.done $0x0  }
0x4f: {  	s5 =	sadd.s32 $0x200, s4;
	[sflag:s24] =	ssyncadd.s32 $0xFFFFF000  }
0x50: {  	[hbm4b:s5+s3] =	stream.linear.scatter [tilespmem:s18], [sflag:$0x6], $0x1000, $0x38;
	[tilespmem:$0x1A800] =	vst v63  }
0x51: {  	_ =	swait.ge [sflag:s25], $0x1000  }
0x52: {  	[sflag:s25] =	ssyncset.done $0x0  }
0x53: {  	s5 =	sadd.s32 $0x400, s4;
	[sflag:s25] =	ssyncadd.s32 $0xFFFFF000  }
0x54: {  	[hbm4b:s5+s3] =	stream.linear.scatter [tilespmem:s20], [sflag:$0x7], $0x1000, $0x38;
	[tilespmem:$0x1A800] =	vst v63  }
0x55: {  	_ =	swait.ge [sflag:s26], $0x1000  }
0x56: {  	[sflag:s26] =	ssyncset.done $0x0  }
0x57: {  	s4 =	sadd.s32 $0x600, s4;
	[sflag:s26] =	ssyncadd.s32 $0xFFFFF000  }
0x58: {  	[hbm4b:s4+s3] =	stream.linear.scatter [tilespmem:s22], [sflag:$0x8], $0x1000, $0x38;
	[tilespmem:$0x1A800] =	vst v63  }
0x59: {  	_ =	swait.ge [sflag:s28], $0x1000  }
0x5a: {  	[sflag:s28] =	ssyncset.done $0x0  }
0x5b: {  	s4 =	sadd.s32 $0xFFFFFFA0, s21;
	[sflag:s28] =	ssyncadd.s32 $0xFFFFF000  }
0x5c: {  	[tilespmem:s17], [sflag:$0x1] =	stream.indirect.gather [spmem:s2], $0x80, s4, s16, $0xb8;
	[tilespmem:$0x1A800] =	vst v63  }
0x5d: {  	_ =	swait.ge [sflag:s29], $0x1000  }
0x5e: {  	[sflag:s29] =	ssyncset.done $0x0  }
0x5f: {  	s4 =	sadd.s32 $0xFFFFFFC0, s21;
	[sflag:s29] =	ssyncadd.s32 $0xFFFFF000  }
0x60: {  	[tilespmem:s18], [sflag:$0x2] =	stream.indirect.gather [spmem:s2], $0x80, s4, s16, $0xb8;
	[tilespmem:$0x1A800] =	vst v63  }
0x61: {  	_ =	swait.ge [sflag:s30], $0x1000  }
0x62: {  	[sflag:s30] =	ssyncset.done $0x0  }
.Ltmp0:
0x63: {  	s4 =	sadd.s32 $0xFFFFFFE0, s21;
	[sflag:s30] =	ssyncadd.s32 $0xFFFFF000;
	(pc) =	sbr.rel @p0 .LBB2_2-.Ltmp0, $4  }
0x64: {  	[tilespmem:s20], [sflag:$0x3] =	stream.indirect.gather [spmem:s2], $0x80, s4, s16, $0xb8;
	[tilespmem:$0x1A800] =	vst v63  }
0x65: {  	_ =	swait.ge [sflag:s31], $0x1000  }
0x66: {  	[sflag:s31] =	ssyncset.done $0x0  }
0x67: {  	s21 =	sadd.s32 $0x80, s21;
	[sflag:s31] =	ssyncadd.s32 $0xFFFFF000  }
0x68: {  	[tilespmem:s22], [sflag:$0x4] =	stream.indirect.gather [spmem:s2], $0x80, s0, s16, $0xb8;
	[tilespmem:$0x1A800] =	vst v63  }
0x69: {  	_ =	swait.ge [sflag:s23], $0x1000  }
0x6a: {  	[sflag:s23] =	ssyncset.done $0x0  }
0x6b: {  	[sflag:s23] =	ssyncadd.s32 $0xFFFFF000  }
0x6c: {  	[hbm4b:s8+s3] =	stream.linear.scatter [tilespmem:s17], [sflag:$0x5], $0x1000, $0x38;
	[tilespmem:$0x1A800] =	vst v63  }
0x6d: {  	_ =	swait.ge [sflag:s24], $0x1000  }
0x6e: {  	[sflag:s24] =	ssyncset.done $0x0  }
0x6f: {  	[sflag:s24] =	ssyncadd.s32 $0xFFFFF000  }
0x70: {  	[hbm4b:s9+s3] =	stream.linear.scatter [tilespmem:s18], [sflag:$0x6], $0x1000, $0x38;
	[tilespmem:$0x1A800] =	vst v63  }
0x71: {  	_ =	swait.ge [sflag:s25], $0x1000  }
0x72: {  	[sflag:s25] =	ssyncset.done $0x0  }
0x73: {  	[sflag:s25] =	ssyncadd.s32 $0xFFFFF000  }
0x74: {  	[hbm4b:s10+s3] =	stream.linear.scatter [tilespmem:s20], [sflag:$0x7], $0x1000, $0x38;
	[tilespmem:$0x1A800] =	vst v63  }
0x75: {  	_ =	swait.ge [sflag:s26], $0x1000  }
0x76: {  	[sflag:s26] =	ssyncset.done $0x0  }
0x77: {  	[sflag:s26] =	ssyncadd.s32 $0xFFFFF000  }
0x78: {  	[hbm4b:s11+s3] =	stream.linear.scatter [tilespmem:s22], [sflag:$0x8], $0x1000, $0x38;
	[tilespmem:$0x1A800] =	vst v63  }
0x79: {  	_ =	swait.ge [sflag:s28], $0x1000  }
0x7a: {  	[sflag:s28] =	ssyncset.done $0x0  }
0x7b: {  	[sflag:s28] =	ssyncadd.s32 $0xFFFFF000  }
0x7c: {  	_ =	swait.ge [sflag:s29], $0x1000  }
0x7d: {  	[sflag:s29] =	ssyncset.done $0x0  }
0x7e: {  	s1 =	sadd.s32 $0x1, s1;
	[sflag:s29] =	ssyncadd.s32 $0xFFFFF000  }
0x7f: {  	p0 =	sne.s32 s1, s7;
	_ =	swait.ge [sflag:s30], $0x1000  }
.Ltmp1:
0x80: {  	[sflag:s30] =	ssyncset.done $0x0;
	(pc) =	sbr.rel @p0 .LBB2_1-.Ltmp1, $4  }
0x81: {  	[sflag:s30] =	ssyncadd.s32 $0xFFFFF000  }
0x82: {  	_ =	swait.ge [sflag:s31], $0x1000  }
0x83: {  	[sflag:s31] =	ssyncset.done $0x0  }
0x84: {  	[sflag:s31] =	ssyncadd.s32 $0xFFFFF000  }
0x85: {  	_ =	sfence.sel $0x180000  }
0x86: {  	[bflag:$0x0] =	sbarrier.arrive $0xFFFF  }
0x87: {  	_ =	strace $0x9000004D  }
0x88: {  	s0 =	stileid.u32;
	[bflag:$0x2] =	sbarrier.arrive $0xFFFF  }
0x89: {  	p0 =	sne.s32 s0, $0x0;
	s0 =	rddreg [dreg:$0x2]  }
0x8a: {  	s0 =	sadd.s32 @!p0 $0x100000, s0  }
0x8b: {  	[sflag:s0] =	ssyncadd.tile.s32 @!p0 $0x1;
	_ =	shalt  }
.Lfunc_end2:
_tile_overlayer_lowered:
.L_overlay_start_2:
0x8c: {  	(tag) =	ssettag $0x2  }
0x8d: {  	s0 =	rddreg [dreg:$0x0];
	s2 =	stileid.u32  }
0x8e: {  	s1 =	rddreg [dreg:$0x1];
	p0 =	sne.s32 s2, $0x0  }
0x8f: {  	s3 =	rddreg [dreg:$0x2];
	[bflag:$0x3] =	sbarrier.arrive $0xFFFF;
	s2 =	simm.s32 @!p0 $0x1C09  }
0x90: {  	[timem:s3], [sflag:s2] =	dma.local @!p0 [hbm:s0], s1  }
0x91: {  	s0 =	simm.s32 @!p0 $0x9  }
0x92: {  	_ =	swait.ge @!p0 [sflag:s0], s1  }
0x93: {  	s1 =	ssub.s32 @!p0 $0x0, s1;
	[sflag:s0] =	ssyncset.done @!p0 $0x0  }
0x94: {  	[sflag:s0] =	ssyncadd.s32 @!p0 s1  }
0x95: {  	[bflag:$0x3] =	sbarrier.arrive $0xFFFF  }
0x96: {  	_ =	shalt  }

// kernel: kernel.28.cloned.1.call-start
scs
__scs_entry_jumppad:
0x0: {  	(pc) =	sbr.rel $0x88, $3  }
0x1: {  	(tag) =	ssettag $0x0;
	lr =	simm.s32 $0x1  }
0x2: {  	[smem:$0x3F91] =	sst lr;
	_ =	strace $0xD0000000  }
0x3: {  	_ = 	snop  }
0x4: {  	_ = 	snop  }
0x5: {  	_ = 	snop  }
0x6: {  	_ = 	snop  }
0x7: {  	_ = 	snop  }
__scs_overlays_trampoline_lowered:
0x8: {  	[smem:$0x3FA0] =	sst s0  }
0x9: {  	[smem:$0x3FA1] =	sst s1  }
0xa: {  	[smem:$0x3FA2] =	sst s2  }
0xb: {  	[smem:$0x3FA3] =	sst s3  }
0xc: {  	[smem:$0x3FA4] =	sst s4  }
0xd: {  	[smem:$0x3FA5] =	sst s5  }
0xe: {  	[smem:$0x3FA6] =	sst s6  }
0xf: {  	[smem:$0x3FA7] =	sst s7  }
0x10: {  	[smem:$0x3FA8] =	sst s8  }
0x11: {  	[smem:$0x3FA9] =	sst s9;
	s0 =	simm.s32 @!p0 $0x0  }
0x12: {  	s1 =	sld [smem:$0x3F8F];
	s0 =	simm.s32 @p0 $0x1  }
0x13: {  	[smem:$0x3FAA] =	sst s0;
	s0 =	simm.s32 @!p1 $0x0  }
0x14: {  	s2 =	sld [smem:$0x3F8E];
	s0 =	simm.s32 @p1 $0x1  }
0x15: {  	[smem:$0x3FAB] =	sst s0;
	s0 =	simm.s32 @!p2 $0x0  }
0x16: {  	s3 =	sld [smem:$0x3FDB];
	s0 =	simm.s32 @p2 $0x1  }
0x17: {  	s4 =	simm.s32 $0x1BF5;
	[smem:$0x3FAD] =	sst s0  }
0x18: {  	s0 =	sld [smem:$0x3F90];
	_ =	swait.ge [sflag:s4], $0x0  }
0x19: {  	s7 =	sld [smem:$0x3F91]  }
0x1a: {  	s8 =	sadd.s32 $0xFFFFE003, lr  }
0x1b: {  	s9 =	sadd.s32 $0xFFFFFEF7, lr;
	s5 =	simm.s32 $0xFFFFFFFF;
	p2 =	slt.u32 s8, $0xFFFFF086  }
0x1c: {  	p1 =	slt.u32 s9, $0xF7A;
	s5 =	simm.s32 @!p2 $0x0  }
0x1d: {  	s5 =	simm.s32 @p1 $0x1;
	p0 =	seq.s32 s7, s2  }
0x1e: {  	s7 =	smul.u32 @!p0 $0xF7A, s2;
	p2 =	seq.s32 @!p0 s5, $0x0  }
0x1f: {  	s9 =	smul.u32 $0xF7A, s1;
	s8 =	simm.s32 @!p0 $0x1BF5;
	p2 =	por !p2, p0  }
0x20: {  	[sflag:s8] =	ssyncset.s32 @!p0 $0xFFFFF086;
	s6 =	sadd.s32 @!p0 s3, s7;
	s7 =	simm.s32 @!p0 $0x108  }
0x21: {  	s3 =	sadd.s32 s3, s9;
	s6 =	sadd.s32 @!p0 $0x88, s6;
	s7 =	simm.s32 @p2 $0x1082  }
0x22: {  	[simem:s7], [sflag:s8] =	dma.local @!p0 [hbm:s6], $0xF7A  }
0x23: {  	s9 =	sor.u32 $0xD0000000, s2;
	s6 =	simm.s32 $0x108;
	_ =	swait.ge @!p0 [sflag:s8], $0x0  }
0x24: {  	s3 =	sadd.s32 $0x88, s3;
	s6 =	simm.s32 @!p1 $0x1082;
	[sflag:s4] =	ssyncset.s32 $0xFFFFF086  }
0x25: {  	[simem:s6], [sflag:s4] =	dma.local [hbm:s3], $0xF7A  }
0x26: {  	[smem:$0x3F91] =	sst s1;
	(tag) =	ssettag s2;
	_ =	strace s9  }
0x27: {  	s1 =	sld [smem:$0x3FA1]  }
0x28: {  	s2 =	sld [smem:$0x3FA2]  }
0x29: {  	s4 =	sld [smem:$0x3FA4]  }
0x2a: {  	p0 =	seq.s32 s5, $0x0;
	s5 =	sld [smem:$0x3FA5]  }
0x2b: {  	s6 =	sld [smem:$0x3FA6]  }
0x2c: {  	s7 =	sld [smem:$0x3FA7]  }
0x2d: {  	s3 =	simm.s32 $0x108;
	s8 =	sld [smem:$0x3FA8]  }
0x2e: {  	s3 =	simm.s32 @!p0 $0x1082;
	s9 =	sld [smem:$0x3FA9]  }
0x2f: {  	lr =	sadd.s32 s0, s3;
	s0 =	sld [smem:$0x3FA0]  }
0x30: {  	s3 =	sld [smem:$0x3FA3]  }
0x31: {  	[smem:$0x3FAC] =	sst s10  }
0x32: {  	s10 =	sld [smem:$0x3FAA];
	_ =	sdelay $0x3  }
0x33: {  	p0 =	seq.s32 s10, $0x1;
	s10 =	sld [smem:$0x3FAC];
	_ =	sdelay $0x3  }
0x34: {  	[smem:$0x3FAC] =	sst s10  }
0x35: {  	s10 =	sld [smem:$0x3FAB];
	_ =	sdelay $0x3  }
0x36: {  	p1 =	seq.s32 s10, $0x1;
	s10 =	sld [smem:$0x3FAC];
	_ =	sdelay $0x3  }
0x37: {  	[smem:$0x3FAC] =	sst s10  }
0x38: {  	s10 =	sld [smem:$0x3FAD]  }
0x39: {  	_ = 	snop;
	(pc) =	sbr.ind lr, $3  }
0x3a: {  	_ = 	snop  }
0x3b: {  	_ = 	snop  }
0x3c: {  	p2 =	seq.s32 s10, $0x1;
	s10 =	sld [smem:$0x3FAC]  }
0x3d: {  	_ =	shalt  }
0x3e: {  	_ =	shalt  }
0x3f: {  	_ =	shalt  }
0x40: {  	_ =	shalt  }
0x41: {  	_ =	shalt  }
0x42: {  	_ =	shalt  }
0x43: {  	_ =	shalt  }
0x44: {  	_ =	shalt  }
0x45: {  	_ =	shalt  }
0x46: {  	_ =	shalt  }
0x47: {  	_ =	shalt  }
0x48: {  	_ =	shalt  }
0x49: {  	_ =	shalt  }
0x4a: {  	_ =	shalt  }
0x4b: {  	_ =	shalt  }
0x4c: {  	_ =	shalt  }
0x4d: {  	_ =	shalt  }
0x4e: {  	_ =	shalt  }
0x4f: {  	_ =	shalt  }
0x50: {  	_ =	shalt  }
0x51: {  	_ =	shalt  }
0x52: {  	_ =	shalt  }
0x53: {  	_ =	shalt  }
0x54: {  	_ =	shalt  }
0x55: {  	_ =	shalt  }
0x56: {  	_ =	shalt  }
0x57: {  	_ =	shalt  }
0x58: {  	_ =	shalt  }
0x59: {  	_ =	shalt  }
0x5a: {  	_ =	shalt  }
0x5b: {  	_ =	shalt  }
0x5c: {  	_ =	shalt  }
0x5d: {  	_ =	shalt  }
0x5e: {  	_ =	shalt  }
0x5f: {  	_ =	shalt  }
0x60: {  	_ =	shalt  }
0x61: {  	_ =	shalt  }
0x62: {  	_ =	shalt  }
0x63: {  	_ =	shalt  }
0x64: {  	_ =	shalt  }
0x65: {  	_ =	shalt  }
0x66: {  	_ =	shalt  }
0x67: {  	_ =	shalt  }
0x68: {  	_ =	shalt  }
0x69: {  	_ =	shalt  }
0x6a: {  	_ =	shalt  }
0x6b: {  	_ =	shalt  }
0x6c: {  	_ =	shalt  }
0x6d: {  	_ =	shalt  }
0x6e: {  	_ =	shalt  }
0x6f: {  	_ =	shalt  }
0x70: {  	_ =	shalt  }
0x71: {  	_ =	shalt  }
0x72: {  	_ =	shalt  }
0x73: {  	_ =	shalt  }
0x74: {  	_ =	shalt  }
0x75: {  	_ =	shalt  }
0x76: {  	_ =	shalt  }
0x77: {  	_ =	shalt  }
0x78: {  	_ =	shalt  }
0x79: {  	_ =	shalt  }
0x7a: {  	_ =	shalt  }
0x7b: {  	_ =	shalt  }
0x7c: {  	_ =	shalt  }
0x7d: {  	_ =	shalt  }
0x7e: {  	_ =	shalt  }
0x7f: {  	_ =	shalt  }
0x80: {  	_ =	shalt  }
0x81: {  	_ =	shalt  }
0x82: {  	_ =	shalt  }
0x83: {  	_ =	shalt  }
0x84: {  	_ =	shalt  }
0x85: {  	_ =	shalt  }
0x86: {  	_ =	shalt  }
0x87: {  	_ =	shalt  }
.Lfunc_end0:
.L_simem_size_0:
called_computation.3_lowered:
.L_overlay_start_0:
0x88: {  	s2 =	sld [smem:$0x3FD9]  }
0x89: {  	s3 =	sld [smem:$0x3FFE];
	_ =	sdelay $0x1  }
0x8a: {  	s1 =	srdreg.scid  }
0x8b: {  	s0 =	sand.u32 $0x1, s1  }
0x8c: {  	s16 =	sshll.u32 s0, $0xA;
	s2 =	sadd.s32 s3, s2  }
0x8d: {  	s2 =	sadd.s32 s2, s16  }
0x8e: {  	[smem:$0x3FB8] =	sst s2  }
0x8f: {  	_ = 	snop  }
0x90: {  	(tm) =	ssettm $0x1  }
0x91: {  	s17 =	sld [smem:$0x3FFB];
	_ =	sdelay $0x3  }
0x92: {  	_ =	strace s17  }
0x93: {  	s2 =	sld [smem:$0x3FFC];
	_ =	sdelay $0x3  }
0x94: {  	_ =	strace s2  }
0x95: {  	s2 =	sld [smem:$0x3FFD];
	_ =	sdelay $0x3  }
0x96: {  	_ =	strace s2  }
0x97: {  	_ =	strace $0x8FFFFFFF  }
0x98: {  	s18 =	sld [smem:$0x3FDB];
	_ =	sdelay $0x1  }
0x99: {  	s19 =	simm.s32 $_scs_section_size  }
0x9a: {  	s4 =	simm.s32 $_size__tile_overlayer_lowered;
	s5 =	simm.s32 $_tile_overlayer_lowered  }
0x9b: {  	s22 =	simm.s32 $0x1BFF;
	s21 =	sshll.u32 s5, $0x1;
	s2 =	sadd.s32 s19, s18  }
0x9c: {  	s6 =	simm.s32 $0x0;
	s20 =	sshll.u32 s4, $0x1;
	s4 =	sadd.s32 s21, s2  }
0x9d: {  	[timem:s6], [sflag:s22] =	dma.local [hbm:s4], s20  }
0x9e: {  	_ =	swait.ge [sflag:s22], s20  }
0x9f: {  	s3 =	ssub.s32 $0x0, s20;
	[sflag:s22] =	ssyncset.done $0x0  }
0xa0: {  	[sflag:s22] =	ssyncadd.s32 s3;
	_ =	sdelay $0x1  }
0xa1: {  	s23 =	simm.s32 $0x1B8B  }
0xa2: {  	_ =	swait.ge [sflag:s23], $0x1  }
0xa3: {  	[sflag:s23] =	ssyncset.done $0x0  }
0xa4: {  	s25 =	simm.s32 $0x1B8E;
	s24 =	sld [smem:$0x3FFE];
	[sflag:s23] =	ssyncadd.s32 $0xFFFFFFFF  }
0xa5: {  	s26 =	simm.s32 $execute0_lowered;
	[smem:$0x3FD2] =	sst s25  }
0xa6: {  	s4 =	sshll.u32 s26, $0x1;
	_ =	strace $0x8000004F;
	[dreg:$0x1] =	wrdreg $0xFFFFFFFF  }
0xa7: {  	s28 =	simm.s32 $_size_execute0_lowered;
	s2 =	sadd.s32 s2, s4;
	[dreg:$0x0] =	wrdreg $0x0  }
0xa8: {  	s4 =	sshll.u32 s28, $0x1;
	[dreg:$0x2] =	wrdreg s2  }
0xa9: {  	[dreg:$0x3] =	wrdreg s4  }
0xaa: {  	[dreg:$0x4] =	wrdreg $0xC0  }
0xab: {  	_ =	task [dreg:s6], $0x5FFFF  }
0xac: {  	[dreg:$0x1] =	wrdreg $0xFFFFFFFF  }
0xad: {  	[dreg:$0x0] =	wrdreg $0x60  }
0xae: {  	[dreg:$0x2] =	wrdreg s24  }
0xaf: {  	[dreg:$0x3] =	wrdreg $0x28000  }
0xb0: {  	[dreg:$0x4] =	wrdreg $0x9  }
0xb1: {  	_ =	task.clear_ibuf [dreg:s6], $0x5FFFF;
	_ =	strace $0x9000004F  }
0xb2: {  	s29 =	simm.s32 $0x9;
	_ =	strace $0x80000051  }
0xb3: {  	_ =	swait.ge [sflag:s29], $0x1  }
0xb4: {  	[sflag:s29] =	ssyncadd.s32 $0xFFFFFFFF  }
0xb5: {  	_ =	strace $0x90000051  }
0xb6: {  	_ =	sfence  }
0xb7: {  	s30 =	sld [smem:$0x0];
	_ =	sdelay $0x2  }
0xb8: {  	s31 =	sshll.u32 s1, $0xD;
	s1 =	sshrl.u32 s1, $0x2  }
0xb9: {  	s3 =	sand.u32 $0x4000, s31;
	s1 =	sadd.s32 s1, s30  }
0xba: {  	s0 =	sor.u32 s3, s0;
	s1 =	sshll.u32 s1, $0x11  }
0xbb: {  	s0 =	sor.u32 s1, s0  }
0xbc: {  	s0 =	sadd.s32 $0x8F2B, s0  }
0xbd: {  	[sflag:s0] =	ssyncadd.remote.s32 $0x1  }
0xbe: {  	_ =	sfence.sel $0xFFFF  }
0xbf: {  	[dreg:$0x0] =	wrdreg $0xFFFFFFFF;
	(pc) =	sbr.abs _section_cstart, $3  }
0xc0: {  	[dreg:$0x1] =	wrdreg $0xFFFFFFFF  }
0xc1: {  	_ =	task.clear_ibuf [dreg:s6], $0x2FFFF;
	_ =	strace $0x9FFFFFFF  }
0xc2: {  	(tm) =	ssettm $0x7FFFFFFF  }
0xc3: {  	_ =	shalt  }
tec
execute0_lowered:
.L_overlay_start_1:
0x0: {  	(tag) =	ssettag $0x1  }
0x1: {  	s12 =	stileid.u32;
	s1 =	rddreg [dreg:$0x0]  }
0x2: {  	s0 =	srdreg.scid;
	s2 =	rddreg [dreg:$0x1];
	s16 =	simm.s32 $0x20  }
0x3: {  	s17 =	simm.s32 $0x16800;
	s18 =	simm.s32 $0x17800;
	s20 =	simm.s32 $0x18800  }
0x4: {  	s28 =	simm.s32 $0x5;
	s29 =	simm.s32 $0x6;
	s6 =	smul.u32 $0x2800, s12  }
0x5: {  	s30 =	simm.s32 $0x7;
	s0 =	sand.u32 $0x1, s0;
	s11 =	smul.u32 $0x50000, s12  }
0x6: {  	s3 =	sshll.u32 s12, $0x1;
	s24 =	sshll.u32 s12, $0x6;
	s12 =	smul.u32 $0x280000, s12  }
0x7: {  	s31 =	simm.s32 $0x8;
	s5 =	sor.u32 s0, s3;
	s13 =	smul.u32 $0x140000, s0  }
0x8: {  	s3 =	simm.s32 $0x0;
	s21 =	ssub.s32 $0x2, s0;
	s0 =	smul.u32 $0x28000, s0  }
0x9: {  	s25 =	sor.u32 $0x1C09, s24;
	s24 =	simm.s32 $0x2;
	s4 =	smul.u32 $0x2800, s5  }
0xa: {  	[smem:$0x7FF] =	sst s3;
	s6 =	sadd.s32 s6, s1;
	s22 =	smul.u32 $0x140000, s5  }
0xb: {  	s8 =	sshrl.u32 s21, $0x1;
	s9 =	sshrl.u32 s11, $0x2;
	s10 =	smul.u32 $0x28000, s5  }
0xc: {  	_ =	strace $0x80000050;
	s8 =	ssub.s32 s21, s8;
	s14 =	sadd.s32 s9, s2  }
0xd: {  	s23 =	sadd.s32 $0x11400, s6;
	[dreg:$0x4] =	wrdreg s25;
	s12 =	sadd.s32 s13, s12  }
0xe: {  	s25 =	simm.s32 $0x3;
	s4 =	sshrl.u32 s4, $0x3;
	[dreg:$0x3] =	wrdreg s23  }
0xf: {  	s9 =	sshrl.u32 s22, $0x3;
	s12 =	sshrl.u32 s12, $0x3;
	s14 =	sshrl.u32 s14, $0x3  }
0x10: {  	s22 =	simm.s32 $0x19800;
	s7 =	sadd.s32 s4, s1;
	s1 =	sadd.s32 $0x571C00, s1  }
0x11: {  	s23 =	simm.s32 $0x1;
	s6 =	sadd.s32 $0x5F000, s7;
	s9 =	sadd.s32 s1, s9  }
0x12: {  	s7 =	smax.u32 s8, $0x1;
	s15 =	sadd.s32 s1, s10;
	s26 =	sadd.s32 s11, s1  }
0x13: {  	s12 =	sadd.s32 s12, s1;
	s1 =	simm.s32 $0x0;
	s8 =	sadd.s32 $0x27800, s9  }
0x14: {  	s9 =	sadd.s32 $0x27A00, s15;
	s10 =	sadd.s32 $0x27C00, s15;
	s11 =	sadd.s32 $0x27E00, s15  }
0x15: {  	s13 =	sadd.s32 s0, s26;
	s15 =	simm.s32 $0x9;
	s26 =	simm.s32 $0x4  }
.LBB2_1:
0x16: {  	s0 =	rddreg [dreg:$0x3]  }
0x17: {  	s4 =	rddreg [dreg:$0x4]  }
0x18: {  	[spmem:s14], [sflag:s4] =	dma.local [hbm:s0], $0x2800  }
0x19: {  	_ =	swait.ge [sflag:s15], $0x2800  }
0x1a: {  	[sflag:s15] =	ssyncset.done $0x0  }
0x1b: {  	[sflag:s15] =	ssyncadd.s32 $0xFFFFD800  }
0x1c: {  	[tilespmem:s3], [sflag:$0x9] =	stream.linear.gather [hbm4b:s6+s3], $0x2800, $0x38;
	[tilespmem:$0x1A800] =	vst v63  }
0x1d: {  	_ =	swait.ge [sflag:s15], $0x2800  }
0x1e: {  	[sflag:s15] =	ssyncset.done $0x0  }
0x1f: {  	[sflag:s15] =	ssyncadd.s32 $0xFFFFD800  }
0x20: {  	[bflag:$0x0] =	sbarrier.arrive $0xFFFF  }
0x21: {  	[tilespmem:s17], [sflag:$0x1] =	stream.indirect.gather [spmem:s2], $0x80, s3, s16, $0xb8;
	[tilespmem:$0x1A800] =	vst v63  }
0x22: {  	_ = 	snop  }
0x23: {  	[tilespmem:s18], [sflag:$0x2] =	stream.indirect.gather [spmem:s2], $0x80, s16, s16, $0xb8;
	[tilespmem:$0x1A800] =	vst v63  }
0x24: {  	s4 =	simm.s32 $0x40  }
0x25: {  	[tilespmem:s20], [sflag:$0x3] =	stream.indirect.gather [spmem:s2], $0x80, s4, s16, $0xb8;
	[tilespmem:$0x1A800] =	vst v63  }
0x26: {  	s5 =	simm.s32 $0x60  }
0x27: {  	[tilespmem:s22], [sflag:$0x4] =	stream.indirect.gather [spmem:s2], $0x80, s5, s16, $0xb8;
	[tilespmem:$0x1A800] =	vst v63  }
0x28: {  	_ =	swait.ge [sflag:s23], $0x1000  }
0x29: {  	[sflag:s23] =	ssyncset.done $0x0  }
0x2a: {  	s19 =	sadd.s32 $0x0, s12;
	[sflag:s23] =	ssyncadd.s32 $0xFFFFF000  }
0x2b: {  	[hbm4b:s19+s3] =	stream.linear.scatter [tilespmem:s17], [sflag:$0x5], $0x1000, $0x38;
	[tilespmem:$0x1A800] =	vst v63  }
0x2c: {  	_ =	swait.ge [sflag:s24], $0x1000  }
0x2d: {  	s21 =	sadd.s32 $0x0, s13;
	[sflag:s24] =	ssyncset.done $0x0  }
0x2e: {  	s19 =	sadd.s32 $0x200, s21;
	[sflag:s24] =	ssyncadd.s32 $0xFFFFF000  }
0x2f: {  	[hbm4b:s19+s3] =	stream.linear.scatter [tilespmem:s18], [sflag:$0x6], $0x1000, $0x38;
	[tilespmem:$0x1A800] =	vst v63  }
0x30: {  	_ =	swait.ge [sflag:s25], $0x1000  }
0x31: {  	[sflag:s25] =	ssyncset.done $0x0  }
0x32: {  	s4 =	sadd.s32 $0x400, s21;
	[sflag:s25] =	ssyncadd.s32 $0xFFFFF000  }
0x33: {  	[hbm4b:s4+s3] =	stream.linear.scatter [tilespmem:s20], [sflag:$0x7], $0x1000, $0x38;
	[tilespmem:$0x1A800] =	vst v63  }
0x34: {  	_ =	swait.ge [sflag:s26], $0x1000  }
0x35: {  	[sflag:s26] =	ssyncset.done $0x0  }
0x36: {  	s0 =	sadd.s32 $0x600, s21;
	[sflag:s26] =	ssyncadd.s32 $0xFFFFF000  }
0x37: {  	[hbm4b:s0+s3] =	stream.linear.scatter [tilespmem:s22], [sflag:$0x8], $0x1000, $0x38;
	[tilespmem:$0x1A800] =	vst v63  }
0x38: {  	_ =	swait.ge [sflag:s28], $0x1000  }
0x39: {  	[sflag:s28] =	ssyncset.done $0x0  }
0x3a: {  	s5 =	simm.s32 $0x80;
	[sflag:s28] =	ssyncadd.s32 $0xFFFFF000  }
0x3b: {  	[tilespmem:s17], [sflag:$0x1] =	stream.indirect.gather [spmem:s2], $0x80, s5, s16, $0xb8;
	[tilespmem:$0x1A800] =	vst v63  }
0x3c: {  	_ =	swait.ge [sflag:s29], $0x1000  }
0x3d: {  	[sflag:s29] =	ssyncset.done $0x0  }
0x3e: {  	s19 =	simm.s32 $0xA0;
	[sflag:s29] =	ssyncadd.s32 $0xFFFFF000  }
0x3f: {  	[tilespmem:s18], [sflag:$0x2] =	stream.indirect.gather [spmem:s2], $0x80, s19, s16, $0xb8;
	[tilespmem:$0x1A800] =	vst v63  }
0x40: {  	_ =	swait.ge [sflag:s30], $0x1000  }
0x41: {  	[sflag:s30] =	ssyncset.done $0x0  }
0x42: {  	s21 =	simm.s32 $0xC0;
	[sflag:s30] =	ssyncadd.s32 $0xFFFFF000  }
0x43: {  	[tilespmem:s20], [sflag:$0x3] =	stream.indirect.gather [spmem:s2], $0x80, s21, s16, $0xb8;
	[tilespmem:$0x1A800] =	vst v63  }
0x44: {  	_ =	swait.ge [sflag:s31], $0x1000  }
0x45: {  	s0 =	simm.s32 $0xE0;
	[sflag:s31] =	ssyncset.done $0x0  }
0x46: {  	s19 =	simm.s32 $0x800;
	s21 =	simm.s32 $0x160;
	[sflag:s31] =	ssyncadd.s32 $0xFFFFF000  }
.LBB2_2:
0x47: {  	[tilespmem:s22], [sflag:$0x4] =	stream.indirect.gather [spmem:s2], $0x80, s0, s16, $0xb8;
	[tilespmem:$0x1A800] =	vst v63  }
0x48: {  	s4 =	smov.u32 s19;
	s0 =	smov.u32 s21  }
0x49: {  	p0 =	sne.s32 s19, $0x27000;
	s19 =	sadd.s32 $0x800, s19;
	_ =	swait.ge [sflag:s23], $0x1000  }
0x4a: {  	[sflag:s23] =	ssyncset.done $0x0  }
0x4b: {  	s5 =	sadd.s32 s4, s12;
	[sflag:s23] =	ssyncadd.s32 $0xFFFFF000  }
0x4c: {  	[hbm4b:s5+s3] =	stream.linear.scatter [tilespmem:s17], [sflag:$0x5], $0x1000, $0x38;
	[tilespmem:$0x1A800] =	vst v63  }
0x4d: {  	_ =	swait.ge [sflag:s24], $0x1000  }
0x4e: {  	s4 =	sadd.s32 s4, s13;
	[sflag:s24] =	ssyncset.done $0x0  }
0x4f: {  	s5 =	sadd.s32 $0x200, s4;
	[sflag:s24] =	ssyncadd.s32 $0xFFFFF000  }
0x50: {  	[hbm4b:s5+s3] =	stream.linear.scatter [tilespmem:s18], [sflag:$0x6], $0x1000, $0x38;
	[tilespmem:$0x1A800] =	vst v63  }
0x51: {  	_ =	swait.ge [sflag:s25], $0x1000  }
0x52: {  	[sflag:s25] =	ssyncset.done $0x0  }
0x53: {  	s5 =	sadd.s32 $0x400, s4;
	[sflag:s25] =	ssyncadd.s32 $0xFFFFF000  }
0x54: {  	[hbm4b:s5+s3] =	stream.linear.scatter [tilespmem:s20], [sflag:$0x7], $0x1000, $0x38;
	[tilespmem:$0x1A800] =	vst v63  }
0x55: {  	_ =	swait.ge [sflag:s26], $0x1000  }
0x56: {  	[sflag:s26] =	ssyncset.done $0x0  }
0x57: {  	s4 =	sadd.s32 $0x600, s4;
	[sflag:s26] =	ssyncadd.s32 $0xFFFFF000  }
0x58: {  	[hbm4b:s4+s3] =	stream.linear.scatter [tilespmem:s22], [sflag:$0x8], $0x1000, $0x38;
	[tilespmem:$0x1A800] =	vst v63  }
0x59: {  	_ =	swait.ge [sflag:s28], $0x1000  }
0x5a: {  	[sflag:s28] =	ssyncset.done $0x0  }
0x5b: {  	s4 =	sadd.s32 $0xFFFFFFA0, s21;
	[sflag:s28] =	ssyncadd.s32 $0xFFFFF000  }
0x5c: {  	[tilespmem:s17], [sflag:$0x1] =	stream.indirect.gather [spmem:s2], $0x80, s4, s16, $0xb8;
	[tilespmem:$0x1A800] =	vst v63  }
0x5d: {  	_ =	swait.ge [sflag:s29], $0x1000  }
0x5e: {  	[sflag:s29] =	ssyncset.done $0x0  }
0x5f: {  	s4 =	sadd.s32 $0xFFFFFFC0, s21;
	[sflag:s29] =	ssyncadd.s32 $0xFFFFF000  }
0x60: {  	[tilespmem:s18], [sflag:$0x2] =	stream.indirect.gather [spmem:s2], $0x80, s4, s16, $0xb8;
	[tilespmem:$0x1A800] =	vst v63  }
0x61: {  	_ =	swait.ge [sflag:s30], $0x1000  }
0x62: {  	[sflag:s30] =	ssyncset.done $0x0  }
.Ltmp0:
0x63: {  	s4 =	sadd.s32 $0xFFFFFFE0, s21;
	[sflag:s30] =	ssyncadd.s32 $0xFFFFF000;
	(pc) =	sbr.rel @p0 .LBB2_2-.Ltmp0, $4  }
0x64: {  	[tilespmem:s20], [sflag:$0x3] =	stream.indirect.gather [spmem:s2], $0x80, s4, s16, $0xb8;
	[tilespmem:$0x1A800] =	vst v63  }
0x65: {  	_ =	swait.ge [sflag:s31], $0x1000  }
0x66: {  	[sflag:s31] =	ssyncset.done $0x0  }
0x67: {  	s21 =	sadd.s32 $0x80, s21;
	[sflag:s31] =	ssyncadd.s32 $0xFFFFF000  }
0x68: {  	[tilespmem:s22], [sflag:$0x4] =	stream.indirect.gather [spmem:s2], $0x80, s0, s16, $0xb8;
	[tilespmem:$0x1A800] =	vst v63  }
0x69: {  	_ =	swait.ge [sflag:s23], $0x1000  }
0x6a: {  	[sflag:s23] =	ssyncset.done $0x0  }
0x6b: {  	[sflag:s23] =	ssyncadd.s32 $0xFFFFF000  }
0x6c: {  	[hbm4b:s8+s3] =	stream.linear.scatter [tilespmem:s17], [sflag:$0x5], $0x1000, $0x38;
	[tilespmem:$0x1A800] =	vst v63  }
0x6d: {  	_ =	swait.ge [sflag:s24], $0x1000  }
0x6e: {  	[sflag:s24] =	ssyncset.done $0x0  }
0x6f: {  	[sflag:s24] =	ssyncadd.s32 $0xFFFFF000  }
0x70: {  	[hbm4b:s9+s3] =	stream.linear.scatter [tilespmem:s18], [sflag:$0x6], $0x1000, $0x38;
	[tilespmem:$0x1A800] =	vst v63  }
0x71: {  	_ =	swait.ge [sflag:s25], $0x1000  }
0x72: {  	[sflag:s25] =	ssyncset.done $0x0  }
0x73: {  	[sflag:s25] =	ssyncadd.s32 $0xFFFFF000  }
0x74: {  	[hbm4b:s10+s3] =	stream.linear.scatter [tilespmem:s20], [sflag:$0x7], $0x1000, $0x38;
	[tilespmem:$0x1A800] =	vst v63  }
0x75: {  	_ =	swait.ge [sflag:s26], $0x1000  }
0x76: {  	[sflag:s26] =	ssyncset.done $0x0  }
0x77: {  	[sflag:s26] =	ssyncadd.s32 $0xFFFFF000  }
0x78: {  	[hbm4b:s11+s3] =	stream.linear.scatter [tilespmem:s22], [sflag:$0x8], $0x1000, $0x38;
	[tilespmem:$0x1A800] =	vst v63  }
0x79: {  	_ =	swait.ge [sflag:s28], $0x1000  }
0x7a: {  	[sflag:s28] =	ssyncset.done $0x0  }
0x7b: {  	[sflag:s28] =	ssyncadd.s32 $0xFFFFF000  }
0x7c: {  	_ =	swait.ge [sflag:s29], $0x1000  }
0x7d: {  	[sflag:s29] =	ssyncset.done $0x0  }
0x7e: {  	s1 =	sadd.s32 $0x1, s1;
	[sflag:s29] =	ssyncadd.s32 $0xFFFFF000  }
0x7f: {  	p0 =	sne.s32 s1, s7;
	_ =	swait.ge [sflag:s30], $0x1000  }
.Ltmp1:
0x80: {  	[sflag:s30] =	ssyncset.done $0x0;
	(pc) =	sbr.rel @p0 .LBB2_1-.Ltmp1, $4  }
0x81: {  	[sflag:s30] =	ssyncadd.s32 $0xFFFFF000  }
0x82: {  	_ =	swait.ge [sflag:s31], $0x1000  }
0x83: {  	[sflag:s31] =	ssyncset.done $0x0  }
0x84: {  	[sflag:s31] =	ssyncadd.s32 $0xFFFFF000  }
0x85: {  	_ =	sfence.sel $0x180000  }
0x86: {  	[bflag:$0x0] =	sbarrier.arrive $0xFFFF  }
0x87: {  	_ =	strace $0x90000050  }
0x88: {  	s0 =	stileid.u32;
	[bflag:$0x2] =	sbarrier.arrive $0xFFFF  }
0x89: {  	p0 =	sne.s32 s0, $0x0;
	s0 =	rddreg [dreg:$0x2]  }
0x8a: {  	s0 =	sadd.s32 @!p0 $0x100000, s0  }
0x8b: {  	[sflag:s0] =	ssyncadd.tile.s32 @!p0 $0x1;
	_ =	shalt  }
.Lfunc_end2:
_tile_overlayer_lowered:
.L_overlay_start_2:
0x8c: {  	(tag) =	ssettag $0x2  }
0x8d: {  	s0 =	rddreg [dreg:$0x0];
	s2 =	stileid.u32  }
0x8e: {  	s1 =	rddreg [dreg:$0x1];
	p0 =	sne.s32 s2, $0x0  }
0x8f: {  	s3 =	rddreg [dreg:$0x2];
	[bflag:$0x3] =	sbarrier.arrive $0xFFFF;
	s2 =	simm.s32 @!p0 $0x1C09  }
0x90: {  	[timem:s3], [sflag:s2] =	dma.local @!p0 [hbm:s0], s1  }
0x91: {  	s0 =	simm.s32 @!p0 $0x9  }
0x92: {  	_ =	swait.ge @!p0 [sflag:s0], s1  }
0x93: {  	s1 =	ssub.s32 @!p0 $0x0, s1;
	[sflag:s0] =	ssyncset.done @!p0 $0x0  }
0x94: {  	[sflag:s0] =	ssyncadd.s32 @!p0 s1  }
0x95: {  	[bflag:$0x3] =	sbarrier.arrive $0xFFFF  }
0x96: {  	_ =	shalt  }

// kernel: kernel.31.cloned.1.call-start
scs
__scs_entry_jumppad:
0x0: {  	(pc) =	sbr.rel $0x88, $3  }
0x1: {  	(tag) =	ssettag $0x0;
	lr =	simm.s32 $0x1  }
0x2: {  	[smem:$0x3F91] =	sst lr;
	_ =	strace $0xD0000000  }
0x3: {  	_ = 	snop  }
0x4: {  	_ = 	snop  }
0x5: {  	_ = 	snop  }
0x6: {  	_ = 	snop  }
0x7: {  	_ = 	snop  }
__scs_overlays_trampoline_lowered:
0x8: {  	[smem:$0x3FA0] =	sst s0  }
0x9: {  	[smem:$0x3FA1] =	sst s1  }
0xa: {  	[smem:$0x3FA2] =	sst s2  }
0xb: {  	[smem:$0x3FA3] =	sst s3  }
0xc: {  	[smem:$0x3FA4] =	sst s4  }
0xd: {  	[smem:$0x3FA5] =	sst s5  }
0xe: {  	[smem:$0x3FA6] =	sst s6  }
0xf: {  	[smem:$0x3FA7] =	sst s7  }
0x10: {  	[smem:$0x3FA8] =	sst s8  }
0x11: {  	[smem:$0x3FA9] =	sst s9;
	s0 =	simm.s32 @!p0 $0x0  }
0x12: {  	s1 =	sld [smem:$0x3F8F];
	s0 =	simm.s32 @p0 $0x1  }
0x13: {  	[smem:$0x3FAA] =	sst s0;
	s0 =	simm.s32 @!p1 $0x0  }
0x14: {  	s2 =	sld [smem:$0x3F8E];
	s0 =	simm.s32 @p1 $0x1  }
0x15: {  	[smem:$0x3FAB] =	sst s0;
	s0 =	simm.s32 @!p2 $0x0  }
0x16: {  	s3 =	sld [smem:$0x3FDB];
	s0 =	simm.s32 @p2 $0x1  }
0x17: {  	s4 =	simm.s32 $0x1BF5;
	[smem:$0x3FAD] =	sst s0  }
0x18: {  	s0 =	sld [smem:$0x3F90];
	_ =	swait.ge [sflag:s4], $0x0  }
0x19: {  	s7 =	sld [smem:$0x3F91]  }
0x1a: {  	s8 =	sadd.s32 $0xFFFFE003, lr  }
0x1b: {  	s9 =	sadd.s32 $0xFFFFFEF7, lr;
	s5 =	simm.s32 $0xFFFFFFFF;
	p2 =	slt.u32 s8, $0xFFFFF086  }
0x1c: {  	p1 =	slt.u32 s9, $0xF7A;
	s5 =	simm.s32 @!p2 $0x0  }
0x1d: {  	s5 =	simm.s32 @p1 $0x1;
	p0 =	seq.s32 s7, s2  }
0x1e: {  	s7 =	smul.u32 @!p0 $0xF7A, s2;
	p2 =	seq.s32 @!p0 s5, $0x0  }
0x1f: {  	s9 =	smul.u32 $0xF7A, s1;
	s8 =	simm.s32 @!p0 $0x1BF5;
	p2 =	por !p2, p0  }
0x20: {  	[sflag:s8] =	ssyncset.s32 @!p0 $0xFFFFF086;
	s6 =	sadd.s32 @!p0 s3, s7;
	s7 =	simm.s32 @!p0 $0x108  }
0x21: {  	s3 =	sadd.s32 s3, s9;
	s6 =	sadd.s32 @!p0 $0x88, s6;
	s7 =	simm.s32 @p2 $0x1082  }
0x22: {  	[simem:s7], [sflag:s8] =	dma.local @!p0 [hbm:s6], $0xF7A  }
0x23: {  	s9 =	sor.u32 $0xD0000000, s2;
	s6 =	simm.s32 $0x108;
	_ =	swait.ge @!p0 [sflag:s8], $0x0  }
0x24: {  	s3 =	sadd.s32 $0x88, s3;
	s6 =	simm.s32 @!p1 $0x1082;
	[sflag:s4] =	ssyncset.s32 $0xFFFFF086  }
0x25: {  	[simem:s6], [sflag:s4] =	dma.local [hbm:s3], $0xF7A  }
0x26: {  	[smem:$0x3F91] =	sst s1;
	(tag) =	ssettag s2;
	_ =	strace s9  }
0x27: {  	s1 =	sld [smem:$0x3FA1]  }
0x28: {  	s2 =	sld [smem:$0x3FA2]  }
0x29: {  	s4 =	sld [smem:$0x3FA4]  }
0x2a: {  	p0 =	seq.s32 s5, $0x0;
	s5 =	sld [smem:$0x3FA5]  }
0x2b: {  	s6 =	sld [smem:$0x3FA6]  }
0x2c: {  	s7 =	sld [smem:$0x3FA7]  }
0x2d: {  	s3 =	simm.s32 $0x108;
	s8 =	sld [smem:$0x3FA8]  }
0x2e: {  	s3 =	simm.s32 @!p0 $0x1082;
	s9 =	sld [smem:$0x3FA9]  }
0x2f: {  	lr =	sadd.s32 s0, s3;
	s0 =	sld [smem:$0x3FA0]  }
0x30: {  	s3 =	sld [smem:$0x3FA3]  }
0x31: {  	[smem:$0x3FAC] =	sst s10  }
0x32: {  	s10 =	sld [smem:$0x3FAA];
	_ =	sdelay $0x3  }
0x33: {  	p0 =	seq.s32 s10, $0x1;
	s10 =	sld [smem:$0x3FAC];
	_ =	sdelay $0x3  }
0x34: {  	[smem:$0x3FAC] =	sst s10  }
0x35: {  	s10 =	sld [smem:$0x3FAB];
	_ =	sdelay $0x3  }
0x36: {  	p1 =	seq.s32 s10, $0x1;
	s10 =	sld [smem:$0x3FAC];
	_ =	sdelay $0x3  }
0x37: {  	[smem:$0x3FAC] =	sst s10  }
0x38: {  	s10 =	sld [smem:$0x3FAD]  }
0x39: {  	_ = 	snop;
	(pc) =	sbr.ind lr, $3  }
0x3a: {  	_ = 	snop  }
0x3b: {  	_ = 	snop  }
0x3c: {  	p2 =	seq.s32 s10, $0x1;
	s10 =	sld [smem:$0x3FAC]  }
0x3d: {  	_ =	shalt  }
0x3e: {  	_ =	shalt  }
0x3f: {  	_ =	shalt  }
0x40: {  	_ =	shalt  }
0x41: {  	_ =	shalt  }
0x42: {  	_ =	shalt  }
0x43: {  	_ =	shalt  }
0x44: {  	_ =	shalt  }
0x45: {  	_ =	shalt  }
0x46: {  	_ =	shalt  }
0x47: {  	_ =	shalt  }
0x48: {  	_ =	shalt  }
0x49: {  	_ =	shalt  }
0x4a: {  	_ =	shalt  }
0x4b: {  	_ =	shalt  }
0x4c: {  	_ =	shalt  }
0x4d: {  	_ =	shalt  }
0x4e: {  	_ =	shalt  }
0x4f: {  	_ =	shalt  }
0x50: {  	_ =	shalt  }
0x51: {  	_ =	shalt  }
0x52: {  	_ =	shalt  }
0x53: {  	_ =	shalt  }
0x54: {  	_ =	shalt  }
0x55: {  	_ =	shalt  }
0x56: {  	_ =	shalt  }
0x57: {  	_ =	shalt  }
0x58: {  	_ =	shalt  }
0x59: {  	_ =	shalt  }
0x5a: {  	_ =	shalt  }
0x5b: {  	_ =	shalt  }
0x5c: {  	_ =	shalt  }
0x5d: {  	_ =	shalt  }
0x5e: {  	_ =	shalt  }
0x5f: {  	_ =	shalt  }
0x60: {  	_ =	shalt  }
0x61: {  	_ =	shalt  }
0x62: {  	_ =	shalt  }
0x63: {  	_ =	shalt  }
0x64: {  	_ =	shalt  }
0x65: {  	_ =	shalt  }
0x66: {  	_ =	shalt  }
0x67: {  	_ =	shalt  }
0x68: {  	_ =	shalt  }
0x69: {  	_ =	shalt  }
0x6a: {  	_ =	shalt  }
0x6b: {  	_ =	shalt  }
0x6c: {  	_ =	shalt  }
0x6d: {  	_ =	shalt  }
0x6e: {  	_ =	shalt  }
0x6f: {  	_ =	shalt  }
0x70: {  	_ =	shalt  }
0x71: {  	_ =	shalt  }
0x72: {  	_ =	shalt  }
0x73: {  	_ =	shalt  }
0x74: {  	_ =	shalt  }
0x75: {  	_ =	shalt  }
0x76: {  	_ =	shalt  }
0x77: {  	_ =	shalt  }
0x78: {  	_ =	shalt  }
0x79: {  	_ =	shalt  }
0x7a: {  	_ =	shalt  }
0x7b: {  	_ =	shalt  }
0x7c: {  	_ =	shalt  }
0x7d: {  	_ =	shalt  }
0x7e: {  	_ =	shalt  }
0x7f: {  	_ =	shalt  }
0x80: {  	_ =	shalt  }
0x81: {  	_ =	shalt  }
0x82: {  	_ =	shalt  }
0x83: {  	_ =	shalt  }
0x84: {  	_ =	shalt  }
0x85: {  	_ =	shalt  }
0x86: {  	_ =	shalt  }
0x87: {  	_ =	shalt  }
.Lfunc_end0:
.L_simem_size_0:
called_computation.4_lowered:
.L_overlay_start_0:
0x88: {  	s2 =	sld [smem:$0x3FD9]  }
0x89: {  	s3 =	sld [smem:$0x3FFE];
	_ =	sdelay $0x1  }
0x8a: {  	s1 =	srdreg.scid  }
0x8b: {  	s0 =	sand.u32 $0x1, s1  }
0x8c: {  	s16 =	sshll.u32 s0, $0xA;
	s2 =	sadd.s32 s3, s2  }
0x8d: {  	s2 =	sadd.s32 s2, s16  }
0x8e: {  	[smem:$0x3FB8] =	sst s2  }
0x8f: {  	_ = 	snop  }
0x90: {  	(tm) =	ssettm $0x1  }
0x91: {  	s17 =	sld [smem:$0x3FFB];
	_ =	sdelay $0x3  }
0x92: {  	_ =	strace s17  }
0x93: {  	s2 =	sld [smem:$0x3FFC];
	_ =	sdelay $0x3  }
0x94: {  	_ =	strace s2  }
0x95: {  	s2 =	sld [smem:$0x3FFD];
	_ =	sdelay $0x3  }
0x96: {  	_ =	strace s2  }
0x97: {  	_ =	strace $0x8FFFFFFF  }
0x98: {  	s18 =	sld [smem:$0x3FDB];
	_ =	sdelay $0x1  }
0x99: {  	s19 =	simm.s32 $_scs_section_size  }
0x9a: {  	s4 =	simm.s32 $_size__tile_overlayer_lowered;
	s5 =	simm.s32 $_tile_overlayer_lowered  }
0x9b: {  	s22 =	simm.s32 $0x1BFF;
	s21 =	sshll.u32 s5, $0x1;
	s2 =	sadd.s32 s19, s18  }
0x9c: {  	s6 =	simm.s32 $0x0;
	s20 =	sshll.u32 s4, $0x1;
	s4 =	sadd.s32 s21, s2  }
0x9d: {  	[timem:s6], [sflag:s22] =	dma.local [hbm:s4], s20  }
0x9e: {  	_ =	swait.ge [sflag:s22], s20  }
0x9f: {  	s3 =	ssub.s32 $0x0, s20;
	[sflag:s22] =	ssyncset.done $0x0  }
0xa0: {  	[sflag:s22] =	ssyncadd.s32 s3;
	_ =	sdelay $0x1  }
0xa1: {  	s23 =	simm.s32 $0x1B8B  }
0xa2: {  	_ =	swait.ge [sflag:s23], $0x1  }
0xa3: {  	[sflag:s23] =	ssyncset.done $0x0  }
0xa4: {  	s25 =	simm.s32 $0x1B8E;
	s24 =	sld [smem:$0x3FFE];
	[sflag:s23] =	ssyncadd.s32 $0xFFFFFFFF  }
0xa5: {  	s26 =	simm.s32 $execute0_lowered;
	[smem:$0x3FD2] =	sst s25  }
0xa6: {  	s4 =	sshll.u32 s26, $0x1;
	_ =	strace $0x80000052;
	[dreg:$0x1] =	wrdreg $0xFFFFFFFF  }
0xa7: {  	s28 =	simm.s32 $_size_execute0_lowered;
	s2 =	sadd.s32 s2, s4;
	[dreg:$0x0] =	wrdreg $0x0  }
0xa8: {  	s4 =	sshll.u32 s28, $0x1;
	[dreg:$0x2] =	wrdreg s2  }
0xa9: {  	[dreg:$0x3] =	wrdreg s4  }
0xaa: {  	[dreg:$0x4] =	wrdreg $0xC0  }
0xab: {  	_ =	task [dreg:s6], $0x5FFFF  }
0xac: {  	[dreg:$0x1] =	wrdreg $0xFFFFFFFF  }
0xad: {  	[dreg:$0x0] =	wrdreg $0x60  }
0xae: {  	[dreg:$0x2] =	wrdreg s24  }
0xaf: {  	[dreg:$0x3] =	wrdreg $0x28000  }
0xb0: {  	[dreg:$0x4] =	wrdreg $0x9  }
0xb1: {  	_ =	task.clear_ibuf [dreg:s6], $0x5FFFF;
	_ =	strace $0x90000052  }
0xb2: {  	s29 =	simm.s32 $0x9;
	_ =	strace $0x80000054  }
0xb3: {  	_ =	swait.ge [sflag:s29], $0x1  }
0xb4: {  	[sflag:s29] =	ssyncadd.s32 $0xFFFFFFFF  }
0xb5: {  	_ =	strace $0x90000054  }
0xb6: {  	_ =	sfence  }
0xb7: {  	s30 =	sld [smem:$0x0];
	_ =	sdelay $0x2  }
0xb8: {  	s31 =	sshll.u32 s1, $0xD;
	s1 =	sshrl.u32 s1, $0x2  }
0xb9: {  	s3 =	sand.u32 $0x4000, s31;
	s1 =	sadd.s32 s1, s30  }
0xba: {  	s0 =	sor.u32 s3, s0;
	s1 =	sshll.u32 s1, $0x11  }
0xbb: {  	s0 =	sor.u32 s1, s0  }
0xbc: {  	s0 =	sadd.s32 $0x8F2B, s0  }
0xbd: {  	[sflag:s0] =	ssyncadd.remote.s32 $0x1  }
0xbe: {  	_ =	sfence.sel $0xFFFF  }
0xbf: {  	[dreg:$0x0] =	wrdreg $0xFFFFFFFF;
	(pc) =	sbr.abs _section_cstart, $3  }
0xc0: {  	[dreg:$0x1] =	wrdreg $0xFFFFFFFF  }
0xc1: {  	_ =	task.clear_ibuf [dreg:s6], $0x2FFFF;
	_ =	strace $0x9FFFFFFF  }
0xc2: {  	(tm) =	ssettm $0x7FFFFFFF  }
0xc3: {  	_ =	shalt  }
tec
execute0_lowered:
.L_overlay_start_1:
0x0: {  	(tag) =	ssettag $0x1  }
0x1: {  	s12 =	stileid.u32;
	s1 =	rddreg [dreg:$0x0]  }
0x2: {  	s0 =	srdreg.scid;
	s2 =	rddreg [dreg:$0x1];
	s16 =	simm.s32 $0x20  }
0x3: {  	s17 =	simm.s32 $0x16800;
	s18 =	simm.s32 $0x17800;
	s20 =	simm.s32 $0x18800  }
0x4: {  	s28 =	simm.s32 $0x5;
	s29 =	simm.s32 $0x6;
	s6 =	smul.u32 $0x2800, s12  }
0x5: {  	s30 =	simm.s32 $0x7;
	s0 =	sand.u32 $0x1, s0;
	s11 =	smul.u32 $0x50000, s12  }
0x6: {  	s3 =	sshll.u32 s12, $0x1;
	s24 =	sshll.u32 s12, $0x6;
	s12 =	smul.u32 $0x280000, s12  }
0x7: {  	s31 =	simm.s32 $0x8;
	s5 =	sor.u32 s0, s3;
	s13 =	smul.u32 $0x140000, s0  }
0x8: {  	s3 =	simm.s32 $0x0;
	s21 =	ssub.s32 $0x2, s0;
	s0 =	smul.u32 $0x28000, s0  }
0x9: {  	s25 =	sor.u32 $0x1C09, s24;
	s24 =	simm.s32 $0x2;
	s4 =	smul.u32 $0x2800, s5  }
0xa: {  	[smem:$0x7FF] =	sst s3;
	s6 =	sadd.s32 s6, s1;
	s22 =	smul.u32 $0x140000, s5  }
0xb: {  	s8 =	sshrl.u32 s21, $0x1;
	s9 =	sshrl.u32 s11, $0x2;
	s10 =	smul.u32 $0x28000, s5  }
0xc: {  	_ =	strace $0x80000053;
	s8 =	ssub.s32 s21, s8;
	s14 =	sadd.s32 s9, s2  }
0xd: {  	s23 =	sadd.s32 $0x11400, s6;
	[dreg:$0x4] =	wrdreg s25;
	s12 =	sadd.s32 s13, s12  }
0xe: {  	s25 =	simm.s32 $0x3;
	s4 =	sshrl.u32 s4, $0x3;
	[dreg:$0x3] =	wrdreg s23  }
0xf: {  	s9 =	sshrl.u32 s22, $0x3;
	s12 =	sshrl.u32 s12, $0x3;
	s14 =	sshrl.u32 s14, $0x3  }
0x10: {  	s22 =	simm.s32 $0x19800;
	s7 =	sadd.s32 s4, s1;
	s1 =	sadd.s32 $0x571C00, s1  }
0x11: {  	s23 =	simm.s32 $0x1;
	s6 =	sadd.s32 $0x5F000, s7;
	s9 =	sadd.s32 s1, s9  }
0x12: {  	s7 =	smax.u32 s8, $0x1;
	s15 =	sadd.s32 s1, s10;
	s26 =	sadd.s32 s11, s1  }
0x13: {  	s12 =	sadd.s32 s12, s1;
	s1 =	simm.s32 $0x0;
	s8 =	sadd.s32 $0x27800, s9  }
0x14: {  	s9 =	sadd.s32 $0x27A00, s15;
	s10 =	sadd.s32 $0x27C00, s15;
	s11 =	sadd.s32 $0x27E00, s15  }
0x15: {  	s13 =	sadd.s32 s0, s26;
	s15 =	simm.s32 $0x9;
	s26 =	simm.s32 $0x4  }
.LBB2_1:
0x16: {  	s0 =	rddreg [dreg:$0x3]  }
0x17: {  	s4 =	rddreg [dreg:$0x4]  }
0x18: {  	[spmem:s14], [sflag:s4] =	dma.local [hbm:s0], $0x2800  }
0x19: {  	_ =	swait.ge [sflag:s15], $0x2800  }
0x1a: {  	[sflag:s15] =	ssyncset.done $0x0  }
0x1b: {  	[sflag:s15] =	ssyncadd.s32 $0xFFFFD800  }
0x1c: {  	[tilespmem:s3], [sflag:$0x9] =	stream.linear.gather [hbm4b:s6+s3], $0x2800, $0x38;
	[tilespmem:$0x1A800] =	vst v63  }
0x1d: {  	_ =	swait.ge [sflag:s15], $0x2800  }
0x1e: {  	[sflag:s15] =	ssyncset.done $0x0  }
0x1f: {  	[sflag:s15] =	ssyncadd.s32 $0xFFFFD800  }
0x20: {  	[bflag:$0x0] =	sbarrier.arrive $0xFFFF  }
0x21: {  	[tilespmem:s17], [sflag:$0x1] =	stream.indirect.gather [spmem:s2], $0x80, s3, s16, $0xb8;
	[tilespmem:$0x1A800] =	vst v63  }
0x22: {  	_ = 	snop  }
0x23: {  	[tilespmem:s18], [sflag:$0x2] =	stream.indirect.gather [spmem:s2], $0x80, s16, s16, $0xb8;
	[tilespmem:$0x1A800] =	vst v63  }
0x24: {  	s4 =	simm.s32 $0x40  }
0x25: {  	[tilespmem:s20], [sflag:$0x3] =	stream.indirect.gather [spmem:s2], $0x80, s4, s16, $0xb8;
	[tilespmem:$0x1A800] =	vst v63  }
0x26: {  	s5 =	simm.s32 $0x60  }
0x27: {  	[tilespmem:s22], [sflag:$0x4] =	stream.indirect.gather [spmem:s2], $0x80, s5, s16, $0xb8;
	[tilespmem:$0x1A800] =	vst v63  }
0x28: {  	_ =	swait.ge [sflag:s23], $0x1000  }
0x29: {  	[sflag:s23] =	ssyncset.done $0x0  }
0x2a: {  	s19 =	sadd.s32 $0x0, s12;
	[sflag:s23] =	ssyncadd.s32 $0xFFFFF000  }
0x2b: {  	[hbm4b:s19+s3] =	stream.linear.scatter [tilespmem:s17], [sflag:$0x5], $0x1000, $0x38;
	[tilespmem:$0x1A800] =	vst v63  }
0x2c: {  	_ =	swait.ge [sflag:s24], $0x1000  }
0x2d: {  	s21 =	sadd.s32 $0x0, s13;
	[sflag:s24] =	ssyncset.done $0x0  }
0x2e: {  	s19 =	sadd.s32 $0x200, s21;
	[sflag:s24] =	ssyncadd.s32 $0xFFFFF000  }
0x2f: {  	[hbm4b:s19+s3] =	stream.linear.scatter [tilespmem:s18], [sflag:$0x6], $0x1000, $0x38;
	[tilespmem:$0x1A800] =	vst v63  }
0x30: {  	_ =	swait.ge [sflag:s25], $0x1000  }
0x31: {  	[sflag:s25] =	ssyncset.done $0x0  }
0x32: {  	s4 =	sadd.s32 $0x400, s21;
	[sflag:s25] =	ssyncadd.s32 $0xFFFFF000  }
0x33: {  	[hbm4b:s4+s3] =	stream.linear.scatter [tilespmem:s20], [sflag:$0x7], $0x1000, $0x38;
	[tilespmem:$0x1A800] =	vst v63  }
0x34: {  	_ =	swait.ge [sflag:s26], $0x1000  }
0x35: {  	[sflag:s26] =	ssyncset.done $0x0  }
0x36: {  	s0 =	sadd.s32 $0x600, s21;
	[sflag:s26] =	ssyncadd.s32 $0xFFFFF000  }
0x37: {  	[hbm4b:s0+s3] =	stream.linear.scatter [tilespmem:s22], [sflag:$0x8], $0x1000, $0x38;
	[tilespmem:$0x1A800] =	vst v63  }
0x38: {  	_ =	swait.ge [sflag:s28], $0x1000  }
0x39: {  	[sflag:s28] =	ssyncset.done $0x0  }
0x3a: {  	s5 =	simm.s32 $0x80;
	[sflag:s28] =	ssyncadd.s32 $0xFFFFF000  }
0x3b: {  	[tilespmem:s17], [sflag:$0x1] =	stream.indirect.gather [spmem:s2], $0x80, s5, s16, $0xb8;
	[tilespmem:$0x1A800] =	vst v63  }
0x3c: {  	_ =	swait.ge [sflag:s29], $0x1000  }
0x3d: {  	[sflag:s29] =	ssyncset.done $0x0  }
0x3e: {  	s19 =	simm.s32 $0xA0;
	[sflag:s29] =	ssyncadd.s32 $0xFFFFF000  }
0x3f: {  	[tilespmem:s18], [sflag:$0x2] =	stream.indirect.gather [spmem:s2], $0x80, s19, s16, $0xb8;
	[tilespmem:$0x1A800] =	vst v63  }
0x40: {  	_ =	swait.ge [sflag:s30], $0x1000  }
0x41: {  	[sflag:s30] =	ssyncset.done $0x0  }
0x42: {  	s21 =	simm.s32 $0xC0;
	[sflag:s30] =	ssyncadd.s32 $0xFFFFF000  }
0x43: {  	[tilespmem:s20], [sflag:$0x3] =	stream.indirect.gather [spmem:s2], $0x80, s21, s16, $0xb8;
	[tilespmem:$0x1A800] =	vst v63  }
0x44: {  	_ =	swait.ge [sflag:s31], $0x1000  }
0x45: {  	s0 =	simm.s32 $0xE0;
	[sflag:s31] =	ssyncset.done $0x0  }
0x46: {  	s19 =	simm.s32 $0x800;
	s21 =	simm.s32 $0x160;
	[sflag:s31] =	ssyncadd.s32 $0xFFFFF000  }
.LBB2_2:
0x47: {  	[tilespmem:s22], [sflag:$0x4] =	stream.indirect.gather [spmem:s2], $0x80, s0, s16, $0xb8;
	[tilespmem:$0x1A800] =	vst v63  }
0x48: {  	s4 =	smov.u32 s19;
	s0 =	smov.u32 s21  }
0x49: {  	p0 =	sne.s32 s19, $0x27000;
	s19 =	sadd.s32 $0x800, s19;
	_ =	swait.ge [sflag:s23], $0x1000  }
0x4a: {  	[sflag:s23] =	ssyncset.done $0x0  }
0x4b: {  	s5 =	sadd.s32 s4, s12;
	[sflag:s23] =	ssyncadd.s32 $0xFFFFF000  }
0x4c: {  	[hbm4b:s5+s3] =	stream.linear.scatter [tilespmem:s17], [sflag:$0x5], $0x1000, $0x38;
	[tilespmem:$0x1A800] =	vst v63  }
0x4d: {  	_ =	swait.ge [sflag:s24], $0x1000  }
0x4e: {  	s4 =	sadd.s32 s4, s13;
	[sflag:s24] =	ssyncset.done $0x0  }
0x4f: {  	s5 =	sadd.s32 $0x200, s4;
	[sflag:s24] =	ssyncadd.s32 $0xFFFFF000  }
0x50: {  	[hbm4b:s5+s3] =	stream.linear.scatter [tilespmem:s18], [sflag:$0x6], $0x1000, $0x38;
	[tilespmem:$0x1A800] =	vst v63  }
0x51: {  	_ =	swait.ge [sflag:s25], $0x1000  }
0x52: {  	[sflag:s25] =	ssyncset.done $0x0  }
0x53: {  	s5 =	sadd.s32 $0x400, s4;
	[sflag:s25] =	ssyncadd.s32 $0xFFFFF000  }
0x54: {  	[hbm4b:s5+s3] =	stream.linear.scatter [tilespmem:s20], [sflag:$0x7], $0x1000, $0x38;
	[tilespmem:$0x1A800] =	vst v63  }
0x55: {  	_ =	swait.ge [sflag:s26], $0x1000  }
0x56: {  	[sflag:s26] =	ssyncset.done $0x0  }
0x57: {  	s4 =	sadd.s32 $0x600, s4;
	[sflag:s26] =	ssyncadd.s32 $0xFFFFF000  }
0x58: {  	[hbm4b:s4+s3] =	stream.linear.scatter [tilespmem:s22], [sflag:$0x8], $0x1000, $0x38;
	[tilespmem:$0x1A800] =	vst v63  }
0x59: {  	_ =	swait.ge [sflag:s28], $0x1000  }
0x5a: {  	[sflag:s28] =	ssyncset.done $0x0  }
0x5b: {  	s4 =	sadd.s32 $0xFFFFFFA0, s21;
	[sflag:s28] =	ssyncadd.s32 $0xFFFFF000  }
0x5c: {  	[tilespmem:s17], [sflag:$0x1] =	stream.indirect.gather [spmem:s2], $0x80, s4, s16, $0xb8;
	[tilespmem:$0x1A800] =	vst v63  }
0x5d: {  	_ =	swait.ge [sflag:s29], $0x1000  }
0x5e: {  	[sflag:s29] =	ssyncset.done $0x0  }
0x5f: {  	s4 =	sadd.s32 $0xFFFFFFC0, s21;
	[sflag:s29] =	ssyncadd.s32 $0xFFFFF000  }
0x60: {  	[tilespmem:s18], [sflag:$0x2] =	stream.indirect.gather [spmem:s2], $0x80, s4, s16, $0xb8;
	[tilespmem:$0x1A800] =	vst v63  }
0x61: {  	_ =	swait.ge [sflag:s30], $0x1000  }
0x62: {  	[sflag:s30] =	ssyncset.done $0x0  }
.Ltmp0:
0x63: {  	s4 =	sadd.s32 $0xFFFFFFE0, s21;
	[sflag:s30] =	ssyncadd.s32 $0xFFFFF000;
	(pc) =	sbr.rel @p0 .LBB2_2-.Ltmp0, $4  }
0x64: {  	[tilespmem:s20], [sflag:$0x3] =	stream.indirect.gather [spmem:s2], $0x80, s4, s16, $0xb8;
	[tilespmem:$0x1A800] =	vst v63  }
0x65: {  	_ =	swait.ge [sflag:s31], $0x1000  }
0x66: {  	[sflag:s31] =	ssyncset.done $0x0  }
0x67: {  	s21 =	sadd.s32 $0x80, s21;
	[sflag:s31] =	ssyncadd.s32 $0xFFFFF000  }
0x68: {  	[tilespmem:s22], [sflag:$0x4] =	stream.indirect.gather [spmem:s2], $0x80, s0, s16, $0xb8;
	[tilespmem:$0x1A800] =	vst v63  }
0x69: {  	_ =	swait.ge [sflag:s23], $0x1000  }
0x6a: {  	[sflag:s23] =	ssyncset.done $0x0  }
0x6b: {  	[sflag:s23] =	ssyncadd.s32 $0xFFFFF000  }
0x6c: {  	[hbm4b:s8+s3] =	stream.linear.scatter [tilespmem:s17], [sflag:$0x5], $0x1000, $0x38;
	[tilespmem:$0x1A800] =	vst v63  }
0x6d: {  	_ =	swait.ge [sflag:s24], $0x1000  }
0x6e: {  	[sflag:s24] =	ssyncset.done $0x0  }
0x6f: {  	[sflag:s24] =	ssyncadd.s32 $0xFFFFF000  }
0x70: {  	[hbm4b:s9+s3] =	stream.linear.scatter [tilespmem:s18], [sflag:$0x6], $0x1000, $0x38;
	[tilespmem:$0x1A800] =	vst v63  }
0x71: {  	_ =	swait.ge [sflag:s25], $0x1000  }
0x72: {  	[sflag:s25] =	ssyncset.done $0x0  }
0x73: {  	[sflag:s25] =	ssyncadd.s32 $0xFFFFF000  }
0x74: {  	[hbm4b:s10+s3] =	stream.linear.scatter [tilespmem:s20], [sflag:$0x7], $0x1000, $0x38;
	[tilespmem:$0x1A800] =	vst v63  }
0x75: {  	_ =	swait.ge [sflag:s26], $0x1000  }
0x76: {  	[sflag:s26] =	ssyncset.done $0x0  }
0x77: {  	[sflag:s26] =	ssyncadd.s32 $0xFFFFF000  }
0x78: {  	[hbm4b:s11+s3] =	stream.linear.scatter [tilespmem:s22], [sflag:$0x8], $0x1000, $0x38;
	[tilespmem:$0x1A800] =	vst v63  }
0x79: {  	_ =	swait.ge [sflag:s28], $0x1000  }
0x7a: {  	[sflag:s28] =	ssyncset.done $0x0  }
0x7b: {  	[sflag:s28] =	ssyncadd.s32 $0xFFFFF000  }
0x7c: {  	_ =	swait.ge [sflag:s29], $0x1000  }
0x7d: {  	[sflag:s29] =	ssyncset.done $0x0  }
0x7e: {  	s1 =	sadd.s32 $0x1, s1;
	[sflag:s29] =	ssyncadd.s32 $0xFFFFF000  }
0x7f: {  	p0 =	sne.s32 s1, s7;
	_ =	swait.ge [sflag:s30], $0x1000  }
.Ltmp1:
0x80: {  	[sflag:s30] =	ssyncset.done $0x0;
	(pc) =	sbr.rel @p0 .LBB2_1-.Ltmp1, $4  }
0x81: {  	[sflag:s30] =	ssyncadd.s32 $0xFFFFF000  }
0x82: {  	_ =	swait.ge [sflag:s31], $0x1000  }
0x83: {  	[sflag:s31] =	ssyncset.done $0x0  }
0x84: {  	[sflag:s31] =	ssyncadd.s32 $0xFFFFF000  }
0x85: {  	_ =	sfence.sel $0x180000  }
0x86: {  	[bflag:$0x0] =	sbarrier.arrive $0xFFFF  }
0x87: {  	_ =	strace $0x90000053  }
0x88: {  	s0 =	stileid.u32;
	[bflag:$0x2] =	sbarrier.arrive $0xFFFF  }
0x89: {  	p0 =	sne.s32 s0, $0x0;
	s0 =	rddreg [dreg:$0x2]  }
0x8a: {  	s0 =	sadd.s32 @!p0 $0x100000, s0  }
0x8b: {  	[sflag:s0] =	ssyncadd.tile.s32 @!p0 $0x1;
	_ =	shalt  }
.Lfunc_end2:
_tile_overlayer_lowered:
.L_overlay_start_2:
0x8c: {  	(tag) =	ssettag $0x2  }
0x8d: {  	s0 =	rddreg [dreg:$0x0];
	s2 =	stileid.u32  }
0x8e: {  	s1 =	rddreg [dreg:$0x1];
	p0 =	sne.s32 s2, $0x0  }
0x8f: {  	s3 =	rddreg [dreg:$0x2];
	[bflag:$0x3] =	sbarrier.arrive $0xFFFF;
	s2 =	simm.s32 @!p0 $0x1C09  }
0x90: {  	[timem:s3], [sflag:s2] =	dma.local @!p0 [hbm:s0], s1  }
0x91: {  	s0 =	simm.s32 @!p0 $0x9  }
0x92: {  	_ =	swait.ge @!p0 [sflag:s0], s1  }
0x93: {  	s1 =	ssub.s32 @!p0 $0x0, s1;
	[sflag:s0] =	ssyncset.done @!p0 $0x0  }
0x94: {  	[sflag:s0] =	ssyncadd.s32 @!p0 s1  }
0x95: {  	[bflag:$0x3] =	sbarrier.arrive $0xFFFF  }
0x96: {  	_ =	shalt  }

</sc_bundles>
